<compile_context>
chip_gen: v7x
topology: tpu7x:2x2x1
jax: 0.10.2.dev20260603
libtpu: 0.0.44.dev20260713+nightly
codegen_flags: <defaults>
</compile_context>

<pallas_src>
import jax
import jax.numpy as jnp
from jax import lax
from jax.experimental import pallas as pl
from jax.experimental.pallas import tpu as pltpu
from jax.experimental.pallas import tpu_sc as plsc

BATCH = 16384
VOCAB = 1000000
DIM = 64

_NC = 2
_NS = 16
_NW = _NC * _NS
_BPW = BATCH // _NW
_L = 16
_K = 32
_NCHUNK = _BPW // _K


def _body(feat_a_hbm, feat_b_hbm, wa_hbm, wb_hbm, out_hbm,
          idxa_v, idxb_v, rows_v, sem):
    wid = lax.axis_index("s") * _NC + lax.axis_index("c")
    base = wid * _BPW

    pltpu.sync_copy(feat_a_hbm.at[pl.ds(base, _BPW)], idxa_v)
    pltpu.sync_copy(feat_b_hbm.at[pl.ds(base, _BPW)], idxb_v)

    def chunk(c, _):
        k0 = c * _K
        copies = []
        for g in range(_K // _L):
            va = idxa_v[pl.ds(k0 + g * _L, _L)]
            vb = idxb_v[pl.ds(k0 + g * _L, _L)]
            for j in range(_L):
                slot = g * _L + j
                copies.append(pltpu.async_copy(
                    wa_hbm.at[va[j], :],
                    rows_v.at[k0 + slot, pl.ds(0, DIM)], sem))
                copies.append(pltpu.async_copy(
                    wb_hbm.at[vb[j], :],
                    rows_v.at[k0 + slot, pl.ds(DIM, DIM)], sem))
        for cp in copies:
            cp.wait()
        return ()

    lax.fori_loop(0, _NCHUNK, chunk, ())

    pltpu.sync_copy(rows_v, out_hbm.at[pl.ds(base, _BPW)])


@jax.jit
def kernel(feat_a, feat_b, W_a, W_b):
    mesh = plsc.VectorSubcoreMesh(core_axis_name="c", subcore_axis_name="s")
    out = pl.kernel(
        _body,
        mesh=mesh,
        out_type=jax.ShapeDtypeStruct((BATCH, 2 * DIM), jnp.float32),
        scratch_types=[
            pltpu.VMEM((_BPW,), jnp.int32),
            pltpu.VMEM((_BPW,), jnp.int32),
            pltpu.VMEM((_BPW, 2 * DIM), jnp.float32),
            pltpu.SemaphoreType.DMA,
        ],
    )(feat_a, feat_b, W_a, W_b)
    return out

# --- scband reference (transcript-rebuilt; emitter-appended) ---
"""Pipeline reference for scband-cmodel-14731737825734 (READ-ONLY COPY).

The authoritative reference and input builder live on the scoring server;
editing this copy changes nothing except your own understanding.
"""

import jax, jax.numpy as jnp
import numpy as np

BATCH = 16384
VOCAB = 1000000
DIM = 64

def setup_inputs(seed: int = 0) -> dict:
    key = jax.random.key(seed)
    k1, k2, k3, k4 = jax.random.split(key, 4)
    feat_a = jax.random.randint(k1, (BATCH,), 0, VOCAB, dtype=jnp.int64 if jax.config.jax_enable_x64 else jnp.int32).astype(jnp.int32)
    feat_b = jax.random.randint(k2, (BATCH,), 0, VOCAB, dtype=jnp.int64 if jax.config.jax_enable_x64 else jnp.int32).astype(jnp.int32)
    # Embedding tables per embed_param: feat_a -> (1000000, 64), feat_b -> (1000000, 64)
    # nn.Embedding default init is N(0, 1)
    W_a = jax.random.normal(k3, (VOCAB, DIM), dtype=jnp.float32)
    W_b = jax.random.normal(k4, (VOCAB, DIM), dtype=jnp.float32)
    return {"feat_a": feat_a, "feat_b": feat_b, "W_a": W_a, "W_b": W_b}

def reference(feat_a, feat_b, W_a, W_b):
    # CModel.forward with data = {'feat_a': idx, 'feat_b': idx}:
    # embed_features gathers each feature through its nn.Embedding,
    # X stays empty (all dict keys are embedded features), so X = cat(embedded, dim=-1).
    # self.layers is empty in the base class, so output is the concatenated embeddings.
    e_a = jnp.take(W_a, feat_a, axis=0)
    e_b = jnp.take(W_b, feat_b, axis=0)
    return jnp.concatenate([e_a, e_b], axis=-1)

if __name__ == "__main__":
    import jax
    _d = setup_inputs()
    print(jax.jit(kernel)(*tuple(_d.values())))

</pallas_src>

<mosaic_0001>
#map = affine_map<(d0, d1) -> (0)>
#map1 = affine_map<(d0, d1) -> (0, 0)>
module attributes {stable_mosaic.version = 14 : i64} {
  func.func @_body(%arg0: i32, %arg1: i32, %arg2: memref<16384xi32, #tpu.memory_space<hbm>>, %arg3: memref<16384xi32, #tpu.memory_space<hbm>>, %arg4: memref<1000000x64xf32, #tpu.memory_space<hbm>>, %arg5: memref<1000000x64xf32, #tpu.memory_space<hbm>>, %arg6: memref<16384x128xf32, #tpu.memory_space<hbm>>, %arg7: memref<512xi32, #tpu.memory_space<vmem>>, %arg8: memref<512xi32, #tpu.memory_space<vmem>>, %arg9: memref<512x128xf32, #tpu.memory_space<vmem>>, %arg10: memref<!tpu.dma_semaphore, #tpu.memory_space<semaphore_mem>>) attributes {dimension_semantics = [#tpu.dimension_semantics<core_parallel>, #tpu.dimension_semantics<subcore_parallel>], iteration_bounds = array<i64: 2, 16>, scalar_prefetch = 0 : i64, scratch_operands = 4 : i64, tpu.core_type = #tpu.core_type<sc_vector_subcore>, window_params = [{transform_indices = #map}, {transform_indices = #map}, {transform_indices = #map1}, {transform_indices = #map1}, {transform_indices = #map1}]} {
    %mul3A = arith.constant 2 : i32
    %mul3A_0 = arith.muli %arg1, %mul3A : i32
    %add3A = arith.addi %mul3A_0, %arg0 : i32
    %mul3A_1 = arith.constant 512 : i32
    %mul3A_2 = arith.muli %add3A, %mul3A_1 : i32
    "tpu.region"() ({
      %run_scoped3A = tpu.sem_alloc : memref<!tpu.dma_semaphore, #tpu.memory_space<semaphore_mem>>
      %dma_start3A = tpu.memref_slice %arg2[%mul3A_2] : memref<16384xi32, #tpu.memory_space<hbm>> -> memref<512xi32, #tpu.memory_space<hbm>>
      %dma_start3A_7 = tpu.memref_slice %arg2[%mul3A_2] : memref<16384xi32, #tpu.memory_space<hbm>> -> memref<512xi32, #tpu.memory_space<hbm>>
      tpu.enqueue_dma source(%dma_start3A_7 : memref<512xi32, #tpu.memory_space<hbm>>) target(%arg7 : memref<512xi32, #tpu.memory_space<vmem>>) target_semaphore(%run_scoped3A : memref<!tpu.dma_semaphore, #tpu.memory_space<semaphore_mem>>)
      %dma_wait3A = tpu.memref_slice %arg2[%mul3A_2] : memref<16384xi32, #tpu.memory_space<hbm>> -> memref<512xi32, #tpu.memory_space<hbm>>
      %dma_wait3A_8 = tpu.memref_slice %arg2[%mul3A_2] : memref<16384xi32, #tpu.memory_space<hbm>> -> memref<512xi32, #tpu.memory_space<hbm>>
      tpu.wait_dma2 semaphore(%run_scoped3A : memref<!tpu.dma_semaphore, #tpu.memory_space<semaphore_mem>>) src(%dma_wait3A_8 : memref<512xi32, #tpu.memory_space<hbm>>) dst(%arg7 : memref<512xi32, #tpu.memory_space<vmem>>)
      tpu.yield
    }) : () -> ()
    "tpu.region"() ({
      %run_scoped3A = tpu.sem_alloc : memref<!tpu.dma_semaphore, #tpu.memory_space<semaphore_mem>>
      %dma_start3A = tpu.memref_slice %arg3[%mul3A_2] : memref<16384xi32, #tpu.memory_space<hbm>> -> memref<512xi32, #tpu.memory_space<hbm>>
      %dma_start3A_7 = tpu.memref_slice %arg3[%mul3A_2] : memref<16384xi32, #tpu.memory_space<hbm>> -> memref<512xi32, #tpu.memory_space<hbm>>
      tpu.enqueue_dma source(%dma_start3A_7 : memref<512xi32, #tpu.memory_space<hbm>>) target(%arg8 : memref<512xi32, #tpu.memory_space<vmem>>) target_semaphore(%run_scoped3A : memref<!tpu.dma_semaphore, #tpu.memory_space<semaphore_mem>>)
      %dma_wait3A = tpu.memref_slice %arg3[%mul3A_2] : memref<16384xi32, #tpu.memory_space<hbm>> -> memref<512xi32, #tpu.memory_space<hbm>>
      %dma_wait3A_8 = tpu.memref_slice %arg3[%mul3A_2] : memref<16384xi32, #tpu.memory_space<hbm>> -> memref<512xi32, #tpu.memory_space<hbm>>
      tpu.wait_dma2 semaphore(%run_scoped3A : memref<!tpu.dma_semaphore, #tpu.memory_space<semaphore_mem>>) src(%dma_wait3A_8 : memref<512xi32, #tpu.memory_space<hbm>>) dst(%arg8 : memref<512xi32, #tpu.memory_space<vmem>>)
      tpu.yield
    }) : () -> ()
    %scan3A = arith.constant 0 : i32
    %scan3A_3 = arith.constant 16 : i32
    %scan3A_4 = arith.addi %scan3A, %scan3A_3 : i32
    %scan3A_5 = arith.constant 1 : i32
    scf.for %scan3A_7 = %scan3A to %scan3A_4 step %scan3A_5  : i32 {
      %mul3A_8 = arith.constant 32 : i32
      %mul3A_9 = arith.muli %scan3A_7, %mul3A_8 : i32
      %add3A_10 = arith.constant 0 : i32
      %add3A_11 = arith.addi %mul3A_9, %add3A_10 : i32
      %get3A = arith.index_cast %add3A_11 : i32 to index
      %get3A_12 = tpu.vector_load %arg7[%get3A] {strides = array<i32>} : memref<512xi32, #tpu.memory_space<vmem>>, vector<16xi32>,
      %get3A_13 = vector.shape_cast %get3A_12 : vector<16xi32> to vector<16xi32>
      %add3A_14 = arith.constant 0 : i32
      %add3A_15 = arith.addi %mul3A_9, %add3A_14 : i32
      %get3A_16 = arith.index_cast %add3A_15 : i32 to index
      %get3A_17 = tpu.vector_load %arg8[%get3A_16] {strides = array<i32>} : memref<512xi32, #tpu.memory_space<vmem>>, vector<16xi32>,
      %get3A_18 = vector.shape_cast %get3A_17 : vector<16xi32> to vector<16xi32>
      %slice3A = vector.extract_strided_slice %get3A_13 {offsets = [0], sizes = [1], strides = [1]} : vector<16xi32> to vector<1xi32>
      %squeeze3A = vector.extract %slice3A[0] : i32 from vector<1xi32>
      %add3A_19 = arith.constant 0 : i32
      %add3A_20 = arith.addi %mul3A_9, %add3A_19 : i32
      %dma_start3A = arith.constant 0 : i32
      %dma_start3A_21 = tpu.memref_slice %arg9[%add3A_20, %dma_start3A] : memref<512x128xf32, #tpu.memory_space<vmem>> -> memref<1x64xf32, #tpu.memory_space<vmem>>
      %dma_start3A_22 = tpu.memref_squeeze %dma_start3A_21 : memref<1x64xf32, #tpu.memory_space<vmem>> -> memref<64xf32, #tpu.memory_space<vmem>>
      %dma_start3A_23 = arith.constant 0 : i32
      %dma_start3A_24 = tpu.memref_slice %arg4[%squeeze3A, %dma_start3A_23] : memref<1000000x64xf32, #tpu.memory_space<hbm>> -> memref<1x64xf32, #tpu.memory_space<hbm>>
      %dma_start3A_25 = tpu.memref_squeeze %dma_start3A_24 : memref<1x64xf32, #tpu.memory_space<hbm>> -> memref<64xf32, #tpu.memory_space<hbm>>
      %dma_start3A_26 = arith.constant 0 : i32
      %dma_start3A_27 = tpu.memref_slice %arg9[%add3A_20, %dma_start3A_26] : memref<512x128xf32, #tpu.memory_space<vmem>> -> memref<1x64xf32, #tpu.memory_space<vmem>>
      %dma_start3A_28 = tpu.memref_squeeze %dma_start3A_27 : memref<1x64xf32, #tpu.memory_space<vmem>> -> memref<64xf32, #tpu.memory_space<vmem>>
      %dma_start3A_29 = arith.constant 0 : i32
      %dma_start3A_30 = tpu.memref_slice %arg4[%squeeze3A, %dma_start3A_29] : memref<1000000x64xf32, #tpu.memory_space<hbm>> -> memref<1x64xf32, #tpu.memory_space<hbm>>
      %dma_start3A_31 = tpu.memref_squeeze %dma_start3A_30 : memref<1x64xf32, #tpu.memory_space<hbm>> -> memref<64xf32, #tpu.memory_space<hbm>>
      tpu.enqueue_dma source(%dma_start3A_31 : memref<64xf32, #tpu.memory_space<hbm>>) target(%dma_start3A_28 : memref<64xf32, #tpu.memory_space<vmem>>) target_semaphore(%arg10 : memref<!tpu.dma_semaphore, #tpu.memory_space<semaphore_mem>>)
      %slice3A_32 = vector.extract_strided_slice %get3A_18 {offsets = [0], sizes = [1], strides = [1]} : vector<16xi32> to vector<1xi32>
      %squeeze3A_33 = vector.extract %slice3A_32[0] : i32 from vector<1xi32>
      %add3A_34 = arith.constant 0 : i32
      %add3A_35 = arith.addi %mul3A_9, %add3A_34 : i32
      %dma_start3A_36 = arith.constant 64 : i32
      %dma_start3A_37 = tpu.memref_slice %arg9[%add3A_35, %dma_start3A_36] : memref<512x128xf32, #tpu.memory_space<vmem>> -> memref<1x64xf32, #tpu.memory_space<vmem>>
      %dma_start3A_38 = tpu.memref_squeeze %dma_start3A_37 : memref<1x64xf32, #tpu.memory_space<vmem>> -> memref<64xf32, #tpu.memory_space<vmem>>
      %dma_start3A_39 = arith.constant 0 : i32
      %dma_start3A_40 = tpu.memref_slice %arg5[%squeeze3A_33, %dma_start3A_39] : memref<1000000x64xf32, #tpu.memory_space<hbm>> -> memref<1x64xf32, #tpu.memory_space<hbm>>
      %dma_start3A_41 = tpu.memref_squeeze %dma_start3A_40 : memref<1x64xf32, #tpu.memory_space<hbm>> -> memref<64xf32, #tpu.memory_space<hbm>>
      %dma_start3A_42 = arith.constant 64 : i32
      %dma_start3A_43 = tpu.memref_slice %arg9[%add3A_35, %dma_start3A_42] : memref<512x128xf32, #tpu.memory_space<vmem>> -> memref<1x64xf32, #tpu.memory_space<vmem>>
      %dma_start3A_44 = tpu.memref_squeeze %dma_start3A_43 : memref<1x64xf32, #tpu.memory_space<vmem>> -> memref<64xf32, #tpu.memory_space<vmem>>
      %dma_start3A_45 = arith.constant 0 : i32
      %dma_start3A_46 = tpu.memref_slice %arg5[%squeeze3A_33, %dma_start3A_45] : memref<1000000x64xf32, #tpu.memory_space<hbm>> -> memref<1x64xf32, #tpu.memory_space<hbm>>
      %dma_start3A_47 = tpu.memref_squeeze %dma_start3A_46 : memref<1x64xf32, #tpu.memory_space<hbm>> -> memref<64xf32, #tpu.memory_space<hbm>>
      tpu.enqueue_dma source(%dma_start3A_47 : memref<64xf32, #tpu.memory_space<hbm>>) target(%dma_start3A_44 : memref<64xf32, #tpu.memory_space<vmem>>) target_semaphore(%arg10 : memref<!tpu.dma_semaphore, #tpu.memory_space<semaphore_mem>>)
      %slice3A_48 = vector.extract_strided_slice %get3A_13 {offsets = [1], sizes = [1], strides = [1]} : vector<16xi32> to vector<1xi32>
      %squeeze3A_49 = vector.extract %slice3A_48[0] : i32 from vector<1xi32>
      %add3A_50 = arith.constant 1 : i32
      %add3A_51 = arith.addi %mul3A_9, %add3A_50 : i32
      %dma_start3A_52 = arith.constant 0 : i32
      %dma_start3A_53 = tpu.memref_slice %arg9[%add3A_51, %dma_start3A_52] : memref<512x128xf32, #tpu.memory_space<vmem>> -> memref<1x64xf32, #tpu.memory_space<vmem>>
      %dma_start3A_54 = tpu.memref_squeeze %dma_start3A_53 : memref<1x64xf32, #tpu.memory_space<vmem>> -> memref<64xf32, #tpu.memory_space<vmem>>
      %dma_start3A_55 = arith.constant 0 : i32
      %dma_start3A_56 = tpu.memref_slice %arg4[%squeeze3A_49, %dma_start3A_55] : memref<1000000x64xf32, #tpu.memory_space<hbm>> -> memref<1x64xf32, #tpu.memory_space<hbm>>
      %dma_start3A_57 = tpu.memref_squeeze %dma_start3A_56 : memref<1x64xf32, #tpu.memory_space<hbm>> -> memref<64xf32, #tpu.memory_space<hbm>>
      %dma_start3A_58 = arith.constant 0 : i32
      %dma_start3A_59 = tpu.memref_slice %arg9[%add3A_51, %dma_start3A_58] : memref<512x128xf32, #tpu.memory_space<vmem>> -> memref<1x64xf32, #tpu.memory_space<vmem>>
      %dma_start3A_60 = tpu.memref_squeeze %dma_start3A_59 : memref<1x64xf32, #tpu.memory_space<vmem>> -> memref<64xf32, #tpu.memory_space<vmem>>
      %dma_start3A_61 = arith.constant 0 : i32
      %dma_start3A_62 = tpu.memref_slice %arg4[%squeeze3A_49, %dma_start3A_61] : memref<1000000x64xf32, #tpu.memory_space<hbm>> -> memref<1x64xf32, #tpu.memory_space<hbm>>
      %dma_start3A_63 = tpu.memref_squeeze %dma_start3A_62 : memref<1x64xf32, #tpu.memory_space<hbm>> -> memref<64xf32, #tpu.memory_space<hbm>>
      tpu.enqueue_dma source(%dma_start3A_63 : memref<64xf32, #tpu.memory_space<hbm>>) target(%dma_start3A_60 : memref<64xf32, #tpu.memory_space<vmem>>) target_semaphore(%arg10 : memref<!tpu.dma_semaphore, #tpu.memory_space<semaphore_mem>>)
      %slice3A_64 = vector.extract_strided_slice %get3A_18 {offsets = [1], sizes = [1], strides = [1]} : vector<16xi32> to vector<1xi32>
      %squeeze3A_65 = vector.extract %slice3A_64[0] : i32 from vector<1xi32>
      %add3A_66 = arith.constant 1 : i32
      %add3A_67 = arith.addi %mul3A_9, %add3A_66 : i32
      %dma_start3A_68 = arith.constant 64 : i32
      %dma_start3A_69 = tpu.memref_slice %arg9[%add3A_67, %dma_start3A_68] : memref<512x128xf32, #tpu.memory_space<vmem>> -> memref<1x64xf32, #tpu.memory_space<vmem>>
      %dma_start3A_70 = tpu.memref_squeeze %dma_start3A_69 : memref<1x64xf32, #tpu.memory_space<vmem>> -> memref<64xf32, #tpu.memory_space<vmem>>
      %dma_start3A_71 = arith.constant 0 : i32
      %dma_start3A_72 = tpu.memref_slice %arg5[%squeeze3A_65, %dma_start3A_71] : memref<1000000x64xf32, #tpu.memory_space<hbm>> -> memref<1x64xf32, #tpu.memory_space<hbm>>
      %dma_start3A_73 = tpu.memref_squeeze %dma_start3A_72 : memref<1x64xf32, #tpu.memory_space<hbm>> -> memref<64xf32, #tpu.memory_space<hbm>>
      %dma_start3A_74 = arith.constant 64 : i32
      %dma_start3A_75 = tpu.memref_slice %arg9[%add3A_67, %dma_start3A_74] : memref<512x128xf32, #tpu.memory_space<vmem>> -> memref<1x64xf32, #tpu.memory_space<vmem>>
      %dma_start3A_76 = tpu.memref_squeeze %dma_start3A_75 : memref<1x64xf32, #tpu.memory_space<vmem>> -> memref<64xf32, #tpu.memory_space<vmem>>
      %dma_start3A_77 = arith.constant 0 : i32
      %dma_start3A_78 = tpu.memref_slice %arg5[%squeeze3A_65, %dma_start3A_77] : memref<1000000x64xf32, #tpu.memory_space<hbm>> -> memref<1x64xf32, #tpu.memory_space<hbm>>
      %dma_start3A_79 = tpu.memref_squeeze %dma_start3A_78 : memref<1x64xf32, #tpu.memory_space<hbm>> -> memref<64xf32, #tpu.memory_space<hbm>>
      tpu.enqueue_dma source(%dma_start3A_79 : memref<64xf32, #tpu.memory_space<hbm>>) target(%dma_start3A_76 : memref<64xf32, #tpu.memory_space<vmem>>) target_semaphore(%arg10 : memref<!tpu.dma_semaphore, #tpu.memory_space<semaphore_mem>>)
      %slice3A_80 = vector.extract_strided_slice %get3A_13 {offsets = [2], sizes = [1], strides = [1]} : vector<16xi32> to vector<1xi32>
      %squeeze3A_81 = vector.extract %slice3A_80[0] : i32 from vector<1xi32>
      %add3A_82 = arith.constant 2 : i32
      %add3A_83 = arith.addi %mul3A_9, %add3A_82 : i32
      %dma_start3A_84 = arith.constant 0 : i32
      %dma_start3A_85 = tpu.memref_slice %arg9[%add3A_83, %dma_start3A_84] : memref<512x128xf32, #tpu.memory_space<vmem>> -> memref<1x64xf32, #tpu.memory_space<vmem>>
      %dma_start3A_86 = tpu.memref_squeeze %dma_start3A_85 : memref<1x64xf32, #tpu.memory_space<vmem>> -> memref<64xf32, #tpu.memory_space<vmem>>
      %dma_start3A_87 = arith.constant 0 : i32
      %dma_start3A_88 = tpu.memref_slice %arg4[%squeeze3A_81, %dma_start3A_87] : memref<1000000x64xf32, #tpu.memory_space<hbm>> -> memref<1x64xf32, #tpu.memory_space<hbm>>
      %dma_start3A_89 = tpu.memref_squeeze %dma_start3A_88 : memref<1x64xf32, #tpu.memory_space<hbm>> -> memref<64xf32, #tpu.memory_space<hbm>>
      %dma_start3A_90 = arith.constant 0 : i32
      %dma_start3A_91 = tpu.memref_slice %arg9[%add3A_83, %dma_start3A_90] : memref<512x128xf32, #tpu.memory_space<vmem>> -> memref<1x64xf32, #tpu.memory_space<vmem>>
      %dma_start3A_92 = tpu.memref_squeeze %dma_start3A_91 : memref<1x64xf32, #tpu.memory_space<vmem>> -> memref<64xf32, #tpu.memory_space<vmem>>
      %dma_start3A_93 = arith.constant 0 : i32
      %dma_start3A_94 = tpu.memref_slice %arg4[%squeeze3A_81, %dma_start3A_93] : memref<1000000x64xf32, #tpu.memory_space<hbm>> -> memref<1x64xf32, #tpu.memory_space<hbm>>
      %dma_start3A_95 = tpu.memref_squeeze %dma_start3A_94 : memref<1x64xf32, #tpu.memory_space<hbm>> -> memref<64xf32, #tpu.memory_space<hbm>>
      tpu.enqueue_dma source(%dma_start3A_95 : memref<64xf32, #tpu.memory_space<hbm>>) target(%dma_start3A_92 : memref<64xf32, #tpu.memory_space<vmem>>) target_semaphore(%arg10 : memref<!tpu.dma_semaphore, #tpu.memory_space<semaphore_mem>>)
      %slice3A_96 = vector.extract_strided_slice %get3A_18 {offsets = [2], sizes = [1], strides = [1]} : vector<16xi32> to vector<1xi32>
      %squeeze3A_97 = vector.extract %slice3A_96[0] : i32 from vector<1xi32>
      %add3A_98 = arith.constant 2 : i32
      %add3A_99 = arith.addi %mul3A_9, %add3A_98 : i32
      %dma_start3A_100 = arith.constant 64 : i32
      %dma_start3A_101 = tpu.memref_slice %arg9[%add3A_99, %dma_start3A_100] : memref<512x128xf32, #tpu.memory_space<vmem>> -> memref<1x64xf32, #tpu.memory_space<vmem>>
      %dma_start3A_102 = tpu.memref_squeeze %dma_start3A_101 : memref<1x64xf32, #tpu.memory_space<vmem>> -> memref<64xf32, #tpu.memory_space<vmem>>
      %dma_start3A_103 = arith.constant 0 : i32
      %dma_start3A_104 = tpu.memref_slice %arg5[%squeeze3A_97, %dma_start3A_103] : memref<1000000x64xf32, #tpu.memory_space<hbm>> -> memref<1x64xf32, #tpu.memory_space<hbm>>
      %dma_start3A_105 = tpu.memref_squeeze %dma_start3A_104 : memref<1x64xf32, #tpu.memory_space<hbm>> -> memref<64xf32, #tpu.memory_space<hbm>>
      %dma_start3A_106 = arith.constant 64 : i32
      %dma_start3A_107 = tpu.memref_slice %arg9[%add3A_99, %dma_start3A_106] : memref<512x128xf32, #tpu.memory_space<vmem>> -> memref<1x64xf32, #tpu.memory_space<vmem>>
      %dma_start3A_108 = tpu.memref_squeeze %dma_start3A_107 : memref<1x64xf32, #tpu.memory_space<vmem>> -> memref<64xf32, #tpu.memory_space<vmem>>
      %dma_start3A_109 = arith.constant 0 : i32
      %dma_start3A_110 = tpu.memref_slice %arg5[%squeeze3A_97, %dma_start3A_109] : memref<1000000x64xf32, #tpu.memory_space<hbm>> -> memref<1x64xf32, #tpu.memory_space<hbm>>
      %dma_start3A_111 = tpu.memref_squeeze %dma_start3A_110 : memref<1x64xf32, #tpu.memory_space<hbm>> -> memref<64xf32, #tpu.memory_space<hbm>>
      tpu.enqueue_dma source(%dma_start3A_111 : memref<64xf32, #tpu.memory_space<hbm>>) target(%dma_start3A_108 : memref<64xf32, #tpu.memory_space<vmem>>) target_semaphore(%arg10 : memref<!tpu.dma_semaphore, #tpu.memory_space<semaphore_mem>>)
      %slice3A_112 = vector.extract_strided_slice %get3A_13 {offsets = [3], sizes = [1], strides = [1]} : vector<16xi32> to vector<1xi32>
      %squeeze3A_113 = vector.extract %slice3A_112[0] : i32 from vector<1xi32>
      %add3A_114 = arith.constant 3 : i32
      %add3A_115 = arith.addi %mul3A_9, %add3A_114 : i32
      %dma_start3A_116 = arith.constant 0 : i32
      %dma_start3A_117 = tpu.memref_slice %arg9[%add3A_115, %dma_start3A_116] : memref<512x128xf32, #tpu.memory_space<vmem>> -> memref<1x64xf32, #tpu.memory_space<vmem>>
      %dma_start3A_118 = tpu.memref_squeeze %dma_start3A_117 : memref<1x64xf32, #tpu.memory_space<vmem>> -> memref<64xf32, #tpu.memory_space<vmem>>
      %dma_start3A_119 = arith.constant 0 : i32
      %dma_start3A_120 = tpu.memref_slice %arg4[%squeeze3A_113, %dma_start3A_119] : memref<1000000x64xf32, #tpu.memory_space<hbm>> -> memref<1x64xf32, #tpu.memory_space<hbm>>
      %dma_start3A_121 = tpu.memref_squeeze %dma_start3A_120 : memref<1x64xf32, #tpu.memory_space<hbm>> -> memref<64xf32, #tpu.memory_space<hbm>>
      %dma_start3A_122 = arith.constant 0 : i32
      %dma_start3A_123 = tpu.memref_slice %arg9[%add3A_115, %dma_start3A_122] : memref<512x128xf32, #tpu.memory_space<vmem>> -> memref<1x64xf32, #tpu.memory_space<vmem>>
      %dma_start3A_124 = tpu.memref_squeeze %dma_start3A_123 : memref<1x64xf32, #tpu.memory_space<vmem>> -> memref<64xf32, #tpu.memory_space<vmem>>
      %dma_start3A_125 = arith.constant 0 : i32
      %dma_start3A_126 = tpu.memref_slice %arg4[%squeeze3A_113, %dma_start3A_125] : memref<1000000x64xf32, #tpu.memory_space<hbm>> -> memref<1x64xf32, #tpu.memory_space<hbm>>
      %dma_start3A_127 = tpu.memref_squeeze %dma_start3A_126 : memref<1x64xf32, #tpu.memory_space<hbm>> -> memref<64xf32, #tpu.memory_space<hbm>>
      tpu.enqueue_dma source(%dma_start3A_127 : memref<64xf32, #tpu.memory_space<hbm>>) target(%dma_start3A_124 : memref<64xf32, #tpu.memory_space<vmem>>) target_semaphore(%arg10 : memref<!tpu.dma_semaphore, #tpu.memory_space<semaphore_mem>>)
      %slice3A_128 = vector.extract_strided_slice %get3A_18 {offsets = [3], sizes = [1], strides = [1]} : vector<16xi32> to vector<1xi32>
      %squeeze3A_129 = vector.extract %slice3A_128[0] : i32 from vector<1xi32>
      %add3A_130 = arith.constant 3 : i32
      %add3A_131 = arith.addi %mul3A_9, %add3A_130 : i32
      %dma_start3A_132 = arith.constant 64 : i32
      %dma_start3A_133 = tpu.memref_slice %arg9[%add3A_131, %dma_start3A_132] : memref<512x128xf32, #tpu.memory_space<vmem>> -> memref<1x64xf32, #tpu.memory_space<vmem>>
      %dma_start3A_134 = tpu.memref_squeeze %dma_start3A_133 : memref<1x64xf32, #tpu.memory_space<vmem>> -> memref<64xf32, #tpu.memory_space<vmem>>
      %dma_start3A_135 = arith.constant 0 : i32
      %dma_start3A_136 = tpu.memref_slice %arg5[%squeeze3A_129, %dma_start3A_135] : memref<1000000x64xf32, #tpu.memory_space<hbm>> -> memref<1x64xf32, #tpu.memory_space<hbm>>
      %dma_start3A_137 = tpu.memref_squeeze %dma_start3A_136 : memref<1x64xf32, #tpu.memory_space<hbm>> -> memref<64xf32, #tpu.memory_space<hbm>>
      %dma_start3A_138 = arith.constant 64 : i32
      %dma_start3A_139 = tpu.memref_slice %arg9[%add3A_131, %dma_start3A_138] : memref<512x128xf32, #tpu.memory_space<vmem>> -> memref<1x64xf32, #tpu.memory_space<vmem>>
      %dma_start3A_140 = tpu.memref_squeeze %dma_start3A_139 : memref<1x64xf32, #tpu.memory_space<vmem>> -> memref<64xf32, #tpu.memory_space<vmem>>
      %dma_start3A_141 = arith.constant 0 : i32
      %dma_start3A_142 = tpu.memref_slice %arg5[%squeeze3A_129, %dma_start3A_141] : memref<1000000x64xf32, #tpu.memory_space<hbm>> -> memref<1x64xf32, #tpu.memory_space<hbm>>
      %dma_start3A_143 = tpu.memref_squeeze %dma_start3A_142 : memref<1x64xf32, #tpu.memory_space<hbm>> -> memref<64xf32, #tpu.memory_space<hbm>>
      tpu.enqueue_dma source(%dma_start3A_143 : memref<64xf32, #tpu.memory_space<hbm>>) target(%dma_start3A_140 : memref<64xf32, #tpu.memory_space<vmem>>) target_semaphore(%arg10 : memref<!tpu.dma_semaphore, #tpu.memory_space<semaphore_mem>>)
      %slice3A_144 = vector.extract_strided_slice %get3A_13 {offsets = [4], sizes = [1], strides = [1]} : vector<16xi32> to vector<1xi32>
      %squeeze3A_145 = vector.extract %slice3A_144[0] : i32 from vector<1xi32>
      %add3A_146 = arith.constant 4 : i32
      %add3A_147 = arith.addi %mul3A_9, %add3A_146 : i32
      %dma_start3A_148 = arith.constant 0 : i32
      %dma_start3A_149 = tpu.memref_slice %arg9[%add3A_147, %dma_start3A_148] : memref<512x128xf32, #tpu.memory_space<vmem>> -> memref<1x64xf32, #tpu.memory_space<vmem>>
      %dma_start3A_150 = tpu.memref_squeeze %dma_start3A_149 : memref<1x64xf32, #tpu.memory_space<vmem>> -> memref<64xf32, #tpu.memory_space<vmem>>
      %dma_start3A_151 = arith.constant 0 : i32
      %dma_start3A_152 = tpu.memref_slice %arg4[%squeeze3A_145, %dma_start3A_151] : memref<1000000x64xf32, #tpu.memory_space<hbm>> -> memref<1x64xf32, #tpu.memory_space<hbm>>
      %dma_start3A_153 = tpu.memref_squeeze %dma_start3A_152 : memref<1x64xf32, #tpu.memory_space<hbm>> -> memref<64xf32, #tpu.memory_space<hbm>>
      %dma_start3A_154 = arith.constant 0 : i32
      %dma_start3A_155 = tpu.memref_slice %arg9[%add3A_147, %dma_start3A_154] : memref<512x128xf32, #tpu.memory_space<vmem>> -> memref<1x64xf32, #tpu.memory_space<vmem>>
      %dma_start3A_156 = tpu.memref_squeeze %dma_start3A_155 : memref<1x64xf32, #tpu.memory_space<vmem>> -> memref<64xf32, #tpu.memory_space<vmem>>
      %dma_start3A_157 = arith.constant 0 : i32
      %dma_start3A_158 = tpu.memref_slice %arg4[%squeeze3A_145, %dma_start3A_157] : memref<1000000x64xf32, #tpu.memory_space<hbm>> -> memref<1x64xf32, #tpu.memory_space<hbm>>
      %dma_start3A_159 = tpu.memref_squeeze %dma_start3A_158 : memref<1x64xf32, #tpu.memory_space<hbm>> -> memref<64xf32, #tpu.memory_space<hbm>>
      tpu.enqueue_dma source(%dma_start3A_159 : memref<64xf32, #tpu.memory_space<hbm>>) target(%dma_start3A_156 : memref<64xf32, #tpu.memory_space<vmem>>) target_semaphore(%arg10 : memref<!tpu.dma_semaphore, #tpu.memory_space<semaphore_mem>>)
      %slice3A_160 = vector.extract_strided_slice %get3A_18 {offsets = [4], sizes = [1], strides = [1]} : vector<16xi32> to vector<1xi32>
      %squeeze3A_161 = vector.extract %slice3A_160[0] : i32 from vector<1xi32>
      %add3A_162 = arith.constant 4 : i32
      %add3A_163 = arith.addi %mul3A_9, %add3A_162 : i32
      %dma_start3A_164 = arith.constant 64 : i32
      %dma_start3A_165 = tpu.memref_slice %arg9[%add3A_163, %dma_start3A_164] : memref<512x128xf32, #tpu.memory_space<vmem>> -> memref<1x64xf32, #tpu.memory_space<vmem>>
      %dma_start3A_166 = tpu.memref_squeeze %dma_start3A_165 : memref<1x64xf32, #tpu.memory_space<vmem>> -> memref<64xf32, #tpu.memory_space<vmem>>
      %dma_start3A_167 = arith.constant 0 : i32
      %dma_start3A_168 = tpu.memref_slice %arg5[%squeeze3A_161, %dma_start3A_167] : memref<1000000x64xf32, #tpu.memory_space<hbm>> -> memref<1x64xf32, #tpu.memory_space<hbm>>
      %dma_start3A_169 = tpu.memref_squeeze %dma_start3A_168 : memref<1x64xf32, #tpu.memory_space<hbm>> -> memref<64xf32, #tpu.memory_space<hbm>>
      %dma_start3A_170 = arith.constant 64 : i32
      %dma_start3A_171 = tpu.memref_slice %arg9[%add3A_163, %dma_start3A_170] : memref<512x128xf32, #tpu.memory_space<vmem>> -> memref<1x64xf32, #tpu.memory_space<vmem>>
      %dma_start3A_172 = tpu.memref_squeeze %dma_start3A_171 : memref<1x64xf32, #tpu.memory_space<vmem>> -> memref<64xf32, #tpu.memory_space<vmem>>
      %dma_start3A_173 = arith.constant 0 : i32
      %dma_start3A_174 = tpu.memref_slice %arg5[%squeeze3A_161, %dma_start3A_173] : memref<1000000x64xf32, #tpu.memory_space<hbm>> -> memref<1x64xf32, #tpu.memory_space<hbm>>
      %dma_start3A_175 = tpu.memref_squeeze %dma_start3A_174 : memref<1x64xf32, #tpu.memory_space<hbm>> -> memref<64xf32, #tpu.memory_space<hbm>>
      tpu.enqueue_dma source(%dma_start3A_175 : memref<64xf32, #tpu.memory_space<hbm>>) target(%dma_start3A_172 : memref<64xf32, #tpu.memory_space<vmem>>) target_semaphore(%arg10 : memref<!tpu.dma_semaphore, #tpu.memory_space<semaphore_mem>>)
      %slice3A_176 = vector.extract_strided_slice %get3A_13 {offsets = [5], sizes = [1], strides = [1]} : vector<16xi32> to vector<1xi32>
      %squeeze3A_177 = vector.extract %slice3A_176[0] : i32 from vector<1xi32>
      %add3A_178 = arith.constant 5 : i32
      %add3A_179 = arith.addi %mul3A_9, %add3A_178 : i32
      %dma_start3A_180 = arith.constant 0 : i32
      %dma_start3A_181 = tpu.memref_slice %arg9[%add3A_179, %dma_start3A_180] : memref<512x128xf32, #tpu.memory_space<vmem>> -> memref<1x64xf32, #tpu.memory_space<vmem>>
      %dma_start3A_182 = tpu.memref_squeeze %dma_start3A_181 : memref<1x64xf32, #tpu.memory_space<vmem>> -> memref<64xf32, #tpu.memory_space<vmem>>
      %dma_start3A_183 = arith.constant 0 : i32
      %dma_start3A_184 = tpu.memref_slice %arg4[%squeeze3A_177, %dma_start3A_183] : memref<1000000x64xf32, #tpu.memory_space<hbm>> -> memref<1x64xf32, #tpu.memory_space<hbm>>
      %dma_start3A_185 = tpu.memref_squeeze %dma_start3A_184 : memref<1x64xf32, #tpu.memory_space<hbm>> -> memref<64xf32, #tpu.memory_space<hbm>>
      %dma_start3A_186 = arith.constant 0 : i32
      %dma_start3A_187 = tpu.memref_slice %arg9[%add3A_179, %dma_start3A_186] : memref<512x128xf32, #tpu.memory_space<vmem>> -> memref<1x64xf32, #tpu.memory_space<vmem>>
      %dma_start3A_188 = tpu.memref_squeeze %dma_start3A_187 : memref<1x64xf32, #tpu.memory_space<vmem>> -> memref<64xf32, #tpu.memory_space<vmem>>
      %dma_start3A_189 = arith.constant 0 : i32
      %dma_start3A_190 = tpu.memref_slice %arg4[%squeeze3A_177, %dma_start3A_189] : memref<1000000x64xf32, #tpu.memory_space<hbm>> -> memref<1x64xf32, #tpu.memory_space<hbm>>
      %dma_start3A_191 = tpu.memref_squeeze %dma_start3A_190 : memref<1x64xf32, #tpu.memory_space<hbm>> -> memref<64xf32, #tpu.memory_space<hbm>>
      tpu.enqueue_dma source(%dma_start3A_191 : memref<64xf32, #tpu.memory_space<hbm>>) target(%dma_start3A_188 : memref<64xf32, #tpu.memory_space<vmem>>) target_semaphore(%arg10 : memref<!tpu.dma_semaphore, #tpu.memory_space<semaphore_mem>>)
      %slice3A_192 = vector.extract_strided_slice %get3A_18 {offsets = [5], sizes = [1], strides = [1]} : vector<16xi32> to vector<1xi32>
      %squeeze3A_193 = vector.extract %slice3A_192[0] : i32 from vector<1xi32>
      %add3A_194 = arith.constant 5 : i32
      %add3A_195 = arith.addi %mul3A_9, %add3A_194 : i32
      %dma_start3A_196 = arith.constant 64 : i32
      %dma_start3A_197 = tpu.memref_slice %arg9[%add3A_195, %dma_start3A_196] : memref<512x128xf32, #tpu.memory_space<vmem>> -> memref<1x64xf32, #tpu.memory_space<vmem>>
      %dma_start3A_198 = tpu.memref_squeeze %dma_start3A_197 : memref<1x64xf32, #tpu.memory_space<vmem>> -> memref<64xf32, #tpu.memory_space<vmem>>
      %dma_start3A_199 = arith.constant 0 : i32
      %dma_start3A_200 = tpu.memref_slice %arg5[%squeeze3A_193, %dma_start3A_199] : memref<1000000x64xf32, #tpu.memory_space<hbm>> -> memref<1x64xf32, #tpu.memory_space<hbm>>
      %dma_start3A_201 = tpu.memref_squeeze %dma_start3A_200 : memref<1x64xf32, #tpu.memory_space<hbm>> -> memref<64xf32, #tpu.memory_space<hbm>>
      %dma_start3A_202 = arith.constant 64 : i32
      %dma_start3A_203 = tpu.memref_slice %arg9[%add3A_195, %dma_start3A_202] : memref<512x128xf32, #tpu.memory_space<vmem>> -> memref<1x64xf32, #tpu.memory_space<vmem>>
      %dma_start3A_204 = tpu.memref_squeeze %dma_start3A_203 : memref<1x64xf32, #tpu.memory_space<vmem>> -> memref<64xf32, #tpu.memory_space<vmem>>
      %dma_start3A_205 = arith.constant 0 : i32
      %dma_start3A_206 = tpu.memref_slice %arg5[%squeeze3A_193, %dma_start3A_205] : memref<1000000x64xf32, #tpu.memory_space<hbm>> -> memref<1x64xf32, #tpu.memory_space<hbm>>
      %dma_start3A_207 = tpu.memref_squeeze %dma_start3A_206 : memref<1x64xf32, #tpu.memory_space<hbm>> -> memref<64xf32, #tpu.memory_space<hbm>>
      tpu.enqueue_dma source(%dma_start3A_207 : memref<64xf32, #tpu.memory_space<hbm>>) target(%dma_start3A_204 : memref<64xf32, #tpu.memory_space<vmem>>) target_semaphore(%arg10 : memref<!tpu.dma_semaphore, #tpu.memory_space<semaphore_mem>>)
      %slice3A_208 = vector.extract_strided_slice %get3A_13 {offsets = [6], sizes = [1], strides = [1]} : vector<16xi32> to vector<1xi32>
      %squeeze3A_209 = vector.extract %slice3A_208[0] : i32 from vector<1xi32>
      %add3A_210 = arith.constant 6 : i32
      %add3A_211 = arith.addi %mul3A_9, %add3A_210 : i32
      %dma_start3A_212 = arith.constant 0 : i32
      %dma_start3A_213 = tpu.memref_slice %arg9[%add3A_211, %dma_start3A_212] : memref<512x128xf32, #tpu.memory_space<vmem>> -> memref<1x64xf32, #tpu.memory_space<vmem>>
      %dma_start3A_214 = tpu.memref_squeeze %dma_start3A_213 : memref<1x64xf32, #tpu.memory_space<vmem>> -> memref<64xf32, #tpu.memory_space<vmem>>
      %dma_start3A_215 = arith.constant 0 : i32
      %dma_start3A_216 = tpu.memref_slice %arg4[%squeeze3A_209, %dma_start3A_215] : memref<1000000x64xf32, #tpu.memory_space<hbm>> -> memref<1x64xf32, #tpu.memory_space<hbm>>
      %dma_start3A_217 = tpu.memref_squeeze %dma_start3A_216 : memref<1x64xf32, #tpu.memory_space<hbm>> -> memref<64xf32, #tpu.memory_space<hbm>>
      %dma_start3A_218 = arith.constant 0 : i32
      %dma_start3A_219 = tpu.memref_slice %arg9[%add3A_211, %dma_start3A_218] : memref<512x128xf32, #tpu.memory_space<vmem>> -> memref<1x64xf32, #tpu.memory_space<vmem>>
      %dma_start3A_220 = tpu.memref_squeeze %dma_start3A_219 : memref<1x64xf32, #tpu.memory_space<vmem>> -> memref<64xf32, #tpu.memory_space<vmem>>
      %dma_start3A_221 = arith.constant 0 : i32
      %dma_start3A_222 = tpu.memref_slice %arg4[%squeeze3A_209, %dma_start3A_221] : memref<1000000x64xf32, #tpu.memory_space<hbm>> -> memref<1x64xf32, #tpu.memory_space<hbm>>
      %dma_start3A_223 = tpu.memref_squeeze %dma_start3A_222 : memref<1x64xf32, #tpu.memory_space<hbm>> -> memref<64xf32, #tpu.memory_space<hbm>>
      tpu.enqueue_dma source(%dma_start3A_223 : memref<64xf32, #tpu.memory_space<hbm>>) target(%dma_start3A_220 : memref<64xf32, #tpu.memory_space<vmem>>) target_semaphore(%arg10 : memref<!tpu.dma_semaphore, #tpu.memory_space<semaphore_mem>>)
      %slice3A_224 = vector.extract_strided_slice %get3A_18 {offsets = [6], sizes = [1], strides = [1]} : vector<16xi32> to vector<1xi32>
      %squeeze3A_225 = vector.extract %slice3A_224[0] : i32 from vector<1xi32>
      %add3A_226 = arith.constant 6 : i32
      %add3A_227 = arith.addi %mul3A_9, %add3A_226 : i32
      %dma_start3A_228 = arith.constant 64 : i32
      %dma_start3A_229 = tpu.memref_slice %arg9[%add3A_227, %dma_start3A_228] : memref<512x128xf32, #tpu.memory_space<vmem>> -> memref<1x64xf32, #tpu.memory_space<vmem>>
      %dma_start3A_230 = tpu.memref_squeeze %dma_start3A_229 : memref<1x64xf32, #tpu.memory_space<vmem>> -> memref<64xf32, #tpu.memory_space<vmem>>
      %dma_start3A_231 = arith.constant 0 : i32
      %dma_start3A_232 = tpu.memref_slice %arg5[%squeeze3A_225, %dma_start3A_231] : memref<1000000x64xf32, #tpu.memory_space<hbm>> -> memref<1x64xf32, #tpu.memory_space<hbm>>
      %dma_start3A_233 = tpu.memref_squeeze %dma_start3A_232 : memref<1x64xf32, #tpu.memory_space<hbm>> -> memref<64xf32, #tpu.memory_space<hbm>>
      %dma_start3A_234 = arith.constant 64 : i32
      %dma_start3A_235 = tpu.memref_slice %arg9[%add3A_227, %dma_start3A_234] : memref<512x128xf32, #tpu.memory_space<vmem>> -> memref<1x64xf32, #tpu.memory_space<vmem>>
      %dma_start3A_236 = tpu.memref_squeeze %dma_start3A_235 : memref<1x64xf32, #tpu.memory_space<vmem>> -> memref<64xf32, #tpu.memory_space<vmem>>
      %dma_start3A_237 = arith.constant 0 : i32
      %dma_start3A_238 = tpu.memref_slice %arg5[%squeeze3A_225, %dma_start3A_237] : memref<1000000x64xf32, #tpu.memory_space<hbm>> -> memref<1x64xf32, #tpu.memory_space<hbm>>
      %dma_start3A_239 = tpu.memref_squeeze %dma_start3A_238 : memref<1x64xf32, #tpu.memory_space<hbm>> -> memref<64xf32, #tpu.memory_space<hbm>>
      tpu.enqueue_dma source(%dma_start3A_239 : memref<64xf32, #tpu.memory_space<hbm>>) target(%dma_start3A_236 : memref<64xf32, #tpu.memory_space<vmem>>) target_semaphore(%arg10 : memref<!tpu.dma_semaphore, #tpu.memory_space<semaphore_mem>>)
      %slice3A_240 = vector.extract_strided_slice %get3A_13 {offsets = [7], sizes = [1], strides = [1]} : vector<16xi32> to vector<1xi32>
      %squeeze3A_241 = vector.extract %slice3A_240[0] : i32 from vector<1xi32>
      %add3A_242 = arith.constant 7 : i32
      %add3A_243 = arith.addi %mul3A_9, %add3A_242 : i32
      %dma_start3A_244 = arith.constant 0 : i32
      %dma_start3A_245 = tpu.memref_slice %arg9[%add3A_243, %dma_start3A_244] : memref<512x128xf32, #tpu.memory_space<vmem>> -> memref<1x64xf32, #tpu.memory_space<vmem>>
      %dma_start3A_246 = tpu.memref_squeeze %dma_start3A_245 : memref<1x64xf32, #tpu.memory_space<vmem>> -> memref<64xf32, #tpu.memory_space<vmem>>
      %dma_start3A_247 = arith.constant 0 : i32
      %dma_start3A_248 = tpu.memref_slice %arg4[%squeeze3A_241, %dma_start3A_247] : memref<1000000x64xf32, #tpu.memory_space<hbm>> -> memref<1x64xf32, #tpu.memory_space<hbm>>
      %dma_start3A_249 = tpu.memref_squeeze %dma_start3A_248 : memref<1x64xf32, #tpu.memory_space<hbm>> -> memref<64xf32, #tpu.memory_space<hbm>>
      %dma_start3A_250 = arith.constant 0 : i32
      %dma_start3A_251 = tpu.memref_slice %arg9[%add3A_243, %dma_start3A_250] : memref<512x128xf32, #tpu.memory_space<vmem>> -> memref<1x64xf32, #tpu.memory_space<vmem>>
      %dma_start3A_252 = tpu.memref_squeeze %dma_start3A_251 : memref<1x64xf32, #tpu.memory_space<vmem>> -> memref<64xf32, #tpu.memory_space<vmem>>
      %dma_start3A_253 = arith.constant 0 : i32
      %dma_start3A_254 = tpu.memref_slice %arg4[%squeeze3A_241, %dma_start3A_253] : memref<1000000x64xf32, #tpu.memory_space<hbm>> -> memref<1x64xf32, #tpu.memory_space<hbm>>
      %dma_start3A_255 = tpu.memref_squeeze %dma_start3A_254 : memref<1x64xf32, #tpu.memory_space<hbm>> -> memref<64xf32, #tpu.memory_space<hbm>>
      tpu.enqueue_dma source(%dma_start3A_255 : memref<64xf32, #tpu.memory_space<hbm>>) target(%dma_start3A_252 : memref<64xf32, #tpu.memory_space<vmem>>) target_semaphore(%arg10 : memref<!tpu.dma_semaphore, #tpu.memory_space<semaphore_mem>>)
      %slice3A_256 = vector.extract_strided_slice %get3A_18 {offsets = [7], sizes = [1], strides = [1]} : vector<16xi32> to vector<1xi32>
      %squeeze3A_257 = vector.extract %slice3A_256[0] : i32 from vector<1xi32>
      %add3A_258 = arith.constant 7 : i32
      %add3A_259 = arith.addi %mul3A_9, %add3A_258 : i32
      %dma_start3A_260 = arith.constant 64 : i32
      %dma_start3A_261 = tpu.memref_slice %arg9[%add3A_259, %dma_start3A_260] : memref<512x128xf32, #tpu.memory_space<vmem>> -> memref<1x64xf32, #tpu.memory_space<vmem>>
      %dma_start3A_262 = tpu.memref_squeeze %dma_start3A_261 : memref<1x64xf32, #tpu.memory_space<vmem>> -> memref<64xf32, #tpu.memory_space<vmem>>
      %dma_start3A_263 = arith.constant 0 : i32
      %dma_start3A_264 = tpu.memref_slice %arg5[%squeeze3A_257, %dma_start3A_263] : memref<1000000x64xf32, #tpu.memory_space<hbm>> -> memref<1x64xf32, #tpu.memory_space<hbm>>
      %dma_start3A_265 = tpu.memref_squeeze %dma_start3A_264 : memref<1x64xf32, #tpu.memory_space<hbm>> -> memref<64xf32, #tpu.memory_space<hbm>>
      %dma_start3A_266 = arith.constant 64 : i32
      %dma_start3A_267 = tpu.memref_slice %arg9[%add3A_259, %dma_start3A_266] : memref<512x128xf32, #tpu.memory_space<vmem>> -> memref<1x64xf32, #tpu.memory_space<vmem>>
      %dma_start3A_268 = tpu.memref_squeeze %dma_start3A_267 : memref<1x64xf32, #tpu.memory_space<vmem>> -> memref<64xf32, #tpu.memory_space<vmem>>
      %dma_start3A_269 = arith.constant 0 : i32
      %dma_start3A_270 = tpu.memref_slice %arg5[%squeeze3A_257, %dma_start3A_269] : memref<1000000x64xf32, #tpu.memory_space<hbm>> -> memref<1x64xf32, #tpu.memory_space<hbm>>
      %dma_start3A_271 = tpu.memref_squeeze %dma_start3A_270 : memref<1x64xf32, #tpu.memory_space<hbm>> -> memref<64xf32, #tpu.memory_space<hbm>>
      tpu.enqueue_dma source(%dma_start3A_271 : memref<64xf32, #tpu.memory_space<hbm>>) target(%dma_start3A_268 : memref<64xf32, #tpu.memory_space<vmem>>) target_semaphore(%arg10 : memref<!tpu.dma_semaphore, #tpu.memory_space<semaphore_mem>>)
      %slice3A_272 = vector.extract_strided_slice %get3A_13 {offsets = [8], sizes = [1], strides = [1]} : vector<16xi32> to vector<1xi32>
      %squeeze3A_273 = vector.extract %slice3A_272[0] : i32 from vector<1xi32>
      %add3A_274 = arith.constant 8 : i32
      %add3A_275 = arith.addi %mul3A_9, %add3A_274 : i32
      %dma_start3A_276 = arith.constant 0 : i32
      %dma_start3A_277 = tpu.memref_slice %arg9[%add3A_275, %dma_start3A_276] : memref<512x128xf32, #tpu.memory_space<vmem>> -> memref<1x64xf32, #tpu.memory_space<vmem>>
      %dma_start3A_278 = tpu.memref_squeeze %dma_start3A_277 : memref<1x64xf32, #tpu.memory_space<vmem>> -> memref<64xf32, #tpu.memory_space<vmem>>
      %dma_start3A_279 = arith.constant 0 : i32
      %dma_start3A_280 = tpu.memref_slice %arg4[%squeeze3A_273, %dma_start3A_279] : memref<1000000x64xf32, #tpu.memory_space<hbm>> -> memref<1x64xf32, #tpu.memory_space<hbm>>
      %dma_start3A_281 = tpu.memref_squeeze %dma_start3A_280 : memref<1x64xf32, #tpu.memory_space<hbm>> -> memref<64xf32, #tpu.memory_space<hbm>>
      %dma_start3A_282 = arith.constant 0 : i32
      %dma_start3A_283 = tpu.memref_slice %arg9[%add3A_275, %dma_start3A_282] : memref<512x128xf32, #tpu.memory_space<vmem>> -> memref<1x64xf32, #tpu.memory_space<vmem>>
      %dma_start3A_284 = tpu.memref_squeeze %dma_start3A_283 : memref<1x64xf32, #tpu.memory_space<vmem>> -> memref<64xf32, #tpu.memory_space<vmem>>
      %dma_start3A_285 = arith.constant 0 : i32
      %dma_start3A_286 = tpu.memref_slice %arg4[%squeeze3A_273, %dma_start3A_285] : memref<1000000x64xf32, #tpu.memory_space<hbm>> -> memref<1x64xf32, #tpu.memory_space<hbm>>
      %dma_start3A_287 = tpu.memref_squeeze %dma_start3A_286 : memref<1x64xf32, #tpu.memory_space<hbm>> -> memref<64xf32, #tpu.memory_space<hbm>>
      tpu.enqueue_dma source(%dma_start3A_287 : memref<64xf32, #tpu.memory_space<hbm>>) target(%dma_start3A_284 : memref<64xf32, #tpu.memory_space<vmem>>) target_semaphore(%arg10 : memref<!tpu.dma_semaphore, #tpu.memory_space<semaphore_mem>>)
      %slice3A_288 = vector.extract_strided_slice %get3A_18 {offsets = [8], sizes = [1], strides = [1]} : vector<16xi32> to vector<1xi32>
      %squeeze3A_289 = vector.extract %slice3A_288[0] : i32 from vector<1xi32>
      %add3A_290 = arith.constant 8 : i32
      %add3A_291 = arith.addi %mul3A_9, %add3A_290 : i32
      %dma_start3A_292 = arith.constant 64 : i32
      %dma_start3A_293 = tpu.memref_slice %arg9[%add3A_291, %dma_start3A_292] : memref<512x128xf32, #tpu.memory_space<vmem>> -> memref<1x64xf32, #tpu.memory_space<vmem>>
      %dma_start3A_294 = tpu.memref_squeeze %dma_start3A_293 : memref<1x64xf32, #tpu.memory_space<vmem>> -> memref<64xf32, #tpu.memory_space<vmem>>
      %dma_start3A_295 = arith.constant 0 : i32
      %dma_start3A_296 = tpu.memref_slice %arg5[%squeeze3A_289, %dma_start3A_295] : memref<1000000x64xf32, #tpu.memory_space<hbm>> -> memref<1x64xf32, #tpu.memory_space<hbm>>
      %dma_start3A_297 = tpu.memref_squeeze %dma_start3A_296 : memref<1x64xf32, #tpu.memory_space<hbm>> -> memref<64xf32, #tpu.memory_space<hbm>>
      %dma_start3A_298 = arith.constant 64 : i32
      %dma_start3A_299 = tpu.memref_slice %arg9[%add3A_291, %dma_start3A_298] : memref<512x128xf32, #tpu.memory_space<vmem>> -> memref<1x64xf32, #tpu.memory_space<vmem>>
      %dma_start3A_300 = tpu.memref_squeeze %dma_start3A_299 : memref<1x64xf32, #tpu.memory_space<vmem>> -> memref<64xf32, #tpu.memory_space<vmem>>
      %dma_start3A_301 = arith.constant 0 : i32
      %dma_start3A_302 = tpu.memref_slice %arg5[%squeeze3A_289, %dma_start3A_301] : memref<1000000x64xf32, #tpu.memory_space<hbm>> -> memref<1x64xf32, #tpu.memory_space<hbm>>
      %dma_start3A_303 = tpu.memref_squeeze %dma_start3A_302 : memref<1x64xf32, #tpu.memory_space<hbm>> -> memref<64xf32, #tpu.memory_space<hbm>>
      tpu.enqueue_dma source(%dma_start3A_303 : memref<64xf32, #tpu.memory_space<hbm>>) target(%dma_start3A_300 : memref<64xf32, #tpu.memory_space<vmem>>) target_semaphore(%arg10 : memref<!tpu.dma_semaphore, #tpu.memory_space<semaphore_mem>>)
      %slice3A_304 = vector.extract_strided_slice %get3A_13 {offsets = [9], sizes = [1], strides = [1]} : vector<16xi32> to vector<1xi32>
      %squeeze3A_305 = vector.extract %slice3A_304[0] : i32 from vector<1xi32>
      %add3A_306 = arith.constant 9 : i32
      %add3A_307 = arith.addi %mul3A_9, %add3A_306 : i32
      %dma_start3A_308 = arith.constant 0 : i32
      %dma_start3A_309 = tpu.memref_slice %arg9[%add3A_307, %dma_start3A_308] : memref<512x128xf32, #tpu.memory_space<vmem>> -> memref<1x64xf32, #tpu.memory_space<vmem>>
      %dma_start3A_310 = tpu.memref_squeeze %dma_start3A_309 : memref<1x64xf32, #tpu.memory_space<vmem>> -> memref<64xf32, #tpu.memory_space<vmem>>
      %dma_start3A_311 = arith.constant 0 : i32
      %dma_start3A_312 = tpu.memref_slice %arg4[%squeeze3A_305, %dma_start3A_311] : memref<1000000x64xf32, #tpu.memory_space<hbm>> -> memref<1x64xf32, #tpu.memory_space<hbm>>
      %dma_start3A_313 = tpu.memref_squeeze %dma_start3A_312 : memref<1x64xf32, #tpu.memory_space<hbm>> -> memref<64xf32, #tpu.memory_space<hbm>>
      %dma_start3A_314 = arith.constant 0 : i32
      %dma_start3A_315 = tpu.memref_slice %arg9[%add3A_307, %dma_start3A_314] : memref<512x128xf32, #tpu.memory_space<vmem>> -> memref<1x64xf32, #tpu.memory_space<vmem>>
      %dma_start3A_316 = tpu.memref_squeeze %dma_start3A_315 : memref<1x64xf32, #tpu.memory_space<vmem>> -> memref<64xf32, #tpu.memory_space<vmem>>
      %dma_start3A_317 = arith.constant 0 : i32
      %dma_start3A_318 = tpu.memref_slice %arg4[%squeeze3A_305, %dma_start3A_317] : memref<1000000x64xf32, #tpu.memory_space<hbm>> -> memref<1x64xf32, #tpu.memory_space<hbm>>
      %dma_start3A_319 = tpu.memref_squeeze %dma_start3A_318 : memref<1x64xf32, #tpu.memory_space<hbm>> -> memref<64xf32, #tpu.memory_space<hbm>>
      tpu.enqueue_dma source(%dma_start3A_319 : memref<64xf32, #tpu.memory_space<hbm>>) target(%dma_start3A_316 : memref<64xf32, #tpu.memory_space<vmem>>) target_semaphore(%arg10 : memref<!tpu.dma_semaphore, #tpu.memory_space<semaphore_mem>>)
      %slice3A_320 = vector.extract_strided_slice %get3A_18 {offsets = [9], sizes = [1], strides = [1]} : vector<16xi32> to vector<1xi32>
      %squeeze3A_321 = vector.extract %slice3A_320[0] : i32 from vector<1xi32>
      %add3A_322 = arith.constant 9 : i32
      %add3A_323 = arith.addi %mul3A_9, %add3A_322 : i32
      %dma_start3A_324 = arith.constant 64 : i32
      %dma_start3A_325 = tpu.memref_slice %arg9[%add3A_323, %dma_start3A_324] : memref<512x128xf32, #tpu.memory_space<vmem>> -> memref<1x64xf32, #tpu.memory_space<vmem>>
      %dma_start3A_326 = tpu.memref_squeeze %dma_start3A_325 : memref<1x64xf32, #tpu.memory_space<vmem>> -> memref<64xf32, #tpu.memory_space<vmem>>
      %dma_start3A_327 = arith.constant 0 : i32
      %dma_start3A_328 = tpu.memref_slice %arg5[%squeeze3A_321, %dma_start3A_327] : memref<1000000x64xf32, #tpu.memory_space<hbm>> -> memref<1x64xf32, #tpu.memory_space<hbm>>
      %dma_start3A_329 = tpu.memref_squeeze %dma_start3A_328 : memref<1x64xf32, #tpu.memory_space<hbm>> -> memref<64xf32, #tpu.memory_space<hbm>>
      %dma_start3A_330 = arith.constant 64 : i32
      %dma_start3A_331 = tpu.memref_slice %arg9[%add3A_323, %dma_start3A_330] : memref<512x128xf32, #tpu.memory_space<vmem>> -> memref<1x64xf32, #tpu.memory_space<vmem>>
      %dma_start3A_332 = tpu.memref_squeeze %dma_start3A_331 : memref<1x64xf32, #tpu.memory_space<vmem>> -> memref<64xf32, #tpu.memory_space<vmem>>
      %dma_start3A_333 = arith.constant 0 : i32
      %dma_start3A_334 = tpu.memref_slice %arg5[%squeeze3A_321, %dma_start3A_333] : memref<1000000x64xf32, #tpu.memory_space<hbm>> -> memref<1x64xf32, #tpu.memory_space<hbm>>
      %dma_start3A_335 = tpu.memref_squeeze %dma_start3A_334 : memref<1x64xf32, #tpu.memory_space<hbm>> -> memref<64xf32, #tpu.memory_space<hbm>>
      tpu.enqueue_dma source(%dma_start3A_335 : memref<64xf32, #tpu.memory_space<hbm>>) target(%dma_start3A_332 : memref<64xf32, #tpu.memory_space<vmem>>) target_semaphore(%arg10 : memref<!tpu.dma_semaphore, #tpu.memory_space<semaphore_mem>>)
      %slice3A_336 = vector.extract_strided_slice %get3A_13 {offsets = [10], sizes = [1], strides = [1]} : vector<16xi32> to vector<1xi32>
      %squeeze3A_337 = vector.extract %slice3A_336[0] : i32 from vector<1xi32>
      %add3A_338 = arith.constant 10 : i32
      %add3A_339 = arith.addi %mul3A_9, %add3A_338 : i32
      %dma_start3A_340 = arith.constant 0 : i32
      %dma_start3A_341 = tpu.memref_slice %arg9[%add3A_339, %dma_start3A_340] : memref<512x128xf32, #tpu.memory_space<vmem>> -> memref<1x64xf32, #tpu.memory_space<vmem>>
      %dma_start3A_342 = tpu.memref_squeeze %dma_start3A_341 : memref<1x64xf32, #tpu.memory_space<vmem>> -> memref<64xf32, #tpu.memory_space<vmem>>
      %dma_start3A_343 = arith.constant 0 : i32
      %dma_start3A_344 = tpu.memref_slice %arg4[%squeeze3A_337, %dma_start3A_343] : memref<1000000x64xf32, #tpu.memory_space<hbm>> -> memref<1x64xf32, #tpu.memory_space<hbm>>
      %dma_start3A_345 = tpu.memref_squeeze %dma_start3A_344 : memref<1x64xf32, #tpu.memory_space<hbm>> -> memref<64xf32, #tpu.memory_space<hbm>>
      %dma_start3A_346 = arith.constant 0 : i32
      %dma_start3A_347 = tpu.memref_slice %arg9[%add3A_339, %dma_start3A_346] : memref<512x128xf32, #tpu.memory_space<vmem>> -> memref<1x64xf32, #tpu.memory_space<vmem>>
      %dma_start3A_348 = tpu.memref_squeeze %dma_start3A_347 : memref<1x64xf32, #tpu.memory_space<vmem>> -> memref<64xf32, #tpu.memory_space<vmem>>
      %dma_start3A_349 = arith.constant 0 : i32
      %dma_start3A_350 = tpu.memref_slice %arg4[%squeeze3A_337, %dma_start3A_349] : memref<1000000x64xf32, #tpu.memory_space<hbm>> -> memref<1x64xf32, #tpu.memory_space<hbm>>
      %dma_start3A_351 = tpu.memref_squeeze %dma_start3A_350 : memref<1x64xf32, #tpu.memory_space<hbm>> -> memref<64xf32, #tpu.memory_space<hbm>>
      tpu.enqueue_dma source(%dma_start3A_351 : memref<64xf32, #tpu.memory_space<hbm>>) target(%dma_start3A_348 : memref<64xf32, #tpu.memory_space<vmem>>) target_semaphore(%arg10 : memref<!tpu.dma_semaphore, #tpu.memory_space<semaphore_mem>>)
      %slice3A_352 = vector.extract_strided_slice %get3A_18 {offsets = [10], sizes = [1], strides = [1]} : vector<16xi32> to vector<1xi32>
      %squeeze3A_353 = vector.extract %slice3A_352[0] : i32 from vector<1xi32>
      %add3A_354 = arith.constant 10 : i32
      %add3A_355 = arith.addi %mul3A_9, %add3A_354 : i32
      %dma_start3A_356 = arith.constant 64 : i32
      %dma_start3A_357 = tpu.memref_slice %arg9[%add3A_355, %dma_start3A_356] : memref<512x128xf32, #tpu.memory_space<vmem>> -> memref<1x64xf32, #tpu.memory_space<vmem>>
      %dma_start3A_358 = tpu.memref_squeeze %dma_start3A_357 : memref<1x64xf32, #tpu.memory_space<vmem>> -> memref<64xf32, #tpu.memory_space<vmem>>
      %dma_start3A_359 = arith.constant 0 : i32
      %dma_start3A_360 = tpu.memref_slice %arg5[%squeeze3A_353, %dma_start3A_359] : memref<1000000x64xf32, #tpu.memory_space<hbm>> -> memref<1x64xf32, #tpu.memory_space<hbm>>
      %dma_start3A_361 = tpu.memref_squeeze %dma_start3A_360 : memref<1x64xf32, #tpu.memory_space<hbm>> -> memref<64xf32, #tpu.memory_space<hbm>>
      %dma_start3A_362 = arith.constant 64 : i32
      %dma_start3A_363 = tpu.memref_slice %arg9[%add3A_355, %dma_start3A_362] : memref<512x128xf32, #tpu.memory_space<vmem>> -> memref<1x64xf32, #tpu.memory_space<vmem>>
      %dma_start3A_364 = tpu.memref_squeeze %dma_start3A_363 : memref<1x64xf32, #tpu.memory_space<vmem>> -> memref<64xf32, #tpu.memory_space<vmem>>
      %dma_start3A_365 = arith.constant 0 : i32
      %dma_start3A_366 = tpu.memref_slice %arg5[%squeeze3A_353, %dma_start3A_365] : memref<1000000x64xf32, #tpu.memory_space<hbm>> -> memref<1x64xf32, #tpu.memory_space<hbm>>
      %dma_start3A_367 = tpu.memref_squeeze %dma_start3A_366 : memref<1x64xf32, #tpu.memory_space<hbm>> -> memref<64xf32, #tpu.memory_space<hbm>>
      tpu.enqueue_dma source(%dma_start3A_367 : memref<64xf32, #tpu.memory_space<hbm>>) target(%dma_start3A_364 : memref<64xf32, #tpu.memory_space<vmem>>) target_semaphore(%arg10 : memref<!tpu.dma_semaphore, #tpu.memory_space<semaphore_mem>>)
      %slice3A_368 = vector.extract_strided_slice %get3A_13 {offsets = [11], sizes = [1], strides = [1]} : vector<16xi32> to vector<1xi32>
      %squeeze3A_369 = vector.extract %slice3A_368[0] : i32 from vector<1xi32>
      %add3A_370 = arith.constant 11 : i32
      %add3A_371 = arith.addi %mul3A_9, %add3A_370 : i32
      %dma_start3A_372 = arith.constant 0 : i32
      %dma_start3A_373 = tpu.memref_slice %arg9[%add3A_371, %dma_start3A_372] : memref<512x128xf32, #tpu.memory_space<vmem>> -> memref<1x64xf32, #tpu.memory_space<vmem>>
      %dma_start3A_374 = tpu.memref_squeeze %dma_start3A_373 : memref<1x64xf32, #tpu.memory_space<vmem>> -> memref<64xf32, #tpu.memory_space<vmem>>
      %dma_start3A_375 = arith.constant 0 : i32
      %dma_start3A_376 = tpu.memref_slice %arg4[%squeeze3A_369, %dma_start3A_375] : memref<1000000x64xf32, #tpu.memory_space<hbm>> -> memref<1x64xf32, #tpu.memory_space<hbm>>
      %dma_start3A_377 = tpu.memref_squeeze %dma_start3A_376 : memref<1x64xf32, #tpu.memory_space<hbm>> -> memref<64xf32, #tpu.memory_space<hbm>>
      %dma_start3A_378 = arith.constant 0 : i32
      %dma_start3A_379 = tpu.memref_slice %arg9[%add3A_371, %dma_start3A_378] : memref<512x128xf32, #tpu.memory_space<vmem>> -> memref<1x64xf32, #tpu.memory_space<vmem>>
      %dma_start3A_380 = tpu.memref_squeeze %dma_start3A_379 : memref<1x64xf32, #tpu.memory_space<vmem>> -> memref<64xf32, #tpu.memory_space<vmem>>
      %dma_start3A_381 = arith.constant 0 : i32
      %dma_start3A_382 = tpu.memref_slice %arg4[%squeeze3A_369, %dma_start3A_381] : memref<1000000x64xf32, #tpu.memory_space<hbm>> -> memref<1x64xf32, #tpu.memory_space<hbm>>
      %dma_start3A_383 = tpu.memref_squeeze %dma_start3A_382 : memref<1x64xf32, #tpu.memory_space<hbm>> -> memref<64xf32, #tpu.memory_space<hbm>>
      tpu.enqueue_dma source(%dma_start3A_383 : memref<64xf32, #tpu.memory_space<hbm>>) target(%dma_start3A_380 : memref<64xf32, #tpu.memory_space<vmem>>) target_semaphore(%arg10 : memref<!tpu.dma_semaphore, #tpu.memory_space<semaphore_mem>>)
      %slice3A_384 = vector.extract_strided_slice %get3A_18 {offsets = [11], sizes = [1], strides = [1]} : vector<16xi32> to vector<1xi32>
      %squeeze3A_385 = vector.extract %slice3A_384[0] : i32 from vector<1xi32>
      %add3A_386 = arith.constant 11 : i32
      %add3A_387 = arith.addi %mul3A_9, %add3A_386 : i32
      %dma_start3A_388 = arith.constant 64 : i32
      %dma_start3A_389 = tpu.memref_slice %arg9[%add3A_387, %dma_start3A_388] : memref<512x128xf32, #tpu.memory_space<vmem>> -> memref<1x64xf32, #tpu.memory_space<vmem>>
      %dma_start3A_390 = tpu.memref_squeeze %dma_start3A_389 : memref<1x64xf32, #tpu.memory_space<vmem>> -> memref<64xf32, #tpu.memory_space<vmem>>
      %dma_start3A_391 = arith.constant 0 : i32
      %dma_start3A_392 = tpu.memref_slice %arg5[%squeeze3A_385, %dma_start3A_391] : memref<1000000x64xf32, #tpu.memory_space<hbm>> -> memref<1x64xf32, #tpu.memory_space<hbm>>
      %dma_start3A_393 = tpu.memref_squeeze %dma_start3A_392 : memref<1x64xf32, #tpu.memory_space<hbm>> -> memref<64xf32, #tpu.memory_space<hbm>>
      %dma_start3A_394 = arith.constant 64 : i32
      %dma_start3A_395 = tpu.memref_slice %arg9[%add3A_387, %dma_start3A_394] : memref<512x128xf32, #tpu.memory_space<vmem>> -> memref<1x64xf32, #tpu.memory_space<vmem>>
      %dma_start3A_396 = tpu.memref_squeeze %dma_start3A_395 : memref<1x64xf32, #tpu.memory_space<vmem>> -> memref<64xf32, #tpu.memory_space<vmem>>
      %dma_start3A_397 = arith.constant 0 : i32
      %dma_start3A_398 = tpu.memref_slice %arg5[%squeeze3A_385, %dma_start3A_397] : memref<1000000x64xf32, #tpu.memory_space<hbm>> -> memref<1x64xf32, #tpu.memory_space<hbm>>
      %dma_start3A_399 = tpu.memref_squeeze %dma_start3A_398 : memref<1x64xf32, #tpu.memory_space<hbm>> -> memref<64xf32, #tpu.memory_space<hbm>>
      tpu.enqueue_dma source(%dma_start3A_399 : memref<64xf32, #tpu.memory_space<hbm>>) target(%dma_start3A_396 : memref<64xf32, #tpu.memory_space<vmem>>) target_semaphore(%arg10 : memref<!tpu.dma_semaphore, #tpu.memory_space<semaphore_mem>>)
      %slice3A_400 = vector.extract_strided_slice %get3A_13 {offsets = [12], sizes = [1], strides = [1]} : vector<16xi32> to vector<1xi32>
      %squeeze3A_401 = vector.extract %slice3A_400[0] : i32 from vector<1xi32>
      %add3A_402 = arith.constant 12 : i32
      %add3A_403 = arith.addi %mul3A_9, %add3A_402 : i32
      %dma_start3A_404 = arith.constant 0 : i32
      %dma_start3A_405 = tpu.memref_slice %arg9[%add3A_403, %dma_start3A_404] : memref<512x128xf32, #tpu.memory_space<vmem>> -> memref<1x64xf32, #tpu.memory_space<vmem>>
      %dma_start3A_406 = tpu.memref_squeeze %dma_start3A_405 : memref<1x64xf32, #tpu.memory_space<vmem>> -> memref<64xf32, #tpu.memory_space<vmem>>
      %dma_start3A_407 = arith.constant 0 : i32
      %dma_start3A_408 = tpu.memref_slice %arg4[%squeeze3A_401, %dma_start3A_407] : memref<1000000x64xf32, #tpu.memory_space<hbm>> -> memref<1x64xf32, #tpu.memory_space<hbm>>
      %dma_start3A_409 = tpu.memref_squeeze %dma_start3A_408 : memref<1x64xf32, #tpu.memory_space<hbm>> -> memref<64xf32, #tpu.memory_space<hbm>>
      %dma_start3A_410 = arith.constant 0 : i32
      %dma_start3A_411 = tpu.memref_slice %arg9[%add3A_403, %dma_start3A_410] : memref<512x128xf32, #tpu.memory_space<vmem>> -> memref<1x64xf32, #tpu.memory_space<vmem>>
      %dma_start3A_412 = tpu.memref_squeeze %dma_start3A_411 : memref<1x64xf32, #tpu.memory_space<vmem>> -> memref<64xf32, #tpu.memory_space<vmem>>
      %dma_start3A_413 = arith.constant 0 : i32
      %dma_start3A_414 = tpu.memref_slice %arg4[%squeeze3A_401, %dma_start3A_413] : memref<1000000x64xf32, #tpu.memory_space<hbm>> -> memref<1x64xf32, #tpu.memory_space<hbm>>
      %dma_start3A_415 = tpu.memref_squeeze %dma_start3A_414 : memref<1x64xf32, #tpu.memory_space<hbm>> -> memref<64xf32, #tpu.memory_space<hbm>>
      tpu.enqueue_dma source(%dma_start3A_415 : memref<64xf32, #tpu.memory_space<hbm>>) target(%dma_start3A_412 : memref<64xf32, #tpu.memory_space<vmem>>) target_semaphore(%arg10 : memref<!tpu.dma_semaphore, #tpu.memory_space<semaphore_mem>>)
      %slice3A_416 = vector.extract_strided_slice %get3A_18 {offsets = [12], sizes = [1], strides = [1]} : vector<16xi32> to vector<1xi32>
      %squeeze3A_417 = vector.extract %slice3A_416[0] : i32 from vector<1xi32>
      %add3A_418 = arith.constant 12 : i32
      %add3A_419 = arith.addi %mul3A_9, %add3A_418 : i32
      %dma_start3A_420 = arith.constant 64 : i32
      %dma_start3A_421 = tpu.memref_slice %arg9[%add3A_419, %dma_start3A_420] : memref<512x128xf32, #tpu.memory_space<vmem>> -> memref<1x64xf32, #tpu.memory_space<vmem>>
      %dma_start3A_422 = tpu.memref_squeeze %dma_start3A_421 : memref<1x64xf32, #tpu.memory_space<vmem>> -> memref<64xf32, #tpu.memory_space<vmem>>
      %dma_start3A_423 = arith.constant 0 : i32
      %dma_start3A_424 = tpu.memref_slice %arg5[%squeeze3A_417, %dma_start3A_423] : memref<1000000x64xf32, #tpu.memory_space<hbm>> -> memref<1x64xf32, #tpu.memory_space<hbm>>
      %dma_start3A_425 = tpu.memref_squeeze %dma_start3A_424 : memref<1x64xf32, #tpu.memory_space<hbm>> -> memref<64xf32, #tpu.memory_space<hbm>>
      %dma_start3A_426 = arith.constant 64 : i32
      %dma_start3A_427 = tpu.memref_slice %arg9[%add3A_419, %dma_start3A_426] : memref<512x128xf32, #tpu.memory_space<vmem>> -> memref<1x64xf32, #tpu.memory_space<vmem>>
      %dma_start3A_428 = tpu.memref_squeeze %dma_start3A_427 : memref<1x64xf32, #tpu.memory_space<vmem>> -> memref<64xf32, #tpu.memory_space<vmem>>
      %dma_start3A_429 = arith.constant 0 : i32
      %dma_start3A_430 = tpu.memref_slice %arg5[%squeeze3A_417, %dma_start3A_429] : memref<1000000x64xf32, #tpu.memory_space<hbm>> -> memref<1x64xf32, #tpu.memory_space<hbm>>
      %dma_start3A_431 = tpu.memref_squeeze %dma_start3A_430 : memref<1x64xf32, #tpu.memory_space<hbm>> -> memref<64xf32, #tpu.memory_space<hbm>>
      tpu.enqueue_dma source(%dma_start3A_431 : memref<64xf32, #tpu.memory_space<hbm>>) target(%dma_start3A_428 : memref<64xf32, #tpu.memory_space<vmem>>) target_semaphore(%arg10 : memref<!tpu.dma_semaphore, #tpu.memory_space<semaphore_mem>>)
      %slice3A_432 = vector.extract_strided_slice %get3A_13 {offsets = [13], sizes = [1], strides = [1]} : vector<16xi32> to vector<1xi32>
      %squeeze3A_433 = vector.extract %slice3A_432[0] : i32 from vector<1xi32>
      %add3A_434 = arith.constant 13 : i32
      %add3A_435 = arith.addi %mul3A_9, %add3A_434 : i32
      %dma_start3A_436 = arith.constant 0 : i32
      %dma_start3A_437 = tpu.memref_slice %arg9[%add3A_435, %dma_start3A_436] : memref<512x128xf32, #tpu.memory_space<vmem>> -> memref<1x64xf32, #tpu.memory_space<vmem>>
      %dma_start3A_438 = tpu.memref_squeeze %dma_start3A_437 : memref<1x64xf32, #tpu.memory_space<vmem>> -> memref<64xf32, #tpu.memory_space<vmem>>
      %dma_start3A_439 = arith.constant 0 : i32
      %dma_start3A_440 = tpu.memref_slice %arg4[%squeeze3A_433, %dma_start3A_439] : memref<1000000x64xf32, #tpu.memory_space<hbm>> -> memref<1x64xf32, #tpu.memory_space<hbm>>
      %dma_start3A_441 = tpu.memref_squeeze %dma_start3A_440 : memref<1x64xf32, #tpu.memory_space<hbm>> -> memref<64xf32, #tpu.memory_space<hbm>>
      %dma_start3A_442 = arith.constant 0 : i32
      %dma_start3A_443 = tpu.memref_slice %arg9[%add3A_435, %dma_start3A_442] : memref<512x128xf32, #tpu.memory_space<vmem>> -> memref<1x64xf32, #tpu.memory_space<vmem>>
      %dma_start3A_444 = tpu.memref_squeeze %dma_start3A_443 : memref<1x64xf32, #tpu.memory_space<vmem>> -> memref<64xf32, #tpu.memory_space<vmem>>
      %dma_start3A_445 = arith.constant 0 : i32
      %dma_start3A_446 = tpu.memref_slice %arg4[%squeeze3A_433, %dma_start3A_445] : memref<1000000x64xf32, #tpu.memory_space<hbm>> -> memref<1x64xf32, #tpu.memory_space<hbm>>
      %dma_start3A_447 = tpu.memref_squeeze %dma_start3A_446 : memref<1x64xf32, #tpu.memory_space<hbm>> -> memref<64xf32, #tpu.memory_space<hbm>>
      tpu.enqueue_dma source(%dma_start3A_447 : memref<64xf32, #tpu.memory_space<hbm>>) target(%dma_start3A_444 : memref<64xf32, #tpu.memory_space<vmem>>) target_semaphore(%arg10 : memref<!tpu.dma_semaphore, #tpu.memory_space<semaphore_mem>>)
      %slice3A_448 = vector.extract_strided_slice %get3A_18 {offsets = [13], sizes = [1], strides = [1]} : vector<16xi32> to vector<1xi32>
      %squeeze3A_449 = vector.extract %slice3A_448[0] : i32 from vector<1xi32>
      %add3A_450 = arith.constant 13 : i32
      %add3A_451 = arith.addi %mul3A_9, %add3A_450 : i32
      %dma_start3A_452 = arith.constant 64 : i32
      %dma_start3A_453 = tpu.memref_slice %arg9[%add3A_451, %dma_start3A_452] : memref<512x128xf32, #tpu.memory_space<vmem>> -> memref<1x64xf32, #tpu.memory_space<vmem>>
      %dma_start3A_454 = tpu.memref_squeeze %dma_start3A_453 : memref<1x64xf32, #tpu.memory_space<vmem>> -> memref<64xf32, #tpu.memory_space<vmem>>
      %dma_start3A_455 = arith.constant 0 : i32
      %dma_start3A_456 = tpu.memref_slice %arg5[%squeeze3A_449, %dma_start3A_455] : memref<1000000x64xf32, #tpu.memory_space<hbm>> -> memref<1x64xf32, #tpu.memory_space<hbm>>
      %dma_start3A_457 = tpu.memref_squeeze %dma_start3A_456 : memref<1x64xf32, #tpu.memory_space<hbm>> -> memref<64xf32, #tpu.memory_space<hbm>>
      %dma_start3A_458 = arith.constant 64 : i32
      %dma_start3A_459 = tpu.memref_slice %arg9[%add3A_451, %dma_start3A_458] : memref<512x128xf32, #tpu.memory_space<vmem>> -> memref<1x64xf32, #tpu.memory_space<vmem>>
      %dma_start3A_460 = tpu.memref_squeeze %dma_start3A_459 : memref<1x64xf32, #tpu.memory_space<vmem>> -> memref<64xf32, #tpu.memory_space<vmem>>
      %dma_start3A_461 = arith.constant 0 : i32
      %dma_start3A_462 = tpu.memref_slice %arg5[%squeeze3A_449, %dma_start3A_461] : memref<1000000x64xf32, #tpu.memory_space<hbm>> -> memref<1x64xf32, #tpu.memory_space<hbm>>
      %dma_start3A_463 = tpu.memref_squeeze %dma_start3A_462 : memref<1x64xf32, #tpu.memory_space<hbm>> -> memref<64xf32, #tpu.memory_space<hbm>>
      tpu.enqueue_dma source(%dma_start3A_463 : memref<64xf32, #tpu.memory_space<hbm>>) target(%dma_start3A_460 : memref<64xf32, #tpu.memory_space<vmem>>) target_semaphore(%arg10 : memref<!tpu.dma_semaphore, #tpu.memory_space<semaphore_mem>>)
      %slice3A_464 = vector.extract_strided_slice %get3A_13 {offsets = [14], sizes = [1], strides = [1]} : vector<16xi32> to vector<1xi32>
      %squeeze3A_465 = vector.extract %slice3A_464[0] : i32 from vector<1xi32>
      %add3A_466 = arith.constant 14 : i32
      %add3A_467 = arith.addi %mul3A_9, %add3A_466 : i32
      %dma_start3A_468 = arith.constant 0 : i32
      %dma_start3A_469 = tpu.memref_slice %arg9[%add3A_467, %dma_start3A_468] : memref<512x128xf32, #tpu.memory_space<vmem>> -> memref<1x64xf32, #tpu.memory_space<vmem>>
      %dma_start3A_470 = tpu.memref_squeeze %dma_start3A_469 : memref<1x64xf32, #tpu.memory_space<vmem>> -> memref<64xf32, #tpu.memory_space<vmem>>
      %dma_start3A_471 = arith.constant 0 : i32
      %dma_start3A_472 = tpu.memref_slice %arg4[%squeeze3A_465, %dma_start3A_471] : memref<1000000x64xf32, #tpu.memory_space<hbm>> -> memref<1x64xf32, #tpu.memory_space<hbm>>
      %dma_start3A_473 = tpu.memref_squeeze %dma_start3A_472 : memref<1x64xf32, #tpu.memory_space<hbm>> -> memref<64xf32, #tpu.memory_space<hbm>>
      %dma_start3A_474 = arith.constant 0 : i32
      %dma_start3A_475 = tpu.memref_slice %arg9[%add3A_467, %dma_start3A_474] : memref<512x128xf32, #tpu.memory_space<vmem>> -> memref<1x64xf32, #tpu.memory_space<vmem>>
      %dma_start3A_476 = tpu.memref_squeeze %dma_start3A_475 : memref<1x64xf32, #tpu.memory_space<vmem>> -> memref<64xf32, #tpu.memory_space<vmem>>
      %dma_start3A_477 = arith.constant 0 : i32
      %dma_start3A_478 = tpu.memref_slice %arg4[%squeeze3A_465, %dma_start3A_477] : memref<1000000x64xf32, #tpu.memory_space<hbm>> -> memref<1x64xf32, #tpu.memory_space<hbm>>
      %dma_start3A_479 = tpu.memref_squeeze %dma_start3A_478 : memref<1x64xf32, #tpu.memory_space<hbm>> -> memref<64xf32, #tpu.memory_space<hbm>>
      tpu.enqueue_dma source(%dma_start3A_479 : memref<64xf32, #tpu.memory_space<hbm>>) target(%dma_start3A_476 : memref<64xf32, #tpu.memory_space<vmem>>) target_semaphore(%arg10 : memref<!tpu.dma_semaphore, #tpu.memory_space<semaphore_mem>>)
      %slice3A_480 = vector.extract_strided_slice %get3A_18 {offsets = [14], sizes = [1], strides = [1]} : vector<16xi32> to vector<1xi32>
      %squeeze3A_481 = vector.extract %slice3A_480[0] : i32 from vector<1xi32>
      %add3A_482 = arith.constant 14 : i32
      %add3A_483 = arith.addi %mul3A_9, %add3A_482 : i32
      %dma_start3A_484 = arith.constant 64 : i32
      %dma_start3A_485 = tpu.memref_slice %arg9[%add3A_483, %dma_start3A_484] : memref<512x128xf32, #tpu.memory_space<vmem>> -> memref<1x64xf32, #tpu.memory_space<vmem>>
      %dma_start3A_486 = tpu.memref_squeeze %dma_start3A_485 : memref<1x64xf32, #tpu.memory_space<vmem>> -> memref<64xf32, #tpu.memory_space<vmem>>
      %dma_start3A_487 = arith.constant 0 : i32
      %dma_start3A_488 = tpu.memref_slice %arg5[%squeeze3A_481, %dma_start3A_487] : memref<1000000x64xf32, #tpu.memory_space<hbm>> -> memref<1x64xf32, #tpu.memory_space<hbm>>
      %dma_start3A_489 = tpu.memref_squeeze %dma_start3A_488 : memref<1x64xf32, #tpu.memory_space<hbm>> -> memref<64xf32, #tpu.memory_space<hbm>>
      %dma_start3A_490 = arith.constant 64 : i32
      %dma_start3A_491 = tpu.memref_slice %arg9[%add3A_483, %dma_start3A_490] : memref<512x128xf32, #tpu.memory_space<vmem>> -> memref<1x64xf32, #tpu.memory_space<vmem>>
      %dma_start3A_492 = tpu.memref_squeeze %dma_start3A_491 : memref<1x64xf32, #tpu.memory_space<vmem>> -> memref<64xf32, #tpu.memory_space<vmem>>
      %dma_start3A_493 = arith.constant 0 : i32
      %dma_start3A_494 = tpu.memref_slice %arg5[%squeeze3A_481, %dma_start3A_493] : memref<1000000x64xf32, #tpu.memory_space<hbm>> -> memref<1x64xf32, #tpu.memory_space<hbm>>
      %dma_start3A_495 = tpu.memref_squeeze %dma_start3A_494 : memref<1x64xf32, #tpu.memory_space<hbm>> -> memref<64xf32, #tpu.memory_space<hbm>>
      tpu.enqueue_dma source(%dma_start3A_495 : memref<64xf32, #tpu.memory_space<hbm>>) target(%dma_start3A_492 : memref<64xf32, #tpu.memory_space<vmem>>) target_semaphore(%arg10 : memref<!tpu.dma_semaphore, #tpu.memory_space<semaphore_mem>>)
      %slice3A_496 = vector.extract_strided_slice %get3A_13 {offsets = [15], sizes = [1], strides = [1]} : vector<16xi32> to vector<1xi32>
      %squeeze3A_497 = vector.extract %slice3A_496[0] : i32 from vector<1xi32>
      %add3A_498 = arith.constant 15 : i32
      %add3A_499 = arith.addi %mul3A_9, %add3A_498 : i32
      %dma_start3A_500 = arith.constant 0 : i32
      %dma_start3A_501 = tpu.memref_slice %arg9[%add3A_499, %dma_start3A_500] : memref<512x128xf32, #tpu.memory_space<vmem>> -> memref<1x64xf32, #tpu.memory_space<vmem>>
      %dma_start3A_502 = tpu.memref_squeeze %dma_start3A_501 : memref<1x64xf32, #tpu.memory_space<vmem>> -> memref<64xf32, #tpu.memory_space<vmem>>
      %dma_start3A_503 = arith.constant 0 : i32
      %dma_start3A_504 = tpu.memref_slice %arg4[%squeeze3A_497, %dma_start3A_503] : memref<1000000x64xf32, #tpu.memory_space<hbm>> -> memref<1x64xf32, #tpu.memory_space<hbm>>
      %dma_start3A_505 = tpu.memref_squeeze %dma_start3A_504 : memref<1x64xf32, #tpu.memory_space<hbm>> -> memref<64xf32, #tpu.memory_space<hbm>>
      %dma_start3A_506 = arith.constant 0 : i32
      %dma_start3A_507 = tpu.memref_slice %arg9[%add3A_499, %dma_start3A_506] : memref<512x128xf32, #tpu.memory_space<vmem>> -> memref<1x64xf32, #tpu.memory_space<vmem>>
      %dma_start3A_508 = tpu.memref_squeeze %dma_start3A_507 : memref<1x64xf32, #tpu.memory_space<vmem>> -> memref<64xf32, #tpu.memory_space<vmem>>
      %dma_start3A_509 = arith.constant 0 : i32
      %dma_start3A_510 = tpu.memref_slice %arg4[%squeeze3A_497, %dma_start3A_509] : memref<1000000x64xf32, #tpu.memory_space<hbm>> -> memref<1x64xf32, #tpu.memory_space<hbm>>
      %dma_start3A_511 = tpu.memref_squeeze %dma_start3A_510 : memref<1x64xf32, #tpu.memory_space<hbm>> -> memref<64xf32, #tpu.memory_space<hbm>>
      tpu.enqueue_dma source(%dma_start3A_511 : memref<64xf32, #tpu.memory_space<hbm>>) target(%dma_start3A_508 : memref<64xf32, #tpu.memory_space<vmem>>) target_semaphore(%arg10 : memref<!tpu.dma_semaphore, #tpu.memory_space<semaphore_mem>>)
      %slice3A_512 = vector.extract_strided_slice %get3A_18 {offsets = [15], sizes = [1], strides = [1]} : vector<16xi32> to vector<1xi32>
      %squeeze3A_513 = vector.extract %slice3A_512[0] : i32 from vector<1xi32>
      %add3A_514 = arith.constant 15 : i32
      %add3A_515 = arith.addi %mul3A_9, %add3A_514 : i32
      %dma_start3A_516 = arith.constant 64 : i32
      %dma_start3A_517 = tpu.memref_slice %arg9[%add3A_515, %dma_start3A_516] : memref<512x128xf32, #tpu.memory_space<vmem>> -> memref<1x64xf32, #tpu.memory_space<vmem>>
      %dma_start3A_518 = tpu.memref_squeeze %dma_start3A_517 : memref<1x64xf32, #tpu.memory_space<vmem>> -> memref<64xf32, #tpu.memory_space<vmem>>
      %dma_start3A_519 = arith.constant 0 : i32
      %dma_start3A_520 = tpu.memref_slice %arg5[%squeeze3A_513, %dma_start3A_519] : memref<1000000x64xf32, #tpu.memory_space<hbm>> -> memref<1x64xf32, #tpu.memory_space<hbm>>
      %dma_start3A_521 = tpu.memref_squeeze %dma_start3A_520 : memref<1x64xf32, #tpu.memory_space<hbm>> -> memref<64xf32, #tpu.memory_space<hbm>>
      %dma_start3A_522 = arith.constant 64 : i32
      %dma_start3A_523 = tpu.memref_slice %arg9[%add3A_515, %dma_start3A_522] : memref<512x128xf32, #tpu.memory_space<vmem>> -> memref<1x64xf32, #tpu.memory_space<vmem>>
      %dma_start3A_524 = tpu.memref_squeeze %dma_start3A_523 : memref<1x64xf32, #tpu.memory_space<vmem>> -> memref<64xf32, #tpu.memory_space<vmem>>
      %dma_start3A_525 = arith.constant 0 : i32
      %dma_start3A_526 = tpu.memref_slice %arg5[%squeeze3A_513, %dma_start3A_525] : memref<1000000x64xf32, #tpu.memory_space<hbm>> -> memref<1x64xf32, #tpu.memory_space<hbm>>
      %dma_start3A_527 = tpu.memref_squeeze %dma_start3A_526 : memref<1x64xf32, #tpu.memory_space<hbm>> -> memref<64xf32, #tpu.memory_space<hbm>>
      tpu.enqueue_dma source(%dma_start3A_527 : memref<64xf32, #tpu.memory_space<hbm>>) target(%dma_start3A_524 : memref<64xf32, #tpu.memory_space<vmem>>) target_semaphore(%arg10 : memref<!tpu.dma_semaphore, #tpu.memory_space<semaphore_mem>>)
      %add3A_528 = arith.constant 16 : i32
      %add3A_529 = arith.addi %mul3A_9, %add3A_528 : i32
      %get3A_530 = arith.index_cast %add3A_529 : i32 to index
      %get3A_531 = tpu.vector_load %arg7[%get3A_530] {strides = array<i32>} : memref<512xi32, #tpu.memory_space<vmem>>, vector<16xi32>,
      %get3A_532 = vector.shape_cast %get3A_531 : vector<16xi32> to vector<16xi32>
      %add3A_533 = arith.constant 16 : i32
      %add3A_534 = arith.addi %mul3A_9, %add3A_533 : i32
      %get3A_535 = arith.index_cast %add3A_534 : i32 to index
      %get3A_536 = tpu.vector_load %arg8[%get3A_535] {strides = array<i32>} : memref<512xi32, #tpu.memory_space<vmem>>, vector<16xi32>,
      %get3A_537 = vector.shape_cast %get3A_536 : vector<16xi32> to vector<16xi32>
      %slice3A_538 = vector.extract_strided_slice %get3A_532 {offsets = [0], sizes = [1], strides = [1]} : vector<16xi32> to vector<1xi32>
      %squeeze3A_539 = vector.extract %slice3A_538[0] : i32 from vector<1xi32>
      %add3A_540 = arith.constant 16 : i32
      %add3A_541 = arith.addi %mul3A_9, %add3A_540 : i32
      %dma_start3A_542 = arith.constant 0 : i32
      %dma_start3A_543 = tpu.memref_slice %arg9[%add3A_541, %dma_start3A_542] : memref<512x128xf32, #tpu.memory_space<vmem>> -> memref<1x64xf32, #tpu.memory_space<vmem>>
      %dma_start3A_544 = tpu.memref_squeeze %dma_start3A_543 : memref<1x64xf32, #tpu.memory_space<vmem>> -> memref<64xf32, #tpu.memory_space<vmem>>
      %dma_start3A_545 = arith.constant 0 : i32
      %dma_start3A_546 = tpu.memref_slice %arg4[%squeeze3A_539, %dma_start3A_545] : memref<1000000x64xf32, #tpu.memory_space<hbm>> -> memref<1x64xf32, #tpu.memory_space<hbm>>
      %dma_start3A_547 = tpu.memref_squeeze %dma_start3A_546 : memref<1x64xf32, #tpu.memory_space<hbm>> -> memref<64xf32, #tpu.memory_space<hbm>>
      %dma_start3A_548 = arith.constant 0 : i32
      %dma_start3A_549 = tpu.memref_slice %arg9[%add3A_541, %dma_start3A_548] : memref<512x128xf32, #tpu.memory_space<vmem>> -> memref<1x64xf32, #tpu.memory_space<vmem>>
      %dma_start3A_550 = tpu.memref_squeeze %dma_start3A_549 : memref<1x64xf32, #tpu.memory_space<vmem>> -> memref<64xf32, #tpu.memory_space<vmem>>
      %dma_start3A_551 = arith.constant 0 : i32
      %dma_start3A_552 = tpu.memref_slice %arg4[%squeeze3A_539, %dma_start3A_551] : memref<1000000x64xf32, #tpu.memory_space<hbm>> -> memref<1x64xf32, #tpu.memory_space<hbm>>
      %dma_start3A_553 = tpu.memref_squeeze %dma_start3A_552 : memref<1x64xf32, #tpu.memory_space<hbm>> -> memref<64xf32, #tpu.memory_space<hbm>>
      tpu.enqueue_dma source(%dma_start3A_553 : memref<64xf32, #tpu.memory_space<hbm>>) target(%dma_start3A_550 : memref<64xf32, #tpu.memory_space<vmem>>) target_semaphore(%arg10 : memref<!tpu.dma_semaphore, #tpu.memory_space<semaphore_mem>>)
      %slice3A_554 = vector.extract_strided_slice %get3A_537 {offsets = [0], sizes = [1], strides = [1]} : vector<16xi32> to vector<1xi32>
      %squeeze3A_555 = vector.extract %slice3A_554[0] : i32 from vector<1xi32>
      %add3A_556 = arith.constant 16 : i32
      %add3A_557 = arith.addi %mul3A_9, %add3A_556 : i32
      %dma_start3A_558 = arith.constant 64 : i32
      %dma_start3A_559 = tpu.memref_slice %arg9[%add3A_557, %dma_start3A_558] : memref<512x128xf32, #tpu.memory_space<vmem>> -> memref<1x64xf32, #tpu.memory_space<vmem>>
      %dma_start3A_560 = tpu.memref_squeeze %dma_start3A_559 : memref<1x64xf32, #tpu.memory_space<vmem>> -> memref<64xf32, #tpu.memory_space<vmem>>
      %dma_start3A_561 = arith.constant 0 : i32
      %dma_start3A_562 = tpu.memref_slice %arg5[%squeeze3A_555, %dma_start3A_561] : memref<1000000x64xf32, #tpu.memory_space<hbm>> -> memref<1x64xf32, #tpu.memory_space<hbm>>
      %dma_start3A_563 = tpu.memref_squeeze %dma_start3A_562 : memref<1x64xf32, #tpu.memory_space<hbm>> -> memref<64xf32, #tpu.memory_space<hbm>>
      %dma_start3A_564 = arith.constant 64 : i32
      %dma_start3A_565 = tpu.memref_slice %arg9[%add3A_557, %dma_start3A_564] : memref<512x128xf32, #tpu.memory_space<vmem>> -> memref<1x64xf32, #tpu.memory_space<vmem>>
      %dma_start3A_566 = tpu.memref_squeeze %dma_start3A_565 : memref<1x64xf32, #tpu.memory_space<vmem>> -> memref<64xf32, #tpu.memory_space<vmem>>
      %dma_start3A_567 = arith.constant 0 : i32
      %dma_start3A_568 = tpu.memref_slice %arg5[%squeeze3A_555, %dma_start3A_567] : memref<1000000x64xf32, #tpu.memory_space<hbm>> -> memref<1x64xf32, #tpu.memory_space<hbm>>
      %dma_start3A_569 = tpu.memref_squeeze %dma_start3A_568 : memref<1x64xf32, #tpu.memory_space<hbm>> -> memref<64xf32, #tpu.memory_space<hbm>>
      tpu.enqueue_dma source(%dma_start3A_569 : memref<64xf32, #tpu.memory_space<hbm>>) target(%dma_start3A_566 : memref<64xf32, #tpu.memory_space<vmem>>) target_semaphore(%arg10 : memref<!tpu.dma_semaphore, #tpu.memory_space<semaphore_mem>>)
      %slice3A_570 = vector.extract_strided_slice %get3A_532 {offsets = [1], sizes = [1], strides = [1]} : vector<16xi32> to vector<1xi32>
      %squeeze3A_571 = vector.extract %slice3A_570[0] : i32 from vector<1xi32>
      %add3A_572 = arith.constant 17 : i32
      %add3A_573 = arith.addi %mul3A_9, %add3A_572 : i32
      %dma_start3A_574 = arith.constant 0 : i32
      %dma_start3A_575 = tpu.memref_slice %arg9[%add3A_573, %dma_start3A_574] : memref<512x128xf32, #tpu.memory_space<vmem>> -> memref<1x64xf32, #tpu.memory_space<vmem>>
      %dma_start3A_576 = tpu.memref_squeeze %dma_start3A_575 : memref<1x64xf32, #tpu.memory_space<vmem>> -> memref<64xf32, #tpu.memory_space<vmem>>
      %dma_start3A_577 = arith.constant 0 : i32
      %dma_start3A_578 = tpu.memref_slice %arg4[%squeeze3A_571, %dma_start3A_577] : memref<1000000x64xf32, #tpu.memory_space<hbm>> -> memref<1x64xf32, #tpu.memory_space<hbm>>
      %dma_start3A_579 = tpu.memref_squeeze %dma_start3A_578 : memref<1x64xf32, #tpu.memory_space<hbm>> -> memref<64xf32, #tpu.memory_space<hbm>>
      %dma_start3A_580 = arith.constant 0 : i32
      %dma_start3A_581 = tpu.memref_slice %arg9[%add3A_573, %dma_start3A_580] : memref<512x128xf32, #tpu.memory_space<vmem>> -> memref<1x64xf32, #tpu.memory_space<vmem>>
      %dma_start3A_582 = tpu.memref_squeeze %dma_start3A_581 : memref<1x64xf32, #tpu.memory_space<vmem>> -> memref<64xf32, #tpu.memory_space<vmem>>
      %dma_start3A_583 = arith.constant 0 : i32
      %dma_start3A_584 = tpu.memref_slice %arg4[%squeeze3A_571, %dma_start3A_583] : memref<1000000x64xf32, #tpu.memory_space<hbm>> -> memref<1x64xf32, #tpu.memory_space<hbm>>
      %dma_start3A_585 = tpu.memref_squeeze %dma_start3A_584 : memref<1x64xf32, #tpu.memory_space<hbm>> -> memref<64xf32, #tpu.memory_space<hbm>>
      tpu.enqueue_dma source(%dma_start3A_585 : memref<64xf32, #tpu.memory_space<hbm>>) target(%dma_start3A_582 : memref<64xf32, #tpu.memory_space<vmem>>) target_semaphore(%arg10 : memref<!tpu.dma_semaphore, #tpu.memory_space<semaphore_mem>>)
      %slice3A_586 = vector.extract_strided_slice %get3A_537 {offsets = [1], sizes = [1], strides = [1]} : vector<16xi32> to vector<1xi32>
      %squeeze3A_587 = vector.extract %slice3A_586[0] : i32 from vector<1xi32>
      %add3A_588 = arith.constant 17 : i32
      %add3A_589 = arith.addi %mul3A_9, %add3A_588 : i32
      %dma_start3A_590 = arith.constant 64 : i32
      %dma_start3A_591 = tpu.memref_slice %arg9[%add3A_589, %dma_start3A_590] : memref<512x128xf32, #tpu.memory_space<vmem>> -> memref<1x64xf32, #tpu.memory_space<vmem>>
      %dma_start3A_592 = tpu.memref_squeeze %dma_start3A_591 : memref<1x64xf32, #tpu.memory_space<vmem>> -> memref<64xf32, #tpu.memory_space<vmem>>
      %dma_start3A_593 = arith.constant 0 : i32
      %dma_start3A_594 = tpu.memref_slice %arg5[%squeeze3A_587, %dma_start3A_593] : memref<1000000x64xf32, #tpu.memory_space<hbm>> -> memref<1x64xf32, #tpu.memory_space<hbm>>
      %dma_start3A_595 = tpu.memref_squeeze %dma_start3A_594 : memref<1x64xf32, #tpu.memory_space<hbm>> -> memref<64xf32, #tpu.memory_space<hbm>>
      %dma_start3A_596 = arith.constant 64 : i32
      %dma_start3A_597 = tpu.memref_slice %arg9[%add3A_589, %dma_start3A_596] : memref<512x128xf32, #tpu.memory_space<vmem>> -> memref<1x64xf32, #tpu.memory_space<vmem>>
      %dma_start3A_598 = tpu.memref_squeeze %dma_start3A_597 : memref<1x64xf32, #tpu.memory_space<vmem>> -> memref<64xf32, #tpu.memory_space<vmem>>
      %dma_start3A_599 = arith.constant 0 : i32
      %dma_start3A_600 = tpu.memref_slice %arg5[%squeeze3A_587, %dma_start3A_599] : memref<1000000x64xf32, #tpu.memory_space<hbm>> -> memref<1x64xf32, #tpu.memory_space<hbm>>
      %dma_start3A_601 = tpu.memref_squeeze %dma_start3A_600 : memref<1x64xf32, #tpu.memory_space<hbm>> -> memref<64xf32, #tpu.memory_space<hbm>>
      tpu.enqueue_dma source(%dma_start3A_601 : memref<64xf32, #tpu.memory_space<hbm>>) target(%dma_start3A_598 : memref<64xf32, #tpu.memory_space<vmem>>) target_semaphore(%arg10 : memref<!tpu.dma_semaphore, #tpu.memory_space<semaphore_mem>>)
      %slice3A_602 = vector.extract_strided_slice %get3A_532 {offsets = [2], sizes = [1], strides = [1]} : vector<16xi32> to vector<1xi32>
      %squeeze3A_603 = vector.extract %slice3A_602[0] : i32 from vector<1xi32>
      %add3A_604 = arith.constant 18 : i32
      %add3A_605 = arith.addi %mul3A_9, %add3A_604 : i32
      %dma_start3A_606 = arith.constant 0 : i32
      %dma_start3A_607 = tpu.memref_slice %arg9[%add3A_605, %dma_start3A_606] : memref<512x128xf32, #tpu.memory_space<vmem>> -> memref<1x64xf32, #tpu.memory_space<vmem>>
      %dma_start3A_608 = tpu.memref_squeeze %dma_start3A_607 : memref<1x64xf32, #tpu.memory_space<vmem>> -> memref<64xf32, #tpu.memory_space<vmem>>
      %dma_start3A_609 = arith.constant 0 : i32
      %dma_start3A_610 = tpu.memref_slice %arg4[%squeeze3A_603, %dma_start3A_609] : memref<1000000x64xf32, #tpu.memory_space<hbm>> -> memref<1x64xf32, #tpu.memory_space<hbm>>
      %dma_start3A_611 = tpu.memref_squeeze %dma_start3A_610 : memref<1x64xf32, #tpu.memory_space<hbm>> -> memref<64xf32, #tpu.memory_space<hbm>>
      %dma_start3A_612 = arith.constant 0 : i32
      %dma_start3A_613 = tpu.memref_slice %arg9[%add3A_605, %dma_start3A_612] : memref<512x128xf32, #tpu.memory_space<vmem>> -> memref<1x64xf32, #tpu.memory_space<vmem>>
      %dma_start3A_614 = tpu.memref_squeeze %dma_start3A_613 : memref<1x64xf32, #tpu.memory_space<vmem>> -> memref<64xf32, #tpu.memory_space<vmem>>
      %dma_start3A_615 = arith.constant 0 : i32
      %dma_start3A_616 = tpu.memref_slice %arg4[%squeeze3A_603, %dma_start3A_615] : memref<1000000x64xf32, #tpu.memory_space<hbm>> -> memref<1x64xf32, #tpu.memory_space<hbm>>
      %dma_start3A_617 = tpu.memref_squeeze %dma_start3A_616 : memref<1x64xf32, #tpu.memory_space<hbm>> -> memref<64xf32, #tpu.memory_space<hbm>>
      tpu.enqueue_dma source(%dma_start3A_617 : memref<64xf32, #tpu.memory_space<hbm>>) target(%dma_start3A_614 : memref<64xf32, #tpu.memory_space<vmem>>) target_semaphore(%arg10 : memref<!tpu.dma_semaphore, #tpu.memory_space<semaphore_mem>>)
      %slice3A_618 = vector.extract_strided_slice %get3A_537 {offsets = [2], sizes = [1], strides = [1]} : vector<16xi32> to vector<1xi32>
      %squeeze3A_619 = vector.extract %slice3A_618[0] : i32 from vector<1xi32>
      %add3A_620 = arith.constant 18 : i32
      %add3A_621 = arith.addi %mul3A_9, %add3A_620 : i32
      %dma_start3A_622 = arith.constant 64 : i32
      %dma_start3A_623 = tpu.memref_slice %arg9[%add3A_621, %dma_start3A_622] : memref<512x128xf32, #tpu.memory_space<vmem>> -> memref<1x64xf32, #tpu.memory_space<vmem>>
      %dma_start3A_624 = tpu.memref_squeeze %dma_start3A_623 : memref<1x64xf32, #tpu.memory_space<vmem>> -> memref<64xf32, #tpu.memory_space<vmem>>
      %dma_start3A_625 = arith.constant 0 : i32
      %dma_start3A_626 = tpu.memref_slice %arg5[%squeeze3A_619, %dma_start3A_625] : memref<1000000x64xf32, #tpu.memory_space<hbm>> -> memref<1x64xf32, #tpu.memory_space<hbm>>
      %dma_start3A_627 = tpu.memref_squeeze %dma_start3A_626 : memref<1x64xf32, #tpu.memory_space<hbm>> -> memref<64xf32, #tpu.memory_space<hbm>>
      %dma_start3A_628 = arith.constant 64 : i32
      %dma_start3A_629 = tpu.memref_slice %arg9[%add3A_621, %dma_start3A_628] : memref<512x128xf32, #tpu.memory_space<vmem>> -> memref<1x64xf32, #tpu.memory_space<vmem>>
      %dma_start3A_630 = tpu.memref_squeeze %dma_start3A_629 : memref<1x64xf32, #tpu.memory_space<vmem>> -> memref<64xf32, #tpu.memory_space<vmem>>
      %dma_start3A_631 = arith.constant 0 : i32
      %dma_start3A_632 = tpu.memref_slice %arg5[%squeeze3A_619, %dma_start3A_631] : memref<1000000x64xf32, #tpu.memory_space<hbm>> -> memref<1x64xf32, #tpu.memory_space<hbm>>
      %dma_start3A_633 = tpu.memref_squeeze %dma_start3A_632 : memref<1x64xf32, #tpu.memory_space<hbm>> -> memref<64xf32, #tpu.memory_space<hbm>>
      tpu.enqueue_dma source(%dma_start3A_633 : memref<64xf32, #tpu.memory_space<hbm>>) target(%dma_start3A_630 : memref<64xf32, #tpu.memory_space<vmem>>) target_semaphore(%arg10 : memref<!tpu.dma_semaphore, #tpu.memory_space<semaphore_mem>>)
      %slice3A_634 = vector.extract_strided_slice %get3A_532 {offsets = [3], sizes = [1], strides = [1]} : vector<16xi32> to vector<1xi32>
      %squeeze3A_635 = vector.extract %slice3A_634[0] : i32 from vector<1xi32>
      %add3A_636 = arith.constant 19 : i32
      %add3A_637 = arith.addi %mul3A_9, %add3A_636 : i32
      %dma_start3A_638 = arith.constant 0 : i32
      %dma_start3A_639 = tpu.memref_slice %arg9[%add3A_637, %dma_start3A_638] : memref<512x128xf32, #tpu.memory_space<vmem>> -> memref<1x64xf32, #tpu.memory_space<vmem>>
      %dma_start3A_640 = tpu.memref_squeeze %dma_start3A_639 : memref<1x64xf32, #tpu.memory_space<vmem>> -> memref<64xf32, #tpu.memory_space<vmem>>
      %dma_start3A_641 = arith.constant 0 : i32
      %dma_start3A_642 = tpu.memref_slice %arg4[%squeeze3A_635, %dma_start3A_641] : memref<1000000x64xf32, #tpu.memory_space<hbm>> -> memref<1x64xf32, #tpu.memory_space<hbm>>
      %dma_start3A_643 = tpu.memref_squeeze %dma_start3A_642 : memref<1x64xf32, #tpu.memory_space<hbm>> -> memref<64xf32, #tpu.memory_space<hbm>>
      %dma_start3A_644 = arith.constant 0 : i32
      %dma_start3A_645 = tpu.memref_slice %arg9[%add3A_637, %dma_start3A_644] : memref<512x128xf32, #tpu.memory_space<vmem>> -> memref<1x64xf32, #tpu.memory_space<vmem>>
      %dma_start3A_646 = tpu.memref_squeeze %dma_start3A_645 : memref<1x64xf32, #tpu.memory_space<vmem>> -> memref<64xf32, #tpu.memory_space<vmem>>
      %dma_start3A_647 = arith.constant 0 : i32
      %dma_start3A_648 = tpu.memref_slice %arg4[%squeeze3A_635, %dma_start3A_647] : memref<1000000x64xf32, #tpu.memory_space<hbm>> -> memref<1x64xf32, #tpu.memory_space<hbm>>
      %dma_start3A_649 = tpu.memref_squeeze %dma_start3A_648 : memref<1x64xf32, #tpu.memory_space<hbm>> -> memref<64xf32, #tpu.memory_space<hbm>>
      tpu.enqueue_dma source(%dma_start3A_649 : memref<64xf32, #tpu.memory_space<hbm>>) target(%dma_start3A_646 : memref<64xf32, #tpu.memory_space<vmem>>) target_semaphore(%arg10 : memref<!tpu.dma_semaphore, #tpu.memory_space<semaphore_mem>>)
      %slice3A_650 = vector.extract_strided_slice %get3A_537 {offsets = [3], sizes = [1], strides = [1]} : vector<16xi32> to vector<1xi32>
      %squeeze3A_651 = vector.extract %slice3A_650[0] : i32 from vector<1xi32>
      %add3A_652 = arith.constant 19 : i32
      %add3A_653 = arith.addi %mul3A_9, %add3A_652 : i32
      %dma_start3A_654 = arith.constant 64 : i32
      %dma_start3A_655 = tpu.memref_slice %arg9[%add3A_653, %dma_start3A_654] : memref<512x128xf32, #tpu.memory_space<vmem>> -> memref<1x64xf32, #tpu.memory_space<vmem>>
      %dma_start3A_656 = tpu.memref_squeeze %dma_start3A_655 : memref<1x64xf32, #tpu.memory_space<vmem>> -> memref<64xf32, #tpu.memory_space<vmem>>
      %dma_start3A_657 = arith.constant 0 : i32
      %dma_start3A_658 = tpu.memref_slice %arg5[%squeeze3A_651, %dma_start3A_657] : memref<1000000x64xf32, #tpu.memory_space<hbm>> -> memref<1x64xf32, #tpu.memory_space<hbm>>
      %dma_start3A_659 = tpu.memref_squeeze %dma_start3A_658 : memref<1x64xf32, #tpu.memory_space<hbm>> -> memref<64xf32, #tpu.memory_space<hbm>>
      %dma_start3A_660 = arith.constant 64 : i32
      %dma_start3A_661 = tpu.memref_slice %arg9[%add3A_653, %dma_start3A_660] : memref<512x128xf32, #tpu.memory_space<vmem>> -> memref<1x64xf32, #tpu.memory_space<vmem>>
      %dma_start3A_662 = tpu.memref_squeeze %dma_start3A_661 : memref<1x64xf32, #tpu.memory_space<vmem>> -> memref<64xf32, #tpu.memory_space<vmem>>
      %dma_start3A_663 = arith.constant 0 : i32
      %dma_start3A_664 = tpu.memref_slice %arg5[%squeeze3A_651, %dma_start3A_663] : memref<1000000x64xf32, #tpu.memory_space<hbm>> -> memref<1x64xf32, #tpu.memory_space<hbm>>
      %dma_start3A_665 = tpu.memref_squeeze %dma_start3A_664 : memref<1x64xf32, #tpu.memory_space<hbm>> -> memref<64xf32, #tpu.memory_space<hbm>>
      tpu.enqueue_dma source(%dma_start3A_665 : memref<64xf32, #tpu.memory_space<hbm>>) target(%dma_start3A_662 : memref<64xf32, #tpu.memory_space<vmem>>) target_semaphore(%arg10 : memref<!tpu.dma_semaphore, #tpu.memory_space<semaphore_mem>>)
      %slice3A_666 = vector.extract_strided_slice %get3A_532 {offsets = [4], sizes = [1], strides = [1]} : vector<16xi32> to vector<1xi32>
      %squeeze3A_667 = vector.extract %slice3A_666[0] : i32 from vector<1xi32>
      %add3A_668 = arith.constant 20 : i32
      %add3A_669 = arith.addi %mul3A_9, %add3A_668 : i32
      %dma_start3A_670 = arith.constant 0 : i32
      %dma_start3A_671 = tpu.memref_slice %arg9[%add3A_669, %dma_start3A_670] : memref<512x128xf32, #tpu.memory_space<vmem>> -> memref<1x64xf32, #tpu.memory_space<vmem>>
      %dma_start3A_672 = tpu.memref_squeeze %dma_start3A_671 : memref<1x64xf32, #tpu.memory_space<vmem>> -> memref<64xf32, #tpu.memory_space<vmem>>
      %dma_start3A_673 = arith.constant 0 : i32
      %dma_start3A_674 = tpu.memref_slice %arg4[%squeeze3A_667, %dma_start3A_673] : memref<1000000x64xf32, #tpu.memory_space<hbm>> -> memref<1x64xf32, #tpu.memory_space<hbm>>
      %dma_start3A_675 = tpu.memref_squeeze %dma_start3A_674 : memref<1x64xf32, #tpu.memory_space<hbm>> -> memref<64xf32, #tpu.memory_space<hbm>>
      %dma_start3A_676 = arith.constant 0 : i32
      %dma_start3A_677 = tpu.memref_slice %arg9[%add3A_669, %dma_start3A_676] : memref<512x128xf32, #tpu.memory_space<vmem>> -> memref<1x64xf32, #tpu.memory_space<vmem>>
      %dma_start3A_678 = tpu.memref_squeeze %dma_start3A_677 : memref<1x64xf32, #tpu.memory_space<vmem>> -> memref<64xf32, #tpu.memory_space<vmem>>
      %dma_start3A_679 = arith.constant 0 : i32
      %dma_start3A_680 = tpu.memref_slice %arg4[%squeeze3A_667, %dma_start3A_679] : memref<1000000x64xf32, #tpu.memory_space<hbm>> -> memref<1x64xf32, #tpu.memory_space<hbm>>
      %dma_start3A_681 = tpu.memref_squeeze %dma_start3A_680 : memref<1x64xf32, #tpu.memory_space<hbm>> -> memref<64xf32, #tpu.memory_space<hbm>>
      tpu.enqueue_dma source(%dma_start3A_681 : memref<64xf32, #tpu.memory_space<hbm>>) target(%dma_start3A_678 : memref<64xf32, #tpu.memory_space<vmem>>) target_semaphore(%arg10 : memref<!tpu.dma_semaphore, #tpu.memory_space<semaphore_mem>>)
      %slice3A_682 = vector.extract_strided_slice %get3A_537 {offsets = [4], sizes = [1], strides = [1]} : vector<16xi32> to vector<1xi32>
      %squeeze3A_683 = vector.extract %slice3A_682[0] : i32 from vector<1xi32>
      %add3A_684 = arith.constant 20 : i32
      %add3A_685 = arith.addi %mul3A_9, %add3A_684 : i32
      %dma_start3A_686 = arith.constant 64 : i32
      %dma_start3A_687 = tpu.memref_slice %arg9[%add3A_685, %dma_start3A_686] : memref<512x128xf32, #tpu.memory_space<vmem>> -> memref<1x64xf32, #tpu.memory_space<vmem>>
      %dma_start3A_688 = tpu.memref_squeeze %dma_start3A_687 : memref<1x64xf32, #tpu.memory_space<vmem>> -> memref<64xf32, #tpu.memory_space<vmem>>
      %dma_start3A_689 = arith.constant 0 : i32
      %dma_start3A_690 = tpu.memref_slice %arg5[%squeeze3A_683, %dma_start3A_689] : memref<1000000x64xf32, #tpu.memory_space<hbm>> -> memref<1x64xf32, #tpu.memory_space<hbm>>
      %dma_start3A_691 = tpu.memref_squeeze %dma_start3A_690 : memref<1x64xf32, #tpu.memory_space<hbm>> -> memref<64xf32, #tpu.memory_space<hbm>>
      %dma_start3A_692 = arith.constant 64 : i32
      %dma_start3A_693 = tpu.memref_slice %arg9[%add3A_685, %dma_start3A_692] : memref<512x128xf32, #tpu.memory_space<vmem>> -> memref<1x64xf32, #tpu.memory_space<vmem>>
      %dma_start3A_694 = tpu.memref_squeeze %dma_start3A_693 : memref<1x64xf32, #tpu.memory_space<vmem>> -> memref<64xf32, #tpu.memory_space<vmem>>
      %dma_start3A_695 = arith.constant 0 : i32
      %dma_start3A_696 = tpu.memref_slice %arg5[%squeeze3A_683, %dma_start3A_695] : memref<1000000x64xf32, #tpu.memory_space<hbm>> -> memref<1x64xf32, #tpu.memory_space<hbm>>
      %dma_start3A_697 = tpu.memref_squeeze %dma_start3A_696 : memref<1x64xf32, #tpu.memory_space<hbm>> -> memref<64xf32, #tpu.memory_space<hbm>>
      tpu.enqueue_dma source(%dma_start3A_697 : memref<64xf32, #tpu.memory_space<hbm>>) target(%dma_start3A_694 : memref<64xf32, #tpu.memory_space<vmem>>) target_semaphore(%arg10 : memref<!tpu.dma_semaphore, #tpu.memory_space<semaphore_mem>>)
      %slice3A_698 = vector.extract_strided_slice %get3A_532 {offsets = [5], sizes = [1], strides = [1]} : vector<16xi32> to vector<1xi32>
      %squeeze3A_699 = vector.extract %slice3A_698[0] : i32 from vector<1xi32>
      %add3A_700 = arith.constant 21 : i32
      %add3A_701 = arith.addi %mul3A_9, %add3A_700 : i32
      %dma_start3A_702 = arith.constant 0 : i32
      %dma_start3A_703 = tpu.memref_slice %arg9[%add3A_701, %dma_start3A_702] : memref<512x128xf32, #tpu.memory_space<vmem>> -> memref<1x64xf32, #tpu.memory_space<vmem>>
      %dma_start3A_704 = tpu.memref_squeeze %dma_start3A_703 : memref<1x64xf32, #tpu.memory_space<vmem>> -> memref<64xf32, #tpu.memory_space<vmem>>
      %dma_start3A_705 = arith.constant 0 : i32
      %dma_start3A_706 = tpu.memref_slice %arg4[%squeeze3A_699, %dma_start3A_705] : memref<1000000x64xf32, #tpu.memory_space<hbm>> -> memref<1x64xf32, #tpu.memory_space<hbm>>
      %dma_start3A_707 = tpu.memref_squeeze %dma_start3A_706 : memref<1x64xf32, #tpu.memory_space<hbm>> -> memref<64xf32, #tpu.memory_space<hbm>>
      %dma_start3A_708 = arith.constant 0 : i32
      %dma_start3A_709 = tpu.memref_slice %arg9[%add3A_701, %dma_start3A_708] : memref<512x128xf32, #tpu.memory_space<vmem>> -> memref<1x64xf32, #tpu.memory_space<vmem>>
      %dma_start3A_710 = tpu.memref_squeeze %dma_start3A_709 : memref<1x64xf32, #tpu.memory_space<vmem>> -> memref<64xf32, #tpu.memory_space<vmem>>
      %dma_start3A_711 = arith.constant 0 : i32
      %dma_start3A_712 = tpu.memref_slice %arg4[%squeeze3A_699, %dma_start3A_711] : memref<1000000x64xf32, #tpu.memory_space<hbm>> -> memref<1x64xf32, #tpu.memory_space<hbm>>
      %dma_start3A_713 = tpu.memref_squeeze %dma_start3A_712 : memref<1x64xf32, #tpu.memory_space<hbm>> -> memref<64xf32, #tpu.memory_space<hbm>>
      tpu.enqueue_dma source(%dma_start3A_713 : memref<64xf32, #tpu.memory_space<hbm>>) target(%dma_start3A_710 : memref<64xf32, #tpu.memory_space<vmem>>) target_semaphore(%arg10 : memref<!tpu.dma_semaphore, #tpu.memory_space<semaphore_mem>>)
      %slice3A_714 = vector.extract_strided_slice %get3A_537 {offsets = [5], sizes = [1], strides = [1]} : vector<16xi32> to vector<1xi32>
      %squeeze3A_715 = vector.extract %slice3A_714[0] : i32 from vector<1xi32>
      %add3A_716 = arith.constant 21 : i32
      %add3A_717 = arith.addi %mul3A_9, %add3A_716 : i32
      %dma_start3A_718 = arith.constant 64 : i32
      %dma_start3A_719 = tpu.memref_slice %arg9[%add3A_717, %dma_start3A_718] : memref<512x128xf32, #tpu.memory_space<vmem>> -> memref<1x64xf32, #tpu.memory_space<vmem>>
      %dma_start3A_720 = tpu.memref_squeeze %dma_start3A_719 : memref<1x64xf32, #tpu.memory_space<vmem>> -> memref<64xf32, #tpu.memory_space<vmem>>
      %dma_start3A_721 = arith.constant 0 : i32
      %dma_start3A_722 = tpu.memref_slice %arg5[%squeeze3A_715, %dma_start3A_721] : memref<1000000x64xf32, #tpu.memory_space<hbm>> -> memref<1x64xf32, #tpu.memory_space<hbm>>
      %dma_start3A_723 = tpu.memref_squeeze %dma_start3A_722 : memref<1x64xf32, #tpu.memory_space<hbm>> -> memref<64xf32, #tpu.memory_space<hbm>>
      %dma_start3A_724 = arith.constant 64 : i32
      %dma_start3A_725 = tpu.memref_slice %arg9[%add3A_717, %dma_start3A_724] : memref<512x128xf32, #tpu.memory_space<vmem>> -> memref<1x64xf32, #tpu.memory_space<vmem>>
      %dma_start3A_726 = tpu.memref_squeeze %dma_start3A_725 : memref<1x64xf32, #tpu.memory_space<vmem>> -> memref<64xf32, #tpu.memory_space<vmem>>
      %dma_start3A_727 = arith.constant 0 : i32
      %dma_start3A_728 = tpu.memref_slice %arg5[%squeeze3A_715, %dma_start3A_727] : memref<1000000x64xf32, #tpu.memory_space<hbm>> -> memref<1x64xf32, #tpu.memory_space<hbm>>
      %dma_start3A_729 = tpu.memref_squeeze %dma_start3A_728 : memref<1x64xf32, #tpu.memory_space<hbm>> -> memref<64xf32, #tpu.memory_space<hbm>>
      tpu.enqueue_dma source(%dma_start3A_729 : memref<64xf32, #tpu.memory_space<hbm>>) target(%dma_start3A_726 : memref<64xf32, #tpu.memory_space<vmem>>) target_semaphore(%arg10 : memref<!tpu.dma_semaphore, #tpu.memory_space<semaphore_mem>>)
      %slice3A_730 = vector.extract_strided_slice %get3A_532 {offsets = [6], sizes = [1], strides = [1]} : vector<16xi32> to vector<1xi32>
      %squeeze3A_731 = vector.extract %slice3A_730[0] : i32 from vector<1xi32>
      %add3A_732 = arith.constant 22 : i32
      %add3A_733 = arith.addi %mul3A_9, %add3A_732 : i32
      %dma_start3A_734 = arith.constant 0 : i32
      %dma_start3A_735 = tpu.memref_slice %arg9[%add3A_733, %dma_start3A_734] : memref<512x128xf32, #tpu.memory_space<vmem>> -> memref<1x64xf32, #tpu.memory_space<vmem>>
      %dma_start3A_736 = tpu.memref_squeeze %dma_start3A_735 : memref<1x64xf32, #tpu.memory_space<vmem>> -> memref<64xf32, #tpu.memory_space<vmem>>
      %dma_start3A_737 = arith.constant 0 : i32
      %dma_start3A_738 = tpu.memref_slice %arg4[%squeeze3A_731, %dma_start3A_737] : memref<1000000x64xf32, #tpu.memory_space<hbm>> -> memref<1x64xf32, #tpu.memory_space<hbm>>
      %dma_start3A_739 = tpu.memref_squeeze %dma_start3A_738 : memref<1x64xf32, #tpu.memory_space<hbm>> -> memref<64xf32, #tpu.memory_space<hbm>>
      %dma_start3A_740 = arith.constant 0 : i32
      %dma_start3A_741 = tpu.memref_slice %arg9[%add3A_733, %dma_start3A_740] : memref<512x128xf32, #tpu.memory_space<vmem>> -> memref<1x64xf32, #tpu.memory_space<vmem>>
      %dma_start3A_742 = tpu.memref_squeeze %dma_start3A_741 : memref<1x64xf32, #tpu.memory_space<vmem>> -> memref<64xf32, #tpu.memory_space<vmem>>
      %dma_start3A_743 = arith.constant 0 : i32
      %dma_start3A_744 = tpu.memref_slice %arg4[%squeeze3A_731, %dma_start3A_743] : memref<1000000x64xf32, #tpu.memory_space<hbm>> -> memref<1x64xf32, #tpu.memory_space<hbm>>
      %dma_start3A_745 = tpu.memref_squeeze %dma_start3A_744 : memref<1x64xf32, #tpu.memory_space<hbm>> -> memref<64xf32, #tpu.memory_space<hbm>>
      tpu.enqueue_dma source(%dma_start3A_745 : memref<64xf32, #tpu.memory_space<hbm>>) target(%dma_start3A_742 : memref<64xf32, #tpu.memory_space<vmem>>) target_semaphore(%arg10 : memref<!tpu.dma_semaphore, #tpu.memory_space<semaphore_mem>>)
      %slice3A_746 = vector.extract_strided_slice %get3A_537 {offsets = [6], sizes = [1], strides = [1]} : vector<16xi32> to vector<1xi32>
      %squeeze3A_747 = vector.extract %slice3A_746[0] : i32 from vector<1xi32>
      %add3A_748 = arith.constant 22 : i32
      %add3A_749 = arith.addi %mul3A_9, %add3A_748 : i32
      %dma_start3A_750 = arith.constant 64 : i32
      %dma_start3A_751 = tpu.memref_slice %arg9[%add3A_749, %dma_start3A_750] : memref<512x128xf32, #tpu.memory_space<vmem>> -> memref<1x64xf32, #tpu.memory_space<vmem>>
      %dma_start3A_752 = tpu.memref_squeeze %dma_start3A_751 : memref<1x64xf32, #tpu.memory_space<vmem>> -> memref<64xf32, #tpu.memory_space<vmem>>
      %dma_start3A_753 = arith.constant 0 : i32
      %dma_start3A_754 = tpu.memref_slice %arg5[%squeeze3A_747, %dma_start3A_753] : memref<1000000x64xf32, #tpu.memory_space<hbm>> -> memref<1x64xf32, #tpu.memory_space<hbm>>
      %dma_start3A_755 = tpu.memref_squeeze %dma_start3A_754 : memref<1x64xf32, #tpu.memory_space<hbm>> -> memref<64xf32, #tpu.memory_space<hbm>>
      %dma_start3A_756 = arith.constant 64 : i32
      %dma_start3A_757 = tpu.memref_slice %arg9[%add3A_749, %dma_start3A_756] : memref<512x128xf32, #tpu.memory_space<vmem>> -> memref<1x64xf32, #tpu.memory_space<vmem>>
      %dma_start3A_758 = tpu.memref_squeeze %dma_start3A_757 : memref<1x64xf32, #tpu.memory_space<vmem>> -> memref<64xf32, #tpu.memory_space<vmem>>
      %dma_start3A_759 = arith.constant 0 : i32
      %dma_start3A_760 = tpu.memref_slice %arg5[%squeeze3A_747, %dma_start3A_759] : memref<1000000x64xf32, #tpu.memory_space<hbm>> -> memref<1x64xf32, #tpu.memory_space<hbm>>
      %dma_start3A_761 = tpu.memref_squeeze %dma_start3A_760 : memref<1x64xf32, #tpu.memory_space<hbm>> -> memref<64xf32, #tpu.memory_space<hbm>>
      tpu.enqueue_dma source(%dma_start3A_761 : memref<64xf32, #tpu.memory_space<hbm>>) target(%dma_start3A_758 : memref<64xf32, #tpu.memory_space<vmem>>) target_semaphore(%arg10 : memref<!tpu.dma_semaphore, #tpu.memory_space<semaphore_mem>>)
      %slice3A_762 = vector.extract_strided_slice %get3A_532 {offsets = [7], sizes = [1], strides = [1]} : vector<16xi32> to vector<1xi32>
      %squeeze3A_763 = vector.extract %slice3A_762[0] : i32 from vector<1xi32>
      %add3A_764 = arith.constant 23 : i32
      %add3A_765 = arith.addi %mul3A_9, %add3A_764 : i32
      %dma_start3A_766 = arith.constant 0 : i32
      %dma_start3A_767 = tpu.memref_slice %arg9[%add3A_765, %dma_start3A_766] : memref<512x128xf32, #tpu.memory_space<vmem>> -> memref<1x64xf32, #tpu.memory_space<vmem>>
      %dma_start3A_768 = tpu.memref_squeeze %dma_start3A_767 : memref<1x64xf32, #tpu.memory_space<vmem>> -> memref<64xf32, #tpu.memory_space<vmem>>
      %dma_start3A_769 = arith.constant 0 : i32
      %dma_start3A_770 = tpu.memref_slice %arg4[%squeeze3A_763, %dma_start3A_769] : memref<1000000x64xf32, #tpu.memory_space<hbm>> -> memref<1x64xf32, #tpu.memory_space<hbm>>
      %dma_start3A_771 = tpu.memref_squeeze %dma_start3A_770 : memref<1x64xf32, #tpu.memory_space<hbm>> -> memref<64xf32, #tpu.memory_space<hbm>>
      %dma_start3A_772 = arith.constant 0 : i32
      %dma_start3A_773 = tpu.memref_slice %arg9[%add3A_765, %dma_start3A_772] : memref<512x128xf32, #tpu.memory_space<vmem>> -> memref<1x64xf32, #tpu.memory_space<vmem>>
      %dma_start3A_774 = tpu.memref_squeeze %dma_start3A_773 : memref<1x64xf32, #tpu.memory_space<vmem>> -> memref<64xf32, #tpu.memory_space<vmem>>
      %dma_start3A_775 = arith.constant 0 : i32
      %dma_start3A_776 = tpu.memref_slice %arg4[%squeeze3A_763, %dma_start3A_775] : memref<1000000x64xf32, #tpu.memory_space<hbm>> -> memref<1x64xf32, #tpu.memory_space<hbm>>
      %dma_start3A_777 = tpu.memref_squeeze %dma_start3A_776 : memref<1x64xf32, #tpu.memory_space<hbm>> -> memref<64xf32, #tpu.memory_space<hbm>>
      tpu.enqueue_dma source(%dma_start3A_777 : memref<64xf32, #tpu.memory_space<hbm>>) target(%dma_start3A_774 : memref<64xf32, #tpu.memory_space<vmem>>) target_semaphore(%arg10 : memref<!tpu.dma_semaphore, #tpu.memory_space<semaphore_mem>>)
      %slice3A_778 = vector.extract_strided_slice %get3A_537 {offsets = [7], sizes = [1], strides = [1]} : vector<16xi32> to vector<1xi32>
      %squeeze3A_779 = vector.extract %slice3A_778[0] : i32 from vector<1xi32>
      %add3A_780 = arith.constant 23 : i32
      %add3A_781 = arith.addi %mul3A_9, %add3A_780 : i32
      %dma_start3A_782 = arith.constant 64 : i32
      %dma_start3A_783 = tpu.memref_slice %arg9[%add3A_781, %dma_start3A_782] : memref<512x128xf32, #tpu.memory_space<vmem>> -> memref<1x64xf32, #tpu.memory_space<vmem>>
      %dma_start3A_784 = tpu.memref_squeeze %dma_start3A_783 : memref<1x64xf32, #tpu.memory_space<vmem>> -> memref<64xf32, #tpu.memory_space<vmem>>
      %dma_start3A_785 = arith.constant 0 : i32
      %dma_start3A_786 = tpu.memref_slice %arg5[%squeeze3A_779, %dma_start3A_785] : memref<1000000x64xf32, #tpu.memory_space<hbm>> -> memref<1x64xf32, #tpu.memory_space<hbm>>
      %dma_start3A_787 = tpu.memref_squeeze %dma_start3A_786 : memref<1x64xf32, #tpu.memory_space<hbm>> -> memref<64xf32, #tpu.memory_space<hbm>>
      %dma_start3A_788 = arith.constant 64 : i32
      %dma_start3A_789 = tpu.memref_slice %arg9[%add3A_781, %dma_start3A_788] : memref<512x128xf32, #tpu.memory_space<vmem>> -> memref<1x64xf32, #tpu.memory_space<vmem>>
      %dma_start3A_790 = tpu.memref_squeeze %dma_start3A_789 : memref<1x64xf32, #tpu.memory_space<vmem>> -> memref<64xf32, #tpu.memory_space<vmem>>
      %dma_start3A_791 = arith.constant 0 : i32
      %dma_start3A_792 = tpu.memref_slice %arg5[%squeeze3A_779, %dma_start3A_791] : memref<1000000x64xf32, #tpu.memory_space<hbm>> -> memref<1x64xf32, #tpu.memory_space<hbm>>
      %dma_start3A_793 = tpu.memref_squeeze %dma_start3A_792 : memref<1x64xf32, #tpu.memory_space<hbm>> -> memref<64xf32, #tpu.memory_space<hbm>>
      tpu.enqueue_dma source(%dma_start3A_793 : memref<64xf32, #tpu.memory_space<hbm>>) target(%dma_start3A_790 : memref<64xf32, #tpu.memory_space<vmem>>) target_semaphore(%arg10 : memref<!tpu.dma_semaphore, #tpu.memory_space<semaphore_mem>>)
      %slice3A_794 = vector.extract_strided_slice %get3A_532 {offsets = [8], sizes = [1], strides = [1]} : vector<16xi32> to vector<1xi32>
      %squeeze3A_795 = vector.extract %slice3A_794[0] : i32 from vector<1xi32>
      %add3A_796 = arith.constant 24 : i32
      %add3A_797 = arith.addi %mul3A_9, %add3A_796 : i32
      %dma_start3A_798 = arith.constant 0 : i32
      %dma_start3A_799 = tpu.memref_slice %arg9[%add3A_797, %dma_start3A_798] : memref<512x128xf32, #tpu.memory_space<vmem>> -> memref<1x64xf32, #tpu.memory_space<vmem>>
      %dma_start3A_800 = tpu.memref_squeeze %dma_start3A_799 : memref<1x64xf32, #tpu.memory_space<vmem>> -> memref<64xf32, #tpu.memory_space<vmem>>
      %dma_start3A_801 = arith.constant 0 : i32
      %dma_start3A_802 = tpu.memref_slice %arg4[%squeeze3A_795, %dma_start3A_801] : memref<1000000x64xf32, #tpu.memory_space<hbm>> -> memref<1x64xf32, #tpu.memory_space<hbm>>
      %dma_start3A_803 = tpu.memref_squeeze %dma_start3A_802 : memref<1x64xf32, #tpu.memory_space<hbm>> -> memref<64xf32, #tpu.memory_space<hbm>>
      %dma_start3A_804 = arith.constant 0 : i32
      %dma_start3A_805 = tpu.memref_slice %arg9[%add3A_797, %dma_start3A_804] : memref<512x128xf32, #tpu.memory_space<vmem>> -> memref<1x64xf32, #tpu.memory_space<vmem>>
      %dma_start3A_806 = tpu.memref_squeeze %dma_start3A_805 : memref<1x64xf32, #tpu.memory_space<vmem>> -> memref<64xf32, #tpu.memory_space<vmem>>
      %dma_start3A_807 = arith.constant 0 : i32
      %dma_start3A_808 = tpu.memref_slice %arg4[%squeeze3A_795, %dma_start3A_807] : memref<1000000x64xf32, #tpu.memory_space<hbm>> -> memref<1x64xf32, #tpu.memory_space<hbm>>
      %dma_start3A_809 = tpu.memref_squeeze %dma_start3A_808 : memref<1x64xf32, #tpu.memory_space<hbm>> -> memref<64xf32, #tpu.memory_space<hbm>>
      tpu.enqueue_dma source(%dma_start3A_809 : memref<64xf32, #tpu.memory_space<hbm>>) target(%dma_start3A_806 : memref<64xf32, #tpu.memory_space<vmem>>) target_semaphore(%arg10 : memref<!tpu.dma_semaphore, #tpu.memory_space<semaphore_mem>>)
      %slice3A_810 = vector.extract_strided_slice %get3A_537 {offsets = [8], sizes = [1], strides = [1]} : vector<16xi32> to vector<1xi32>
      %squeeze3A_811 = vector.extract %slice3A_810[0] : i32 from vector<1xi32>
      %add3A_812 = arith.constant 24 : i32
      %add3A_813 = arith.addi %mul3A_9, %add3A_812 : i32
      %dma_start3A_814 = arith.constant 64 : i32
      %dma_start3A_815 = tpu.memref_slice %arg9[%add3A_813, %dma_start3A_814] : memref<512x128xf32, #tpu.memory_space<vmem>> -> memref<1x64xf32, #tpu.memory_space<vmem>>
      %dma_start3A_816 = tpu.memref_squeeze %dma_start3A_815 : memref<1x64xf32, #tpu.memory_space<vmem>> -> memref<64xf32, #tpu.memory_space<vmem>>
      %dma_start3A_817 = arith.constant 0 : i32
      %dma_start3A_818 = tpu.memref_slice %arg5[%squeeze3A_811, %dma_start3A_817] : memref<1000000x64xf32, #tpu.memory_space<hbm>> -> memref<1x64xf32, #tpu.memory_space<hbm>>
      %dma_start3A_819 = tpu.memref_squeeze %dma_start3A_818 : memref<1x64xf32, #tpu.memory_space<hbm>> -> memref<64xf32, #tpu.memory_space<hbm>>
      %dma_start3A_820 = arith.constant 64 : i32
      %dma_start3A_821 = tpu.memref_slice %arg9[%add3A_813, %dma_start3A_820] : memref<512x128xf32, #tpu.memory_space<vmem>> -> memref<1x64xf32, #tpu.memory_space<vmem>>
      %dma_start3A_822 = tpu.memref_squeeze %dma_start3A_821 : memref<1x64xf32, #tpu.memory_space<vmem>> -> memref<64xf32, #tpu.memory_space<vmem>>
      %dma_start3A_823 = arith.constant 0 : i32
      %dma_start3A_824 = tpu.memref_slice %arg5[%squeeze3A_811, %dma_start3A_823] : memref<1000000x64xf32, #tpu.memory_space<hbm>> -> memref<1x64xf32, #tpu.memory_space<hbm>>
      %dma_start3A_825 = tpu.memref_squeeze %dma_start3A_824 : memref<1x64xf32, #tpu.memory_space<hbm>> -> memref<64xf32, #tpu.memory_space<hbm>>
      tpu.enqueue_dma source(%dma_start3A_825 : memref<64xf32, #tpu.memory_space<hbm>>) target(%dma_start3A_822 : memref<64xf32, #tpu.memory_space<vmem>>) target_semaphore(%arg10 : memref<!tpu.dma_semaphore, #tpu.memory_space<semaphore_mem>>)
      %slice3A_826 = vector.extract_strided_slice %get3A_532 {offsets = [9], sizes = [1], strides = [1]} : vector<16xi32> to vector<1xi32>
      %squeeze3A_827 = vector.extract %slice3A_826[0] : i32 from vector<1xi32>
      %add3A_828 = arith.constant 25 : i32
      %add3A_829 = arith.addi %mul3A_9, %add3A_828 : i32
      %dma_start3A_830 = arith.constant 0 : i32
      %dma_start3A_831 = tpu.memref_slice %arg9[%add3A_829, %dma_start3A_830] : memref<512x128xf32, #tpu.memory_space<vmem>> -> memref<1x64xf32, #tpu.memory_space<vmem>>
      %dma_start3A_832 = tpu.memref_squeeze %dma_start3A_831 : memref<1x64xf32, #tpu.memory_space<vmem>> -> memref<64xf32, #tpu.memory_space<vmem>>
      %dma_start3A_833 = arith.constant 0 : i32
      %dma_start3A_834 = tpu.memref_slice %arg4[%squeeze3A_827, %dma_start3A_833] : memref<1000000x64xf32, #tpu.memory_space<hbm>> -> memref<1x64xf32, #tpu.memory_space<hbm>>
      %dma_start3A_835 = tpu.memref_squeeze %dma_start3A_834 : memref<1x64xf32, #tpu.memory_space<hbm>> -> memref<64xf32, #tpu.memory_space<hbm>>
      %dma_start3A_836 = arith.constant 0 : i32
      %dma_start3A_837 = tpu.memref_slice %arg9[%add3A_829, %dma_start3A_836] : memref<512x128xf32, #tpu.memory_space<vmem>> -> memref<1x64xf32, #tpu.memory_space<vmem>>
      %dma_start3A_838 = tpu.memref_squeeze %dma_start3A_837 : memref<1x64xf32, #tpu.memory_space<vmem>> -> memref<64xf32, #tpu.memory_space<vmem>>
      %dma_start3A_839 = arith.constant 0 : i32
      %dma_start3A_840 = tpu.memref_slice %arg4[%squeeze3A_827, %dma_start3A_839] : memref<1000000x64xf32, #tpu.memory_space<hbm>> -> memref<1x64xf32, #tpu.memory_space<hbm>>
      %dma_start3A_841 = tpu.memref_squeeze %dma_start3A_840 : memref<1x64xf32, #tpu.memory_space<hbm>> -> memref<64xf32, #tpu.memory_space<hbm>>
      tpu.enqueue_dma source(%dma_start3A_841 : memref<64xf32, #tpu.memory_space<hbm>>) target(%dma_start3A_838 : memref<64xf32, #tpu.memory_space<vmem>>) target_semaphore(%arg10 : memref<!tpu.dma_semaphore, #tpu.memory_space<semaphore_mem>>)
      %slice3A_842 = vector.extract_strided_slice %get3A_537 {offsets = [9], sizes = [1], strides = [1]} : vector<16xi32> to vector<1xi32>
      %squeeze3A_843 = vector.extract %slice3A_842[0] : i32 from vector<1xi32>
      %add3A_844 = arith.constant 25 : i32
      %add3A_845 = arith.addi %mul3A_9, %add3A_844 : i32
      %dma_start3A_846 = arith.constant 64 : i32
      %dma_start3A_847 = tpu.memref_slice %arg9[%add3A_845, %dma_start3A_846] : memref<512x128xf32, #tpu.memory_space<vmem>> -> memref<1x64xf32, #tpu.memory_space<vmem>>
      %dma_start3A_848 = tpu.memref_squeeze %dma_start3A_847 : memref<1x64xf32, #tpu.memory_space<vmem>> -> memref<64xf32, #tpu.memory_space<vmem>>
      %dma_start3A_849 = arith.constant 0 : i32
      %dma_start3A_850 = tpu.memref_slice %arg5[%squeeze3A_843, %dma_start3A_849] : memref<1000000x64xf32, #tpu.memory_space<hbm>> -> memref<1x64xf32, #tpu.memory_space<hbm>>
      %dma_start3A_851 = tpu.memref_squeeze %dma_start3A_850 : memref<1x64xf32, #tpu.memory_space<hbm>> -> memref<64xf32, #tpu.memory_space<hbm>>
      %dma_start3A_852 = arith.constant 64 : i32
      %dma_start3A_853 = tpu.memref_slice %arg9[%add3A_845, %dma_start3A_852] : memref<512x128xf32, #tpu.memory_space<vmem>> -> memref<1x64xf32, #tpu.memory_space<vmem>>
      %dma_start3A_854 = tpu.memref_squeeze %dma_start3A_853 : memref<1x64xf32, #tpu.memory_space<vmem>> -> memref<64xf32, #tpu.memory_space<vmem>>
      %dma_start3A_855 = arith.constant 0 : i32
      %dma_start3A_856 = tpu.memref_slice %arg5[%squeeze3A_843, %dma_start3A_855] : memref<1000000x64xf32, #tpu.memory_space<hbm>> -> memref<1x64xf32, #tpu.memory_space<hbm>>
      %dma_start3A_857 = tpu.memref_squeeze %dma_start3A_856 : memref<1x64xf32, #tpu.memory_space<hbm>> -> memref<64xf32, #tpu.memory_space<hbm>>
      tpu.enqueue_dma source(%dma_start3A_857 : memref<64xf32, #tpu.memory_space<hbm>>) target(%dma_start3A_854 : memref<64xf32, #tpu.memory_space<vmem>>) target_semaphore(%arg10 : memref<!tpu.dma_semaphore, #tpu.memory_space<semaphore_mem>>)
      %slice3A_858 = vector.extract_strided_slice %get3A_532 {offsets = [10], sizes = [1], strides = [1]} : vector<16xi32> to vector<1xi32>
      %squeeze3A_859 = vector.extract %slice3A_858[0] : i32 from vector<1xi32>
      %add3A_860 = arith.constant 26 : i32
      %add3A_861 = arith.addi %mul3A_9, %add3A_860 : i32
      %dma_start3A_862 = arith.constant 0 : i32
      %dma_start3A_863 = tpu.memref_slice %arg9[%add3A_861, %dma_start3A_862] : memref<512x128xf32, #tpu.memory_space<vmem>> -> memref<1x64xf32, #tpu.memory_space<vmem>>
      %dma_start3A_864 = tpu.memref_squeeze %dma_start3A_863 : memref<1x64xf32, #tpu.memory_space<vmem>> -> memref<64xf32, #tpu.memory_space<vmem>>
      %dma_start3A_865 = arith.constant 0 : i32
      %dma_start3A_866 = tpu.memref_slice %arg4[%squeeze3A_859, %dma_start3A_865] : memref<1000000x64xf32, #tpu.memory_space<hbm>> -> memref<1x64xf32, #tpu.memory_space<hbm>>
      %dma_start3A_867 = tpu.memref_squeeze %dma_start3A_866 : memref<1x64xf32, #tpu.memory_space<hbm>> -> memref<64xf32, #tpu.memory_space<hbm>>
      %dma_start3A_868 = arith.constant 0 : i32
      %dma_start3A_869 = tpu.memref_slice %arg9[%add3A_861, %dma_start3A_868] : memref<512x128xf32, #tpu.memory_space<vmem>> -> memref<1x64xf32, #tpu.memory_space<vmem>>
      %dma_start3A_870 = tpu.memref_squeeze %dma_start3A_869 : memref<1x64xf32, #tpu.memory_space<vmem>> -> memref<64xf32, #tpu.memory_space<vmem>>
      %dma_start3A_871 = arith.constant 0 : i32
      %dma_start3A_872 = tpu.memref_slice %arg4[%squeeze3A_859, %dma_start3A_871] : memref<1000000x64xf32, #tpu.memory_space<hbm>> -> memref<1x64xf32, #tpu.memory_space<hbm>>
      %dma_start3A_873 = tpu.memref_squeeze %dma_start3A_872 : memref<1x64xf32, #tpu.memory_space<hbm>> -> memref<64xf32, #tpu.memory_space<hbm>>
      tpu.enqueue_dma source(%dma_start3A_873 : memref<64xf32, #tpu.memory_space<hbm>>) target(%dma_start3A_870 : memref<64xf32, #tpu.memory_space<vmem>>) target_semaphore(%arg10 : memref<!tpu.dma_semaphore, #tpu.memory_space<semaphore_mem>>)
      %slice3A_874 = vector.extract_strided_slice %get3A_537 {offsets = [10], sizes = [1], strides = [1]} : vector<16xi32> to vector<1xi32>
      %squeeze3A_875 = vector.extract %slice3A_874[0] : i32 from vector<1xi32>
      %add3A_876 = arith.constant 26 : i32
      %add3A_877 = arith.addi %mul3A_9, %add3A_876 : i32
      %dma_start3A_878 = arith.constant 64 : i32
      %dma_start3A_879 = tpu.memref_slice %arg9[%add3A_877, %dma_start3A_878] : memref<512x128xf32, #tpu.memory_space<vmem>> -> memref<1x64xf32, #tpu.memory_space<vmem>>
      %dma_start3A_880 = tpu.memref_squeeze %dma_start3A_879 : memref<1x64xf32, #tpu.memory_space<vmem>> -> memref<64xf32, #tpu.memory_space<vmem>>
      %dma_start3A_881 = arith.constant 0 : i32
      %dma_start3A_882 = tpu.memref_slice %arg5[%squeeze3A_875, %dma_start3A_881] : memref<1000000x64xf32, #tpu.memory_space<hbm>> -> memref<1x64xf32, #tpu.memory_space<hbm>>
      %dma_start3A_883 = tpu.memref_squeeze %dma_start3A_882 : memref<1x64xf32, #tpu.memory_space<hbm>> -> memref<64xf32, #tpu.memory_space<hbm>>
      %dma_start3A_884 = arith.constant 64 : i32
      %dma_start3A_885 = tpu.memref_slice %arg9[%add3A_877, %dma_start3A_884] : memref<512x128xf32, #tpu.memory_space<vmem>> -> memref<1x64xf32, #tpu.memory_space<vmem>>
      %dma_start3A_886 = tpu.memref_squeeze %dma_start3A_885 : memref<1x64xf32, #tpu.memory_space<vmem>> -> memref<64xf32, #tpu.memory_space<vmem>>
      %dma_start3A_887 = arith.constant 0 : i32
      %dma_start3A_888 = tpu.memref_slice %arg5[%squeeze3A_875, %dma_start3A_887] : memref<1000000x64xf32, #tpu.memory_space<hbm>> -> memref<1x64xf32, #tpu.memory_space<hbm>>
      %dma_start3A_889 = tpu.memref_squeeze %dma_start3A_888 : memref<1x64xf32, #tpu.memory_space<hbm>> -> memref<64xf32, #tpu.memory_space<hbm>>
      tpu.enqueue_dma source(%dma_start3A_889 : memref<64xf32, #tpu.memory_space<hbm>>) target(%dma_start3A_886 : memref<64xf32, #tpu.memory_space<vmem>>) target_semaphore(%arg10 : memref<!tpu.dma_semaphore, #tpu.memory_space<semaphore_mem>>)
      %slice3A_890 = vector.extract_strided_slice %get3A_532 {offsets = [11], sizes = [1], strides = [1]} : vector<16xi32> to vector<1xi32>
      %squeeze3A_891 = vector.extract %slice3A_890[0] : i32 from vector<1xi32>
      %add3A_892 = arith.constant 27 : i32
      %add3A_893 = arith.addi %mul3A_9, %add3A_892 : i32
      %dma_start3A_894 = arith.constant 0 : i32
      %dma_start3A_895 = tpu.memref_slice %arg9[%add3A_893, %dma_start3A_894] : memref<512x128xf32, #tpu.memory_space<vmem>> -> memref<1x64xf32, #tpu.memory_space<vmem>>
      %dma_start3A_896 = tpu.memref_squeeze %dma_start3A_895 : memref<1x64xf32, #tpu.memory_space<vmem>> -> memref<64xf32, #tpu.memory_space<vmem>>
      %dma_start3A_897 = arith.constant 0 : i32
      %dma_start3A_898 = tpu.memref_slice %arg4[%squeeze3A_891, %dma_start3A_897] : memref<1000000x64xf32, #tpu.memory_space<hbm>> -> memref<1x64xf32, #tpu.memory_space<hbm>>
      %dma_start3A_899 = tpu.memref_squeeze %dma_start3A_898 : memref<1x64xf32, #tpu.memory_space<hbm>> -> memref<64xf32, #tpu.memory_space<hbm>>
      %dma_start3A_900 = arith.constant 0 : i32
      %dma_start3A_901 = tpu.memref_slice %arg9[%add3A_893, %dma_start3A_900] : memref<512x128xf32, #tpu.memory_space<vmem>> -> memref<1x64xf32, #tpu.memory_space<vmem>>
      %dma_start3A_902 = tpu.memref_squeeze %dma_start3A_901 : memref<1x64xf32, #tpu.memory_space<vmem>> -> memref<64xf32, #tpu.memory_space<vmem>>
      %dma_start3A_903 = arith.constant 0 : i32
      %dma_start3A_904 = tpu.memref_slice %arg4[%squeeze3A_891, %dma_start3A_903] : memref<1000000x64xf32, #tpu.memory_space<hbm>> -> memref<1x64xf32, #tpu.memory_space<hbm>>
      %dma_start3A_905 = tpu.memref_squeeze %dma_start3A_904 : memref<1x64xf32, #tpu.memory_space<hbm>> -> memref<64xf32, #tpu.memory_space<hbm>>
      tpu.enqueue_dma source(%dma_start3A_905 : memref<64xf32, #tpu.memory_space<hbm>>) target(%dma_start3A_902 : memref<64xf32, #tpu.memory_space<vmem>>) target_semaphore(%arg10 : memref<!tpu.dma_semaphore, #tpu.memory_space<semaphore_mem>>)
      %slice3A_906 = vector.extract_strided_slice %get3A_537 {offsets = [11], sizes = [1], strides = [1]} : vector<16xi32> to vector<1xi32>
      %squeeze3A_907 = vector.extract %slice3A_906[0] : i32 from vector<1xi32>
      %add3A_908 = arith.constant 27 : i32
      %add3A_909 = arith.addi %mul3A_9, %add3A_908 : i32
      %dma_start3A_910 = arith.constant 64 : i32
      %dma_start3A_911 = tpu.memref_slice %arg9[%add3A_909, %dma_start3A_910] : memref<512x128xf32, #tpu.memory_space<vmem>> -> memref<1x64xf32, #tpu.memory_space<vmem>>
      %dma_start3A_912 = tpu.memref_squeeze %dma_start3A_911 : memref<1x64xf32, #tpu.memory_space<vmem>> -> memref<64xf32, #tpu.memory_space<vmem>>
      %dma_start3A_913 = arith.constant 0 : i32
      %dma_start3A_914 = tpu.memref_slice %arg5[%squeeze3A_907, %dma_start3A_913] : memref<1000000x64xf32, #tpu.memory_space<hbm>> -> memref<1x64xf32, #tpu.memory_space<hbm>>
      %dma_start3A_915 = tpu.memref_squeeze %dma_start3A_914 : memref<1x64xf32, #tpu.memory_space<hbm>> -> memref<64xf32, #tpu.memory_space<hbm>>
      %dma_start3A_916 = arith.constant 64 : i32
      %dma_start3A_917 = tpu.memref_slice %arg9[%add3A_909, %dma_start3A_916] : memref<512x128xf32, #tpu.memory_space<vmem>> -> memref<1x64xf32, #tpu.memory_space<vmem>>
      %dma_start3A_918 = tpu.memref_squeeze %dma_start3A_917 : memref<1x64xf32, #tpu.memory_space<vmem>> -> memref<64xf32, #tpu.memory_space<vmem>>
      %dma_start3A_919 = arith.constant 0 : i32
      %dma_start3A_920 = tpu.memref_slice %arg5[%squeeze3A_907, %dma_start3A_919] : memref<1000000x64xf32, #tpu.memory_space<hbm>> -> memref<1x64xf32, #tpu.memory_space<hbm>>
      %dma_start3A_921 = tpu.memref_squeeze %dma_start3A_920 : memref<1x64xf32, #tpu.memory_space<hbm>> -> memref<64xf32, #tpu.memory_space<hbm>>
      tpu.enqueue_dma source(%dma_start3A_921 : memref<64xf32, #tpu.memory_space<hbm>>) target(%dma_start3A_918 : memref<64xf32, #tpu.memory_space<vmem>>) target_semaphore(%arg10 : memref<!tpu.dma_semaphore, #tpu.memory_space<semaphore_mem>>)
      %slice3A_922 = vector.extract_strided_slice %get3A_532 {offsets = [12], sizes = [1], strides = [1]} : vector<16xi32> to vector<1xi32>
      %squeeze3A_923 = vector.extract %slice3A_922[0] : i32 from vector<1xi32>
      %add3A_924 = arith.constant 28 : i32
      %add3A_925 = arith.addi %mul3A_9, %add3A_924 : i32
      %dma_start3A_926 = arith.constant 0 : i32
      %dma_start3A_927 = tpu.memref_slice %arg9[%add3A_925, %dma_start3A_926] : memref<512x128xf32, #tpu.memory_space<vmem>> -> memref<1x64xf32, #tpu.memory_space<vmem>>
      %dma_start3A_928 = tpu.memref_squeeze %dma_start3A_927 : memref<1x64xf32, #tpu.memory_space<vmem>> -> memref<64xf32, #tpu.memory_space<vmem>>
      %dma_start3A_929 = arith.constant 0 : i32
      %dma_start3A_930 = tpu.memref_slice %arg4[%squeeze3A_923, %dma_start3A_929] : memref<1000000x64xf32, #tpu.memory_space<hbm>> -> memref<1x64xf32, #tpu.memory_space<hbm>>
      %dma_start3A_931 = tpu.memref_squeeze %dma_start3A_930 : memref<1x64xf32, #tpu.memory_space<hbm>> -> memref<64xf32, #tpu.memory_space<hbm>>
      %dma_start3A_932 = arith.constant 0 : i32
      %dma_start3A_933 = tpu.memref_slice %arg9[%add3A_925, %dma_start3A_932] : memref<512x128xf32, #tpu.memory_space<vmem>> -> memref<1x64xf32, #tpu.memory_space<vmem>>
      %dma_start3A_934 = tpu.memref_squeeze %dma_start3A_933 : memref<1x64xf32, #tpu.memory_space<vmem>> -> memref<64xf32, #tpu.memory_space<vmem>>
      %dma_start3A_935 = arith.constant 0 : i32
      %dma_start3A_936 = tpu.memref_slice %arg4[%squeeze3A_923, %dma_start3A_935] : memref<1000000x64xf32, #tpu.memory_space<hbm>> -> memref<1x64xf32, #tpu.memory_space<hbm>>
      %dma_start3A_937 = tpu.memref_squeeze %dma_start3A_936 : memref<1x64xf32, #tpu.memory_space<hbm>> -> memref<64xf32, #tpu.memory_space<hbm>>
      tpu.enqueue_dma source(%dma_start3A_937 : memref<64xf32, #tpu.memory_space<hbm>>) target(%dma_start3A_934 : memref<64xf32, #tpu.memory_space<vmem>>) target_semaphore(%arg10 : memref<!tpu.dma_semaphore, #tpu.memory_space<semaphore_mem>>)
      %slice3A_938 = vector.extract_strided_slice %get3A_537 {offsets = [12], sizes = [1], strides = [1]} : vector<16xi32> to vector<1xi32>
      %squeeze3A_939 = vector.extract %slice3A_938[0] : i32 from vector<1xi32>
      %add3A_940 = arith.constant 28 : i32
      %add3A_941 = arith.addi %mul3A_9, %add3A_940 : i32
      %dma_start3A_942 = arith.constant 64 : i32
      %dma_start3A_943 = tpu.memref_slice %arg9[%add3A_941, %dma_start3A_942] : memref<512x128xf32, #tpu.memory_space<vmem>> -> memref<1x64xf32, #tpu.memory_space<vmem>>
      %dma_start3A_944 = tpu.memref_squeeze %dma_start3A_943 : memref<1x64xf32, #tpu.memory_space<vmem>> -> memref<64xf32, #tpu.memory_space<vmem>>
      %dma_start3A_945 = arith.constant 0 : i32
      %dma_start3A_946 = tpu.memref_slice %arg5[%squeeze3A_939, %dma_start3A_945] : memref<1000000x64xf32, #tpu.memory_space<hbm>> -> memref<1x64xf32, #tpu.memory_space<hbm>>
      %dma_start3A_947 = tpu.memref_squeeze %dma_start3A_946 : memref<1x64xf32, #tpu.memory_space<hbm>> -> memref<64xf32, #tpu.memory_space<hbm>>
      %dma_start3A_948 = arith.constant 64 : i32
      %dma_start3A_949 = tpu.memref_slice %arg9[%add3A_941, %dma_start3A_948] : memref<512x128xf32, #tpu.memory_space<vmem>> -> memref<1x64xf32, #tpu.memory_space<vmem>>
      %dma_start3A_950 = tpu.memref_squeeze %dma_start3A_949 : memref<1x64xf32, #tpu.memory_space<vmem>> -> memref<64xf32, #tpu.memory_space<vmem>>
      %dma_start3A_951 = arith.constant 0 : i32
      %dma_start3A_952 = tpu.memref_slice %arg5[%squeeze3A_939, %dma_start3A_951] : memref<1000000x64xf32, #tpu.memory_space<hbm>> -> memref<1x64xf32, #tpu.memory_space<hbm>>
      %dma_start3A_953 = tpu.memref_squeeze %dma_start3A_952 : memref<1x64xf32, #tpu.memory_space<hbm>> -> memref<64xf32, #tpu.memory_space<hbm>>
      tpu.enqueue_dma source(%dma_start3A_953 : memref<64xf32, #tpu.memory_space<hbm>>) target(%dma_start3A_950 : memref<64xf32, #tpu.memory_space<vmem>>) target_semaphore(%arg10 : memref<!tpu.dma_semaphore, #tpu.memory_space<semaphore_mem>>)
      %slice3A_954 = vector.extract_strided_slice %get3A_532 {offsets = [13], sizes = [1], strides = [1]} : vector<16xi32> to vector<1xi32>
      %squeeze3A_955 = vector.extract %slice3A_954[0] : i32 from vector<1xi32>
      %add3A_956 = arith.constant 29 : i32
      %add3A_957 = arith.addi %mul3A_9, %add3A_956 : i32
      %dma_start3A_958 = arith.constant 0 : i32
      %dma_start3A_959 = tpu.memref_slice %arg9[%add3A_957, %dma_start3A_958] : memref<512x128xf32, #tpu.memory_space<vmem>> -> memref<1x64xf32, #tpu.memory_space<vmem>>
      %dma_start3A_960 = tpu.memref_squeeze %dma_start3A_959 : memref<1x64xf32, #tpu.memory_space<vmem>> -> memref<64xf32, #tpu.memory_space<vmem>>
      %dma_start3A_961 = arith.constant 0 : i32
      %dma_start3A_962 = tpu.memref_slice %arg4[%squeeze3A_955, %dma_start3A_961] : memref<1000000x64xf32, #tpu.memory_space<hbm>> -> memref<1x64xf32, #tpu.memory_space<hbm>>
      %dma_start3A_963 = tpu.memref_squeeze %dma_start3A_962 : memref<1x64xf32, #tpu.memory_space<hbm>> -> memref<64xf32, #tpu.memory_space<hbm>>
      %dma_start3A_964 = arith.constant 0 : i32
      %dma_start3A_965 = tpu.memref_slice %arg9[%add3A_957, %dma_start3A_964] : memref<512x128xf32, #tpu.memory_space<vmem>> -> memref<1x64xf32, #tpu.memory_space<vmem>>
      %dma_start3A_966 = tpu.memref_squeeze %dma_start3A_965 : memref<1x64xf32, #tpu.memory_space<vmem>> -> memref<64xf32, #tpu.memory_space<vmem>>
      %dma_start3A_967 = arith.constant 0 : i32
      %dma_start3A_968 = tpu.memref_slice %arg4[%squeeze3A_955, %dma_start3A_967] : memref<1000000x64xf32, #tpu.memory_space<hbm>> -> memref<1x64xf32, #tpu.memory_space<hbm>>
      %dma_start3A_969 = tpu.memref_squeeze %dma_start3A_968 : memref<1x64xf32, #tpu.memory_space<hbm>> -> memref<64xf32, #tpu.memory_space<hbm>>
      tpu.enqueue_dma source(%dma_start3A_969 : memref<64xf32, #tpu.memory_space<hbm>>) target(%dma_start3A_966 : memref<64xf32, #tpu.memory_space<vmem>>) target_semaphore(%arg10 : memref<!tpu.dma_semaphore, #tpu.memory_space<semaphore_mem>>)
      %slice3A_970 = vector.extract_strided_slice %get3A_537 {offsets = [13], sizes = [1], strides = [1]} : vector<16xi32> to vector<1xi32>
      %squeeze3A_971 = vector.extract %slice3A_970[0] : i32 from vector<1xi32>
      %add3A_972 = arith.constant 29 : i32
      %add3A_973 = arith.addi %mul3A_9, %add3A_972 : i32
      %dma_start3A_974 = arith.constant 64 : i32
      %dma_start3A_975 = tpu.memref_slice %arg9[%add3A_973, %dma_start3A_974] : memref<512x128xf32, #tpu.memory_space<vmem>> -> memref<1x64xf32, #tpu.memory_space<vmem>>
      %dma_start3A_976 = tpu.memref_squeeze %dma_start3A_975 : memref<1x64xf32, #tpu.memory_space<vmem>> -> memref<64xf32, #tpu.memory_space<vmem>>
      %dma_start3A_977 = arith.constant 0 : i32
      %dma_start3A_978 = tpu.memref_slice %arg5[%squeeze3A_971, %dma_start3A_977] : memref<1000000x64xf32, #tpu.memory_space<hbm>> -> memref<1x64xf32, #tpu.memory_space<hbm>>
      %dma_start3A_979 = tpu.memref_squeeze %dma_start3A_978 : memref<1x64xf32, #tpu.memory_space<hbm>> -> memref<64xf32, #tpu.memory_space<hbm>>
      %dma_start3A_980 = arith.constant 64 : i32
      %dma_start3A_981 = tpu.memref_slice %arg9[%add3A_973, %dma_start3A_980] : memref<512x128xf32, #tpu.memory_space<vmem>> -> memref<1x64xf32, #tpu.memory_space<vmem>>
      %dma_start3A_982 = tpu.memref_squeeze %dma_start3A_981 : memref<1x64xf32, #tpu.memory_space<vmem>> -> memref<64xf32, #tpu.memory_space<vmem>>
      %dma_start3A_983 = arith.constant 0 : i32
      %dma_start3A_984 = tpu.memref_slice %arg5[%squeeze3A_971, %dma_start3A_983] : memref<1000000x64xf32, #tpu.memory_space<hbm>> -> memref<1x64xf32, #tpu.memory_space<hbm>>
      %dma_start3A_985 = tpu.memref_squeeze %dma_start3A_984 : memref<1x64xf32, #tpu.memory_space<hbm>> -> memref<64xf32, #tpu.memory_space<hbm>>
      tpu.enqueue_dma source(%dma_start3A_985 : memref<64xf32, #tpu.memory_space<hbm>>) target(%dma_start3A_982 : memref<64xf32, #tpu.memory_space<vmem>>) target_semaphore(%arg10 : memref<!tpu.dma_semaphore, #tpu.memory_space<semaphore_mem>>)
      %slice3A_986 = vector.extract_strided_slice %get3A_532 {offsets = [14], sizes = [1], strides = [1]} : vector<16xi32> to vector<1xi32>
      %squeeze3A_987 = vector.extract %slice3A_986[0] : i32 from vector<1xi32>
      %add3A_988 = arith.constant 30 : i32
      %add3A_989 = arith.addi %mul3A_9, %add3A_988 : i32
      %dma_start3A_990 = arith.constant 0 : i32
      %dma_start3A_991 = tpu.memref_slice %arg9[%add3A_989, %dma_start3A_990] : memref<512x128xf32, #tpu.memory_space<vmem>> -> memref<1x64xf32, #tpu.memory_space<vmem>>
      %dma_start3A_992 = tpu.memref_squeeze %dma_start3A_991 : memref<1x64xf32, #tpu.memory_space<vmem>> -> memref<64xf32, #tpu.memory_space<vmem>>
      %dma_start3A_993 = arith.constant 0 : i32
      %dma_start3A_994 = tpu.memref_slice %arg4[%squeeze3A_987, %dma_start3A_993] : memref<1000000x64xf32, #tpu.memory_space<hbm>> -> memref<1x64xf32, #tpu.memory_space<hbm>>
      %dma_start3A_995 = tpu.memref_squeeze %dma_start3A_994 : memref<1x64xf32, #tpu.memory_space<hbm>> -> memref<64xf32, #tpu.memory_space<hbm>>
      %dma_start3A_996 = arith.constant 0 : i32
      %dma_start3A_997 = tpu.memref_slice %arg9[%add3A_989, %dma_start3A_996] : memref<512x128xf32, #tpu.memory_space<vmem>> -> memref<1x64xf32, #tpu.memory_space<vmem>>
      %dma_start3A_998 = tpu.memref_squeeze %dma_start3A_997 : memref<1x64xf32, #tpu.memory_space<vmem>> -> memref<64xf32, #tpu.memory_space<vmem>>
      %dma_start3A_999 = arith.constant 0 : i32
      %dma_start3A_1000 = tpu.memref_slice %arg4[%squeeze3A_987, %dma_start3A_999] : memref<1000000x64xf32, #tpu.memory_space<hbm>> -> memref<1x64xf32, #tpu.memory_space<hbm>>
      %dma_start3A_1001 = tpu.memref_squeeze %dma_start3A_1000 : memref<1x64xf32, #tpu.memory_space<hbm>> -> memref<64xf32, #tpu.memory_space<hbm>>
      tpu.enqueue_dma source(%dma_start3A_1001 : memref<64xf32, #tpu.memory_space<hbm>>) target(%dma_start3A_998 : memref<64xf32, #tpu.memory_space<vmem>>) target_semaphore(%arg10 : memref<!tpu.dma_semaphore, #tpu.memory_space<semaphore_mem>>)
      %slice3A_1002 = vector.extract_strided_slice %get3A_537 {offsets = [14], sizes = [1], strides = [1]} : vector<16xi32> to vector<1xi32>
      %squeeze3A_1003 = vector.extract %slice3A_1002[0] : i32 from vector<1xi32>
      %add3A_1004 = arith.constant 30 : i32
      %add3A_1005 = arith.addi %mul3A_9, %add3A_1004 : i32
      %dma_start3A_1006 = arith.constant 64 : i32
      %dma_start3A_1007 = tpu.memref_slice %arg9[%add3A_1005, %dma_start3A_1006] : memref<512x128xf32, #tpu.memory_space<vmem>> -> memref<1x64xf32, #tpu.memory_space<vmem>>
      %dma_start3A_1008 = tpu.memref_squeeze %dma_start3A_1007 : memref<1x64xf32, #tpu.memory_space<vmem>> -> memref<64xf32, #tpu.memory_space<vmem>>
      %dma_start3A_1009 = arith.constant 0 : i32
      %dma_start3A_1010 = tpu.memref_slice %arg5[%squeeze3A_1003, %dma_start3A_1009] : memref<1000000x64xf32, #tpu.memory_space<hbm>> -> memref<1x64xf32, #tpu.memory_space<hbm>>
      %dma_start3A_1011 = tpu.memref_squeeze %dma_start3A_1010 : memref<1x64xf32, #tpu.memory_space<hbm>> -> memref<64xf32, #tpu.memory_space<hbm>>
      %dma_start3A_1012 = arith.constant 64 : i32
      %dma_start3A_1013 = tpu.memref_slice %arg9[%add3A_1005, %dma_start3A_1012] : memref<512x128xf32, #tpu.memory_space<vmem>> -> memref<1x64xf32, #tpu.memory_space<vmem>>
      %dma_start3A_1014 = tpu.memref_squeeze %dma_start3A_1013 : memref<1x64xf32, #tpu.memory_space<vmem>> -> memref<64xf32, #tpu.memory_space<vmem>>
      %dma_start3A_1015 = arith.constant 0 : i32
      %dma_start3A_1016 = tpu.memref_slice %arg5[%squeeze3A_1003, %dma_start3A_1015] : memref<1000000x64xf32, #tpu.memory_space<hbm>> -> memref<1x64xf32, #tpu.memory_space<hbm>>
      %dma_start3A_1017 = tpu.memref_squeeze %dma_start3A_1016 : memref<1x64xf32, #tpu.memory_space<hbm>> -> memref<64xf32, #tpu.memory_space<hbm>>
      tpu.enqueue_dma source(%dma_start3A_1017 : memref<64xf32, #tpu.memory_space<hbm>>) target(%dma_start3A_1014 : memref<64xf32, #tpu.memory_space<vmem>>) target_semaphore(%arg10 : memref<!tpu.dma_semaphore, #tpu.memory_space<semaphore_mem>>)
      %slice3A_1018 = vector.extract_strided_slice %get3A_532 {offsets = [15], sizes = [1], strides = [1]} : vector<16xi32> to vector<1xi32>
      %squeeze3A_1019 = vector.extract %slice3A_1018[0] : i32 from vector<1xi32>
      %add3A_1020 = arith.constant 31 : i32
      %add3A_1021 = arith.addi %mul3A_9, %add3A_1020 : i32
      %dma_start3A_1022 = arith.constant 0 : i32
      %dma_start3A_1023 = tpu.memref_slice %arg9[%add3A_1021, %dma_start3A_1022] : memref<512x128xf32, #tpu.memory_space<vmem>> -> memref<1x64xf32, #tpu.memory_space<vmem>>
      %dma_start3A_1024 = tpu.memref_squeeze %dma_start3A_1023 : memref<1x64xf32, #tpu.memory_space<vmem>> -> memref<64xf32, #tpu.memory_space<vmem>>
      %dma_start3A_1025 = arith.constant 0 : i32
      %dma_start3A_1026 = tpu.memref_slice %arg4[%squeeze3A_1019, %dma_start3A_1025] : memref<1000000x64xf32, #tpu.memory_space<hbm>> -> memref<1x64xf32, #tpu.memory_space<hbm>>
      %dma_start3A_1027 = tpu.memref_squeeze %dma_start3A_1026 : memref<1x64xf32, #tpu.memory_space<hbm>> -> memref<64xf32, #tpu.memory_space<hbm>>
      %dma_start3A_1028 = arith.constant 0 : i32
      %dma_start3A_1029 = tpu.memref_slice %arg9[%add3A_1021, %dma_start3A_1028] : memref<512x128xf32, #tpu.memory_space<vmem>> -> memref<1x64xf32, #tpu.memory_space<vmem>>
      %dma_start3A_1030 = tpu.memref_squeeze %dma_start3A_1029 : memref<1x64xf32, #tpu.memory_space<vmem>> -> memref<64xf32, #tpu.memory_space<vmem>>
      %dma_start3A_1031 = arith.constant 0 : i32
      %dma_start3A_1032 = tpu.memref_slice %arg4[%squeeze3A_1019, %dma_start3A_1031] : memref<1000000x64xf32, #tpu.memory_space<hbm>> -> memref<1x64xf32, #tpu.memory_space<hbm>>
      %dma_start3A_1033 = tpu.memref_squeeze %dma_start3A_1032 : memref<1x64xf32, #tpu.memory_space<hbm>> -> memref<64xf32, #tpu.memory_space<hbm>>
      tpu.enqueue_dma source(%dma_start3A_1033 : memref<64xf32, #tpu.memory_space<hbm>>) target(%dma_start3A_1030 : memref<64xf32, #tpu.memory_space<vmem>>) target_semaphore(%arg10 : memref<!tpu.dma_semaphore, #tpu.memory_space<semaphore_mem>>)
      %slice3A_1034 = vector.extract_strided_slice %get3A_537 {offsets = [15], sizes = [1], strides = [1]} : vector<16xi32> to vector<1xi32>
      %squeeze3A_1035 = vector.extract %slice3A_1034[0] : i32 from vector<1xi32>
      %add3A_1036 = arith.constant 31 : i32
      %add3A_1037 = arith.addi %mul3A_9, %add3A_1036 : i32
      %dma_start3A_1038 = arith.constant 64 : i32
      %dma_start3A_1039 = tpu.memref_slice %arg9[%add3A_1037, %dma_start3A_1038] : memref<512x128xf32, #tpu.memory_space<vmem>> -> memref<1x64xf32, #tpu.memory_space<vmem>>
      %dma_start3A_1040 = tpu.memref_squeeze %dma_start3A_1039 : memref<1x64xf32, #tpu.memory_space<vmem>> -> memref<64xf32, #tpu.memory_space<vmem>>
      %dma_start3A_1041 = arith.constant 0 : i32
      %dma_start3A_1042 = tpu.memref_slice %arg5[%squeeze3A_1035, %dma_start3A_1041] : memref<1000000x64xf32, #tpu.memory_space<hbm>> -> memref<1x64xf32, #tpu.memory_space<hbm>>
      %dma_start3A_1043 = tpu.memref_squeeze %dma_start3A_1042 : memref<1x64xf32, #tpu.memory_space<hbm>> -> memref<64xf32, #tpu.memory_space<hbm>>
      %dma_start3A_1044 = arith.constant 64 : i32
      %dma_start3A_1045 = tpu.memref_slice %arg9[%add3A_1037, %dma_start3A_1044] : memref<512x128xf32, #tpu.memory_space<vmem>> -> memref<1x64xf32, #tpu.memory_space<vmem>>
      %dma_start3A_1046 = tpu.memref_squeeze %dma_start3A_1045 : memref<1x64xf32, #tpu.memory_space<vmem>> -> memref<64xf32, #tpu.memory_space<vmem>>
      %dma_start3A_1047 = arith.constant 0 : i32
      %dma_start3A_1048 = tpu.memref_slice %arg5[%squeeze3A_1035, %dma_start3A_1047] : memref<1000000x64xf32, #tpu.memory_space<hbm>> -> memref<1x64xf32, #tpu.memory_space<hbm>>
      %dma_start3A_1049 = tpu.memref_squeeze %dma_start3A_1048 : memref<1x64xf32, #tpu.memory_space<hbm>> -> memref<64xf32, #tpu.memory_space<hbm>>
      tpu.enqueue_dma source(%dma_start3A_1049 : memref<64xf32, #tpu.memory_space<hbm>>) target(%dma_start3A_1046 : memref<64xf32, #tpu.memory_space<vmem>>) target_semaphore(%arg10 : memref<!tpu.dma_semaphore, #tpu.memory_space<semaphore_mem>>)
      %dma_wait3A = arith.constant 0 : i32
      %dma_wait3A_1050 = tpu.memref_slice %arg9[%add3A_20, %dma_wait3A] : memref<512x128xf32, #tpu.memory_space<vmem>> -> memref<1x64xf32, #tpu.memory_space<vmem>>
      %dma_wait3A_1051 = tpu.memref_squeeze %dma_wait3A_1050 : memref<1x64xf32, #tpu.memory_space<vmem>> -> memref<64xf32, #tpu.memory_space<vmem>>
      %dma_wait3A_1052 = arith.constant 0 : i32
      %dma_wait3A_1053 = tpu.memref_slice %arg4[%squeeze3A, %dma_wait3A_1052] : memref<1000000x64xf32, #tpu.memory_space<hbm>> -> memref<1x64xf32, #tpu.memory_space<hbm>>
      %dma_wait3A_1054 = tpu.memref_squeeze %dma_wait3A_1053 : memref<1x64xf32, #tpu.memory_space<hbm>> -> memref<64xf32, #tpu.memory_space<hbm>>
      %dma_wait3A_1055 = arith.constant 0 : i32
      %dma_wait3A_1056 = tpu.memref_slice %arg9[%add3A_20, %dma_wait3A_1055] : memref<512x128xf32, #tpu.memory_space<vmem>> -> memref<1x64xf32, #tpu.memory_space<vmem>>
      %dma_wait3A_1057 = tpu.memref_squeeze %dma_wait3A_1056 : memref<1x64xf32, #tpu.memory_space<vmem>> -> memref<64xf32, #tpu.memory_space<vmem>>
      %dma_wait3A_1058 = arith.constant 0 : i32
      %dma_wait3A_1059 = tpu.memref_slice %arg4[%squeeze3A, %dma_wait3A_1058] : memref<1000000x64xf32, #tpu.memory_space<hbm>> -> memref<1x64xf32, #tpu.memory_space<hbm>>
      %dma_wait3A_1060 = tpu.memref_squeeze %dma_wait3A_1059 : memref<1x64xf32, #tpu.memory_space<hbm>> -> memref<64xf32, #tpu.memory_space<hbm>>
      tpu.wait_dma2 semaphore(%arg10 : memref<!tpu.dma_semaphore, #tpu.memory_space<semaphore_mem>>) src(%dma_wait3A_1060 : memref<64xf32, #tpu.memory_space<hbm>>) dst(%dma_wait3A_1057 : memref<64xf32, #tpu.memory_space<vmem>>)
      %dma_wait3A_1061 = arith.constant 64 : i32
      %dma_wait3A_1062 = tpu.memref_slice %arg9[%add3A_35, %dma_wait3A_1061] : memref<512x128xf32, #tpu.memory_space<vmem>> -> memref<1x64xf32, #tpu.memory_space<vmem>>
      %dma_wait3A_1063 = tpu.memref_squeeze %dma_wait3A_1062 : memref<1x64xf32, #tpu.memory_space<vmem>> -> memref<64xf32, #tpu.memory_space<vmem>>
      %dma_wait3A_1064 = arith.constant 0 : i32
      %dma_wait3A_1065 = tpu.memref_slice %arg5[%squeeze3A_33, %dma_wait3A_1064] : memref<1000000x64xf32, #tpu.memory_space<hbm>> -> memref<1x64xf32, #tpu.memory_space<hbm>>
      %dma_wait3A_1066 = tpu.memref_squeeze %dma_wait3A_1065 : memref<1x64xf32, #tpu.memory_space<hbm>> -> memref<64xf32, #tpu.memory_space<hbm>>
      %dma_wait3A_1067 = arith.constant 64 : i32
      %dma_wait3A_1068 = tpu.memref_slice %arg9[%add3A_35, %dma_wait3A_1067] : memref<512x128xf32, #tpu.memory_space<vmem>> -> memref<1x64xf32, #tpu.memory_space<vmem>>
      %dma_wait3A_1069 = tpu.memref_squeeze %dma_wait3A_1068 : memref<1x64xf32, #tpu.memory_space<vmem>> -> memref<64xf32, #tpu.memory_space<vmem>>
      %dma_wait3A_1070 = arith.constant 0 : i32
      %dma_wait3A_1071 = tpu.memref_slice %arg5[%squeeze3A_33, %dma_wait3A_1070] : memref<1000000x64xf32, #tpu.memory_space<hbm>> -> memref<1x64xf32, #tpu.memory_space<hbm>>
      %dma_wait3A_1072 = tpu.memref_squeeze %dma_wait3A_1071 : memref<1x64xf32, #tpu.memory_space<hbm>> -> memref<64xf32, #tpu.memory_space<hbm>>
      tpu.wait_dma2 semaphore(%arg10 : memref<!tpu.dma_semaphore, #tpu.memory_space<semaphore_mem>>) src(%dma_wait3A_1072 : memref<64xf32, #tpu.memory_space<hbm>>) dst(%dma_wait3A_1069 : memref<64xf32, #tpu.memory_space<vmem>>)
      %dma_wait3A_1073 = arith.constant 0 : i32
      %dma_wait3A_1074 = tpu.memref_slice %arg9[%add3A_51, %dma_wait3A_1073] : memref<512x128xf32, #tpu.memory_space<vmem>> -> memref<1x64xf32, #tpu.memory_space<vmem>>
      %dma_wait3A_1075 = tpu.memref_squeeze %dma_wait3A_1074 : memref<1x64xf32, #tpu.memory_space<vmem>> -> memref<64xf32, #tpu.memory_space<vmem>>
      %dma_wait3A_1076 = arith.constant 0 : i32
      %dma_wait3A_1077 = tpu.memref_slice %arg4[%squeeze3A_49, %dma_wait3A_1076] : memref<1000000x64xf32, #tpu.memory_space<hbm>> -> memref<1x64xf32, #tpu.memory_space<hbm>>
      %dma_wait3A_1078 = tpu.memref_squeeze %dma_wait3A_1077 : memref<1x64xf32, #tpu.memory_space<hbm>> -> memref<64xf32, #tpu.memory_space<hbm>>
      %dma_wait3A_1079 = arith.constant 0 : i32
      %dma_wait3A_1080 = tpu.memref_slice %arg9[%add3A_51, %dma_wait3A_1079] : memref<512x128xf32, #tpu.memory_space<vmem>> -> memref<1x64xf32, #tpu.memory_space<vmem>>
      %dma_wait3A_1081 = tpu.memref_squeeze %dma_wait3A_1080 : memref<1x64xf32, #tpu.memory_space<vmem>> -> memref<64xf32, #tpu.memory_space<vmem>>
      %dma_wait3A_1082 = arith.constant 0 : i32
      %dma_wait3A_1083 = tpu.memref_slice %arg4[%squeeze3A_49, %dma_wait3A_1082] : memref<1000000x64xf32, #tpu.memory_space<hbm>> -> memref<1x64xf32, #tpu.memory_space<hbm>>
      %dma_wait3A_1084 = tpu.memref_squeeze %dma_wait3A_1083 : memref<1x64xf32, #tpu.memory_space<hbm>> -> memref<64xf32, #tpu.memory_space<hbm>>
      tpu.wait_dma2 semaphore(%arg10 : memref<!tpu.dma_semaphore, #tpu.memory_space<semaphore_mem>>) src(%dma_wait3A_1084 : memref<64xf32, #tpu.memory_space<hbm>>) dst(%dma_wait3A_1081 : memref<64xf32, #tpu.memory_space<vmem>>)
      %dma_wait3A_1085 = arith.constant 64 : i32
      %dma_wait3A_1086 = tpu.memref_slice %arg9[%add3A_67, %dma_wait3A_1085] : memref<512x128xf32, #tpu.memory_space<vmem>> -> memref<1x64xf32, #tpu.memory_space<vmem>>
      %dma_wait3A_1087 = tpu.memref_squeeze %dma_wait3A_1086 : memref<1x64xf32, #tpu.memory_space<vmem>> -> memref<64xf32, #tpu.memory_space<vmem>>
      %dma_wait3A_1088 = arith.constant 0 : i32
      %dma_wait3A_1089 = tpu.memref_slice %arg5[%squeeze3A_65, %dma_wait3A_1088] : memref<1000000x64xf32, #tpu.memory_space<hbm>> -> memref<1x64xf32, #tpu.memory_space<hbm>>
      %dma_wait3A_1090 = tpu.memref_squeeze %dma_wait3A_1089 : memref<1x64xf32, #tpu.memory_space<hbm>> -> memref<64xf32, #tpu.memory_space<hbm>>
      %dma_wait3A_1091 = arith.constant 64 : i32
      %dma_wait3A_1092 = tpu.memref_slice %arg9[%add3A_67, %dma_wait3A_1091] : memref<512x128xf32, #tpu.memory_space<vmem>> -> memref<1x64xf32, #tpu.memory_space<vmem>>
      %dma_wait3A_1093 = tpu.memref_squeeze %dma_wait3A_1092 : memref<1x64xf32, #tpu.memory_space<vmem>> -> memref<64xf32, #tpu.memory_space<vmem>>
      %dma_wait3A_1094 = arith.constant 0 : i32
      %dma_wait3A_1095 = tpu.memref_slice %arg5[%squeeze3A_65, %dma_wait3A_1094] : memref<1000000x64xf32, #tpu.memory_space<hbm>> -> memref<1x64xf32, #tpu.memory_space<hbm>>
      %dma_wait3A_1096 = tpu.memref_squeeze %dma_wait3A_1095 : memref<1x64xf32, #tpu.memory_space<hbm>> -> memref<64xf32, #tpu.memory_space<hbm>>
      tpu.wait_dma2 semaphore(%arg10 : memref<!tpu.dma_semaphore, #tpu.memory_space<semaphore_mem>>) src(%dma_wait3A_1096 : memref<64xf32, #tpu.memory_space<hbm>>) dst(%dma_wait3A_1093 : memref<64xf32, #tpu.memory_space<vmem>>)
      %dma_wait3A_1097 = arith.constant 0 : i32
      %dma_wait3A_1098 = tpu.memref_slice %arg9[%add3A_83, %dma_wait3A_1097] : memref<512x128xf32, #tpu.memory_space<vmem>> -> memref<1x64xf32, #tpu.memory_space<vmem>>
      %dma_wait3A_1099 = tpu.memref_squeeze %dma_wait3A_1098 : memref<1x64xf32, #tpu.memory_space<vmem>> -> memref<64xf32, #tpu.memory_space<vmem>>
      %dma_wait3A_1100 = arith.constant 0 : i32
      %dma_wait3A_1101 = tpu.memref_slice %arg4[%squeeze3A_81, %dma_wait3A_1100] : memref<1000000x64xf32, #tpu.memory_space<hbm>> -> memref<1x64xf32, #tpu.memory_space<hbm>>
      %dma_wait3A_1102 = tpu.memref_squeeze %dma_wait3A_1101 : memref<1x64xf32, #tpu.memory_space<hbm>> -> memref<64xf32, #tpu.memory_space<hbm>>
      %dma_wait3A_1103 = arith.constant 0 : i32
      %dma_wait3A_1104 = tpu.memref_slice %arg9[%add3A_83, %dma_wait3A_1103] : memref<512x128xf32, #tpu.memory_space<vmem>> -> memref<1x64xf32, #tpu.memory_space<vmem>>
      %dma_wait3A_1105 = tpu.memref_squeeze %dma_wait3A_1104 : memref<1x64xf32, #tpu.memory_space<vmem>> -> memref<64xf32, #tpu.memory_space<vmem>>
      %dma_wait3A_1106 = arith.constant 0 : i32
      %dma_wait3A_1107 = tpu.memref_slice %arg4[%squeeze3A_81, %dma_wait3A_1106] : memref<1000000x64xf32, #tpu.memory_space<hbm>> -> memref<1x64xf32, #tpu.memory_space<hbm>>
      %dma_wait3A_1108 = tpu.memref_squeeze %dma_wait3A_1107 : memref<1x64xf32, #tpu.memory_space<hbm>> -> memref<64xf32, #tpu.memory_space<hbm>>
      tpu.wait_dma2 semaphore(%arg10 : memref<!tpu.dma_semaphore, #tpu.memory_space<semaphore_mem>>) src(%dma_wait3A_1108 : memref<64xf32, #tpu.memory_space<hbm>>) dst(%dma_wait3A_1105 : memref<64xf32, #tpu.memory_space<vmem>>)
      %dma_wait3A_1109 = arith.constant 64 : i32
      %dma_wait3A_1110 = tpu.memref_slice %arg9[%add3A_99, %dma_wait3A_1109] : memref<512x128xf32, #tpu.memory_space<vmem>> -> memref<1x64xf32, #tpu.memory_space<vmem>>
      %dma_wait3A_1111 = tpu.memref_squeeze %dma_wait3A_1110 : memref<1x64xf32, #tpu.memory_space<vmem>> -> memref<64xf32, #tpu.memory_space<vmem>>
      %dma_wait3A_1112 = arith.constant 0 : i32
      %dma_wait3A_1113 = tpu.memref_slice %arg5[%squeeze3A_97, %dma_wait3A_1112] : memref<1000000x64xf32, #tpu.memory_space<hbm>> -> memref<1x64xf32, #tpu.memory_space<hbm>>
      %dma_wait3A_1114 = tpu.memref_squeeze %dma_wait3A_1113 : memref<1x64xf32, #tpu.memory_space<hbm>> -> memref<64xf32, #tpu.memory_space<hbm>>
      %dma_wait3A_1115 = arith.constant 64 : i32
      %dma_wait3A_1116 = tpu.memref_slice %arg9[%add3A_99, %dma_wait3A_1115] : memref<512x128xf32, #tpu.memory_space<vmem>> -> memref<1x64xf32, #tpu.memory_space<vmem>>
      %dma_wait3A_1117 = tpu.memref_squeeze %dma_wait3A_1116 : memref<1x64xf32, #tpu.memory_space<vmem>> -> memref<64xf32, #tpu.memory_space<vmem>>
      %dma_wait3A_1118 = arith.constant 0 : i32
      %dma_wait3A_1119 = tpu.memref_slice %arg5[%squeeze3A_97, %dma_wait3A_1118] : memref<1000000x64xf32, #tpu.memory_space<hbm>> -> memref<1x64xf32, #tpu.memory_space<hbm>>
      %dma_wait3A_1120 = tpu.memref_squeeze %dma_wait3A_1119 : memref<1x64xf32, #tpu.memory_space<hbm>> -> memref<64xf32, #tpu.memory_space<hbm>>
      tpu.wait_dma2 semaphore(%arg10 : memref<!tpu.dma_semaphore, #tpu.memory_space<semaphore_mem>>) src(%dma_wait3A_1120 : memref<64xf32, #tpu.memory_space<hbm>>) dst(%dma_wait3A_1117 : memref<64xf32, #tpu.memory_space<vmem>>)
      %dma_wait3A_1121 = arith.constant 0 : i32
      %dma_wait3A_1122 = tpu.memref_slice %arg9[%add3A_115, %dma_wait3A_1121] : memref<512x128xf32, #tpu.memory_space<vmem>> -> memref<1x64xf32, #tpu.memory_space<vmem>>
      %dma_wait3A_1123 = tpu.memref_squeeze %dma_wait3A_1122 : memref<1x64xf32, #tpu.memory_space<vmem>> -> memref<64xf32, #tpu.memory_space<vmem>>
      %dma_wait3A_1124 = arith.constant 0 : i32
      %dma_wait3A_1125 = tpu.memref_slice %arg4[%squeeze3A_113, %dma_wait3A_1124] : memref<1000000x64xf32, #tpu.memory_space<hbm>> -> memref<1x64xf32, #tpu.memory_space<hbm>>
      %dma_wait3A_1126 = tpu.memref_squeeze %dma_wait3A_1125 : memref<1x64xf32, #tpu.memory_space<hbm>> -> memref<64xf32, #tpu.memory_space<hbm>>
      %dma_wait3A_1127 = arith.constant 0 : i32
      %dma_wait3A_1128 = tpu.memref_slice %arg9[%add3A_115, %dma_wait3A_1127] : memref<512x128xf32, #tpu.memory_space<vmem>> -> memref<1x64xf32, #tpu.memory_space<vmem>>
      %dma_wait3A_1129 = tpu.memref_squeeze %dma_wait3A_1128 : memref<1x64xf32, #tpu.memory_space<vmem>> -> memref<64xf32, #tpu.memory_space<vmem>>
      %dma_wait3A_1130 = arith.constant 0 : i32
      %dma_wait3A_1131 = tpu.memref_slice %arg4[%squeeze3A_113, %dma_wait3A_1130] : memref<1000000x64xf32, #tpu.memory_space<hbm>> -> memref<1x64xf32, #tpu.memory_space<hbm>>
      %dma_wait3A_1132 = tpu.memref_squeeze %dma_wait3A_1131 : memref<1x64xf32, #tpu.memory_space<hbm>> -> memref<64xf32, #tpu.memory_space<hbm>>
      tpu.wait_dma2 semaphore(%arg10 : memref<!tpu.dma_semaphore, #tpu.memory_space<semaphore_mem>>) src(%dma_wait3A_1132 : memref<64xf32, #tpu.memory_space<hbm>>) dst(%dma_wait3A_1129 : memref<64xf32, #tpu.memory_space<vmem>>)
      %dma_wait3A_1133 = arith.constant 64 : i32
      %dma_wait3A_1134 = tpu.memref_slice %arg9[%add3A_131, %dma_wait3A_1133] : memref<512x128xf32, #tpu.memory_space<vmem>> -> memref<1x64xf32, #tpu.memory_space<vmem>>
      %dma_wait3A_1135 = tpu.memref_squeeze %dma_wait3A_1134 : memref<1x64xf32, #tpu.memory_space<vmem>> -> memref<64xf32, #tpu.memory_space<vmem>>
      %dma_wait3A_1136 = arith.constant 0 : i32
      %dma_wait3A_1137 = tpu.memref_slice %arg5[%squeeze3A_129, %dma_wait3A_1136] : memref<1000000x64xf32, #tpu.memory_space<hbm>> -> memref<1x64xf32, #tpu.memory_space<hbm>>
      %dma_wait3A_1138 = tpu.memref_squeeze %dma_wait3A_1137 : memref<1x64xf32, #tpu.memory_space<hbm>> -> memref<64xf32, #tpu.memory_space<hbm>>
      %dma_wait3A_1139 = arith.constant 64 : i32
      %dma_wait3A_1140 = tpu.memref_slice %arg9[%add3A_131, %dma_wait3A_1139] : memref<512x128xf32, #tpu.memory_space<vmem>> -> memref<1x64xf32, #tpu.memory_space<vmem>>
      %dma_wait3A_1141 = tpu.memref_squeeze %dma_wait3A_1140 : memref<1x64xf32, #tpu.memory_space<vmem>> -> memref<64xf32, #tpu.memory_space<vmem>>
      %dma_wait3A_1142 = arith.constant 0 : i32
      %dma_wait3A_1143 = tpu.memref_slice %arg5[%squeeze3A_129, %dma_wait3A_1142] : memref<1000000x64xf32, #tpu.memory_space<hbm>> -> memref<1x64xf32, #tpu.memory_space<hbm>>
      %dma_wait3A_1144 = tpu.memref_squeeze %dma_wait3A_1143 : memref<1x64xf32, #tpu.memory_space<hbm>> -> memref<64xf32, #tpu.memory_space<hbm>>
      tpu.wait_dma2 semaphore(%arg10 : memref<!tpu.dma_semaphore, #tpu.memory_space<semaphore_mem>>) src(%dma_wait3A_1144 : memref<64xf32, #tpu.memory_space<hbm>>) dst(%dma_wait3A_1141 : memref<64xf32, #tpu.memory_space<vmem>>)
      %dma_wait3A_1145 = arith.constant 0 : i32
      %dma_wait3A_1146 = tpu.memref_slice %arg9[%add3A_147, %dma_wait3A_1145] : memref<512x128xf32, #tpu.memory_space<vmem>> -> memref<1x64xf32, #tpu.memory_space<vmem>>
      %dma_wait3A_1147 = tpu.memref_squeeze %dma_wait3A_1146 : memref<1x64xf32, #tpu.memory_space<vmem>> -> memref<64xf32, #tpu.memory_space<vmem>>
      %dma_wait3A_1148 = arith.constant 0 : i32
      %dma_wait3A_1149 = tpu.memref_slice %arg4[%squeeze3A_145, %dma_wait3A_1148] : memref<1000000x64xf32, #tpu.memory_space<hbm>> -> memref<1x64xf32, #tpu.memory_space<hbm>>
      %dma_wait3A_1150 = tpu.memref_squeeze %dma_wait3A_1149 : memref<1x64xf32, #tpu.memory_space<hbm>> -> memref<64xf32, #tpu.memory_space<hbm>>
      %dma_wait3A_1151 = arith.constant 0 : i32
      %dma_wait3A_1152 = tpu.memref_slice %arg9[%add3A_147, %dma_wait3A_1151] : memref<512x128xf32, #tpu.memory_space<vmem>> -> memref<1x64xf32, #tpu.memory_space<vmem>>
      %dma_wait3A_1153 = tpu.memref_squeeze %dma_wait3A_1152 : memref<1x64xf32, #tpu.memory_space<vmem>> -> memref<64xf32, #tpu.memory_space<vmem>>
      %dma_wait3A_1154 = arith.constant 0 : i32
      %dma_wait3A_1155 = tpu.memref_slice %arg4[%squeeze3A_145, %dma_wait3A_1154] : memref<1000000x64xf32, #tpu.memory_space<hbm>> -> memref<1x64xf32, #tpu.memory_space<hbm>>
      %dma_wait3A_1156 = tpu.memref_squeeze %dma_wait3A_1155 : memref<1x64xf32, #tpu.memory_space<hbm>> -> memref<64xf32, #tpu.memory_space<hbm>>
      tpu.wait_dma2 semaphore(%arg10 : memref<!tpu.dma_semaphore, #tpu.memory_space<semaphore_mem>>) src(%dma_wait3A_1156 : memref<64xf32, #tpu.memory_space<hbm>>) dst(%dma_wait3A_1153 : memref<64xf32, #tpu.memory_space<vmem>>)
      %dma_wait3A_1157 = arith.constant 64 : i32
      %dma_wait3A_1158 = tpu.memref_slice %arg9[%add3A_163, %dma_wait3A_1157] : memref<512x128xf32, #tpu.memory_space<vmem>> -> memref<1x64xf32, #tpu.memory_space<vmem>>
      %dma_wait3A_1159 = tpu.memref_squeeze %dma_wait3A_1158 : memref<1x64xf32, #tpu.memory_space<vmem>> -> memref<64xf32, #tpu.memory_space<vmem>>
      %dma_wait3A_1160 = arith.constant 0 : i32
      %dma_wait3A_1161 = tpu.memref_slice %arg5[%squeeze3A_161, %dma_wait3A_1160] : memref<1000000x64xf32, #tpu.memory_space<hbm>> -> memref<1x64xf32, #tpu.memory_space<hbm>>
      %dma_wait3A_1162 = tpu.memref_squeeze %dma_wait3A_1161 : memref<1x64xf32, #tpu.memory_space<hbm>> -> memref<64xf32, #tpu.memory_space<hbm>>
      %dma_wait3A_1163 = arith.constant 64 : i32
      %dma_wait3A_1164 = tpu.memref_slice %arg9[%add3A_163, %dma_wait3A_1163] : memref<512x128xf32, #tpu.memory_space<vmem>> -> memref<1x64xf32, #tpu.memory_space<vmem>>
      %dma_wait3A_1165 = tpu.memref_squeeze %dma_wait3A_1164 : memref<1x64xf32, #tpu.memory_space<vmem>> -> memref<64xf32, #tpu.memory_space<vmem>>
      %dma_wait3A_1166 = arith.constant 0 : i32
      %dma_wait3A_1167 = tpu.memref_slice %arg5[%squeeze3A_161, %dma_wait3A_1166] : memref<1000000x64xf32, #tpu.memory_space<hbm>> -> memref<1x64xf32, #tpu.memory_space<hbm>>
      %dma_wait3A_1168 = tpu.memref_squeeze %dma_wait3A_1167 : memref<1x64xf32, #tpu.memory_space<hbm>> -> memref<64xf32, #tpu.memory_space<hbm>>
      tpu.wait_dma2 semaphore(%arg10 : memref<!tpu.dma_semaphore, #tpu.memory_space<semaphore_mem>>) src(%dma_wait3A_1168 : memref<64xf32, #tpu.memory_space<hbm>>) dst(%dma_wait3A_1165 : memref<64xf32, #tpu.memory_space<vmem>>)
      %dma_wait3A_1169 = arith.constant 0 : i32
      %dma_wait3A_1170 = tpu.memref_slice %arg9[%add3A_179, %dma_wait3A_1169] : memref<512x128xf32, #tpu.memory_space<vmem>> -> memref<1x64xf32, #tpu.memory_space<vmem>>
      %dma_wait3A_1171 = tpu.memref_squeeze %dma_wait3A_1170 : memref<1x64xf32, #tpu.memory_space<vmem>> -> memref<64xf32, #tpu.memory_space<vmem>>
      %dma_wait3A_1172 = arith.constant 0 : i32
      %dma_wait3A_1173 = tpu.memref_slice %arg4[%squeeze3A_177, %dma_wait3A_1172] : memref<1000000x64xf32, #tpu.memory_space<hbm>> -> memref<1x64xf32, #tpu.memory_space<hbm>>
      %dma_wait3A_1174 = tpu.memref_squeeze %dma_wait3A_1173 : memref<1x64xf32, #tpu.memory_space<hbm>> -> memref<64xf32, #tpu.memory_space<hbm>>
      %dma_wait3A_1175 = arith.constant 0 : i32
      %dma_wait3A_1176 = tpu.memref_slice %arg9[%add3A_179, %dma_wait3A_1175] : memref<512x128xf32, #tpu.memory_space<vmem>> -> memref<1x64xf32, #tpu.memory_space<vmem>>
      %dma_wait3A_1177 = tpu.memref_squeeze %dma_wait3A_1176 : memref<1x64xf32, #tpu.memory_space<vmem>> -> memref<64xf32, #tpu.memory_space<vmem>>
      %dma_wait3A_1178 = arith.constant 0 : i32
      %dma_wait3A_1179 = tpu.memref_slice %arg4[%squeeze3A_177, %dma_wait3A_1178] : memref<1000000x64xf32, #tpu.memory_space<hbm>> -> memref<1x64xf32, #tpu.memory_space<hbm>>
      %dma_wait3A_1180 = tpu.memref_squeeze %dma_wait3A_1179 : memref<1x64xf32, #tpu.memory_space<hbm>> -> memref<64xf32, #tpu.memory_space<hbm>>
      tpu.wait_dma2 semaphore(%arg10 : memref<!tpu.dma_semaphore, #tpu.memory_space<semaphore_mem>>) src(%dma_wait3A_1180 : memref<64xf32, #tpu.memory_space<hbm>>) dst(%dma_wait3A_1177 : memref<64xf32, #tpu.memory_space<vmem>>)
      %dma_wait3A_1181 = arith.constant 64 : i32
      %dma_wait3A_1182 = tpu.memref_slice %arg9[%add3A_195, %dma_wait3A_1181] : memref<512x128xf32, #tpu.memory_space<vmem>> -> memref<1x64xf32, #tpu.memory_space<vmem>>
      %dma_wait3A_1183 = tpu.memref_squeeze %dma_wait3A_1182 : memref<1x64xf32, #tpu.memory_space<vmem>> -> memref<64xf32, #tpu.memory_space<vmem>>
      %dma_wait3A_1184 = arith.constant 0 : i32
      %dma_wait3A_1185 = tpu.memref_slice %arg5[%squeeze3A_193, %dma_wait3A_1184] : memref<1000000x64xf32, #tpu.memory_space<hbm>> -> memref<1x64xf32, #tpu.memory_space<hbm>>
      %dma_wait3A_1186 = tpu.memref_squeeze %dma_wait3A_1185 : memref<1x64xf32, #tpu.memory_space<hbm>> -> memref<64xf32, #tpu.memory_space<hbm>>
      %dma_wait3A_1187 = arith.constant 64 : i32
      %dma_wait3A_1188 = tpu.memref_slice %arg9[%add3A_195, %dma_wait3A_1187] : memref<512x128xf32, #tpu.memory_space<vmem>> -> memref<1x64xf32, #tpu.memory_space<vmem>>
      %dma_wait3A_1189 = tpu.memref_squeeze %dma_wait3A_1188 : memref<1x64xf32, #tpu.memory_space<vmem>> -> memref<64xf32, #tpu.memory_space<vmem>>
      %dma_wait3A_1190 = arith.constant 0 : i32
      %dma_wait3A_1191 = tpu.memref_slice %arg5[%squeeze3A_193, %dma_wait3A_1190] : memref<1000000x64xf32, #tpu.memory_space<hbm>> -> memref<1x64xf32, #tpu.memory_space<hbm>>
      %dma_wait3A_1192 = tpu.memref_squeeze %dma_wait3A_1191 : memref<1x64xf32, #tpu.memory_space<hbm>> -> memref<64xf32, #tpu.memory_space<hbm>>
      tpu.wait_dma2 semaphore(%arg10 : memref<!tpu.dma_semaphore, #tpu.memory_space<semaphore_mem>>) src(%dma_wait3A_1192 : memref<64xf32, #tpu.memory_space<hbm>>) dst(%dma_wait3A_1189 : memref<64xf32, #tpu.memory_space<vmem>>)
      %dma_wait3A_1193 = arith.constant 0 : i32
      %dma_wait3A_1194 = tpu.memref_slice %arg9[%add3A_211, %dma_wait3A_1193] : memref<512x128xf32, #tpu.memory_space<vmem>> -> memref<1x64xf32, #tpu.memory_space<vmem>>
      %dma_wait3A_1195 = tpu.memref_squeeze %dma_wait3A_1194 : memref<1x64xf32, #tpu.memory_space<vmem>> -> memref<64xf32, #tpu.memory_space<vmem>>
      %dma_wait3A_1196 = arith.constant 0 : i32
      %dma_wait3A_1197 = tpu.memref_slice %arg4[%squeeze3A_209, %dma_wait3A_1196] : memref<1000000x64xf32, #tpu.memory_space<hbm>> -> memref<1x64xf32, #tpu.memory_space<hbm>>
      %dma_wait3A_1198 = tpu.memref_squeeze %dma_wait3A_1197 : memref<1x64xf32, #tpu.memory_space<hbm>> -> memref<64xf32, #tpu.memory_space<hbm>>
      %dma_wait3A_1199 = arith.constant 0 : i32
      %dma_wait3A_1200 = tpu.memref_slice %arg9[%add3A_211, %dma_wait3A_1199] : memref<512x128xf32, #tpu.memory_space<vmem>> -> memref<1x64xf32, #tpu.memory_space<vmem>>
      %dma_wait3A_1201 = tpu.memref_squeeze %dma_wait3A_1200 : memref<1x64xf32, #tpu.memory_space<vmem>> -> memref<64xf32, #tpu.memory_space<vmem>>
      %dma_wait3A_1202 = arith.constant 0 : i32
      %dma_wait3A_1203 = tpu.memref_slice %arg4[%squeeze3A_209, %dma_wait3A_1202] : memref<1000000x64xf32, #tpu.memory_space<hbm>> -> memref<1x64xf32, #tpu.memory_space<hbm>>
      %dma_wait3A_1204 = tpu.memref_squeeze %dma_wait3A_1203 : memref<1x64xf32, #tpu.memory_space<hbm>> -> memref<64xf32, #tpu.memory_space<hbm>>
      tpu.wait_dma2 semaphore(%arg10 : memref<!tpu.dma_semaphore, #tpu.memory_space<semaphore_mem>>) src(%dma_wait3A_1204 : memref<64xf32, #tpu.memory_space<hbm>>) dst(%dma_wait3A_1201 : memref<64xf32, #tpu.memory_space<vmem>>)
      %dma_wait3A_1205 = arith.constant 64 : i32
      %dma_wait3A_1206 = tpu.memref_slice %arg9[%add3A_227, %dma_wait3A_1205] : memref<512x128xf32, #tpu.memory_space<vmem>> -> memref<1x64xf32, #tpu.memory_space<vmem>>
      %dma_wait3A_1207 = tpu.memref_squeeze %dma_wait3A_1206 : memref<1x64xf32, #tpu.memory_space<vmem>> -> memref<64xf32, #tpu.memory_space<vmem>>
      %dma_wait3A_1208 = arith.constant 0 : i32
      %dma_wait3A_1209 = tpu.memref_slice %arg5[%squeeze3A_225, %dma_wait3A_1208] : memref<1000000x64xf32, #tpu.memory_space<hbm>> -> memref<1x64xf32, #tpu.memory_space<hbm>>
      %dma_wait3A_1210 = tpu.memref_squeeze %dma_wait3A_1209 : memref<1x64xf32, #tpu.memory_space<hbm>> -> memref<64xf32, #tpu.memory_space<hbm>>
      %dma_wait3A_1211 = arith.constant 64 : i32
      %dma_wait3A_1212 = tpu.memref_slice %arg9[%add3A_227, %dma_wait3A_1211] : memref<512x128xf32, #tpu.memory_space<vmem>> -> memref<1x64xf32, #tpu.memory_space<vmem>>
      %dma_wait3A_1213 = tpu.memref_squeeze %dma_wait3A_1212 : memref<1x64xf32, #tpu.memory_space<vmem>> -> memref<64xf32, #tpu.memory_space<vmem>>
      %dma_wait3A_1214 = arith.constant 0 : i32
      %dma_wait3A_1215 = tpu.memref_slice %arg5[%squeeze3A_225, %dma_wait3A_1214] : memref<1000000x64xf32, #tpu.memory_space<hbm>> -> memref<1x64xf32, #tpu.memory_space<hbm>>
      %dma_wait3A_1216 = tpu.memref_squeeze %dma_wait3A_1215 : memref<1x64xf32, #tpu.memory_space<hbm>> -> memref<64xf32, #tpu.memory_space<hbm>>
      tpu.wait_dma2 semaphore(%arg10 : memref<!tpu.dma_semaphore, #tpu.memory_space<semaphore_mem>>) src(%dma_wait3A_1216 : memref<64xf32, #tpu.memory_space<hbm>>) dst(%dma_wait3A_1213 : memref<64xf32, #tpu.memory_space<vmem>>)
      %dma_wait3A_1217 = arith.constant 0 : i32
      %dma_wait3A_1218 = tpu.memref_slice %arg9[%add3A_243, %dma_wait3A_1217] : memref<512x128xf32, #tpu.memory_space<vmem>> -> memref<1x64xf32, #tpu.memory_space<vmem>>
      %dma_wait3A_1219 = tpu.memref_squeeze %dma_wait3A_1218 : memref<1x64xf32, #tpu.memory_space<vmem>> -> memref<64xf32, #tpu.memory_space<vmem>>
      %dma_wait3A_1220 = arith.constant 0 : i32
      %dma_wait3A_1221 = tpu.memref_slice %arg4[%squeeze3A_241, %dma_wait3A_1220] : memref<1000000x64xf32, #tpu.memory_space<hbm>> -> memref<1x64xf32, #tpu.memory_space<hbm>>
      %dma_wait3A_1222 = tpu.memref_squeeze %dma_wait3A_1221 : memref<1x64xf32, #tpu.memory_space<hbm>> -> memref<64xf32, #tpu.memory_space<hbm>>
      %dma_wait3A_1223 = arith.constant 0 : i32
      %dma_wait3A_1224 = tpu.memref_slice %arg9[%add3A_243, %dma_wait3A_1223] : memref<512x128xf32, #tpu.memory_space<vmem>> -> memref<1x64xf32, #tpu.memory_space<vmem>>
      %dma_wait3A_1225 = tpu.memref_squeeze %dma_wait3A_1224 : memref<1x64xf32, #tpu.memory_space<vmem>> -> memref<64xf32, #tpu.memory_space<vmem>>
      %dma_wait3A_1226 = arith.constant 0 : i32
      %dma_wait3A_1227 = tpu.memref_slice %arg4[%squeeze3A_241, %dma_wait3A_1226] : memref<1000000x64xf32, #tpu.memory_space<hbm>> -> memref<1x64xf32, #tpu.memory_space<hbm>>
      %dma_wait3A_1228 = tpu.memref_squeeze %dma_wait3A_1227 : memref<1x64xf32, #tpu.memory_space<hbm>> -> memref<64xf32, #tpu.memory_space<hbm>>
      tpu.wait_dma2 semaphore(%arg10 : memref<!tpu.dma_semaphore, #tpu.memory_space<semaphore_mem>>) src(%dma_wait3A_1228 : memref<64xf32, #tpu.memory_space<hbm>>) dst(%dma_wait3A_1225 : memref<64xf32, #tpu.memory_space<vmem>>)
      %dma_wait3A_1229 = arith.constant 64 : i32
      %dma_wait3A_1230 = tpu.memref_slice %arg9[%add3A_259, %dma_wait3A_1229] : memref<512x128xf32, #tpu.memory_space<vmem>> -> memref<1x64xf32, #tpu.memory_space<vmem>>
      %dma_wait3A_1231 = tpu.memref_squeeze %dma_wait3A_1230 : memref<1x64xf32, #tpu.memory_space<vmem>> -> memref<64xf32, #tpu.memory_space<vmem>>
      %dma_wait3A_1232 = arith.constant 0 : i32
      %dma_wait3A_1233 = tpu.memref_slice %arg5[%squeeze3A_257, %dma_wait3A_1232] : memref<1000000x64xf32, #tpu.memory_space<hbm>> -> memref<1x64xf32, #tpu.memory_space<hbm>>
      %dma_wait3A_1234 = tpu.memref_squeeze %dma_wait3A_1233 : memref<1x64xf32, #tpu.memory_space<hbm>> -> memref<64xf32, #tpu.memory_space<hbm>>
      %dma_wait3A_1235 = arith.constant 64 : i32
      %dma_wait3A_1236 = tpu.memref_slice %arg9[%add3A_259, %dma_wait3A_1235] : memref<512x128xf32, #tpu.memory_space<vmem>> -> memref<1x64xf32, #tpu.memory_space<vmem>>
      %dma_wait3A_1237 = tpu.memref_squeeze %dma_wait3A_1236 : memref<1x64xf32, #tpu.memory_space<vmem>> -> memref<64xf32, #tpu.memory_space<vmem>>
      %dma_wait3A_1238 = arith.constant 0 : i32
      %dma_wait3A_1239 = tpu.memref_slice %arg5[%squeeze3A_257, %dma_wait3A_1238] : memref<1000000x64xf32, #tpu.memory_space<hbm>> -> memref<1x64xf32, #tpu.memory_space<hbm>>
      %dma_wait3A_1240 = tpu.memref_squeeze %dma_wait3A_1239 : memref<1x64xf32, #tpu.memory_space<hbm>> -> memref<64xf32, #tpu.memory_space<hbm>>
      tpu.wait_dma2 semaphore(%arg10 : memref<!tpu.dma_semaphore, #tpu.memory_space<semaphore_mem>>) src(%dma_wait3A_1240 : memref<64xf32, #tpu.memory_space<hbm>>) dst(%dma_wait3A_1237 : memref<64xf32, #tpu.memory_space<vmem>>)
      %dma_wait3A_1241 = arith.constant 0 : i32
      %dma_wait3A_1242 = tpu.memref_slice %arg9[%add3A_275, %dma_wait3A_1241] : memref<512x128xf32, #tpu.memory_space<vmem>> -> memref<1x64xf32, #tpu.memory_space<vmem>>
      %dma_wait3A_1243 = tpu.memref_squeeze %dma_wait3A_1242 : memref<1x64xf32, #tpu.memory_space<vmem>> -> memref<64xf32, #tpu.memory_space<vmem>>
      %dma_wait3A_1244 = arith.constant 0 : i32
      %dma_wait3A_1245 = tpu.memref_slice %arg4[%squeeze3A_273, %dma_wait3A_1244] : memref<1000000x64xf32, #tpu.memory_space<hbm>> -> memref<1x64xf32, #tpu.memory_space<hbm>>
      %dma_wait3A_1246 = tpu.memref_squeeze %dma_wait3A_1245 : memref<1x64xf32, #tpu.memory_space<hbm>> -> memref<64xf32, #tpu.memory_space<hbm>>
      %dma_wait3A_1247 = arith.constant 0 : i32
      %dma_wait3A_1248 = tpu.memref_slice %arg9[%add3A_275, %dma_wait3A_1247] : memref<512x128xf32, #tpu.memory_space<vmem>> -> memref<1x64xf32, #tpu.memory_space<vmem>>
      %dma_wait3A_1249 = tpu.memref_squeeze %dma_wait3A_1248 : memref<1x64xf32, #tpu.memory_space<vmem>> -> memref<64xf32, #tpu.memory_space<vmem>>
      %dma_wait3A_1250 = arith.constant 0 : i32
      %dma_wait3A_1251 = tpu.memref_slice %arg4[%squeeze3A_273, %dma_wait3A_1250] : memref<1000000x64xf32, #tpu.memory_space<hbm>> -> memref<1x64xf32, #tpu.memory_space<hbm>>
      %dma_wait3A_1252 = tpu.memref_squeeze %dma_wait3A_1251 : memref<1x64xf32, #tpu.memory_space<hbm>> -> memref<64xf32, #tpu.memory_space<hbm>>
      tpu.wait_dma2 semaphore(%arg10 : memref<!tpu.dma_semaphore, #tpu.memory_space<semaphore_mem>>) src(%dma_wait3A_1252 : memref<64xf32, #tpu.memory_space<hbm>>) dst(%dma_wait3A_1249 : memref<64xf32, #tpu.memory_space<vmem>>)
      %dma_wait3A_1253 = arith.constant 64 : i32
      %dma_wait3A_1254 = tpu.memref_slice %arg9[%add3A_291, %dma_wait3A_1253] : memref<512x128xf32, #tpu.memory_space<vmem>> -> memref<1x64xf32, #tpu.memory_space<vmem>>
      %dma_wait3A_1255 = tpu.memref_squeeze %dma_wait3A_1254 : memref<1x64xf32, #tpu.memory_space<vmem>> -> memref<64xf32, #tpu.memory_space<vmem>>
      %dma_wait3A_1256 = arith.constant 0 : i32
      %dma_wait3A_1257 = tpu.memref_slice %arg5[%squeeze3A_289, %dma_wait3A_1256] : memref<1000000x64xf32, #tpu.memory_space<hbm>> -> memref<1x64xf32, #tpu.memory_space<hbm>>
      %dma_wait3A_1258 = tpu.memref_squeeze %dma_wait3A_1257 : memref<1x64xf32, #tpu.memory_space<hbm>> -> memref<64xf32, #tpu.memory_space<hbm>>
      %dma_wait3A_1259 = arith.constant 64 : i32
      %dma_wait3A_1260 = tpu.memref_slice %arg9[%add3A_291, %dma_wait3A_1259] : memref<512x128xf32, #tpu.memory_space<vmem>> -> memref<1x64xf32, #tpu.memory_space<vmem>>
      %dma_wait3A_1261 = tpu.memref_squeeze %dma_wait3A_1260 : memref<1x64xf32, #tpu.memory_space<vmem>> -> memref<64xf32, #tpu.memory_space<vmem>>
      %dma_wait3A_1262 = arith.constant 0 : i32
      %dma_wait3A_1263 = tpu.memref_slice %arg5[%squeeze3A_289, %dma_wait3A_1262] : memref<1000000x64xf32, #tpu.memory_space<hbm>> -> memref<1x64xf32, #tpu.memory_space<hbm>>
      %dma_wait3A_1264 = tpu.memref_squeeze %dma_wait3A_1263 : memref<1x64xf32, #tpu.memory_space<hbm>> -> memref<64xf32, #tpu.memory_space<hbm>>
      tpu.wait_dma2 semaphore(%arg10 : memref<!tpu.dma_semaphore, #tpu.memory_space<semaphore_mem>>) src(%dma_wait3A_1264 : memref<64xf32, #tpu.memory_space<hbm>>) dst(%dma_wait3A_1261 : memref<64xf32, #tpu.memory_space<vmem>>)
      %dma_wait3A_1265 = arith.constant 0 : i32
      %dma_wait3A_1266 = tpu.memref_slice %arg9[%add3A_307, %dma_wait3A_1265] : memref<512x128xf32, #tpu.memory_space<vmem>> -> memref<1x64xf32, #tpu.memory_space<vmem>>
      %dma_wait3A_1267 = tpu.memref_squeeze %dma_wait3A_1266 : memref<1x64xf32, #tpu.memory_space<vmem>> -> memref<64xf32, #tpu.memory_space<vmem>>
      %dma_wait3A_1268 = arith.constant 0 : i32
      %dma_wait3A_1269 = tpu.memref_slice %arg4[%squeeze3A_305, %dma_wait3A_1268] : memref<1000000x64xf32, #tpu.memory_space<hbm>> -> memref<1x64xf32, #tpu.memory_space<hbm>>
      %dma_wait3A_1270 = tpu.memref_squeeze %dma_wait3A_1269 : memref<1x64xf32, #tpu.memory_space<hbm>> -> memref<64xf32, #tpu.memory_space<hbm>>
      %dma_wait3A_1271 = arith.constant 0 : i32
      %dma_wait3A_1272 = tpu.memref_slice %arg9[%add3A_307, %dma_wait3A_1271] : memref<512x128xf32, #tpu.memory_space<vmem>> -> memref<1x64xf32, #tpu.memory_space<vmem>>
      %dma_wait3A_1273 = tpu.memref_squeeze %dma_wait3A_1272 : memref<1x64xf32, #tpu.memory_space<vmem>> -> memref<64xf32, #tpu.memory_space<vmem>>
      %dma_wait3A_1274 = arith.constant 0 : i32
      %dma_wait3A_1275 = tpu.memref_slice %arg4[%squeeze3A_305, %dma_wait3A_1274] : memref<1000000x64xf32, #tpu.memory_space<hbm>> -> memref<1x64xf32, #tpu.memory_space<hbm>>
      %dma_wait3A_1276 = tpu.memref_squeeze %dma_wait3A_1275 : memref<1x64xf32, #tpu.memory_space<hbm>> -> memref<64xf32, #tpu.memory_space<hbm>>
      tpu.wait_dma2 semaphore(%arg10 : memref<!tpu.dma_semaphore, #tpu.memory_space<semaphore_mem>>) src(%dma_wait3A_1276 : memref<64xf32, #tpu.memory_space<hbm>>) dst(%dma_wait3A_1273 : memref<64xf32, #tpu.memory_space<vmem>>)
      %dma_wait3A_1277 = arith.constant 64 : i32
      %dma_wait3A_1278 = tpu.memref_slice %arg9[%add3A_323, %dma_wait3A_1277] : memref<512x128xf32, #tpu.memory_space<vmem>> -> memref<1x64xf32, #tpu.memory_space<vmem>>
      %dma_wait3A_1279 = tpu.memref_squeeze %dma_wait3A_1278 : memref<1x64xf32, #tpu.memory_space<vmem>> -> memref<64xf32, #tpu.memory_space<vmem>>
      %dma_wait3A_1280 = arith.constant 0 : i32
      %dma_wait3A_1281 = tpu.memref_slice %arg5[%squeeze3A_321, %dma_wait3A_1280] : memref<1000000x64xf32, #tpu.memory_space<hbm>> -> memref<1x64xf32, #tpu.memory_space<hbm>>
      %dma_wait3A_1282 = tpu.memref_squeeze %dma_wait3A_1281 : memref<1x64xf32, #tpu.memory_space<hbm>> -> memref<64xf32, #tpu.memory_space<hbm>>
      %dma_wait3A_1283 = arith.constant 64 : i32
      %dma_wait3A_1284 = tpu.memref_slice %arg9[%add3A_323, %dma_wait3A_1283] : memref<512x128xf32, #tpu.memory_space<vmem>> -> memref<1x64xf32, #tpu.memory_space<vmem>>
      %dma_wait3A_1285 = tpu.memref_squeeze %dma_wait3A_1284 : memref<1x64xf32, #tpu.memory_space<vmem>> -> memref<64xf32, #tpu.memory_space<vmem>>
      %dma_wait3A_1286 = arith.constant 0 : i32
      %dma_wait3A_1287 = tpu.memref_slice %arg5[%squeeze3A_321, %dma_wait3A_1286] : memref<1000000x64xf32, #tpu.memory_space<hbm>> -> memref<1x64xf32, #tpu.memory_space<hbm>>
      %dma_wait3A_1288 = tpu.memref_squeeze %dma_wait3A_1287 : memref<1x64xf32, #tpu.memory_space<hbm>> -> memref<64xf32, #tpu.memory_space<hbm>>
      tpu.wait_dma2 semaphore(%arg10 : memref<!tpu.dma_semaphore, #tpu.memory_space<semaphore_mem>>) src(%dma_wait3A_1288 : memref<64xf32, #tpu.memory_space<hbm>>) dst(%dma_wait3A_1285 : memref<64xf32, #tpu.memory_space<vmem>>)
      %dma_wait3A_1289 = arith.constant 0 : i32
      %dma_wait3A_1290 = tpu.memref_slice %arg9[%add3A_339, %dma_wait3A_1289] : memref<512x128xf32, #tpu.memory_space<vmem>> -> memref<1x64xf32, #tpu.memory_space<vmem>>
      %dma_wait3A_1291 = tpu.memref_squeeze %dma_wait3A_1290 : memref<1x64xf32, #tpu.memory_space<vmem>> -> memref<64xf32, #tpu.memory_space<vmem>>
      %dma_wait3A_1292 = arith.constant 0 : i32
      %dma_wait3A_1293 = tpu.memref_slice %arg4[%squeeze3A_337, %dma_wait3A_1292] : memref<1000000x64xf32, #tpu.memory_space<hbm>> -> memref<1x64xf32, #tpu.memory_space<hbm>>
      %dma_wait3A_1294 = tpu.memref_squeeze %dma_wait3A_1293 : memref<1x64xf32, #tpu.memory_space<hbm>> -> memref<64xf32, #tpu.memory_space<hbm>>
      %dma_wait3A_1295 = arith.constant 0 : i32
      %dma_wait3A_1296 = tpu.memref_slice %arg9[%add3A_339, %dma_wait3A_1295] : memref<512x128xf32, #tpu.memory_space<vmem>> -> memref<1x64xf32, #tpu.memory_space<vmem>>
      %dma_wait3A_1297 = tpu.memref_squeeze %dma_wait3A_1296 : memref<1x64xf32, #tpu.memory_space<vmem>> -> memref<64xf32, #tpu.memory_space<vmem>>
      %dma_wait3A_1298 = arith.constant 0 : i32
      %dma_wait3A_1299 = tpu.memref_slice %arg4[%squeeze3A_337, %dma_wait3A_1298] : memref<1000000x64xf32, #tpu.memory_space<hbm>> -> memref<1x64xf32, #tpu.memory_space<hbm>>
      %dma_wait3A_1300 = tpu.memref_squeeze %dma_wait3A_1299 : memref<1x64xf32, #tpu.memory_space<hbm>> -> memref<64xf32, #tpu.memory_space<hbm>>
      tpu.wait_dma2 semaphore(%arg10 : memref<!tpu.dma_semaphore, #tpu.memory_space<semaphore_mem>>) src(%dma_wait3A_1300 : memref<64xf32, #tpu.memory_space<hbm>>) dst(%dma_wait3A_1297 : memref<64xf32, #tpu.memory_space<vmem>>)
      %dma_wait3A_1301 = arith.constant 64 : i32
      %dma_wait3A_1302 = tpu.memref_slice %arg9[%add3A_355, %dma_wait3A_1301] : memref<512x128xf32, #tpu.memory_space<vmem>> -> memref<1x64xf32, #tpu.memory_space<vmem>>
      %dma_wait3A_1303 = tpu.memref_squeeze %dma_wait3A_1302 : memref<1x64xf32, #tpu.memory_space<vmem>> -> memref<64xf32, #tpu.memory_space<vmem>>
      %dma_wait3A_1304 = arith.constant 0 : i32
      %dma_wait3A_1305 = tpu.memref_slice %arg5[%squeeze3A_353, %dma_wait3A_1304] : memref<1000000x64xf32, #tpu.memory_space<hbm>> -> memref<1x64xf32, #tpu.memory_space<hbm>>
      %dma_wait3A_1306 = tpu.memref_squeeze %dma_wait3A_1305 : memref<1x64xf32, #tpu.memory_space<hbm>> -> memref<64xf32, #tpu.memory_space<hbm>>
      %dma_wait3A_1307 = arith.constant 64 : i32
      %dma_wait3A_1308 = tpu.memref_slice %arg9[%add3A_355, %dma_wait3A_1307] : memref<512x128xf32, #tpu.memory_space<vmem>> -> memref<1x64xf32, #tpu.memory_space<vmem>>
      %dma_wait3A_1309 = tpu.memref_squeeze %dma_wait3A_1308 : memref<1x64xf32, #tpu.memory_space<vmem>> -> memref<64xf32, #tpu.memory_space<vmem>>
      %dma_wait3A_1310 = arith.constant 0 : i32
      %dma_wait3A_1311 = tpu.memref_slice %arg5[%squeeze3A_353, %dma_wait3A_1310] : memref<1000000x64xf32, #tpu.memory_space<hbm>> -> memref<1x64xf32, #tpu.memory_space<hbm>>
      %dma_wait3A_1312 = tpu.memref_squeeze %dma_wait3A_1311 : memref<1x64xf32, #tpu.memory_space<hbm>> -> memref<64xf32, #tpu.memory_space<hbm>>
      tpu.wait_dma2 semaphore(%arg10 : memref<!tpu.dma_semaphore, #tpu.memory_space<semaphore_mem>>) src(%dma_wait3A_1312 : memref<64xf32, #tpu.memory_space<hbm>>) dst(%dma_wait3A_1309 : memref<64xf32, #tpu.memory_space<vmem>>)
      %dma_wait3A_1313 = arith.constant 0 : i32
      %dma_wait3A_1314 = tpu.memref_slice %arg9[%add3A_371, %dma_wait3A_1313] : memref<512x128xf32, #tpu.memory_space<vmem>> -> memref<1x64xf32, #tpu.memory_space<vmem>>
      %dma_wait3A_1315 = tpu.memref_squeeze %dma_wait3A_1314 : memref<1x64xf32, #tpu.memory_space<vmem>> -> memref<64xf32, #tpu.memory_space<vmem>>
      %dma_wait3A_1316 = arith.constant 0 : i32
      %dma_wait3A_1317 = tpu.memref_slice %arg4[%squeeze3A_369, %dma_wait3A_1316] : memref<1000000x64xf32, #tpu.memory_space<hbm>> -> memref<1x64xf32, #tpu.memory_space<hbm>>
      %dma_wait3A_1318 = tpu.memref_squeeze %dma_wait3A_1317 : memref<1x64xf32, #tpu.memory_space<hbm>> -> memref<64xf32, #tpu.memory_space<hbm>>
      %dma_wait3A_1319 = arith.constant 0 : i32
      %dma_wait3A_1320 = tpu.memref_slice %arg9[%add3A_371, %dma_wait3A_1319] : memref<512x128xf32, #tpu.memory_space<vmem>> -> memref<1x64xf32, #tpu.memory_space<vmem>>
      %dma_wait3A_1321 = tpu.memref_squeeze %dma_wait3A_1320 : memref<1x64xf32, #tpu.memory_space<vmem>> -> memref<64xf32, #tpu.memory_space<vmem>>
      %dma_wait3A_1322 = arith.constant 0 : i32
      %dma_wait3A_1323 = tpu.memref_slice %arg4[%squeeze3A_369, %dma_wait3A_1322] : memref<1000000x64xf32, #tpu.memory_space<hbm>> -> memref<1x64xf32, #tpu.memory_space<hbm>>
      %dma_wait3A_1324 = tpu.memref_squeeze %dma_wait3A_1323 : memref<1x64xf32, #tpu.memory_space<hbm>> -> memref<64xf32, #tpu.memory_space<hbm>>
      tpu.wait_dma2 semaphore(%arg10 : memref<!tpu.dma_semaphore, #tpu.memory_space<semaphore_mem>>) src(%dma_wait3A_1324 : memref<64xf32, #tpu.memory_space<hbm>>) dst(%dma_wait3A_1321 : memref<64xf32, #tpu.memory_space<vmem>>)
      %dma_wait3A_1325 = arith.constant 64 : i32
      %dma_wait3A_1326 = tpu.memref_slice %arg9[%add3A_387, %dma_wait3A_1325] : memref<512x128xf32, #tpu.memory_space<vmem>> -> memref<1x64xf32, #tpu.memory_space<vmem>>
      %dma_wait3A_1327 = tpu.memref_squeeze %dma_wait3A_1326 : memref<1x64xf32, #tpu.memory_space<vmem>> -> memref<64xf32, #tpu.memory_space<vmem>>
      %dma_wait3A_1328 = arith.constant 0 : i32
      %dma_wait3A_1329 = tpu.memref_slice %arg5[%squeeze3A_385, %dma_wait3A_1328] : memref<1000000x64xf32, #tpu.memory_space<hbm>> -> memref<1x64xf32, #tpu.memory_space<hbm>>
      %dma_wait3A_1330 = tpu.memref_squeeze %dma_wait3A_1329 : memref<1x64xf32, #tpu.memory_space<hbm>> -> memref<64xf32, #tpu.memory_space<hbm>>
      %dma_wait3A_1331 = arith.constant 64 : i32
      %dma_wait3A_1332 = tpu.memref_slice %arg9[%add3A_387, %dma_wait3A_1331] : memref<512x128xf32, #tpu.memory_space<vmem>> -> memref<1x64xf32, #tpu.memory_space<vmem>>
      %dma_wait3A_1333 = tpu.memref_squeeze %dma_wait3A_1332 : memref<1x64xf32, #tpu.memory_space<vmem>> -> memref<64xf32, #tpu.memory_space<vmem>>
      %dma_wait3A_1334 = arith.constant 0 : i32
      %dma_wait3A_1335 = tpu.memref_slice %arg5[%squeeze3A_385, %dma_wait3A_1334] : memref<1000000x64xf32, #tpu.memory_space<hbm>> -> memref<1x64xf32, #tpu.memory_space<hbm>>
      %dma_wait3A_1336 = tpu.memref_squeeze %dma_wait3A_1335 : memref<1x64xf32, #tpu.memory_space<hbm>> -> memref<64xf32, #tpu.memory_space<hbm>>
      tpu.wait_dma2 semaphore(%arg10 : memref<!tpu.dma_semaphore, #tpu.memory_space<semaphore_mem>>) src(%dma_wait3A_1336 : memref<64xf32, #tpu.memory_space<hbm>>) dst(%dma_wait3A_1333 : memref<64xf32, #tpu.memory_space<vmem>>)
      %dma_wait3A_1337 = arith.constant 0 : i32
      %dma_wait3A_1338 = tpu.memref_slice %arg9[%add3A_403, %dma_wait3A_1337] : memref<512x128xf32, #tpu.memory_space<vmem>> -> memref<1x64xf32, #tpu.memory_space<vmem>>
      %dma_wait3A_1339 = tpu.memref_squeeze %dma_wait3A_1338 : memref<1x64xf32, #tpu.memory_space<vmem>> -> memref<64xf32, #tpu.memory_space<vmem>>
      %dma_wait3A_1340 = arith.constant 0 : i32
      %dma_wait3A_1341 = tpu.memref_slice %arg4[%squeeze3A_401, %dma_wait3A_1340] : memref<1000000x64xf32, #tpu.memory_space<hbm>> -> memref<1x64xf32, #tpu.memory_space<hbm>>
      %dma_wait3A_1342 = tpu.memref_squeeze %dma_wait3A_1341 : memref<1x64xf32, #tpu.memory_space<hbm>> -> memref<64xf32, #tpu.memory_space<hbm>>
      %dma_wait3A_1343 = arith.constant 0 : i32
      %dma_wait3A_1344 = tpu.memref_slice %arg9[%add3A_403, %dma_wait3A_1343] : memref<512x128xf32, #tpu.memory_space<vmem>> -> memref<1x64xf32, #tpu.memory_space<vmem>>
      %dma_wait3A_1345 = tpu.memref_squeeze %dma_wait3A_1344 : memref<1x64xf32, #tpu.memory_space<vmem>> -> memref<64xf32, #tpu.memory_space<vmem>>
      %dma_wait3A_1346 = arith.constant 0 : i32
      %dma_wait3A_1347 = tpu.memref_slice %arg4[%squeeze3A_401, %dma_wait3A_1346] : memref<1000000x64xf32, #tpu.memory_space<hbm>> -> memref<1x64xf32, #tpu.memory_space<hbm>>
      %dma_wait3A_1348 = tpu.memref_squeeze %dma_wait3A_1347 : memref<1x64xf32, #tpu.memory_space<hbm>> -> memref<64xf32, #tpu.memory_space<hbm>>
      tpu.wait_dma2 semaphore(%arg10 : memref<!tpu.dma_semaphore, #tpu.memory_space<semaphore_mem>>) src(%dma_wait3A_1348 : memref<64xf32, #tpu.memory_space<hbm>>) dst(%dma_wait3A_1345 : memref<64xf32, #tpu.memory_space<vmem>>)
      %dma_wait3A_1349 = arith.constant 64 : i32
      %dma_wait3A_1350 = tpu.memref_slice %arg9[%add3A_419, %dma_wait3A_1349] : memref<512x128xf32, #tpu.memory_space<vmem>> -> memref<1x64xf32, #tpu.memory_space<vmem>>
      %dma_wait3A_1351 = tpu.memref_squeeze %dma_wait3A_1350 : memref<1x64xf32, #tpu.memory_space<vmem>> -> memref<64xf32, #tpu.memory_space<vmem>>
      %dma_wait3A_1352 = arith.constant 0 : i32
      %dma_wait3A_1353 = tpu.memref_slice %arg5[%squeeze3A_417, %dma_wait3A_1352] : memref<1000000x64xf32, #tpu.memory_space<hbm>> -> memref<1x64xf32, #tpu.memory_space<hbm>>
      %dma_wait3A_1354 = tpu.memref_squeeze %dma_wait3A_1353 : memref<1x64xf32, #tpu.memory_space<hbm>> -> memref<64xf32, #tpu.memory_space<hbm>>
      %dma_wait3A_1355 = arith.constant 64 : i32
      %dma_wait3A_1356 = tpu.memref_slice %arg9[%add3A_419, %dma_wait3A_1355] : memref<512x128xf32, #tpu.memory_space<vmem>> -> memref<1x64xf32, #tpu.memory_space<vmem>>
      %dma_wait3A_1357 = tpu.memref_squeeze %dma_wait3A_1356 : memref<1x64xf32, #tpu.memory_space<vmem>> -> memref<64xf32, #tpu.memory_space<vmem>>
      %dma_wait3A_1358 = arith.constant 0 : i32
      %dma_wait3A_1359 = tpu.memref_slice %arg5[%squeeze3A_417, %dma_wait3A_1358] : memref<1000000x64xf32, #tpu.memory_space<hbm>> -> memref<1x64xf32, #tpu.memory_space<hbm>>
      %dma_wait3A_1360 = tpu.memref_squeeze %dma_wait3A_1359 : memref<1x64xf32, #tpu.memory_space<hbm>> -> memref<64xf32, #tpu.memory_space<hbm>>
      tpu.wait_dma2 semaphore(%arg10 : memref<!tpu.dma_semaphore, #tpu.memory_space<semaphore_mem>>) src(%dma_wait3A_1360 : memref<64xf32, #tpu.memory_space<hbm>>) dst(%dma_wait3A_1357 : memref<64xf32, #tpu.memory_space<vmem>>)
      %dma_wait3A_1361 = arith.constant 0 : i32
      %dma_wait3A_1362 = tpu.memref_slice %arg9[%add3A_435, %dma_wait3A_1361] : memref<512x128xf32, #tpu.memory_space<vmem>> -> memref<1x64xf32, #tpu.memory_space<vmem>>
      %dma_wait3A_1363 = tpu.memref_squeeze %dma_wait3A_1362 : memref<1x64xf32, #tpu.memory_space<vmem>> -> memref<64xf32, #tpu.memory_space<vmem>>
      %dma_wait3A_1364 = arith.constant 0 : i32
      %dma_wait3A_1365 = tpu.memref_slice %arg4[%squeeze3A_433, %dma_wait3A_1364] : memref<1000000x64xf32, #tpu.memory_space<hbm>> -> memref<1x64xf32, #tpu.memory_space<hbm>>
      %dma_wait3A_1366 = tpu.memref_squeeze %dma_wait3A_1365 : memref<1x64xf32, #tpu.memory_space<hbm>> -> memref<64xf32, #tpu.memory_space<hbm>>
      %dma_wait3A_1367 = arith.constant 0 : i32
      %dma_wait3A_1368 = tpu.memref_slice %arg9[%add3A_435, %dma_wait3A_1367] : memref<512x128xf32, #tpu.memory_space<vmem>> -> memref<1x64xf32, #tpu.memory_space<vmem>>
      %dma_wait3A_1369 = tpu.memref_squeeze %dma_wait3A_1368 : memref<1x64xf32, #tpu.memory_space<vmem>> -> memref<64xf32, #tpu.memory_space<vmem>>
      %dma_wait3A_1370 = arith.constant 0 : i32
      %dma_wait3A_1371 = tpu.memref_slice %arg4[%squeeze3A_433, %dma_wait3A_1370] : memref<1000000x64xf32, #tpu.memory_space<hbm>> -> memref<1x64xf32, #tpu.memory_space<hbm>>
      %dma_wait3A_1372 = tpu.memref_squeeze %dma_wait3A_1371 : memref<1x64xf32, #tpu.memory_space<hbm>> -> memref<64xf32, #tpu.memory_space<hbm>>
      tpu.wait_dma2 semaphore(%arg10 : memref<!tpu.dma_semaphore, #tpu.memory_space<semaphore_mem>>) src(%dma_wait3A_1372 : memref<64xf32, #tpu.memory_space<hbm>>) dst(%dma_wait3A_1369 : memref<64xf32, #tpu.memory_space<vmem>>)
      %dma_wait3A_1373 = arith.constant 64 : i32
      %dma_wait3A_1374 = tpu.memref_slice %arg9[%add3A_451, %dma_wait3A_1373] : memref<512x128xf32, #tpu.memory_space<vmem>> -> memref<1x64xf32, #tpu.memory_space<vmem>>
      %dma_wait3A_1375 = tpu.memref_squeeze %dma_wait3A_1374 : memref<1x64xf32, #tpu.memory_space<vmem>> -> memref<64xf32, #tpu.memory_space<vmem>>
      %dma_wait3A_1376 = arith.constant 0 : i32
      %dma_wait3A_1377 = tpu.memref_slice %arg5[%squeeze3A_449, %dma_wait3A_1376] : memref<1000000x64xf32, #tpu.memory_space<hbm>> -> memref<1x64xf32, #tpu.memory_space<hbm>>
      %dma_wait3A_1378 = tpu.memref_squeeze %dma_wait3A_1377 : memref<1x64xf32, #tpu.memory_space<hbm>> -> memref<64xf32, #tpu.memory_space<hbm>>
      %dma_wait3A_1379 = arith.constant 64 : i32
      %dma_wait3A_1380 = tpu.memref_slice %arg9[%add3A_451, %dma_wait3A_1379] : memref<512x128xf32, #tpu.memory_space<vmem>> -> memref<1x64xf32, #tpu.memory_space<vmem>>
      %dma_wait3A_1381 = tpu.memref_squeeze %dma_wait3A_1380 : memref<1x64xf32, #tpu.memory_space<vmem>> -> memref<64xf32, #tpu.memory_space<vmem>>
      %dma_wait3A_1382 = arith.constant 0 : i32
      %dma_wait3A_1383 = tpu.memref_slice %arg5[%squeeze3A_449, %dma_wait3A_1382] : memref<1000000x64xf32, #tpu.memory_space<hbm>> -> memref<1x64xf32, #tpu.memory_space<hbm>>
      %dma_wait3A_1384 = tpu.memref_squeeze %dma_wait3A_1383 : memref<1x64xf32, #tpu.memory_space<hbm>> -> memref<64xf32, #tpu.memory_space<hbm>>
      tpu.wait_dma2 semaphore(%arg10 : memref<!tpu.dma_semaphore, #tpu.memory_space<semaphore_mem>>) src(%dma_wait3A_1384 : memref<64xf32, #tpu.memory_space<hbm>>) dst(%dma_wait3A_1381 : memref<64xf32, #tpu.memory_space<vmem>>)
      %dma_wait3A_1385 = arith.constant 0 : i32
      %dma_wait3A_1386 = tpu.memref_slice %arg9[%add3A_467, %dma_wait3A_1385] : memref<512x128xf32, #tpu.memory_space<vmem>> -> memref<1x64xf32, #tpu.memory_space<vmem>>
      %dma_wait3A_1387 = tpu.memref_squeeze %dma_wait3A_1386 : memref<1x64xf32, #tpu.memory_space<vmem>> -> memref<64xf32, #tpu.memory_space<vmem>>
      %dma_wait3A_1388 = arith.constant 0 : i32
      %dma_wait3A_1389 = tpu.memref_slice %arg4[%squeeze3A_465, %dma_wait3A_1388] : memref<1000000x64xf32, #tpu.memory_space<hbm>> -> memref<1x64xf32, #tpu.memory_space<hbm>>
      %dma_wait3A_1390 = tpu.memref_squeeze %dma_wait3A_1389 : memref<1x64xf32, #tpu.memory_space<hbm>> -> memref<64xf32, #tpu.memory_space<hbm>>
      %dma_wait3A_1391 = arith.constant 0 : i32
      %dma_wait3A_1392 = tpu.memref_slice %arg9[%add3A_467, %dma_wait3A_1391] : memref<512x128xf32, #tpu.memory_space<vmem>> -> memref<1x64xf32, #tpu.memory_space<vmem>>
      %dma_wait3A_1393 = tpu.memref_squeeze %dma_wait3A_1392 : memref<1x64xf32, #tpu.memory_space<vmem>> -> memref<64xf32, #tpu.memory_space<vmem>>
      %dma_wait3A_1394 = arith.constant 0 : i32
      %dma_wait3A_1395 = tpu.memref_slice %arg4[%squeeze3A_465, %dma_wait3A_1394] : memref<1000000x64xf32, #tpu.memory_space<hbm>> -> memref<1x64xf32, #tpu.memory_space<hbm>>
      %dma_wait3A_1396 = tpu.memref_squeeze %dma_wait3A_1395 : memref<1x64xf32, #tpu.memory_space<hbm>> -> memref<64xf32, #tpu.memory_space<hbm>>
      tpu.wait_dma2 semaphore(%arg10 : memref<!tpu.dma_semaphore, #tpu.memory_space<semaphore_mem>>) src(%dma_wait3A_1396 : memref<64xf32, #tpu.memory_space<hbm>>) dst(%dma_wait3A_1393 : memref<64xf32, #tpu.memory_space<vmem>>)
      %dma_wait3A_1397 = arith.constant 64 : i32
      %dma_wait3A_1398 = tpu.memref_slice %arg9[%add3A_483, %dma_wait3A_1397] : memref<512x128xf32, #tpu.memory_space<vmem>> -> memref<1x64xf32, #tpu.memory_space<vmem>>
      %dma_wait3A_1399 = tpu.memref_squeeze %dma_wait3A_1398 : memref<1x64xf32, #tpu.memory_space<vmem>> -> memref<64xf32, #tpu.memory_space<vmem>>
      %dma_wait3A_1400 = arith.constant 0 : i32
      %dma_wait3A_1401 = tpu.memref_slice %arg5[%squeeze3A_481, %dma_wait3A_1400] : memref<1000000x64xf32, #tpu.memory_space<hbm>> -> memref<1x64xf32, #tpu.memory_space<hbm>>
      %dma_wait3A_1402 = tpu.memref_squeeze %dma_wait3A_1401 : memref<1x64xf32, #tpu.memory_space<hbm>> -> memref<64xf32, #tpu.memory_space<hbm>>
      %dma_wait3A_1403 = arith.constant 64 : i32
      %dma_wait3A_1404 = tpu.memref_slice %arg9[%add3A_483, %dma_wait3A_1403] : memref<512x128xf32, #tpu.memory_space<vmem>> -> memref<1x64xf32, #tpu.memory_space<vmem>>
      %dma_wait3A_1405 = tpu.memref_squeeze %dma_wait3A_1404 : memref<1x64xf32, #tpu.memory_space<vmem>> -> memref<64xf32, #tpu.memory_space<vmem>>
      %dma_wait3A_1406 = arith.constant 0 : i32
      %dma_wait3A_1407 = tpu.memref_slice %arg5[%squeeze3A_481, %dma_wait3A_1406] : memref<1000000x64xf32, #tpu.memory_space<hbm>> -> memref<1x64xf32, #tpu.memory_space<hbm>>
      %dma_wait3A_1408 = tpu.memref_squeeze %dma_wait3A_1407 : memref<1x64xf32, #tpu.memory_space<hbm>> -> memref<64xf32, #tpu.memory_space<hbm>>
      tpu.wait_dma2 semaphore(%arg10 : memref<!tpu.dma_semaphore, #tpu.memory_space<semaphore_mem>>) src(%dma_wait3A_1408 : memref<64xf32, #tpu.memory_space<hbm>>) dst(%dma_wait3A_1405 : memref<64xf32, #tpu.memory_space<vmem>>)
      %dma_wait3A_1409 = arith.constant 0 : i32
      %dma_wait3A_1410 = tpu.memref_slice %arg9[%add3A_499, %dma_wait3A_1409] : memref<512x128xf32, #tpu.memory_space<vmem>> -> memref<1x64xf32, #tpu.memory_space<vmem>>
      %dma_wait3A_1411 = tpu.memref_squeeze %dma_wait3A_1410 : memref<1x64xf32, #tpu.memory_space<vmem>> -> memref<64xf32, #tpu.memory_space<vmem>>
      %dma_wait3A_1412 = arith.constant 0 : i32
      %dma_wait3A_1413 = tpu.memref_slice %arg4[%squeeze3A_497, %dma_wait3A_1412] : memref<1000000x64xf32, #tpu.memory_space<hbm>> -> memref<1x64xf32, #tpu.memory_space<hbm>>
      %dma_wait3A_1414 = tpu.memref_squeeze %dma_wait3A_1413 : memref<1x64xf32, #tpu.memory_space<hbm>> -> memref<64xf32, #tpu.memory_space<hbm>>
      %dma_wait3A_1415 = arith.constant 0 : i32
      %dma_wait3A_1416 = tpu.memref_slice %arg9[%add3A_499, %dma_wait3A_1415] : memref<512x128xf32, #tpu.memory_space<vmem>> -> memref<1x64xf32, #tpu.memory_space<vmem>>
      %dma_wait3A_1417 = tpu.memref_squeeze %dma_wait3A_1416 : memref<1x64xf32, #tpu.memory_space<vmem>> -> memref<64xf32, #tpu.memory_space<vmem>>
      %dma_wait3A_1418 = arith.constant 0 : i32
      %dma_wait3A_1419 = tpu.memref_slice %arg4[%squeeze3A_497, %dma_wait3A_1418] : memref<1000000x64xf32, #tpu.memory_space<hbm>> -> memref<1x64xf32, #tpu.memory_space<hbm>>
      %dma_wait3A_1420 = tpu.memref_squeeze %dma_wait3A_1419 : memref<1x64xf32, #tpu.memory_space<hbm>> -> memref<64xf32, #tpu.memory_space<hbm>>
      tpu.wait_dma2 semaphore(%arg10 : memref<!tpu.dma_semaphore, #tpu.memory_space<semaphore_mem>>) src(%dma_wait3A_1420 : memref<64xf32, #tpu.memory_space<hbm>>) dst(%dma_wait3A_1417 : memref<64xf32, #tpu.memory_space<vmem>>)
      %dma_wait3A_1421 = arith.constant 64 : i32
      %dma_wait3A_1422 = tpu.memref_slice %arg9[%add3A_515, %dma_wait3A_1421] : memref<512x128xf32, #tpu.memory_space<vmem>> -> memref<1x64xf32, #tpu.memory_space<vmem>>
      %dma_wait3A_1423 = tpu.memref_squeeze %dma_wait3A_1422 : memref<1x64xf32, #tpu.memory_space<vmem>> -> memref<64xf32, #tpu.memory_space<vmem>>
      %dma_wait3A_1424 = arith.constant 0 : i32
      %dma_wait3A_1425 = tpu.memref_slice %arg5[%squeeze3A_513, %dma_wait3A_1424] : memref<1000000x64xf32, #tpu.memory_space<hbm>> -> memref<1x64xf32, #tpu.memory_space<hbm>>
      %dma_wait3A_1426 = tpu.memref_squeeze %dma_wait3A_1425 : memref<1x64xf32, #tpu.memory_space<hbm>> -> memref<64xf32, #tpu.memory_space<hbm>>
      %dma_wait3A_1427 = arith.constant 64 : i32
      %dma_wait3A_1428 = tpu.memref_slice %arg9[%add3A_515, %dma_wait3A_1427] : memref<512x128xf32, #tpu.memory_space<vmem>> -> memref<1x64xf32, #tpu.memory_space<vmem>>
      %dma_wait3A_1429 = tpu.memref_squeeze %dma_wait3A_1428 : memref<1x64xf32, #tpu.memory_space<vmem>> -> memref<64xf32, #tpu.memory_space<vmem>>
      %dma_wait3A_1430 = arith.constant 0 : i32
      %dma_wait3A_1431 = tpu.memref_slice %arg5[%squeeze3A_513, %dma_wait3A_1430] : memref<1000000x64xf32, #tpu.memory_space<hbm>> -> memref<1x64xf32, #tpu.memory_space<hbm>>
      %dma_wait3A_1432 = tpu.memref_squeeze %dma_wait3A_1431 : memref<1x64xf32, #tpu.memory_space<hbm>> -> memref<64xf32, #tpu.memory_space<hbm>>
      tpu.wait_dma2 semaphore(%arg10 : memref<!tpu.dma_semaphore, #tpu.memory_space<semaphore_mem>>) src(%dma_wait3A_1432 : memref<64xf32, #tpu.memory_space<hbm>>) dst(%dma_wait3A_1429 : memref<64xf32, #tpu.memory_space<vmem>>)
      %dma_wait3A_1433 = arith.constant 0 : i32
      %dma_wait3A_1434 = tpu.memref_slice %arg9[%add3A_541, %dma_wait3A_1433] : memref<512x128xf32, #tpu.memory_space<vmem>> -> memref<1x64xf32, #tpu.memory_space<vmem>>
      %dma_wait3A_1435 = tpu.memref_squeeze %dma_wait3A_1434 : memref<1x64xf32, #tpu.memory_space<vmem>> -> memref<64xf32, #tpu.memory_space<vmem>>
      %dma_wait3A_1436 = arith.constant 0 : i32
      %dma_wait3A_1437 = tpu.memref_slice %arg4[%squeeze3A_539, %dma_wait3A_1436] : memref<1000000x64xf32, #tpu.memory_space<hbm>> -> memref<1x64xf32, #tpu.memory_space<hbm>>
      %dma_wait3A_1438 = tpu.memref_squeeze %dma_wait3A_1437 : memref<1x64xf32, #tpu.memory_space<hbm>> -> memref<64xf32, #tpu.memory_space<hbm>>
      %dma_wait3A_1439 = arith.constant 0 : i32
      %dma_wait3A_1440 = tpu.memref_slice %arg9[%add3A_541, %dma_wait3A_1439] : memref<512x128xf32, #tpu.memory_space<vmem>> -> memref<1x64xf32, #tpu.memory_space<vmem>>
      %dma_wait3A_1441 = tpu.memref_squeeze %dma_wait3A_1440 : memref<1x64xf32, #tpu.memory_space<vmem>> -> memref<64xf32, #tpu.memory_space<vmem>>
      %dma_wait3A_1442 = arith.constant 0 : i32
      %dma_wait3A_1443 = tpu.memref_slice %arg4[%squeeze3A_539, %dma_wait3A_1442] : memref<1000000x64xf32, #tpu.memory_space<hbm>> -> memref<1x64xf32, #tpu.memory_space<hbm>>
      %dma_wait3A_1444 = tpu.memref_squeeze %dma_wait3A_1443 : memref<1x64xf32, #tpu.memory_space<hbm>> -> memref<64xf32, #tpu.memory_space<hbm>>
      tpu.wait_dma2 semaphore(%arg10 : memref<!tpu.dma_semaphore, #tpu.memory_space<semaphore_mem>>) src(%dma_wait3A_1444 : memref<64xf32, #tpu.memory_space<hbm>>) dst(%dma_wait3A_1441 : memref<64xf32, #tpu.memory_space<vmem>>)
      %dma_wait3A_1445 = arith.constant 64 : i32
      %dma_wait3A_1446 = tpu.memref_slice %arg9[%add3A_557, %dma_wait3A_1445] : memref<512x128xf32, #tpu.memory_space<vmem>> -> memref<1x64xf32, #tpu.memory_space<vmem>>
      %dma_wait3A_1447 = tpu.memref_squeeze %dma_wait3A_1446 : memref<1x64xf32, #tpu.memory_space<vmem>> -> memref<64xf32, #tpu.memory_space<vmem>>
      %dma_wait3A_1448 = arith.constant 0 : i32
      %dma_wait3A_1449 = tpu.memref_slice %arg5[%squeeze3A_555, %dma_wait3A_1448] : memref<1000000x64xf32, #tpu.memory_space<hbm>> -> memref<1x64xf32, #tpu.memory_space<hbm>>
      %dma_wait3A_1450 = tpu.memref_squeeze %dma_wait3A_1449 : memref<1x64xf32, #tpu.memory_space<hbm>> -> memref<64xf32, #tpu.memory_space<hbm>>
      %dma_wait3A_1451 = arith.constant 64 : i32
      %dma_wait3A_1452 = tpu.memref_slice %arg9[%add3A_557, %dma_wait3A_1451] : memref<512x128xf32, #tpu.memory_space<vmem>> -> memref<1x64xf32, #tpu.memory_space<vmem>>
      %dma_wait3A_1453 = tpu.memref_squeeze %dma_wait3A_1452 : memref<1x64xf32, #tpu.memory_space<vmem>> -> memref<64xf32, #tpu.memory_space<vmem>>
      %dma_wait3A_1454 = arith.constant 0 : i32
      %dma_wait3A_1455 = tpu.memref_slice %arg5[%squeeze3A_555, %dma_wait3A_1454] : memref<1000000x64xf32, #tpu.memory_space<hbm>> -> memref<1x64xf32, #tpu.memory_space<hbm>>
      %dma_wait3A_1456 = tpu.memref_squeeze %dma_wait3A_1455 : memref<1x64xf32, #tpu.memory_space<hbm>> -> memref<64xf32, #tpu.memory_space<hbm>>
      tpu.wait_dma2 semaphore(%arg10 : memref<!tpu.dma_semaphore, #tpu.memory_space<semaphore_mem>>) src(%dma_wait3A_1456 : memref<64xf32, #tpu.memory_space<hbm>>) dst(%dma_wait3A_1453 : memref<64xf32, #tpu.memory_space<vmem>>)
      %dma_wait3A_1457 = arith.constant 0 : i32
      %dma_wait3A_1458 = tpu.memref_slice %arg9[%add3A_573, %dma_wait3A_1457] : memref<512x128xf32, #tpu.memory_space<vmem>> -> memref<1x64xf32, #tpu.memory_space<vmem>>
      %dma_wait3A_1459 = tpu.memref_squeeze %dma_wait3A_1458 : memref<1x64xf32, #tpu.memory_space<vmem>> -> memref<64xf32, #tpu.memory_space<vmem>>
      %dma_wait3A_1460 = arith.constant 0 : i32
      %dma_wait3A_1461 = tpu.memref_slice %arg4[%squeeze3A_571, %dma_wait3A_1460] : memref<1000000x64xf32, #tpu.memory_space<hbm>> -> memref<1x64xf32, #tpu.memory_space<hbm>>
      %dma_wait3A_1462 = tpu.memref_squeeze %dma_wait3A_1461 : memref<1x64xf32, #tpu.memory_space<hbm>> -> memref<64xf32, #tpu.memory_space<hbm>>
      %dma_wait3A_1463 = arith.constant 0 : i32
      %dma_wait3A_1464 = tpu.memref_slice %arg9[%add3A_573, %dma_wait3A_1463] : memref<512x128xf32, #tpu.memory_space<vmem>> -> memref<1x64xf32, #tpu.memory_space<vmem>>
      %dma_wait3A_1465 = tpu.memref_squeeze %dma_wait3A_1464 : memref<1x64xf32, #tpu.memory_space<vmem>> -> memref<64xf32, #tpu.memory_space<vmem>>
      %dma_wait3A_1466 = arith.constant 0 : i32
      %dma_wait3A_1467 = tpu.memref_slice %arg4[%squeeze3A_571, %dma_wait3A_1466] : memref<1000000x64xf32, #tpu.memory_space<hbm>> -> memref<1x64xf32, #tpu.memory_space<hbm>>
      %dma_wait3A_1468 = tpu.memref_squeeze %dma_wait3A_1467 : memref<1x64xf32, #tpu.memory_space<hbm>> -> memref<64xf32, #tpu.memory_space<hbm>>
      tpu.wait_dma2 semaphore(%arg10 : memref<!tpu.dma_semaphore, #tpu.memory_space<semaphore_mem>>) src(%dma_wait3A_1468 : memref<64xf32, #tpu.memory_space<hbm>>) dst(%dma_wait3A_1465 : memref<64xf32, #tpu.memory_space<vmem>>)
      %dma_wait3A_1469 = arith.constant 64 : i32
      %dma_wait3A_1470 = tpu.memref_slice %arg9[%add3A_589, %dma_wait3A_1469] : memref<512x128xf32, #tpu.memory_space<vmem>> -> memref<1x64xf32, #tpu.memory_space<vmem>>
      %dma_wait3A_1471 = tpu.memref_squeeze %dma_wait3A_1470 : memref<1x64xf32, #tpu.memory_space<vmem>> -> memref<64xf32, #tpu.memory_space<vmem>>
      %dma_wait3A_1472 = arith.constant 0 : i32
      %dma_wait3A_1473 = tpu.memref_slice %arg5[%squeeze3A_587, %dma_wait3A_1472] : memref<1000000x64xf32, #tpu.memory_space<hbm>> -> memref<1x64xf32, #tpu.memory_space<hbm>>
      %dma_wait3A_1474 = tpu.memref_squeeze %dma_wait3A_1473 : memref<1x64xf32, #tpu.memory_space<hbm>> -> memref<64xf32, #tpu.memory_space<hbm>>
      %dma_wait3A_1475 = arith.constant 64 : i32
      %dma_wait3A_1476 = tpu.memref_slice %arg9[%add3A_589, %dma_wait3A_1475] : memref<512x128xf32, #tpu.memory_space<vmem>> -> memref<1x64xf32, #tpu.memory_space<vmem>>
      %dma_wait3A_1477 = tpu.memref_squeeze %dma_wait3A_1476 : memref<1x64xf32, #tpu.memory_space<vmem>> -> memref<64xf32, #tpu.memory_space<vmem>>
      %dma_wait3A_1478 = arith.constant 0 : i32
      %dma_wait3A_1479 = tpu.memref_slice %arg5[%squeeze3A_587, %dma_wait3A_1478] : memref<1000000x64xf32, #tpu.memory_space<hbm>> -> memref<1x64xf32, #tpu.memory_space<hbm>>
      %dma_wait3A_1480 = tpu.memref_squeeze %dma_wait3A_1479 : memref<1x64xf32, #tpu.memory_space<hbm>> -> memref<64xf32, #tpu.memory_space<hbm>>
      tpu.wait_dma2 semaphore(%arg10 : memref<!tpu.dma_semaphore, #tpu.memory_space<semaphore_mem>>) src(%dma_wait3A_1480 : memref<64xf32, #tpu.memory_space<hbm>>) dst(%dma_wait3A_1477 : memref<64xf32, #tpu.memory_space<vmem>>)
      %dma_wait3A_1481 = arith.constant 0 : i32
      %dma_wait3A_1482 = tpu.memref_slice %arg9[%add3A_605, %dma_wait3A_1481] : memref<512x128xf32, #tpu.memory_space<vmem>> -> memref<1x64xf32, #tpu.memory_space<vmem>>
      %dma_wait3A_1483 = tpu.memref_squeeze %dma_wait3A_1482 : memref<1x64xf32, #tpu.memory_space<vmem>> -> memref<64xf32, #tpu.memory_space<vmem>>
      %dma_wait3A_1484 = arith.constant 0 : i32
      %dma_wait3A_1485 = tpu.memref_slice %arg4[%squeeze3A_603, %dma_wait3A_1484] : memref<1000000x64xf32, #tpu.memory_space<hbm>> -> memref<1x64xf32, #tpu.memory_space<hbm>>
      %dma_wait3A_1486 = tpu.memref_squeeze %dma_wait3A_1485 : memref<1x64xf32, #tpu.memory_space<hbm>> -> memref<64xf32, #tpu.memory_space<hbm>>
      %dma_wait3A_1487 = arith.constant 0 : i32
      %dma_wait3A_1488 = tpu.memref_slice %arg9[%add3A_605, %dma_wait3A_1487] : memref<512x128xf32, #tpu.memory_space<vmem>> -> memref<1x64xf32, #tpu.memory_space<vmem>>
      %dma_wait3A_1489 = tpu.memref_squeeze %dma_wait3A_1488 : memref<1x64xf32, #tpu.memory_space<vmem>> -> memref<64xf32, #tpu.memory_space<vmem>>
      %dma_wait3A_1490 = arith.constant 0 : i32
      %dma_wait3A_1491 = tpu.memref_slice %arg4[%squeeze3A_603, %dma_wait3A_1490] : memref<1000000x64xf32, #tpu.memory_space<hbm>> -> memref<1x64xf32, #tpu.memory_space<hbm>>
      %dma_wait3A_1492 = tpu.memref_squeeze %dma_wait3A_1491 : memref<1x64xf32, #tpu.memory_space<hbm>> -> memref<64xf32, #tpu.memory_space<hbm>>
      tpu.wait_dma2 semaphore(%arg10 : memref<!tpu.dma_semaphore, #tpu.memory_space<semaphore_mem>>) src(%dma_wait3A_1492 : memref<64xf32, #tpu.memory_space<hbm>>) dst(%dma_wait3A_1489 : memref<64xf32, #tpu.memory_space<vmem>>)
      %dma_wait3A_1493 = arith.constant 64 : i32
      %dma_wait3A_1494 = tpu.memref_slice %arg9[%add3A_621, %dma_wait3A_1493] : memref<512x128xf32, #tpu.memory_space<vmem>> -> memref<1x64xf32, #tpu.memory_space<vmem>>
      %dma_wait3A_1495 = tpu.memref_squeeze %dma_wait3A_1494 : memref<1x64xf32, #tpu.memory_space<vmem>> -> memref<64xf32, #tpu.memory_space<vmem>>
      %dma_wait3A_1496 = arith.constant 0 : i32
      %dma_wait3A_1497 = tpu.memref_slice %arg5[%squeeze3A_619, %dma_wait3A_1496] : memref<1000000x64xf32, #tpu.memory_space<hbm>> -> memref<1x64xf32, #tpu.memory_space<hbm>>
      %dma_wait3A_1498 = tpu.memref_squeeze %dma_wait3A_1497 : memref<1x64xf32, #tpu.memory_space<hbm>> -> memref<64xf32, #tpu.memory_space<hbm>>
      %dma_wait3A_1499 = arith.constant 64 : i32
      %dma_wait3A_1500 = tpu.memref_slice %arg9[%add3A_621, %dma_wait3A_1499] : memref<512x128xf32, #tpu.memory_space<vmem>> -> memref<1x64xf32, #tpu.memory_space<vmem>>
      %dma_wait3A_1501 = tpu.memref_squeeze %dma_wait3A_1500 : memref<1x64xf32, #tpu.memory_space<vmem>> -> memref<64xf32, #tpu.memory_space<vmem>>
      %dma_wait3A_1502 = arith.constant 0 : i32
      %dma_wait3A_1503 = tpu.memref_slice %arg5[%squeeze3A_619, %dma_wait3A_1502] : memref<1000000x64xf32, #tpu.memory_space<hbm>> -> memref<1x64xf32, #tpu.memory_space<hbm>>
      %dma_wait3A_1504 = tpu.memref_squeeze %dma_wait3A_1503 : memref<1x64xf32, #tpu.memory_space<hbm>> -> memref<64xf32, #tpu.memory_space<hbm>>
      tpu.wait_dma2 semaphore(%arg10 : memref<!tpu.dma_semaphore, #tpu.memory_space<semaphore_mem>>) src(%dma_wait3A_1504 : memref<64xf32, #tpu.memory_space<hbm>>) dst(%dma_wait3A_1501 : memref<64xf32, #tpu.memory_space<vmem>>)
      %dma_wait3A_1505 = arith.constant 0 : i32
      %dma_wait3A_1506 = tpu.memref_slice %arg9[%add3A_637, %dma_wait3A_1505] : memref<512x128xf32, #tpu.memory_space<vmem>> -> memref<1x64xf32, #tpu.memory_space<vmem>>
      %dma_wait3A_1507 = tpu.memref_squeeze %dma_wait3A_1506 : memref<1x64xf32, #tpu.memory_space<vmem>> -> memref<64xf32, #tpu.memory_space<vmem>>
      %dma_wait3A_1508 = arith.constant 0 : i32
      %dma_wait3A_1509 = tpu.memref_slice %arg4[%squeeze3A_635, %dma_wait3A_1508] : memref<1000000x64xf32, #tpu.memory_space<hbm>> -> memref<1x64xf32, #tpu.memory_space<hbm>>
      %dma_wait3A_1510 = tpu.memref_squeeze %dma_wait3A_1509 : memref<1x64xf32, #tpu.memory_space<hbm>> -> memref<64xf32, #tpu.memory_space<hbm>>
      %dma_wait3A_1511 = arith.constant 0 : i32
      %dma_wait3A_1512 = tpu.memref_slice %arg9[%add3A_637, %dma_wait3A_1511] : memref<512x128xf32, #tpu.memory_space<vmem>> -> memref<1x64xf32, #tpu.memory_space<vmem>>
      %dma_wait3A_1513 = tpu.memref_squeeze %dma_wait3A_1512 : memref<1x64xf32, #tpu.memory_space<vmem>> -> memref<64xf32, #tpu.memory_space<vmem>>
      %dma_wait3A_1514 = arith.constant 0 : i32
      %dma_wait3A_1515 = tpu.memref_slice %arg4[%squeeze3A_635, %dma_wait3A_1514] : memref<1000000x64xf32, #tpu.memory_space<hbm>> -> memref<1x64xf32, #tpu.memory_space<hbm>>
      %dma_wait3A_1516 = tpu.memref_squeeze %dma_wait3A_1515 : memref<1x64xf32, #tpu.memory_space<hbm>> -> memref<64xf32, #tpu.memory_space<hbm>>
      tpu.wait_dma2 semaphore(%arg10 : memref<!tpu.dma_semaphore, #tpu.memory_space<semaphore_mem>>) src(%dma_wait3A_1516 : memref<64xf32, #tpu.memory_space<hbm>>) dst(%dma_wait3A_1513 : memref<64xf32, #tpu.memory_space<vmem>>)
      %dma_wait3A_1517 = arith.constant 64 : i32
      %dma_wait3A_1518 = tpu.memref_slice %arg9[%add3A_653, %dma_wait3A_1517] : memref<512x128xf32, #tpu.memory_space<vmem>> -> memref<1x64xf32, #tpu.memory_space<vmem>>
      %dma_wait3A_1519 = tpu.memref_squeeze %dma_wait3A_1518 : memref<1x64xf32, #tpu.memory_space<vmem>> -> memref<64xf32, #tpu.memory_space<vmem>>
      %dma_wait3A_1520 = arith.constant 0 : i32
      %dma_wait3A_1521 = tpu.memref_slice %arg5[%squeeze3A_651, %dma_wait3A_1520] : memref<1000000x64xf32, #tpu.memory_space<hbm>> -> memref<1x64xf32, #tpu.memory_space<hbm>>
      %dma_wait3A_1522 = tpu.memref_squeeze %dma_wait3A_1521 : memref<1x64xf32, #tpu.memory_space<hbm>> -> memref<64xf32, #tpu.memory_space<hbm>>
      %dma_wait3A_1523 = arith.constant 64 : i32
      %dma_wait3A_1524 = tpu.memref_slice %arg9[%add3A_653, %dma_wait3A_1523] : memref<512x128xf32, #tpu.memory_space<vmem>> -> memref<1x64xf32, #tpu.memory_space<vmem>>
      %dma_wait3A_1525 = tpu.memref_squeeze %dma_wait3A_1524 : memref<1x64xf32, #tpu.memory_space<vmem>> -> memref<64xf32, #tpu.memory_space<vmem>>
      %dma_wait3A_1526 = arith.constant 0 : i32
      %dma_wait3A_1527 = tpu.memref_slice %arg5[%squeeze3A_651, %dma_wait3A_1526] : memref<1000000x64xf32, #tpu.memory_space<hbm>> -> memref<1x64xf32, #tpu.memory_space<hbm>>
      %dma_wait3A_1528 = tpu.memref_squeeze %dma_wait3A_1527 : memref<1x64xf32, #tpu.memory_space<hbm>> -> memref<64xf32, #tpu.memory_space<hbm>>
      tpu.wait_dma2 semaphore(%arg10 : memref<!tpu.dma_semaphore, #tpu.memory_space<semaphore_mem>>) src(%dma_wait3A_1528 : memref<64xf32, #tpu.memory_space<hbm>>) dst(%dma_wait3A_1525 : memref<64xf32, #tpu.memory_space<vmem>>)
      %dma_wait3A_1529 = arith.constant 0 : i32
      %dma_wait3A_1530 = tpu.memref_slice %arg9[%add3A_669, %dma_wait3A_1529] : memref<512x128xf32, #tpu.memory_space<vmem>> -> memref<1x64xf32, #tpu.memory_space<vmem>>
      %dma_wait3A_1531 = tpu.memref_squeeze %dma_wait3A_1530 : memref<1x64xf32, #tpu.memory_space<vmem>> -> memref<64xf32, #tpu.memory_space<vmem>>
      %dma_wait3A_1532 = arith.constant 0 : i32
      %dma_wait3A_1533 = tpu.memref_slice %arg4[%squeeze3A_667, %dma_wait3A_1532] : memref<1000000x64xf32, #tpu.memory_space<hbm>> -> memref<1x64xf32, #tpu.memory_space<hbm>>
      %dma_wait3A_1534 = tpu.memref_squeeze %dma_wait3A_1533 : memref<1x64xf32, #tpu.memory_space<hbm>> -> memref<64xf32, #tpu.memory_space<hbm>>
      %dma_wait3A_1535 = arith.constant 0 : i32
      %dma_wait3A_1536 = tpu.memref_slice %arg9[%add3A_669, %dma_wait3A_1535] : memref<512x128xf32, #tpu.memory_space<vmem>> -> memref<1x64xf32, #tpu.memory_space<vmem>>
      %dma_wait3A_1537 = tpu.memref_squeeze %dma_wait3A_1536 : memref<1x64xf32, #tpu.memory_space<vmem>> -> memref<64xf32, #tpu.memory_space<vmem>>
      %dma_wait3A_1538 = arith.constant 0 : i32
      %dma_wait3A_1539 = tpu.memref_slice %arg4[%squeeze3A_667, %dma_wait3A_1538] : memref<1000000x64xf32, #tpu.memory_space<hbm>> -> memref<1x64xf32, #tpu.memory_space<hbm>>
      %dma_wait3A_1540 = tpu.memref_squeeze %dma_wait3A_1539 : memref<1x64xf32, #tpu.memory_space<hbm>> -> memref<64xf32, #tpu.memory_space<hbm>>
      tpu.wait_dma2 semaphore(%arg10 : memref<!tpu.dma_semaphore, #tpu.memory_space<semaphore_mem>>) src(%dma_wait3A_1540 : memref<64xf32, #tpu.memory_space<hbm>>) dst(%dma_wait3A_1537 : memref<64xf32, #tpu.memory_space<vmem>>)
      %dma_wait3A_1541 = arith.constant 64 : i32
      %dma_wait3A_1542 = tpu.memref_slice %arg9[%add3A_685, %dma_wait3A_1541] : memref<512x128xf32, #tpu.memory_space<vmem>> -> memref<1x64xf32, #tpu.memory_space<vmem>>
      %dma_wait3A_1543 = tpu.memref_squeeze %dma_wait3A_1542 : memref<1x64xf32, #tpu.memory_space<vmem>> -> memref<64xf32, #tpu.memory_space<vmem>>
      %dma_wait3A_1544 = arith.constant 0 : i32
      %dma_wait3A_1545 = tpu.memref_slice %arg5[%squeeze3A_683, %dma_wait3A_1544] : memref<1000000x64xf32, #tpu.memory_space<hbm>> -> memref<1x64xf32, #tpu.memory_space<hbm>>
      %dma_wait3A_1546 = tpu.memref_squeeze %dma_wait3A_1545 : memref<1x64xf32, #tpu.memory_space<hbm>> -> memref<64xf32, #tpu.memory_space<hbm>>
      %dma_wait3A_1547 = arith.constant 64 : i32
      %dma_wait3A_1548 = tpu.memref_slice %arg9[%add3A_685, %dma_wait3A_1547] : memref<512x128xf32, #tpu.memory_space<vmem>> -> memref<1x64xf32, #tpu.memory_space<vmem>>
      %dma_wait3A_1549 = tpu.memref_squeeze %dma_wait3A_1548 : memref<1x64xf32, #tpu.memory_space<vmem>> -> memref<64xf32, #tpu.memory_space<vmem>>
      %dma_wait3A_1550 = arith.constant 0 : i32
      %dma_wait3A_1551 = tpu.memref_slice %arg5[%squeeze3A_683, %dma_wait3A_1550] : memref<1000000x64xf32, #tpu.memory_space<hbm>> -> memref<1x64xf32, #tpu.memory_space<hbm>>
      %dma_wait3A_1552 = tpu.memref_squeeze %dma_wait3A_1551 : memref<1x64xf32, #tpu.memory_space<hbm>> -> memref<64xf32, #tpu.memory_space<hbm>>
      tpu.wait_dma2 semaphore(%arg10 : memref<!tpu.dma_semaphore, #tpu.memory_space<semaphore_mem>>) src(%dma_wait3A_1552 : memref<64xf32, #tpu.memory_space<hbm>>) dst(%dma_wait3A_1549 : memref<64xf32, #tpu.memory_space<vmem>>)
      %dma_wait3A_1553 = arith.constant 0 : i32
      %dma_wait3A_1554 = tpu.memref_slice %arg9[%add3A_701, %dma_wait3A_1553] : memref<512x128xf32, #tpu.memory_space<vmem>> -> memref<1x64xf32, #tpu.memory_space<vmem>>
      %dma_wait3A_1555 = tpu.memref_squeeze %dma_wait3A_1554 : memref<1x64xf32, #tpu.memory_space<vmem>> -> memref<64xf32, #tpu.memory_space<vmem>>
      %dma_wait3A_1556 = arith.constant 0 : i32
      %dma_wait3A_1557 = tpu.memref_slice %arg4[%squeeze3A_699, %dma_wait3A_1556] : memref<1000000x64xf32, #tpu.memory_space<hbm>> -> memref<1x64xf32, #tpu.memory_space<hbm>>
      %dma_wait3A_1558 = tpu.memref_squeeze %dma_wait3A_1557 : memref<1x64xf32, #tpu.memory_space<hbm>> -> memref<64xf32, #tpu.memory_space<hbm>>
      %dma_wait3A_1559 = arith.constant 0 : i32
      %dma_wait3A_1560 = tpu.memref_slice %arg9[%add3A_701, %dma_wait3A_1559] : memref<512x128xf32, #tpu.memory_space<vmem>> -> memref<1x64xf32, #tpu.memory_space<vmem>>
      %dma_wait3A_1561 = tpu.memref_squeeze %dma_wait3A_1560 : memref<1x64xf32, #tpu.memory_space<vmem>> -> memref<64xf32, #tpu.memory_space<vmem>>
      %dma_wait3A_1562 = arith.constant 0 : i32
      %dma_wait3A_1563 = tpu.memref_slice %arg4[%squeeze3A_699, %dma_wait3A_1562] : memref<1000000x64xf32, #tpu.memory_space<hbm>> -> memref<1x64xf32, #tpu.memory_space<hbm>>
      %dma_wait3A_1564 = tpu.memref_squeeze %dma_wait3A_1563 : memref<1x64xf32, #tpu.memory_space<hbm>> -> memref<64xf32, #tpu.memory_space<hbm>>
      tpu.wait_dma2 semaphore(%arg10 : memref<!tpu.dma_semaphore, #tpu.memory_space<semaphore_mem>>) src(%dma_wait3A_1564 : memref<64xf32, #tpu.memory_space<hbm>>) dst(%dma_wait3A_1561 : memref<64xf32, #tpu.memory_space<vmem>>)
      %dma_wait3A_1565 = arith.constant 64 : i32
      %dma_wait3A_1566 = tpu.memref_slice %arg9[%add3A_717, %dma_wait3A_1565] : memref<512x128xf32, #tpu.memory_space<vmem>> -> memref<1x64xf32, #tpu.memory_space<vmem>>
      %dma_wait3A_1567 = tpu.memref_squeeze %dma_wait3A_1566 : memref<1x64xf32, #tpu.memory_space<vmem>> -> memref<64xf32, #tpu.memory_space<vmem>>
      %dma_wait3A_1568 = arith.constant 0 : i32
      %dma_wait3A_1569 = tpu.memref_slice %arg5[%squeeze3A_715, %dma_wait3A_1568] : memref<1000000x64xf32, #tpu.memory_space<hbm>> -> memref<1x64xf32, #tpu.memory_space<hbm>>
      %dma_wait3A_1570 = tpu.memref_squeeze %dma_wait3A_1569 : memref<1x64xf32, #tpu.memory_space<hbm>> -> memref<64xf32, #tpu.memory_space<hbm>>
      %dma_wait3A_1571 = arith.constant 64 : i32
      %dma_wait3A_1572 = tpu.memref_slice %arg9[%add3A_717, %dma_wait3A_1571] : memref<512x128xf32, #tpu.memory_space<vmem>> -> memref<1x64xf32, #tpu.memory_space<vmem>>
      %dma_wait3A_1573 = tpu.memref_squeeze %dma_wait3A_1572 : memref<1x64xf32, #tpu.memory_space<vmem>> -> memref<64xf32, #tpu.memory_space<vmem>>
      %dma_wait3A_1574 = arith.constant 0 : i32
      %dma_wait3A_1575 = tpu.memref_slice %arg5[%squeeze3A_715, %dma_wait3A_1574] : memref<1000000x64xf32, #tpu.memory_space<hbm>> -> memref<1x64xf32, #tpu.memory_space<hbm>>
      %dma_wait3A_1576 = tpu.memref_squeeze %dma_wait3A_1575 : memref<1x64xf32, #tpu.memory_space<hbm>> -> memref<64xf32, #tpu.memory_space<hbm>>
      tpu.wait_dma2 semaphore(%arg10 : memref<!tpu.dma_semaphore, #tpu.memory_space<semaphore_mem>>) src(%dma_wait3A_1576 : memref<64xf32, #tpu.memory_space<hbm>>) dst(%dma_wait3A_1573 : memref<64xf32, #tpu.memory_space<vmem>>)
      %dma_wait3A_1577 = arith.constant 0 : i32
      %dma_wait3A_1578 = tpu.memref_slice %arg9[%add3A_733, %dma_wait3A_1577] : memref<512x128xf32, #tpu.memory_space<vmem>> -> memref<1x64xf32, #tpu.memory_space<vmem>>
      %dma_wait3A_1579 = tpu.memref_squeeze %dma_wait3A_1578 : memref<1x64xf32, #tpu.memory_space<vmem>> -> memref<64xf32, #tpu.memory_space<vmem>>
      %dma_wait3A_1580 = arith.constant 0 : i32
      %dma_wait3A_1581 = tpu.memref_slice %arg4[%squeeze3A_731, %dma_wait3A_1580] : memref<1000000x64xf32, #tpu.memory_space<hbm>> -> memref<1x64xf32, #tpu.memory_space<hbm>>
      %dma_wait3A_1582 = tpu.memref_squeeze %dma_wait3A_1581 : memref<1x64xf32, #tpu.memory_space<hbm>> -> memref<64xf32, #tpu.memory_space<hbm>>
      %dma_wait3A_1583 = arith.constant 0 : i32
      %dma_wait3A_1584 = tpu.memref_slice %arg9[%add3A_733, %dma_wait3A_1583] : memref<512x128xf32, #tpu.memory_space<vmem>> -> memref<1x64xf32, #tpu.memory_space<vmem>>
      %dma_wait3A_1585 = tpu.memref_squeeze %dma_wait3A_1584 : memref<1x64xf32, #tpu.memory_space<vmem>> -> memref<64xf32, #tpu.memory_space<vmem>>
      %dma_wait3A_1586 = arith.constant 0 : i32
      %dma_wait3A_1587 = tpu.memref_slice %arg4[%squeeze3A_731, %dma_wait3A_1586] : memref<1000000x64xf32, #tpu.memory_space<hbm>> -> memref<1x64xf32, #tpu.memory_space<hbm>>
      %dma_wait3A_1588 = tpu.memref_squeeze %dma_wait3A_1587 : memref<1x64xf32, #tpu.memory_space<hbm>> -> memref<64xf32, #tpu.memory_space<hbm>>
      tpu.wait_dma2 semaphore(%arg10 : memref<!tpu.dma_semaphore, #tpu.memory_space<semaphore_mem>>) src(%dma_wait3A_1588 : memref<64xf32, #tpu.memory_space<hbm>>) dst(%dma_wait3A_1585 : memref<64xf32, #tpu.memory_space<vmem>>)
      %dma_wait3A_1589 = arith.constant 64 : i32
      %dma_wait3A_1590 = tpu.memref_slice %arg9[%add3A_749, %dma_wait3A_1589] : memref<512x128xf32, #tpu.memory_space<vmem>> -> memref<1x64xf32, #tpu.memory_space<vmem>>
      %dma_wait3A_1591 = tpu.memref_squeeze %dma_wait3A_1590 : memref<1x64xf32, #tpu.memory_space<vmem>> -> memref<64xf32, #tpu.memory_space<vmem>>
      %dma_wait3A_1592 = arith.constant 0 : i32
      %dma_wait3A_1593 = tpu.memref_slice %arg5[%squeeze3A_747, %dma_wait3A_1592] : memref<1000000x64xf32, #tpu.memory_space<hbm>> -> memref<1x64xf32, #tpu.memory_space<hbm>>
      %dma_wait3A_1594 = tpu.memref_squeeze %dma_wait3A_1593 : memref<1x64xf32, #tpu.memory_space<hbm>> -> memref<64xf32, #tpu.memory_space<hbm>>
      %dma_wait3A_1595 = arith.constant 64 : i32
      %dma_wait3A_1596 = tpu.memref_slice %arg9[%add3A_749, %dma_wait3A_1595] : memref<512x128xf32, #tpu.memory_space<vmem>> -> memref<1x64xf32, #tpu.memory_space<vmem>>
      %dma_wait3A_1597 = tpu.memref_squeeze %dma_wait3A_1596 : memref<1x64xf32, #tpu.memory_space<vmem>> -> memref<64xf32, #tpu.memory_space<vmem>>
      %dma_wait3A_1598 = arith.constant 0 : i32
      %dma_wait3A_1599 = tpu.memref_slice %arg5[%squeeze3A_747, %dma_wait3A_1598] : memref<1000000x64xf32, #tpu.memory_space<hbm>> -> memref<1x64xf32, #tpu.memory_space<hbm>>
      %dma_wait3A_1600 = tpu.memref_squeeze %dma_wait3A_1599 : memref<1x64xf32, #tpu.memory_space<hbm>> -> memref<64xf32, #tpu.memory_space<hbm>>
      tpu.wait_dma2 semaphore(%arg10 : memref<!tpu.dma_semaphore, #tpu.memory_space<semaphore_mem>>) src(%dma_wait3A_1600 : memref<64xf32, #tpu.memory_space<hbm>>) dst(%dma_wait3A_1597 : memref<64xf32, #tpu.memory_space<vmem>>)
      %dma_wait3A_1601 = arith.constant 0 : i32
      %dma_wait3A_1602 = tpu.memref_slice %arg9[%add3A_765, %dma_wait3A_1601] : memref<512x128xf32, #tpu.memory_space<vmem>> -> memref<1x64xf32, #tpu.memory_space<vmem>>
      %dma_wait3A_1603 = tpu.memref_squeeze %dma_wait3A_1602 : memref<1x64xf32, #tpu.memory_space<vmem>> -> memref<64xf32, #tpu.memory_space<vmem>>
      %dma_wait3A_1604 = arith.constant 0 : i32
      %dma_wait3A_1605 = tpu.memref_slice %arg4[%squeeze3A_763, %dma_wait3A_1604] : memref<1000000x64xf32, #tpu.memory_space<hbm>> -> memref<1x64xf32, #tpu.memory_space<hbm>>
      %dma_wait3A_1606 = tpu.memref_squeeze %dma_wait3A_1605 : memref<1x64xf32, #tpu.memory_space<hbm>> -> memref<64xf32, #tpu.memory_space<hbm>>
      %dma_wait3A_1607 = arith.constant 0 : i32
      %dma_wait3A_1608 = tpu.memref_slice %arg9[%add3A_765, %dma_wait3A_1607] : memref<512x128xf32, #tpu.memory_space<vmem>> -> memref<1x64xf32, #tpu.memory_space<vmem>>
      %dma_wait3A_1609 = tpu.memref_squeeze %dma_wait3A_1608 : memref<1x64xf32, #tpu.memory_space<vmem>> -> memref<64xf32, #tpu.memory_space<vmem>>
      %dma_wait3A_1610 = arith.constant 0 : i32
      %dma_wait3A_1611 = tpu.memref_slice %arg4[%squeeze3A_763, %dma_wait3A_1610] : memref<1000000x64xf32, #tpu.memory_space<hbm>> -> memref<1x64xf32, #tpu.memory_space<hbm>>
      %dma_wait3A_1612 = tpu.memref_squeeze %dma_wait3A_1611 : memref<1x64xf32, #tpu.memory_space<hbm>> -> memref<64xf32, #tpu.memory_space<hbm>>
      tpu.wait_dma2 semaphore(%arg10 : memref<!tpu.dma_semaphore, #tpu.memory_space<semaphore_mem>>) src(%dma_wait3A_1612 : memref<64xf32, #tpu.memory_space<hbm>>) dst(%dma_wait3A_1609 : memref<64xf32, #tpu.memory_space<vmem>>)
      %dma_wait3A_1613 = arith.constant 64 : i32
      %dma_wait3A_1614 = tpu.memref_slice %arg9[%add3A_781, %dma_wait3A_1613] : memref<512x128xf32, #tpu.memory_space<vmem>> -> memref<1x64xf32, #tpu.memory_space<vmem>>
      %dma_wait3A_1615 = tpu.memref_squeeze %dma_wait3A_1614 : memref<1x64xf32, #tpu.memory_space<vmem>> -> memref<64xf32, #tpu.memory_space<vmem>>
      %dma_wait3A_1616 = arith.constant 0 : i32
      %dma_wait3A_1617 = tpu.memref_slice %arg5[%squeeze3A_779, %dma_wait3A_1616] : memref<1000000x64xf32, #tpu.memory_space<hbm>> -> memref<1x64xf32, #tpu.memory_space<hbm>>
      %dma_wait3A_1618 = tpu.memref_squeeze %dma_wait3A_1617 : memref<1x64xf32, #tpu.memory_space<hbm>> -> memref<64xf32, #tpu.memory_space<hbm>>
      %dma_wait3A_1619 = arith.constant 64 : i32
      %dma_wait3A_1620 = tpu.memref_slice %arg9[%add3A_781, %dma_wait3A_1619] : memref<512x128xf32, #tpu.memory_space<vmem>> -> memref<1x64xf32, #tpu.memory_space<vmem>>
      %dma_wait3A_1621 = tpu.memref_squeeze %dma_wait3A_1620 : memref<1x64xf32, #tpu.memory_space<vmem>> -> memref<64xf32, #tpu.memory_space<vmem>>
      %dma_wait3A_1622 = arith.constant 0 : i32
      %dma_wait3A_1623 = tpu.memref_slice %arg5[%squeeze3A_779, %dma_wait3A_1622] : memref<1000000x64xf32, #tpu.memory_space<hbm>> -> memref<1x64xf32, #tpu.memory_space<hbm>>
      %dma_wait3A_1624 = tpu.memref_squeeze %dma_wait3A_1623 : memref<1x64xf32, #tpu.memory_space<hbm>> -> memref<64xf32, #tpu.memory_space<hbm>>
      tpu.wait_dma2 semaphore(%arg10 : memref<!tpu.dma_semaphore, #tpu.memory_space<semaphore_mem>>) src(%dma_wait3A_1624 : memref<64xf32, #tpu.memory_space<hbm>>) dst(%dma_wait3A_1621 : memref<64xf32, #tpu.memory_space<vmem>>)
      %dma_wait3A_1625 = arith.constant 0 : i32
      %dma_wait3A_1626 = tpu.memref_slice %arg9[%add3A_797, %dma_wait3A_1625] : memref<512x128xf32, #tpu.memory_space<vmem>> -> memref<1x64xf32, #tpu.memory_space<vmem>>
      %dma_wait3A_1627 = tpu.memref_squeeze %dma_wait3A_1626 : memref<1x64xf32, #tpu.memory_space<vmem>> -> memref<64xf32, #tpu.memory_space<vmem>>
      %dma_wait3A_1628 = arith.constant 0 : i32
      %dma_wait3A_1629 = tpu.memref_slice %arg4[%squeeze3A_795, %dma_wait3A_1628] : memref<1000000x64xf32, #tpu.memory_space<hbm>> -> memref<1x64xf32, #tpu.memory_space<hbm>>
      %dma_wait3A_1630 = tpu.memref_squeeze %dma_wait3A_1629 : memref<1x64xf32, #tpu.memory_space<hbm>> -> memref<64xf32, #tpu.memory_space<hbm>>
      %dma_wait3A_1631 = arith.constant 0 : i32
      %dma_wait3A_1632 = tpu.memref_slice %arg9[%add3A_797, %dma_wait3A_1631] : memref<512x128xf32, #tpu.memory_space<vmem>> -> memref<1x64xf32, #tpu.memory_space<vmem>>
      %dma_wait3A_1633 = tpu.memref_squeeze %dma_wait3A_1632 : memref<1x64xf32, #tpu.memory_space<vmem>> -> memref<64xf32, #tpu.memory_space<vmem>>
      %dma_wait3A_1634 = arith.constant 0 : i32
      %dma_wait3A_1635 = tpu.memref_slice %arg4[%squeeze3A_795, %dma_wait3A_1634] : memref<1000000x64xf32, #tpu.memory_space<hbm>> -> memref<1x64xf32, #tpu.memory_space<hbm>>
      %dma_wait3A_1636 = tpu.memref_squeeze %dma_wait3A_1635 : memref<1x64xf32, #tpu.memory_space<hbm>> -> memref<64xf32, #tpu.memory_space<hbm>>
      tpu.wait_dma2 semaphore(%arg10 : memref<!tpu.dma_semaphore, #tpu.memory_space<semaphore_mem>>) src(%dma_wait3A_1636 : memref<64xf32, #tpu.memory_space<hbm>>) dst(%dma_wait3A_1633 : memref<64xf32, #tpu.memory_space<vmem>>)
      %dma_wait3A_1637 = arith.constant 64 : i32
      %dma_wait3A_1638 = tpu.memref_slice %arg9[%add3A_813, %dma_wait3A_1637] : memref<512x128xf32, #tpu.memory_space<vmem>> -> memref<1x64xf32, #tpu.memory_space<vmem>>
      %dma_wait3A_1639 = tpu.memref_squeeze %dma_wait3A_1638 : memref<1x64xf32, #tpu.memory_space<vmem>> -> memref<64xf32, #tpu.memory_space<vmem>>
      %dma_wait3A_1640 = arith.constant 0 : i32
      %dma_wait3A_1641 = tpu.memref_slice %arg5[%squeeze3A_811, %dma_wait3A_1640] : memref<1000000x64xf32, #tpu.memory_space<hbm>> -> memref<1x64xf32, #tpu.memory_space<hbm>>
      %dma_wait3A_1642 = tpu.memref_squeeze %dma_wait3A_1641 : memref<1x64xf32, #tpu.memory_space<hbm>> -> memref<64xf32, #tpu.memory_space<hbm>>
      %dma_wait3A_1643 = arith.constant 64 : i32
      %dma_wait3A_1644 = tpu.memref_slice %arg9[%add3A_813, %dma_wait3A_1643] : memref<512x128xf32, #tpu.memory_space<vmem>> -> memref<1x64xf32, #tpu.memory_space<vmem>>
      %dma_wait3A_1645 = tpu.memref_squeeze %dma_wait3A_1644 : memref<1x64xf32, #tpu.memory_space<vmem>> -> memref<64xf32, #tpu.memory_space<vmem>>
      %dma_wait3A_1646 = arith.constant 0 : i32
      %dma_wait3A_1647 = tpu.memref_slice %arg5[%squeeze3A_811, %dma_wait3A_1646] : memref<1000000x64xf32, #tpu.memory_space<hbm>> -> memref<1x64xf32, #tpu.memory_space<hbm>>
      %dma_wait3A_1648 = tpu.memref_squeeze %dma_wait3A_1647 : memref<1x64xf32, #tpu.memory_space<hbm>> -> memref<64xf32, #tpu.memory_space<hbm>>
      tpu.wait_dma2 semaphore(%arg10 : memref<!tpu.dma_semaphore, #tpu.memory_space<semaphore_mem>>) src(%dma_wait3A_1648 : memref<64xf32, #tpu.memory_space<hbm>>) dst(%dma_wait3A_1645 : memref<64xf32, #tpu.memory_space<vmem>>)
      %dma_wait3A_1649 = arith.constant 0 : i32
      %dma_wait3A_1650 = tpu.memref_slice %arg9[%add3A_829, %dma_wait3A_1649] : memref<512x128xf32, #tpu.memory_space<vmem>> -> memref<1x64xf32, #tpu.memory_space<vmem>>
      %dma_wait3A_1651 = tpu.memref_squeeze %dma_wait3A_1650 : memref<1x64xf32, #tpu.memory_space<vmem>> -> memref<64xf32, #tpu.memory_space<vmem>>
      %dma_wait3A_1652 = arith.constant 0 : i32
      %dma_wait3A_1653 = tpu.memref_slice %arg4[%squeeze3A_827, %dma_wait3A_1652] : memref<1000000x64xf32, #tpu.memory_space<hbm>> -> memref<1x64xf32, #tpu.memory_space<hbm>>
      %dma_wait3A_1654 = tpu.memref_squeeze %dma_wait3A_1653 : memref<1x64xf32, #tpu.memory_space<hbm>> -> memref<64xf32, #tpu.memory_space<hbm>>
      %dma_wait3A_1655 = arith.constant 0 : i32
      %dma_wait3A_1656 = tpu.memref_slice %arg9[%add3A_829, %dma_wait3A_1655] : memref<512x128xf32, #tpu.memory_space<vmem>> -> memref<1x64xf32, #tpu.memory_space<vmem>>
      %dma_wait3A_1657 = tpu.memref_squeeze %dma_wait3A_1656 : memref<1x64xf32, #tpu.memory_space<vmem>> -> memref<64xf32, #tpu.memory_space<vmem>>
      %dma_wait3A_1658 = arith.constant 0 : i32
      %dma_wait3A_1659 = tpu.memref_slice %arg4[%squeeze3A_827, %dma_wait3A_1658] : memref<1000000x64xf32, #tpu.memory_space<hbm>> -> memref<1x64xf32, #tpu.memory_space<hbm>>
      %dma_wait3A_1660 = tpu.memref_squeeze %dma_wait3A_1659 : memref<1x64xf32, #tpu.memory_space<hbm>> -> memref<64xf32, #tpu.memory_space<hbm>>
      tpu.wait_dma2 semaphore(%arg10 : memref<!tpu.dma_semaphore, #tpu.memory_space<semaphore_mem>>) src(%dma_wait3A_1660 : memref<64xf32, #tpu.memory_space<hbm>>) dst(%dma_wait3A_1657 : memref<64xf32, #tpu.memory_space<vmem>>)
      %dma_wait3A_1661 = arith.constant 64 : i32
      %dma_wait3A_1662 = tpu.memref_slice %arg9[%add3A_845, %dma_wait3A_1661] : memref<512x128xf32, #tpu.memory_space<vmem>> -> memref<1x64xf32, #tpu.memory_space<vmem>>
      %dma_wait3A_1663 = tpu.memref_squeeze %dma_wait3A_1662 : memref<1x64xf32, #tpu.memory_space<vmem>> -> memref<64xf32, #tpu.memory_space<vmem>>
      %dma_wait3A_1664 = arith.constant 0 : i32
      %dma_wait3A_1665 = tpu.memref_slice %arg5[%squeeze3A_843, %dma_wait3A_1664] : memref<1000000x64xf32, #tpu.memory_space<hbm>> -> memref<1x64xf32, #tpu.memory_space<hbm>>
      %dma_wait3A_1666 = tpu.memref_squeeze %dma_wait3A_1665 : memref<1x64xf32, #tpu.memory_space<hbm>> -> memref<64xf32, #tpu.memory_space<hbm>>
      %dma_wait3A_1667 = arith.constant 64 : i32
      %dma_wait3A_1668 = tpu.memref_slice %arg9[%add3A_845, %dma_wait3A_1667] : memref<512x128xf32, #tpu.memory_space<vmem>> -> memref<1x64xf32, #tpu.memory_space<vmem>>
      %dma_wait3A_1669 = tpu.memref_squeeze %dma_wait3A_1668 : memref<1x64xf32, #tpu.memory_space<vmem>> -> memref<64xf32, #tpu.memory_space<vmem>>
      %dma_wait3A_1670 = arith.constant 0 : i32
      %dma_wait3A_1671 = tpu.memref_slice %arg5[%squeeze3A_843, %dma_wait3A_1670] : memref<1000000x64xf32, #tpu.memory_space<hbm>> -> memref<1x64xf32, #tpu.memory_space<hbm>>
      %dma_wait3A_1672 = tpu.memref_squeeze %dma_wait3A_1671 : memref<1x64xf32, #tpu.memory_space<hbm>> -> memref<64xf32, #tpu.memory_space<hbm>>
      tpu.wait_dma2 semaphore(%arg10 : memref<!tpu.dma_semaphore, #tpu.memory_space<semaphore_mem>>) src(%dma_wait3A_1672 : memref<64xf32, #tpu.memory_space<hbm>>) dst(%dma_wait3A_1669 : memref<64xf32, #tpu.memory_space<vmem>>)
      %dma_wait3A_1673 = arith.constant 0 : i32
      %dma_wait3A_1674 = tpu.memref_slice %arg9[%add3A_861, %dma_wait3A_1673] : memref<512x128xf32, #tpu.memory_space<vmem>> -> memref<1x64xf32, #tpu.memory_space<vmem>>
      %dma_wait3A_1675 = tpu.memref_squeeze %dma_wait3A_1674 : memref<1x64xf32, #tpu.memory_space<vmem>> -> memref<64xf32, #tpu.memory_space<vmem>>
      %dma_wait3A_1676 = arith.constant 0 : i32
      %dma_wait3A_1677 = tpu.memref_slice %arg4[%squeeze3A_859, %dma_wait3A_1676] : memref<1000000x64xf32, #tpu.memory_space<hbm>> -> memref<1x64xf32, #tpu.memory_space<hbm>>
      %dma_wait3A_1678 = tpu.memref_squeeze %dma_wait3A_1677 : memref<1x64xf32, #tpu.memory_space<hbm>> -> memref<64xf32, #tpu.memory_space<hbm>>
      %dma_wait3A_1679 = arith.constant 0 : i32
      %dma_wait3A_1680 = tpu.memref_slice %arg9[%add3A_861, %dma_wait3A_1679] : memref<512x128xf32, #tpu.memory_space<vmem>> -> memref<1x64xf32, #tpu.memory_space<vmem>>
      %dma_wait3A_1681 = tpu.memref_squeeze %dma_wait3A_1680 : memref<1x64xf32, #tpu.memory_space<vmem>> -> memref<64xf32, #tpu.memory_space<vmem>>
      %dma_wait3A_1682 = arith.constant 0 : i32
      %dma_wait3A_1683 = tpu.memref_slice %arg4[%squeeze3A_859, %dma_wait3A_1682] : memref<1000000x64xf32, #tpu.memory_space<hbm>> -> memref<1x64xf32, #tpu.memory_space<hbm>>
      %dma_wait3A_1684 = tpu.memref_squeeze %dma_wait3A_1683 : memref<1x64xf32, #tpu.memory_space<hbm>> -> memref<64xf32, #tpu.memory_space<hbm>>
      tpu.wait_dma2 semaphore(%arg10 : memref<!tpu.dma_semaphore, #tpu.memory_space<semaphore_mem>>) src(%dma_wait3A_1684 : memref<64xf32, #tpu.memory_space<hbm>>) dst(%dma_wait3A_1681 : memref<64xf32, #tpu.memory_space<vmem>>)
      %dma_wait3A_1685 = arith.constant 64 : i32
      %dma_wait3A_1686 = tpu.memref_slice %arg9[%add3A_877, %dma_wait3A_1685] : memref<512x128xf32, #tpu.memory_space<vmem>> -> memref<1x64xf32, #tpu.memory_space<vmem>>
      %dma_wait3A_1687 = tpu.memref_squeeze %dma_wait3A_1686 : memref<1x64xf32, #tpu.memory_space<vmem>> -> memref<64xf32, #tpu.memory_space<vmem>>
      %dma_wait3A_1688 = arith.constant 0 : i32
      %dma_wait3A_1689 = tpu.memref_slice %arg5[%squeeze3A_875, %dma_wait3A_1688] : memref<1000000x64xf32, #tpu.memory_space<hbm>> -> memref<1x64xf32, #tpu.memory_space<hbm>>
      %dma_wait3A_1690 = tpu.memref_squeeze %dma_wait3A_1689 : memref<1x64xf32, #tpu.memory_space<hbm>> -> memref<64xf32, #tpu.memory_space<hbm>>
      %dma_wait3A_1691 = arith.constant 64 : i32
      %dma_wait3A_1692 = tpu.memref_slice %arg9[%add3A_877, %dma_wait3A_1691] : memref<512x128xf32, #tpu.memory_space<vmem>> -> memref<1x64xf32, #tpu.memory_space<vmem>>
      %dma_wait3A_1693 = tpu.memref_squeeze %dma_wait3A_1692 : memref<1x64xf32, #tpu.memory_space<vmem>> -> memref<64xf32, #tpu.memory_space<vmem>>
      %dma_wait3A_1694 = arith.constant 0 : i32
      %dma_wait3A_1695 = tpu.memref_slice %arg5[%squeeze3A_875, %dma_wait3A_1694] : memref<1000000x64xf32, #tpu.memory_space<hbm>> -> memref<1x64xf32, #tpu.memory_space<hbm>>
      %dma_wait3A_1696 = tpu.memref_squeeze %dma_wait3A_1695 : memref<1x64xf32, #tpu.memory_space<hbm>> -> memref<64xf32, #tpu.memory_space<hbm>>
      tpu.wait_dma2 semaphore(%arg10 : memref<!tpu.dma_semaphore, #tpu.memory_space<semaphore_mem>>) src(%dma_wait3A_1696 : memref<64xf32, #tpu.memory_space<hbm>>) dst(%dma_wait3A_1693 : memref<64xf32, #tpu.memory_space<vmem>>)
      %dma_wait3A_1697 = arith.constant 0 : i32
      %dma_wait3A_1698 = tpu.memref_slice %arg9[%add3A_893, %dma_wait3A_1697] : memref<512x128xf32, #tpu.memory_space<vmem>> -> memref<1x64xf32, #tpu.memory_space<vmem>>
      %dma_wait3A_1699 = tpu.memref_squeeze %dma_wait3A_1698 : memref<1x64xf32, #tpu.memory_space<vmem>> -> memref<64xf32, #tpu.memory_space<vmem>>
      %dma_wait3A_1700 = arith.constant 0 : i32
      %dma_wait3A_1701 = tpu.memref_slice %arg4[%squeeze3A_891, %dma_wait3A_1700] : memref<1000000x64xf32, #tpu.memory_space<hbm>> -> memref<1x64xf32, #tpu.memory_space<hbm>>
      %dma_wait3A_1702 = tpu.memref_squeeze %dma_wait3A_1701 : memref<1x64xf32, #tpu.memory_space<hbm>> -> memref<64xf32, #tpu.memory_space<hbm>>
      %dma_wait3A_1703 = arith.constant 0 : i32
      %dma_wait3A_1704 = tpu.memref_slice %arg9[%add3A_893, %dma_wait3A_1703] : memref<512x128xf32, #tpu.memory_space<vmem>> -> memref<1x64xf32, #tpu.memory_space<vmem>>
      %dma_wait3A_1705 = tpu.memref_squeeze %dma_wait3A_1704 : memref<1x64xf32, #tpu.memory_space<vmem>> -> memref<64xf32, #tpu.memory_space<vmem>>
      %dma_wait3A_1706 = arith.constant 0 : i32
      %dma_wait3A_1707 = tpu.memref_slice %arg4[%squeeze3A_891, %dma_wait3A_1706] : memref<1000000x64xf32, #tpu.memory_space<hbm>> -> memref<1x64xf32, #tpu.memory_space<hbm>>
      %dma_wait3A_1708 = tpu.memref_squeeze %dma_wait3A_1707 : memref<1x64xf32, #tpu.memory_space<hbm>> -> memref<64xf32, #tpu.memory_space<hbm>>
      tpu.wait_dma2 semaphore(%arg10 : memref<!tpu.dma_semaphore, #tpu.memory_space<semaphore_mem>>) src(%dma_wait3A_1708 : memref<64xf32, #tpu.memory_space<hbm>>) dst(%dma_wait3A_1705 : memref<64xf32, #tpu.memory_space<vmem>>)
      %dma_wait3A_1709 = arith.constant 64 : i32
      %dma_wait3A_1710 = tpu.memref_slice %arg9[%add3A_909, %dma_wait3A_1709] : memref<512x128xf32, #tpu.memory_space<vmem>> -> memref<1x64xf32, #tpu.memory_space<vmem>>
      %dma_wait3A_1711 = tpu.memref_squeeze %dma_wait3A_1710 : memref<1x64xf32, #tpu.memory_space<vmem>> -> memref<64xf32, #tpu.memory_space<vmem>>
      %dma_wait3A_1712 = arith.constant 0 : i32
      %dma_wait3A_1713 = tpu.memref_slice %arg5[%squeeze3A_907, %dma_wait3A_1712] : memref<1000000x64xf32, #tpu.memory_space<hbm>> -> memref<1x64xf32, #tpu.memory_space<hbm>>
      %dma_wait3A_1714 = tpu.memref_squeeze %dma_wait3A_1713 : memref<1x64xf32, #tpu.memory_space<hbm>> -> memref<64xf32, #tpu.memory_space<hbm>>
      %dma_wait3A_1715 = arith.constant 64 : i32
      %dma_wait3A_1716 = tpu.memref_slice %arg9[%add3A_909, %dma_wait3A_1715] : memref<512x128xf32, #tpu.memory_space<vmem>> -> memref<1x64xf32, #tpu.memory_space<vmem>>
      %dma_wait3A_1717 = tpu.memref_squeeze %dma_wait3A_1716 : memref<1x64xf32, #tpu.memory_space<vmem>> -> memref<64xf32, #tpu.memory_space<vmem>>
      %dma_wait3A_1718 = arith.constant 0 : i32
      %dma_wait3A_1719 = tpu.memref_slice %arg5[%squeeze3A_907, %dma_wait3A_1718] : memref<1000000x64xf32, #tpu.memory_space<hbm>> -> memref<1x64xf32, #tpu.memory_space<hbm>>
      %dma_wait3A_1720 = tpu.memref_squeeze %dma_wait3A_1719 : memref<1x64xf32, #tpu.memory_space<hbm>> -> memref<64xf32, #tpu.memory_space<hbm>>
      tpu.wait_dma2 semaphore(%arg10 : memref<!tpu.dma_semaphore, #tpu.memory_space<semaphore_mem>>) src(%dma_wait3A_1720 : memref<64xf32, #tpu.memory_space<hbm>>) dst(%dma_wait3A_1717 : memref<64xf32, #tpu.memory_space<vmem>>)
      %dma_wait3A_1721 = arith.constant 0 : i32
      %dma_wait3A_1722 = tpu.memref_slice %arg9[%add3A_925, %dma_wait3A_1721] : memref<512x128xf32, #tpu.memory_space<vmem>> -> memref<1x64xf32, #tpu.memory_space<vmem>>
      %dma_wait3A_1723 = tpu.memref_squeeze %dma_wait3A_1722 : memref<1x64xf32, #tpu.memory_space<vmem>> -> memref<64xf32, #tpu.memory_space<vmem>>
      %dma_wait3A_1724 = arith.constant 0 : i32
      %dma_wait3A_1725 = tpu.memref_slice %arg4[%squeeze3A_923, %dma_wait3A_1724] : memref<1000000x64xf32, #tpu.memory_space<hbm>> -> memref<1x64xf32, #tpu.memory_space<hbm>>
      %dma_wait3A_1726 = tpu.memref_squeeze %dma_wait3A_1725 : memref<1x64xf32, #tpu.memory_space<hbm>> -> memref<64xf32, #tpu.memory_space<hbm>>
      %dma_wait3A_1727 = arith.constant 0 : i32
      %dma_wait3A_1728 = tpu.memref_slice %arg9[%add3A_925, %dma_wait3A_1727] : memref<512x128xf32, #tpu.memory_space<vmem>> -> memref<1x64xf32, #tpu.memory_space<vmem>>
      %dma_wait3A_1729 = tpu.memref_squeeze %dma_wait3A_1728 : memref<1x64xf32, #tpu.memory_space<vmem>> -> memref<64xf32, #tpu.memory_space<vmem>>
      %dma_wait3A_1730 = arith.constant 0 : i32
      %dma_wait3A_1731 = tpu.memref_slice %arg4[%squeeze3A_923, %dma_wait3A_1730] : memref<1000000x64xf32, #tpu.memory_space<hbm>> -> memref<1x64xf32, #tpu.memory_space<hbm>>
      %dma_wait3A_1732 = tpu.memref_squeeze %dma_wait3A_1731 : memref<1x64xf32, #tpu.memory_space<hbm>> -> memref<64xf32, #tpu.memory_space<hbm>>
      tpu.wait_dma2 semaphore(%arg10 : memref<!tpu.dma_semaphore, #tpu.memory_space<semaphore_mem>>) src(%dma_wait3A_1732 : memref<64xf32, #tpu.memory_space<hbm>>) dst(%dma_wait3A_1729 : memref<64xf32, #tpu.memory_space<vmem>>)
      %dma_wait3A_1733 = arith.constant 64 : i32
      %dma_wait3A_1734 = tpu.memref_slice %arg9[%add3A_941, %dma_wait3A_1733] : memref<512x128xf32, #tpu.memory_space<vmem>> -> memref<1x64xf32, #tpu.memory_space<vmem>>
      %dma_wait3A_1735 = tpu.memref_squeeze %dma_wait3A_1734 : memref<1x64xf32, #tpu.memory_space<vmem>> -> memref<64xf32, #tpu.memory_space<vmem>>
      %dma_wait3A_1736 = arith.constant 0 : i32
      %dma_wait3A_1737 = tpu.memref_slice %arg5[%squeeze3A_939, %dma_wait3A_1736] : memref<1000000x64xf32, #tpu.memory_space<hbm>> -> memref<1x64xf32, #tpu.memory_space<hbm>>
      %dma_wait3A_1738 = tpu.memref_squeeze %dma_wait3A_1737 : memref<1x64xf32, #tpu.memory_space<hbm>> -> memref<64xf32, #tpu.memory_space<hbm>>
      %dma_wait3A_1739 = arith.constant 64 : i32
      %dma_wait3A_1740 = tpu.memref_slice %arg9[%add3A_941, %dma_wait3A_1739] : memref<512x128xf32, #tpu.memory_space<vmem>> -> memref<1x64xf32, #tpu.memory_space<vmem>>
      %dma_wait3A_1741 = tpu.memref_squeeze %dma_wait3A_1740 : memref<1x64xf32, #tpu.memory_space<vmem>> -> memref<64xf32, #tpu.memory_space<vmem>>
      %dma_wait3A_1742 = arith.constant 0 : i32
      %dma_wait3A_1743 = tpu.memref_slice %arg5[%squeeze3A_939, %dma_wait3A_1742] : memref<1000000x64xf32, #tpu.memory_space<hbm>> -> memref<1x64xf32, #tpu.memory_space<hbm>>
      %dma_wait3A_1744 = tpu.memref_squeeze %dma_wait3A_1743 : memref<1x64xf32, #tpu.memory_space<hbm>> -> memref<64xf32, #tpu.memory_space<hbm>>
      tpu.wait_dma2 semaphore(%arg10 : memref<!tpu.dma_semaphore, #tpu.memory_space<semaphore_mem>>) src(%dma_wait3A_1744 : memref<64xf32, #tpu.memory_space<hbm>>) dst(%dma_wait3A_1741 : memref<64xf32, #tpu.memory_space<vmem>>)
      %dma_wait3A_1745 = arith.constant 0 : i32
      %dma_wait3A_1746 = tpu.memref_slice %arg9[%add3A_957, %dma_wait3A_1745] : memref<512x128xf32, #tpu.memory_space<vmem>> -> memref<1x64xf32, #tpu.memory_space<vmem>>
      %dma_wait3A_1747 = tpu.memref_squeeze %dma_wait3A_1746 : memref<1x64xf32, #tpu.memory_space<vmem>> -> memref<64xf32, #tpu.memory_space<vmem>>
      %dma_wait3A_1748 = arith.constant 0 : i32
      %dma_wait3A_1749 = tpu.memref_slice %arg4[%squeeze3A_955, %dma_wait3A_1748] : memref<1000000x64xf32, #tpu.memory_space<hbm>> -> memref<1x64xf32, #tpu.memory_space<hbm>>
      %dma_wait3A_1750 = tpu.memref_squeeze %dma_wait3A_1749 : memref<1x64xf32, #tpu.memory_space<hbm>> -> memref<64xf32, #tpu.memory_space<hbm>>
      %dma_wait3A_1751 = arith.constant 0 : i32
      %dma_wait3A_1752 = tpu.memref_slice %arg9[%add3A_957, %dma_wait3A_1751] : memref<512x128xf32, #tpu.memory_space<vmem>> -> memref<1x64xf32, #tpu.memory_space<vmem>>
      %dma_wait3A_1753 = tpu.memref_squeeze %dma_wait3A_1752 : memref<1x64xf32, #tpu.memory_space<vmem>> -> memref<64xf32, #tpu.memory_space<vmem>>
      %dma_wait3A_1754 = arith.constant 0 : i32
      %dma_wait3A_1755 = tpu.memref_slice %arg4[%squeeze3A_955, %dma_wait3A_1754] : memref<1000000x64xf32, #tpu.memory_space<hbm>> -> memref<1x64xf32, #tpu.memory_space<hbm>>
      %dma_wait3A_1756 = tpu.memref_squeeze %dma_wait3A_1755 : memref<1x64xf32, #tpu.memory_space<hbm>> -> memref<64xf32, #tpu.memory_space<hbm>>
      tpu.wait_dma2 semaphore(%arg10 : memref<!tpu.dma_semaphore, #tpu.memory_space<semaphore_mem>>) src(%dma_wait3A_1756 : memref<64xf32, #tpu.memory_space<hbm>>) dst(%dma_wait3A_1753 : memref<64xf32, #tpu.memory_space<vmem>>)
      %dma_wait3A_1757 = arith.constant 64 : i32
      %dma_wait3A_1758 = tpu.memref_slice %arg9[%add3A_973, %dma_wait3A_1757] : memref<512x128xf32, #tpu.memory_space<vmem>> -> memref<1x64xf32, #tpu.memory_space<vmem>>
      %dma_wait3A_1759 = tpu.memref_squeeze %dma_wait3A_1758 : memref<1x64xf32, #tpu.memory_space<vmem>> -> memref<64xf32, #tpu.memory_space<vmem>>
      %dma_wait3A_1760 = arith.constant 0 : i32
      %dma_wait3A_1761 = tpu.memref_slice %arg5[%squeeze3A_971, %dma_wait3A_1760] : memref<1000000x64xf32, #tpu.memory_space<hbm>> -> memref<1x64xf32, #tpu.memory_space<hbm>>
      %dma_wait3A_1762 = tpu.memref_squeeze %dma_wait3A_1761 : memref<1x64xf32, #tpu.memory_space<hbm>> -> memref<64xf32, #tpu.memory_space<hbm>>
      %dma_wait3A_1763 = arith.constant 64 : i32
      %dma_wait3A_1764 = tpu.memref_slice %arg9[%add3A_973, %dma_wait3A_1763] : memref<512x128xf32, #tpu.memory_space<vmem>> -> memref<1x64xf32, #tpu.memory_space<vmem>>
      %dma_wait3A_1765 = tpu.memref_squeeze %dma_wait3A_1764 : memref<1x64xf32, #tpu.memory_space<vmem>> -> memref<64xf32, #tpu.memory_space<vmem>>
      %dma_wait3A_1766 = arith.constant 0 : i32
      %dma_wait3A_1767 = tpu.memref_slice %arg5[%squeeze3A_971, %dma_wait3A_1766] : memref<1000000x64xf32, #tpu.memory_space<hbm>> -> memref<1x64xf32, #tpu.memory_space<hbm>>
      %dma_wait3A_1768 = tpu.memref_squeeze %dma_wait3A_1767 : memref<1x64xf32, #tpu.memory_space<hbm>> -> memref<64xf32, #tpu.memory_space<hbm>>
      tpu.wait_dma2 semaphore(%arg10 : memref<!tpu.dma_semaphore, #tpu.memory_space<semaphore_mem>>) src(%dma_wait3A_1768 : memref<64xf32, #tpu.memory_space<hbm>>) dst(%dma_wait3A_1765 : memref<64xf32, #tpu.memory_space<vmem>>)
      %dma_wait3A_1769 = arith.constant 0 : i32
      %dma_wait3A_1770 = tpu.memref_slice %arg9[%add3A_989, %dma_wait3A_1769] : memref<512x128xf32, #tpu.memory_space<vmem>> -> memref<1x64xf32, #tpu.memory_space<vmem>>
      %dma_wait3A_1771 = tpu.memref_squeeze %dma_wait3A_1770 : memref<1x64xf32, #tpu.memory_space<vmem>> -> memref<64xf32, #tpu.memory_space<vmem>>
      %dma_wait3A_1772 = arith.constant 0 : i32
      %dma_wait3A_1773 = tpu.memref_slice %arg4[%squeeze3A_987, %dma_wait3A_1772] : memref<1000000x64xf32, #tpu.memory_space<hbm>> -> memref<1x64xf32, #tpu.memory_space<hbm>>
      %dma_wait3A_1774 = tpu.memref_squeeze %dma_wait3A_1773 : memref<1x64xf32, #tpu.memory_space<hbm>> -> memref<64xf32, #tpu.memory_space<hbm>>
      %dma_wait3A_1775 = arith.constant 0 : i32
      %dma_wait3A_1776 = tpu.memref_slice %arg9[%add3A_989, %dma_wait3A_1775] : memref<512x128xf32, #tpu.memory_space<vmem>> -> memref<1x64xf32, #tpu.memory_space<vmem>>
      %dma_wait3A_1777 = tpu.memref_squeeze %dma_wait3A_1776 : memref<1x64xf32, #tpu.memory_space<vmem>> -> memref<64xf32, #tpu.memory_space<vmem>>
      %dma_wait3A_1778 = arith.constant 0 : i32
      %dma_wait3A_1779 = tpu.memref_slice %arg4[%squeeze3A_987, %dma_wait3A_1778] : memref<1000000x64xf32, #tpu.memory_space<hbm>> -> memref<1x64xf32, #tpu.memory_space<hbm>>
      %dma_wait3A_1780 = tpu.memref_squeeze %dma_wait3A_1779 : memref<1x64xf32, #tpu.memory_space<hbm>> -> memref<64xf32, #tpu.memory_space<hbm>>
      tpu.wait_dma2 semaphore(%arg10 : memref<!tpu.dma_semaphore, #tpu.memory_space<semaphore_mem>>) src(%dma_wait3A_1780 : memref<64xf32, #tpu.memory_space<hbm>>) dst(%dma_wait3A_1777 : memref<64xf32, #tpu.memory_space<vmem>>)
      %dma_wait3A_1781 = arith.constant 64 : i32
      %dma_wait3A_1782 = tpu.memref_slice %arg9[%add3A_1005, %dma_wait3A_1781] : memref<512x128xf32, #tpu.memory_space<vmem>> -> memref<1x64xf32, #tpu.memory_space<vmem>>
      %dma_wait3A_1783 = tpu.memref_squeeze %dma_wait3A_1782 : memref<1x64xf32, #tpu.memory_space<vmem>> -> memref<64xf32, #tpu.memory_space<vmem>>
      %dma_wait3A_1784 = arith.constant 0 : i32
      %dma_wait3A_1785 = tpu.memref_slice %arg5[%squeeze3A_1003, %dma_wait3A_1784] : memref<1000000x64xf32, #tpu.memory_space<hbm>> -> memref<1x64xf32, #tpu.memory_space<hbm>>
      %dma_wait3A_1786 = tpu.memref_squeeze %dma_wait3A_1785 : memref<1x64xf32, #tpu.memory_space<hbm>> -> memref<64xf32, #tpu.memory_space<hbm>>
      %dma_wait3A_1787 = arith.constant 64 : i32
      %dma_wait3A_1788 = tpu.memref_slice %arg9[%add3A_1005, %dma_wait3A_1787] : memref<512x128xf32, #tpu.memory_space<vmem>> -> memref<1x64xf32, #tpu.memory_space<vmem>>
      %dma_wait3A_1789 = tpu.memref_squeeze %dma_wait3A_1788 : memref<1x64xf32, #tpu.memory_space<vmem>> -> memref<64xf32, #tpu.memory_space<vmem>>
      %dma_wait3A_1790 = arith.constant 0 : i32
      %dma_wait3A_1791 = tpu.memref_slice %arg5[%squeeze3A_1003, %dma_wait3A_1790] : memref<1000000x64xf32, #tpu.memory_space<hbm>> -> memref<1x64xf32, #tpu.memory_space<hbm>>
      %dma_wait3A_1792 = tpu.memref_squeeze %dma_wait3A_1791 : memref<1x64xf32, #tpu.memory_space<hbm>> -> memref<64xf32, #tpu.memory_space<hbm>>
      tpu.wait_dma2 semaphore(%arg10 : memref<!tpu.dma_semaphore, #tpu.memory_space<semaphore_mem>>) src(%dma_wait3A_1792 : memref<64xf32, #tpu.memory_space<hbm>>) dst(%dma_wait3A_1789 : memref<64xf32, #tpu.memory_space<vmem>>)
      %dma_wait3A_1793 = arith.constant 0 : i32
      %dma_wait3A_1794 = tpu.memref_slice %arg9[%add3A_1021, %dma_wait3A_1793] : memref<512x128xf32, #tpu.memory_space<vmem>> -> memref<1x64xf32, #tpu.memory_space<vmem>>
      %dma_wait3A_1795 = tpu.memref_squeeze %dma_wait3A_1794 : memref<1x64xf32, #tpu.memory_space<vmem>> -> memref<64xf32, #tpu.memory_space<vmem>>
      %dma_wait3A_1796 = arith.constant 0 : i32
      %dma_wait3A_1797 = tpu.memref_slice %arg4[%squeeze3A_1019, %dma_wait3A_1796] : memref<1000000x64xf32, #tpu.memory_space<hbm>> -> memref<1x64xf32, #tpu.memory_space<hbm>>
      %dma_wait3A_1798 = tpu.memref_squeeze %dma_wait3A_1797 : memref<1x64xf32, #tpu.memory_space<hbm>> -> memref<64xf32, #tpu.memory_space<hbm>>
      %dma_wait3A_1799 = arith.constant 0 : i32
      %dma_wait3A_1800 = tpu.memref_slice %arg9[%add3A_1021, %dma_wait3A_1799] : memref<512x128xf32, #tpu.memory_space<vmem>> -> memref<1x64xf32, #tpu.memory_space<vmem>>
      %dma_wait3A_1801 = tpu.memref_squeeze %dma_wait3A_1800 : memref<1x64xf32, #tpu.memory_space<vmem>> -> memref<64xf32, #tpu.memory_space<vmem>>
      %dma_wait3A_1802 = arith.constant 0 : i32
      %dma_wait3A_1803 = tpu.memref_slice %arg4[%squeeze3A_1019, %dma_wait3A_1802] : memref<1000000x64xf32, #tpu.memory_space<hbm>> -> memref<1x64xf32, #tpu.memory_space<hbm>>
      %dma_wait3A_1804 = tpu.memref_squeeze %dma_wait3A_1803 : memref<1x64xf32, #tpu.memory_space<hbm>> -> memref<64xf32, #tpu.memory_space<hbm>>
      tpu.wait_dma2 semaphore(%arg10 : memref<!tpu.dma_semaphore, #tpu.memory_space<semaphore_mem>>) src(%dma_wait3A_1804 : memref<64xf32, #tpu.memory_space<hbm>>) dst(%dma_wait3A_1801 : memref<64xf32, #tpu.memory_space<vmem>>)
      %dma_wait3A_1805 = arith.constant 64 : i32
      %dma_wait3A_1806 = tpu.memref_slice %arg9[%add3A_1037, %dma_wait3A_1805] : memref<512x128xf32, #tpu.memory_space<vmem>> -> memref<1x64xf32, #tpu.memory_space<vmem>>
      %dma_wait3A_1807 = tpu.memref_squeeze %dma_wait3A_1806 : memref<1x64xf32, #tpu.memory_space<vmem>> -> memref<64xf32, #tpu.memory_space<vmem>>
      %dma_wait3A_1808 = arith.constant 0 : i32
      %dma_wait3A_1809 = tpu.memref_slice %arg5[%squeeze3A_1035, %dma_wait3A_1808] : memref<1000000x64xf32, #tpu.memory_space<hbm>> -> memref<1x64xf32, #tpu.memory_space<hbm>>
      %dma_wait3A_1810 = tpu.memref_squeeze %dma_wait3A_1809 : memref<1x64xf32, #tpu.memory_space<hbm>> -> memref<64xf32, #tpu.memory_space<hbm>>
      %dma_wait3A_1811 = arith.constant 64 : i32
      %dma_wait3A_1812 = tpu.memref_slice %arg9[%add3A_1037, %dma_wait3A_1811] : memref<512x128xf32, #tpu.memory_space<vmem>> -> memref<1x64xf32, #tpu.memory_space<vmem>>
      %dma_wait3A_1813 = tpu.memref_squeeze %dma_wait3A_1812 : memref<1x64xf32, #tpu.memory_space<vmem>> -> memref<64xf32, #tpu.memory_space<vmem>>
      %dma_wait3A_1814 = arith.constant 0 : i32
      %dma_wait3A_1815 = tpu.memref_slice %arg5[%squeeze3A_1035, %dma_wait3A_1814] : memref<1000000x64xf32, #tpu.memory_space<hbm>> -> memref<1x64xf32, #tpu.memory_space<hbm>>
      %dma_wait3A_1816 = tpu.memref_squeeze %dma_wait3A_1815 : memref<1x64xf32, #tpu.memory_space<hbm>> -> memref<64xf32, #tpu.memory_space<hbm>>
      tpu.wait_dma2 semaphore(%arg10 : memref<!tpu.dma_semaphore, #tpu.memory_space<semaphore_mem>>) src(%dma_wait3A_1816 : memref<64xf32, #tpu.memory_space<hbm>>) dst(%dma_wait3A_1813 : memref<64xf32, #tpu.memory_space<vmem>>)
    }
    %scan3A_6 = arith.constant 16 : i32
    "tpu.region"() ({
      %run_scoped3A = tpu.sem_alloc : memref<!tpu.dma_semaphore, #tpu.memory_space<semaphore_mem>>
      %dma_start3A = arith.constant 0 : i32
      %dma_start3A_7 = tpu.memref_slice %arg6[%mul3A_2, %dma_start3A] : memref<16384x128xf32, #tpu.memory_space<hbm>> -> memref<512x128xf32, #tpu.memory_space<hbm>>
      %dma_start3A_8 = arith.constant 0 : i32
      %dma_start3A_9 = tpu.memref_slice %arg6[%mul3A_2, %dma_start3A_8] : memref<16384x128xf32, #tpu.memory_space<hbm>> -> memref<512x128xf32, #tpu.memory_space<hbm>>
      tpu.enqueue_dma source(%arg9 : memref<512x128xf32, #tpu.memory_space<vmem>>) target(%dma_start3A_9 : memref<512x128xf32, #tpu.memory_space<hbm>>) target_semaphore(%run_scoped3A : memref<!tpu.dma_semaphore, #tpu.memory_space<semaphore_mem>>)
      %dma_wait3A = arith.constant 0 : i32
      %dma_wait3A_10 = tpu.memref_slice %arg6[%mul3A_2, %dma_wait3A] : memref<16384x128xf32, #tpu.memory_space<hbm>> -> memref<512x128xf32, #tpu.memory_space<hbm>>
      %dma_wait3A_11 = arith.constant 0 : i32
      %dma_wait3A_12 = tpu.memref_slice %arg6[%mul3A_2, %dma_wait3A_11] : memref<16384x128xf32, #tpu.memory_space<hbm>> -> memref<512x128xf32, #tpu.memory_space<hbm>>
      tpu.wait_dma2 semaphore(%run_scoped3A : memref<!tpu.dma_semaphore, #tpu.memory_space<semaphore_mem>>) src(%arg9 : memref<512x128xf32, #tpu.memory_space<vmem>>) dst(%dma_wait3A_12 : memref<512x128xf32, #tpu.memory_space<hbm>>)
      tpu.yield
    }) : () -> ()
    return
  }
}

</mosaic_0001>

<sc_bundles>
// kernel: kernel.3.cloned.1.call-start
scs
__scs_entry_jumppad:
0x0: {  	(pc) =	sbr.rel $0x88, $3  }
0x1: {  	(tag) =	ssettag $0x0;
	lr =	simm.s32 $0x1  }
0x2: {  	[smem:$0x3F9D] =	sst lr;
	_ =	strace $0xD0000000  }
0x3: {  	_ = 	snop  }
0x4: {  	_ = 	snop  }
0x5: {  	_ = 	snop  }
0x6: {  	_ = 	snop  }
0x7: {  	_ = 	snop  }
__scs_overlays_trampoline_lowered:
0x8: {  	[smem:$0x3FAC] =	sst s0  }
0x9: {  	[smem:$0x3FAD] =	sst s1  }
0xa: {  	[smem:$0x3FAE] =	sst s2  }
0xb: {  	[smem:$0x3FAF] =	sst s3  }
0xc: {  	[smem:$0x3FB0] =	sst s4  }
0xd: {  	[smem:$0x3FB1] =	sst s5  }
0xe: {  	[smem:$0x3FB2] =	sst s6  }
0xf: {  	[smem:$0x3FB3] =	sst s7  }
0x10: {  	[smem:$0x3FB4] =	sst s8  }
0x11: {  	[smem:$0x3FB5] =	sst s9;
	s0 =	simm.s32 @!p0 $0x0  }
0x12: {  	s1 =	sld [smem:$0x3F9B];
	s0 =	simm.s32 @p0 $0x1  }
0x13: {  	[smem:$0x3FB6] =	sst s0;
	s0 =	simm.s32 @!p1 $0x0  }
0x14: {  	s2 =	sld [smem:$0x3F9A];
	s0 =	simm.s32 @p1 $0x1  }
0x15: {  	[smem:$0x3FB7] =	sst s0;
	s0 =	simm.s32 @!p2 $0x0  }
0x16: {  	s3 =	sld [smem:$0x3FDB];
	s0 =	simm.s32 @p2 $0x1  }
0x17: {  	s4 =	simm.s32 $0x1BF5;
	[smem:$0x3FB9] =	sst s0  }
0x18: {  	s0 =	sld [smem:$0x3F9C];
	_ =	swait.ge [sflag:s4], $0x0  }
0x19: {  	s7 =	sld [smem:$0x3F9D]  }
0x1a: {  	s8 =	sadd.s32 $0xFFFFE003, lr  }
0x1b: {  	s9 =	sadd.s32 $0xFFFFFEF7, lr;
	s5 =	simm.s32 $0xFFFFFFFF;
	p2 =	slt.u32 s8, $0xFFFFF086  }
0x1c: {  	p1 =	slt.u32 s9, $0xF7A;
	s5 =	simm.s32 @!p2 $0x0  }
0x1d: {  	s5 =	simm.s32 @p1 $0x1;
	p0 =	seq.s32 s7, s2  }
0x1e: {  	s7 =	smul.u32 @!p0 $0xF7A, s2;
	p2 =	seq.s32 @!p0 s5, $0x0  }
0x1f: {  	s9 =	smul.u32 $0xF7A, s1;
	s8 =	simm.s32 @!p0 $0x1BF5;
	p2 =	por !p2, p0  }
0x20: {  	[sflag:s8] =	ssyncset.s32 @!p0 $0xFFFFF086;
	s6 =	sadd.s32 @!p0 s3, s7;
	s7 =	simm.s32 @!p0 $0x108  }
0x21: {  	s3 =	sadd.s32 s3, s9;
	s6 =	sadd.s32 @!p0 $0x88, s6;
	s7 =	simm.s32 @p2 $0x1082  }
0x22: {  	[simem:s7], [sflag:s8] =	dma.local @!p0 [hbm:s6], $0xF7A  }
0x23: {  	s9 =	sor.u32 $0xD0000000, s2;
	s6 =	simm.s32 $0x108;
	_ =	swait.ge @!p0 [sflag:s8], $0x0  }
0x24: {  	s3 =	sadd.s32 $0x88, s3;
	s6 =	simm.s32 @!p1 $0x1082;
	[sflag:s4] =	ssyncset.s32 $0xFFFFF086  }
0x25: {  	[simem:s6], [sflag:s4] =	dma.local [hbm:s3], $0xF7A  }
0x26: {  	[smem:$0x3F9D] =	sst s1;
	(tag) =	ssettag s2;
	_ =	strace s9  }
0x27: {  	s1 =	sld [smem:$0x3FAD]  }
0x28: {  	s2 =	sld [smem:$0x3FAE]  }
0x29: {  	s4 =	sld [smem:$0x3FB0]  }
0x2a: {  	p0 =	seq.s32 s5, $0x0;
	s5 =	sld [smem:$0x3FB1]  }
0x2b: {  	s6 =	sld [smem:$0x3FB2]  }
0x2c: {  	s7 =	sld [smem:$0x3FB3]  }
0x2d: {  	s3 =	simm.s32 $0x108;
	s8 =	sld [smem:$0x3FB4]  }
0x2e: {  	s3 =	simm.s32 @!p0 $0x1082;
	s9 =	sld [smem:$0x3FB5]  }
0x2f: {  	lr =	sadd.s32 s0, s3;
	s0 =	sld [smem:$0x3FAC]  }
0x30: {  	s3 =	sld [smem:$0x3FAF]  }
0x31: {  	[smem:$0x3FB8] =	sst s10  }
0x32: {  	s10 =	sld [smem:$0x3FB6];
	_ =	sdelay $0x3  }
0x33: {  	p0 =	seq.s32 s10, $0x1;
	s10 =	sld [smem:$0x3FB8];
	_ =	sdelay $0x3  }
0x34: {  	[smem:$0x3FB8] =	sst s10  }
0x35: {  	s10 =	sld [smem:$0x3FB7];
	_ =	sdelay $0x3  }
0x36: {  	p1 =	seq.s32 s10, $0x1;
	s10 =	sld [smem:$0x3FB8];
	_ =	sdelay $0x3  }
0x37: {  	[smem:$0x3FB8] =	sst s10  }
0x38: {  	s10 =	sld [smem:$0x3FB9]  }
0x39: {  	_ = 	snop;
	(pc) =	sbr.ind lr, $3  }
0x3a: {  	_ = 	snop  }
0x3b: {  	_ = 	snop  }
0x3c: {  	p2 =	seq.s32 s10, $0x1;
	s10 =	sld [smem:$0x3FB8]  }
0x3d: {  	_ =	shalt  }
0x3e: {  	_ =	shalt  }
0x3f: {  	_ =	shalt  }
0x40: {  	_ =	shalt  }
0x41: {  	_ =	shalt  }
0x42: {  	_ =	shalt  }
0x43: {  	_ =	shalt  }
0x44: {  	_ =	shalt  }
0x45: {  	_ =	shalt  }
0x46: {  	_ =	shalt  }
0x47: {  	_ =	shalt  }
0x48: {  	_ =	shalt  }
0x49: {  	_ =	shalt  }
0x4a: {  	_ =	shalt  }
0x4b: {  	_ =	shalt  }
0x4c: {  	_ =	shalt  }
0x4d: {  	_ =	shalt  }
0x4e: {  	_ =	shalt  }
0x4f: {  	_ =	shalt  }
0x50: {  	_ =	shalt  }
0x51: {  	_ =	shalt  }
0x52: {  	_ =	shalt  }
0x53: {  	_ =	shalt  }
0x54: {  	_ =	shalt  }
0x55: {  	_ =	shalt  }
0x56: {  	_ =	shalt  }
0x57: {  	_ =	shalt  }
0x58: {  	_ =	shalt  }
0x59: {  	_ =	shalt  }
0x5a: {  	_ =	shalt  }
0x5b: {  	_ =	shalt  }
0x5c: {  	_ =	shalt  }
0x5d: {  	_ =	shalt  }
0x5e: {  	_ =	shalt  }
0x5f: {  	_ =	shalt  }
0x60: {  	_ =	shalt  }
0x61: {  	_ =	shalt  }
0x62: {  	_ =	shalt  }
0x63: {  	_ =	shalt  }
0x64: {  	_ =	shalt  }
0x65: {  	_ =	shalt  }
0x66: {  	_ =	shalt  }
0x67: {  	_ =	shalt  }
0x68: {  	_ =	shalt  }
0x69: {  	_ =	shalt  }
0x6a: {  	_ =	shalt  }
0x6b: {  	_ =	shalt  }
0x6c: {  	_ =	shalt  }
0x6d: {  	_ =	shalt  }
0x6e: {  	_ =	shalt  }
0x6f: {  	_ =	shalt  }
0x70: {  	_ =	shalt  }
0x71: {  	_ =	shalt  }
0x72: {  	_ =	shalt  }
0x73: {  	_ =	shalt  }
0x74: {  	_ =	shalt  }
0x75: {  	_ =	shalt  }
0x76: {  	_ =	shalt  }
0x77: {  	_ =	shalt  }
0x78: {  	_ =	shalt  }
0x79: {  	_ =	shalt  }
0x7a: {  	_ =	shalt  }
0x7b: {  	_ =	shalt  }
0x7c: {  	_ =	shalt  }
0x7d: {  	_ =	shalt  }
0x7e: {  	_ =	shalt  }
0x7f: {  	_ =	shalt  }
0x80: {  	_ =	shalt  }
0x81: {  	_ =	shalt  }
0x82: {  	_ =	shalt  }
0x83: {  	_ =	shalt  }
0x84: {  	_ =	shalt  }
0x85: {  	_ =	shalt  }
0x86: {  	_ =	shalt  }
0x87: {  	_ =	shalt  }
.Lfunc_end0:
.L_simem_size_0:
called_computation_lowered:
.L_overlay_start_0:
0x88: {  	s2 =	sld [smem:$0x3FD9]  }
0x89: {  	s3 =	sld [smem:$0x3FFE];
	_ =	sdelay $0x1  }
0x8a: {  	s1 =	srdreg.scid  }
0x8b: {  	s0 =	sand.u32 $0x1, s1  }
0x8c: {  	s17 =	sshll.u32 s0, $0xA;
	s2 =	sadd.s32 s3, s2  }
0x8d: {  	s2 =	sadd.s32 s2, s17  }
0x8e: {  	[smem:$0x3FC4] =	sst s2  }
0x8f: {  	_ = 	snop  }
0x90: {  	s2 =	sld [smem:$0x3FC9]  }
0x91: {  	s18 =	sld [smem:$0x3FC8]  }
0x92: {  	s4 =	sld [smem:$0x3FD0];
	(tm) =	ssettm $0x1  }
0x93: {  	s5 =	sld [smem:$0x3FFB];
	_ =	sdelay $0x3  }
0x94: {  	_ =	strace s5  }
0x95: {  	s5 =	sld [smem:$0x3FFC];
	_ =	sdelay $0x3  }
0x96: {  	_ =	strace s5  }
0x97: {  	s5 =	sld [smem:$0x3FFD];
	_ =	sdelay $0x3  }
0x98: {  	_ =	strace s5  }
0x99: {  	_ =	strace $0x8FFFFFFF  }
0x9a: {  	s19 =	sld [smem:$0x3FDB];
	_ =	sdelay $0x1  }
0x9b: {  	s6 =	simm.s32 $_scs_section_size  }
0x9c: {  	s7 =	simm.s32 $_size__tile_overlayer_lowered;
	s8 =	simm.s32 $_tile_overlayer_lowered  }
0x9d: {  	s22 =	simm.s32 $0x1BFF;
	s21 =	sshll.u32 s8, $0x1;
	s5 =	sadd.s32 s6, s19  }
0x9e: {  	s9 =	simm.s32 $0x0;
	s20 =	sshll.u32 s7, $0x1;
	s7 =	sadd.s32 s21, s5  }
0x9f: {  	[timem:s9], [sflag:s22] =	dma.local [hbm:s7], s20  }
0xa0: {  	_ =	swait.ge [sflag:s22], s20  }
0xa1: {  	s6 =	ssub.s32 $0x0, s20;
	[sflag:s22] =	ssyncset.done $0x0  }
0xa2: {  	[sflag:s22] =	ssyncadd.s32 s6;
	_ =	sdelay $0x1  }
0xa3: {  	s23 =	simm.s32 $0x1B8B  }
0xa4: {  	_ =	swait.ge [sflag:s23], $0x1  }
0xa5: {  	[sflag:s23] =	ssyncset.done $0x0  }
0xa6: {  	s25 =	simm.s32 $0x1B8E;
	s24 =	sld [smem:$0x3FFE];
	[sflag:s23] =	ssyncadd.s32 $0xFFFFFFFF  }
0xa7: {  	s26 =	simm.s32 $execute0_lowered;
	[smem:$0x3FD2] =	sst s25  }
0xa8: {  	s7 =	sshll.u32 s26, $0x1;
	_ =	strace $0x80000046;
	[dreg:$0x1] =	wrdreg $0xFFFFFFFF  }
0xa9: {  	s28 =	simm.s32 $_size_execute0_lowered;
	s5 =	sadd.s32 s5, s7;
	[dreg:$0x0] =	wrdreg $0x0  }
0xaa: {  	s7 =	sshll.u32 s28, $0x1;
	[dreg:$0x2] =	wrdreg s5  }
0xab: {  	[dreg:$0x3] =	wrdreg s7  }
0xac: {  	[dreg:$0x4] =	wrdreg $0xC0  }
0xad: {  	_ =	task [dreg:s9], $0x5FFFF  }
0xae: {  	[dreg:$0x1] =	wrdreg $0xFFFFFFFF  }
0xaf: {  	[dreg:$0x0] =	wrdreg $0x60  }
0xb0: {  	[dreg:$0x2] =	wrdreg s2  }
0xb1: {  	[dreg:$0x3] =	wrdreg s18  }
0xb2: {  	[dreg:$0x4] =	wrdreg s24  }
0xb3: {  	[dreg:$0x5] =	wrdreg s4  }
0xb4: {  	[dreg:$0x6] =	wrdreg $0x9  }
0xb5: {  	_ =	task.clear_ibuf [dreg:s9], $0x7FFFF;
	_ =	strace $0x90000046  }
0xb6: {  	s29 =	simm.s32 $0x9;
	_ =	strace $0x80000048  }
0xb7: {  	_ =	swait.ge [sflag:s29], $0x1  }
0xb8: {  	[sflag:s29] =	ssyncadd.s32 $0xFFFFFFFF  }
0xb9: {  	_ =	strace $0x90000048  }
0xba: {  	_ =	sfence  }
0xbb: {  	s30 =	sld [smem:$0x0];
	_ =	sdelay $0x2  }
0xbc: {  	s31 =	sshll.u32 s1, $0xD;
	s1 =	sshrl.u32 s1, $0x2  }
0xbd: {  	s3 =	sand.u32 $0x4000, s31;
	s1 =	sadd.s32 s1, s30  }
0xbe: {  	s0 =	sor.u32 s3, s0;
	s1 =	sshll.u32 s1, $0x11  }
0xbf: {  	s0 =	sor.u32 s1, s0  }
0xc0: {  	s0 =	sadd.s32 $0x8F2B, s0  }
0xc1: {  	[sflag:s0] =	ssyncadd.remote.s32 $0x1  }
0xc2: {  	_ =	sfence.sel $0xFFFF  }
0xc3: {  	[dreg:$0x0] =	wrdreg $0xFFFFFFFF;
	(pc) =	sbr.abs _section_cstart, $3  }
0xc4: {  	[dreg:$0x1] =	wrdreg $0xFFFFFFFF  }
0xc5: {  	_ =	task.clear_ibuf [dreg:s9], $0x2FFFF;
	_ =	strace $0x9FFFFFFF  }
0xc6: {  	(tm) =	ssettm $0x7FFFFFFF  }
0xc7: {  	_ =	shalt  }
tec
execute0_lowered:
.L_overlay_start_1:
0x0: {  	(tag) =	ssettag $0x1  }
0x1: {  	s0 =	rddreg [dreg:$0x0]  }
0x2: {  	s1 =	rddreg [dreg:$0x1]  }
0x3: {  	s4 =	rddreg [dreg:$0x2]  }
0x4: {  	s5 =	rddreg [dreg:$0x3];
	s2 =	simm.s32 $0x0;
	s3 =	srdreg.scid  }
0x5: {  	s7 =	stileid.u32;
	s11 =	simm.s32 $0x80;
	s6 =	sand.u32 $0x1, s3  }
0x6: {  	s12 =	simm.s32 $0x400;
	s7 =	sshll.u32 s7, $0xA;
	s8 =	sshll.u32 s6, $0x9  }
0x7: {  	s13 =	simm.s32 $0x1;
	s14 =	simm.s32 $0x0;
	s7 =	sor.u32 s8, s7  }
0x8: {  	[smem:$0x7FF] =	sst s2;
	s6 =	ssub.s32 $0x2, s6;
	s9 =	sshrl.u32 s7, $0x3  }
0x9: {  	_ =	strace $0x80000047;
	s29 =	sshrl.u32 s6, $0x1;
	s0 =	sadd.s32 s0, s9  }
0xa: {  	s8 =	ssub.s32 s6, s29;
	s1 =	sadd.s32 s1, s9;
	[dreg:$0x5] =	wrdreg s0  }
0xb: {  	s30 =	sshll.u32 s7, $0x4;
	s31 =	smax.u32 s8, $0x1;
	[dreg:$0x6] =	wrdreg s1  }
0xc: {  	s3 =	sadd.s32 $0x400, s4;
	s0 =	sadd.s32 s5, s30;
	[dreg:$0x8] =	wrdreg s31  }
0xd: {  	s4 =	sadd.s32 $0xF42800, s4;
	s1 =	simm.s32 $0x2;
	[dreg:$0x7] =	wrdreg s0  }
.LBB2_1:
0xe: {  	s0 =	rddreg [dreg:$0x5]  }
0xf: {  	[tilespmem:s2], [sflag:$0x2] =	stream.linear.gather [hbm4b:s0+s2], $0x200, $0x38;
	[tilespmem:$0x10400] =	vst v63  }
0x10: {  	_ =	swait.ge [sflag:s1], $0x200  }
0x11: {  	[sflag:s1] =	ssyncset.done $0x0  }
0x12: {  	s5 =	simm.s32 $0x200;
	s21 =	rddreg [dreg:$0x6];
	[sflag:s1] =	ssyncadd.s32 $0xFFFFFE00  }
0x13: {  	[tilespmem:s5], [sflag:$0x2] =	stream.linear.gather [hbm4b:s21+s2], $0x200, $0x38;
	[tilespmem:$0x10400] =	vst v63  }
0x14: {  	_ =	swait.ge [sflag:s1], $0x200  }
0x15: {  	[sflag:s1] =	ssyncset.done $0x0  }
0x16: {  	s15 =	simm.s32 $0x10;
	[sflag:s1] =	ssyncadd.s32 $0xFFFFFE00  }
0x17: {  	v0 =	vld [tilespmem:s15+$0xFFFFFFF0]  }
0x18: {  	s16 =	simm.s32 $0x210  }
0x19: {  	v2 =	vld [tilespmem:s16+$0xFFFFFFF0];
	_ =	sdelay $0x2  }
0x1a: {  	v1 =	vshll.u32 v0, $0x4  }
0x1b: {  	(v2sf) =	vpush v1, $0x0  }
0x1c: {  	v60 =	vshll.u32 v2, $0x4  }
0x1d: {  	(v2sf) =	vpush v60, $0x0;
	_ =	sdelay $0x3  }
0x1e: {  	(v2sf) =	vpush v1, $0x1;
	_ =	sdelay $0x3  }
0x1f: {  	(v2sf) =	vpush v60, $0x1;
	_ =	sdelay $0x3  }
0x20: {  	(v2sf) =	vpush v1, $0x2  }
0x21: {  	s22 =	spop (v2sf)  }
0x22: {  	s0 =	sand.u32 $0x1FFFFFF0, s22  }
0x23: {  	s23 =	simm.s32 $0x400;
	s24 =	spop (v2sf);
	s0 =	sadd.s32 s3, s0  }
0x24: {  	(v2sf) =	vpush v60, $0x2;
	[tilespmem:s23], [sflag:$0x1] =	stream.strided.gather [hbm4b:s0+s11], $0x0, s12, s11, $0x38;
	[tilespmem:$0x10400] =	vst v63  }
0x25: {  	s5 =	sand.u32 $0x1FFFFFF0, s24  }
0x26: {  	[tilespmem:s23], [sflag:$0x1] =	stream.linear.gather [hbm4b:s0+s2], $0x40, $0x38;
	[tilespmem:$0x10400] =	vst v63  }
0x27: {  	s25 =	simm.s32 $0x440;
	s26 =	spop (v2sf);
	s5 =	sadd.s32 s4, s5  }
0x28: {  	(v2sf) =	vpush v1, $0x3;
	[tilespmem:s25], [sflag:$0x1] =	stream.strided.gather [hbm4b:s5+s11], $0x0, s12, s11, $0x38;
	[tilespmem:$0x10400] =	vst v63  }
0x29: {  	s1 =	sand.u32 $0x1FFFFFF0, s26  }
0x2a: {  	[tilespmem:s25], [sflag:$0x1] =	stream.linear.gather [hbm4b:s5+s2], $0x40, $0x38;
	[tilespmem:$0x10400] =	vst v63  }
0x2b: {  	s29 =	simm.s32 $0x480;
	s28 =	spop (v2sf);
	s1 =	sadd.s32 s3, s1  }
0x2c: {  	(v2sf) =	vpush v60, $0x3;
	[tilespmem:s29], [sflag:$0x1] =	stream.strided.gather [hbm4b:s1+s11], $0x0, s12, s11, $0x38;
	[tilespmem:$0x10400] =	vst v63  }
0x2d: {  	s0 =	sand.u32 $0x1FFFFFF0, s28  }
0x2e: {  	[tilespmem:s29], [sflag:$0x1] =	stream.linear.gather [hbm4b:s1+s2], $0x40, $0x38;
	[tilespmem:$0x10400] =	vst v63  }
0x2f: {  	s31 =	simm.s32 $0x4C0;
	s30 =	spop (v2sf);
	s0 =	sadd.s32 s4, s0  }
0x30: {  	(v2sf) =	vpush v1, $0x4;
	[tilespmem:s31], [sflag:$0x1] =	stream.strided.gather [hbm4b:s0+s11], $0x0, s12, s11, $0x38;
	[tilespmem:$0x10400] =	vst v63  }
0x31: {  	s1 =	sand.u32 $0x1FFFFFF0, s30  }
0x32: {  	[tilespmem:s31], [sflag:$0x1] =	stream.linear.gather [hbm4b:s0+s2], $0x40, $0x38;
	[tilespmem:$0x10400] =	vst v63  }
0x33: {  	s6 =	simm.s32 $0x500;
	s1 =	sadd.s32 s3, s1;
	s5 =	spop (v2sf)  }
0x34: {  	(v2sf) =	vpush v60, $0x4;
	[tilespmem:s6], [sflag:$0x1] =	stream.strided.gather [hbm4b:s1+s11], $0x0, s12, s11, $0x38;
	[tilespmem:$0x10400] =	vst v63  }
0x35: {  	s0 =	sand.u32 $0x1FFFFFF0, s5  }
0x36: {  	[tilespmem:s6], [sflag:$0x1] =	stream.linear.gather [hbm4b:s1+s2], $0x40, $0x38;
	[tilespmem:$0x10400] =	vst v63  }
0x37: {  	s8 =	simm.s32 $0x540;
	s7 =	spop (v2sf);
	s0 =	sadd.s32 s4, s0  }
0x38: {  	(v2sf) =	vpush v1, $0x5;
	[tilespmem:s8], [sflag:$0x1] =	stream.strided.gather [hbm4b:s0+s11], $0x0, s12, s11, $0x38;
	[tilespmem:$0x10400] =	vst v63  }
0x39: {  	s1 =	sand.u32 $0x1FFFFFF0, s7  }
0x3a: {  	[tilespmem:s8], [sflag:$0x1] =	stream.linear.gather [hbm4b:s0+s2], $0x40, $0x38;
	[tilespmem:$0x10400] =	vst v63  }
0x3b: {  	s10 =	simm.s32 $0x580;
	s9 =	spop (v2sf);
	s1 =	sadd.s32 s3, s1  }
0x3c: {  	(v2sf) =	vpush v60, $0x5;
	[tilespmem:s10], [sflag:$0x1] =	stream.strided.gather [hbm4b:s1+s11], $0x0, s12, s11, $0x38;
	[tilespmem:$0x10400] =	vst v63  }
0x3d: {  	s0 =	sand.u32 $0x1FFFFFF0, s9  }
0x3e: {  	[tilespmem:s10], [sflag:$0x1] =	stream.linear.gather [hbm4b:s1+s2], $0x40, $0x38;
	[tilespmem:$0x10400] =	vst v63  }
0x3f: {  	s18 =	simm.s32 $0x5C0;
	s17 =	spop (v2sf);
	s0 =	sadd.s32 s4, s0  }
0x40: {  	(v2sf) =	vpush v1, $0x6;
	[tilespmem:s18], [sflag:$0x1] =	stream.strided.gather [hbm4b:s0+s11], $0x0, s12, s11, $0x38;
	[tilespmem:$0x10400] =	vst v63  }
0x41: {  	s1 =	sand.u32 $0x1FFFFFF0, s17  }
0x42: {  	[tilespmem:s18], [sflag:$0x1] =	stream.linear.gather [hbm4b:s0+s2], $0x40, $0x38;
	[tilespmem:$0x10400] =	vst v63  }
0x43: {  	s20 =	simm.s32 $0x600;
	s19 =	spop (v2sf);
	s1 =	sadd.s32 s3, s1  }
0x44: {  	(v2sf) =	vpush v60, $0x6;
	[tilespmem:s20], [sflag:$0x1] =	stream.strided.gather [hbm4b:s1+s11], $0x0, s12, s11, $0x38;
	[tilespmem:$0x10400] =	vst v63  }
0x45: {  	s0 =	sand.u32 $0x1FFFFFF0, s19  }
0x46: {  	[tilespmem:s20], [sflag:$0x1] =	stream.linear.gather [hbm4b:s1+s2], $0x40, $0x38;
	[tilespmem:$0x10400] =	vst v63  }
0x47: {  	s22 =	simm.s32 $0x640;
	s21 =	spop (v2sf);
	s0 =	sadd.s32 s4, s0  }
0x48: {  	(v2sf) =	vpush v1, $0x7;
	[tilespmem:s22], [sflag:$0x1] =	stream.strided.gather [hbm4b:s0+s11], $0x0, s12, s11, $0x38;
	[tilespmem:$0x10400] =	vst v63  }
0x49: {  	s1 =	sand.u32 $0x1FFFFFF0, s21  }
0x4a: {  	[tilespmem:s22], [sflag:$0x1] =	stream.linear.gather [hbm4b:s0+s2], $0x40, $0x38;
	[tilespmem:$0x10400] =	vst v63  }
0x4b: {  	s24 =	simm.s32 $0x680;
	s23 =	spop (v2sf);
	s1 =	sadd.s32 s3, s1  }
0x4c: {  	(v2sf) =	vpush v60, $0x7;
	[tilespmem:s24], [sflag:$0x1] =	stream.strided.gather [hbm4b:s1+s11], $0x0, s12, s11, $0x38;
	[tilespmem:$0x10400] =	vst v63  }
0x4d: {  	s0 =	sand.u32 $0x1FFFFFF0, s23  }
0x4e: {  	[tilespmem:s24], [sflag:$0x1] =	stream.linear.gather [hbm4b:s1+s2], $0x40, $0x38;
	[tilespmem:$0x10400] =	vst v63  }
0x4f: {  	s26 =	simm.s32 $0x6C0;
	s25 =	spop (v2sf);
	s0 =	sadd.s32 s4, s0  }
0x50: {  	(v2sf) =	vpush v1, $0x8;
	[tilespmem:s26], [sflag:$0x1] =	stream.strided.gather [hbm4b:s0+s11], $0x0, s12, s11, $0x38;
	[tilespmem:$0x10400] =	vst v63  }
0x51: {  	s1 =	sand.u32 $0x1FFFFFF0, s25  }
0x52: {  	[tilespmem:s26], [sflag:$0x1] =	stream.linear.gather [hbm4b:s0+s2], $0x40, $0x38;
	[tilespmem:$0x10400] =	vst v63  }
0x53: {  	s29 =	simm.s32 $0x700;
	s28 =	spop (v2sf);
	s1 =	sadd.s32 s3, s1  }
0x54: {  	(v2sf) =	vpush v60, $0x8;
	[tilespmem:s29], [sflag:$0x1] =	stream.strided.gather [hbm4b:s1+s11], $0x0, s12, s11, $0x38;
	[tilespmem:$0x10400] =	vst v63  }
0x55: {  	s0 =	sand.u32 $0x1FFFFFF0, s28  }
0x56: {  	[tilespmem:s29], [sflag:$0x1] =	stream.linear.gather [hbm4b:s1+s2], $0x40, $0x38;
	[tilespmem:$0x10400] =	vst v63  }
0x57: {  	s31 =	simm.s32 $0x740;
	s30 =	spop (v2sf);
	s0 =	sadd.s32 s4, s0  }
0x58: {  	(v2sf) =	vpush v1, $0x9;
	[tilespmem:s31], [sflag:$0x1] =	stream.strided.gather [hbm4b:s0+s11], $0x0, s12, s11, $0x38;
	[tilespmem:$0x10400] =	vst v63  }
0x59: {  	s1 =	sand.u32 $0x1FFFFFF0, s30  }
0x5a: {  	[tilespmem:s31], [sflag:$0x1] =	stream.linear.gather [hbm4b:s0+s2], $0x40, $0x38;
	[tilespmem:$0x10400] =	vst v63  }
0x5b: {  	s6 =	simm.s32 $0x780;
	s5 =	spop (v2sf);
	s1 =	sadd.s32 s3, s1  }
0x5c: {  	(v2sf) =	vpush v60, $0x9;
	[tilespmem:s6], [sflag:$0x1] =	stream.strided.gather [hbm4b:s1+s11], $0x0, s12, s11, $0x38;
	[tilespmem:$0x10400] =	vst v63  }
0x5d: {  	s0 =	sand.u32 $0x1FFFFFF0, s5  }
0x5e: {  	[tilespmem:s6], [sflag:$0x1] =	stream.linear.gather [hbm4b:s1+s2], $0x40, $0x38;
	[tilespmem:$0x10400] =	vst v63  }
0x5f: {  	s8 =	simm.s32 $0x7C0;
	s7 =	spop (v2sf);
	s0 =	sadd.s32 s4, s0  }
0x60: {  	(v2sf) =	vpush v1, $0xA;
	[tilespmem:s8], [sflag:$0x1] =	stream.strided.gather [hbm4b:s0+s11], $0x0, s12, s11, $0x38;
	[tilespmem:$0x10400] =	vst v63  }
0x61: {  	s1 =	sand.u32 $0x1FFFFFF0, s7  }
0x62: {  	[tilespmem:s8], [sflag:$0x1] =	stream.linear.gather [hbm4b:s0+s2], $0x40, $0x38;
	[tilespmem:$0x10400] =	vst v63  }
0x63: {  	s10 =	simm.s32 $0x800;
	s9 =	spop (v2sf);
	s1 =	sadd.s32 s3, s1  }
0x64: {  	(v2sf) =	vpush v60, $0xA;
	[tilespmem:s10], [sflag:$0x1] =	stream.strided.gather [hbm4b:s1+s11], $0x0, s12, s11, $0x38;
	[tilespmem:$0x10400] =	vst v63  }
0x65: {  	s0 =	sand.u32 $0x1FFFFFF0, s9  }
0x66: {  	[tilespmem:s10], [sflag:$0x1] =	stream.linear.gather [hbm4b:s1+s2], $0x40, $0x38;
	[tilespmem:$0x10400] =	vst v63  }
0x67: {  	s18 =	simm.s32 $0x840;
	s17 =	spop (v2sf);
	s0 =	sadd.s32 s4, s0  }
0x68: {  	(v2sf) =	vpush v1, $0xB;
	[tilespmem:s18], [sflag:$0x1] =	stream.strided.gather [hbm4b:s0+s11], $0x0, s12, s11, $0x38;
	[tilespmem:$0x10400] =	vst v63  }
0x69: {  	s1 =	sand.u32 $0x1FFFFFF0, s17  }
0x6a: {  	[tilespmem:s18], [sflag:$0x1] =	stream.linear.gather [hbm4b:s0+s2], $0x40, $0x38;
	[tilespmem:$0x10400] =	vst v63  }
0x6b: {  	s20 =	simm.s32 $0x880;
	s19 =	spop (v2sf);
	s1 =	sadd.s32 s3, s1  }
0x6c: {  	(v2sf) =	vpush v60, $0xB;
	[tilespmem:s20], [sflag:$0x1] =	stream.strided.gather [hbm4b:s1+s11], $0x0, s12, s11, $0x38;
	[tilespmem:$0x10400] =	vst v63  }
0x6d: {  	s0 =	sand.u32 $0x1FFFFFF0, s19  }
0x6e: {  	[tilespmem:s20], [sflag:$0x1] =	stream.linear.gather [hbm4b:s1+s2], $0x40, $0x38;
	[tilespmem:$0x10400] =	vst v63  }
0x6f: {  	s22 =	simm.s32 $0x8C0;
	s21 =	spop (v2sf);
	s0 =	sadd.s32 s4, s0  }
0x70: {  	(v2sf) =	vpush v1, $0xC;
	[tilespmem:s22], [sflag:$0x1] =	stream.strided.gather [hbm4b:s0+s11], $0x0, s12, s11, $0x38;
	[tilespmem:$0x10400] =	vst v63  }
0x71: {  	s1 =	sand.u32 $0x1FFFFFF0, s21  }
0x72: {  	[tilespmem:s22], [sflag:$0x1] =	stream.linear.gather [hbm4b:s0+s2], $0x40, $0x38;
	[tilespmem:$0x10400] =	vst v63  }
0x73: {  	s24 =	simm.s32 $0x900;
	s23 =	spop (v2sf);
	s1 =	sadd.s32 s3, s1  }
0x74: {  	(v2sf) =	vpush v60, $0xC;
	[tilespmem:s24], [sflag:$0x1] =	stream.strided.gather [hbm4b:s1+s11], $0x0, s12, s11, $0x38;
	[tilespmem:$0x10400] =	vst v63  }
0x75: {  	s0 =	sand.u32 $0x1FFFFFF0, s23  }
0x76: {  	[tilespmem:s24], [sflag:$0x1] =	stream.linear.gather [hbm4b:s1+s2], $0x40, $0x38;
	[tilespmem:$0x10400] =	vst v63  }
0x77: {  	s26 =	simm.s32 $0x940;
	s25 =	spop (v2sf);
	s0 =	sadd.s32 s4, s0  }
0x78: {  	(v2sf) =	vpush v1, $0xD;
	[tilespmem:s26], [sflag:$0x1] =	stream.strided.gather [hbm4b:s0+s11], $0x0, s12, s11, $0x38;
	[tilespmem:$0x10400] =	vst v63  }
0x79: {  	s1 =	sand.u32 $0x1FFFFFF0, s25  }
0x7a: {  	[tilespmem:s26], [sflag:$0x1] =	stream.linear.gather [hbm4b:s0+s2], $0x40, $0x38;
	[tilespmem:$0x10400] =	vst v63  }
0x7b: {  	s29 =	simm.s32 $0x980;
	s28 =	spop (v2sf);
	s1 =	sadd.s32 s3, s1  }
0x7c: {  	(v2sf) =	vpush v60, $0xD;
	[tilespmem:s29], [sflag:$0x1] =	stream.strided.gather [hbm4b:s1+s11], $0x0, s12, s11, $0x38;
	[tilespmem:$0x10400] =	vst v63  }
0x7d: {  	s0 =	sand.u32 $0x1FFFFFF0, s28  }
0x7e: {  	[tilespmem:s29], [sflag:$0x1] =	stream.linear.gather [hbm4b:s1+s2], $0x40, $0x38;
	[tilespmem:$0x10400] =	vst v63  }
0x7f: {  	s31 =	simm.s32 $0x9C0;
	s30 =	spop (v2sf);
	s0 =	sadd.s32 s4, s0  }
0x80: {  	(v2sf) =	vpush v1, $0xE;
	[tilespmem:s31], [sflag:$0x1] =	stream.strided.gather [hbm4b:s0+s11], $0x0, s12, s11, $0x38;
	[tilespmem:$0x10400] =	vst v63  }
0x81: {  	s1 =	sand.u32 $0x1FFFFFF0, s30  }
0x82: {  	[tilespmem:s31], [sflag:$0x1] =	stream.linear.gather [hbm4b:s0+s2], $0x40, $0x38;
	[tilespmem:$0x10400] =	vst v63  }
0x83: {  	s6 =	simm.s32 $0xA00;
	s5 =	spop (v2sf);
	s1 =	sadd.s32 s3, s1  }
0x84: {  	(v2sf) =	vpush v60, $0xE;
	[tilespmem:s6], [sflag:$0x1] =	stream.strided.gather [hbm4b:s1+s11], $0x0, s12, s11, $0x38;
	[tilespmem:$0x10400] =	vst v63  }
0x85: {  	s0 =	sand.u32 $0x1FFFFFF0, s5  }
0x86: {  	[tilespmem:s6], [sflag:$0x1] =	stream.linear.gather [hbm4b:s1+s2], $0x40, $0x38;
	[tilespmem:$0x10400] =	vst v63  }
0x87: {  	s8 =	simm.s32 $0xA40;
	s7 =	spop (v2sf);
	s0 =	sadd.s32 s4, s0  }
0x88: {  	(v2sf) =	vpush v1, $0xF;
	[tilespmem:s8], [sflag:$0x1] =	stream.strided.gather [hbm4b:s0+s11], $0x0, s12, s11, $0x38;
	[tilespmem:$0x10400] =	vst v63  }
0x89: {  	s1 =	sand.u32 $0x1FFFFFF0, s7  }
0x8a: {  	[tilespmem:s8], [sflag:$0x1] =	stream.linear.gather [hbm4b:s0+s2], $0x40, $0x38;
	[tilespmem:$0x10400] =	vst v63  }
0x8b: {  	s10 =	simm.s32 $0xA80;
	s9 =	spop (v2sf);
	s1 =	sadd.s32 s3, s1  }
0x8c: {  	(v2sf) =	vpush v60, $0xF;
	[tilespmem:s10], [sflag:$0x1] =	stream.strided.gather [hbm4b:s1+s11], $0x0, s12, s11, $0x38;
	[tilespmem:$0x10400] =	vst v63  }
0x8d: {  	s0 =	sand.u32 $0x1FFFFFF0, s9  }
0x8e: {  	[tilespmem:s10], [sflag:$0x1] =	stream.linear.gather [hbm4b:s1+s2], $0x40, $0x38;
	[tilespmem:$0x10400] =	vst v63  }
0x8f: {  	s18 =	simm.s32 $0xAC0;
	s17 =	spop (v2sf);
	s0 =	sadd.s32 s4, s0  }
0x90: {  	[tilespmem:s18], [sflag:$0x1] =	stream.strided.gather [hbm4b:s0+s11], $0x0, s12, s11, $0x38;
	[tilespmem:$0x10400] =	vst v63  }
0x91: {  	s1 =	sand.u32 $0x1FFFFFF0, s17  }
0x92: {  	[tilespmem:s18], [sflag:$0x1] =	stream.linear.gather [hbm4b:s0+s2], $0x40, $0x38;
	[tilespmem:$0x10400] =	vst v63  }
0x93: {  	s20 =	simm.s32 $0xB00;
	s19 =	spop (v2sf);
	s1 =	sadd.s32 s3, s1  }
0x94: {  	[tilespmem:s20], [sflag:$0x1] =	stream.strided.gather [hbm4b:s1+s11], $0x0, s12, s11, $0x38;
	[tilespmem:$0x10400] =	vst v63  }
0x95: {  	s0 =	sand.u32 $0x1FFFFFF0, s19  }
0x96: {  	[tilespmem:s20], [sflag:$0x1] =	stream.linear.gather [hbm4b:s1+s2], $0x40, $0x38;
	[tilespmem:$0x10400] =	vst v63  }
0x97: {  	s22 =	simm.s32 $0xB40;
	s21 =	spop (v2sf);
	s0 =	sadd.s32 s4, s0  }
0x98: {  	[tilespmem:s22], [sflag:$0x1] =	stream.strided.gather [hbm4b:s0+s11], $0x0, s12, s11, $0x38;
	[tilespmem:$0x10400] =	vst v63  }
0x99: {  	s1 =	sand.u32 $0x1FFFFFF0, s21  }
0x9a: {  	[tilespmem:s22], [sflag:$0x1] =	stream.linear.gather [hbm4b:s0+s2], $0x40, $0x38;
	[tilespmem:$0x10400] =	vst v63  }
0x9b: {  	s24 =	simm.s32 $0xB80;
	s23 =	spop (v2sf);
	s1 =	sadd.s32 s3, s1  }
0x9c: {  	[tilespmem:s24], [sflag:$0x1] =	stream.strided.gather [hbm4b:s1+s11], $0x0, s12, s11, $0x38;
	[tilespmem:$0x10400] =	vst v63  }
0x9d: {  	s0 =	sand.u32 $0x1FFFFFF0, s23  }
0x9e: {  	[tilespmem:s24], [sflag:$0x1] =	stream.linear.gather [hbm4b:s1+s2], $0x40, $0x38;
	[tilespmem:$0x10400] =	vst v63  }
0x9f: {  	s25 =	simm.s32 $0xBC0;
	s0 =	sadd.s32 s4, s0  }
0xa0: {  	[tilespmem:s25], [sflag:$0x1] =	stream.strided.gather [hbm4b:s0+s11], $0x0, s12, s11, $0x38;
	[tilespmem:$0x10400] =	vst v63  }
0xa1: {  	_ = 	snop  }
0xa2: {  	[tilespmem:s25], [sflag:$0x1] =	stream.linear.gather [hbm4b:s0+s2], $0x40, $0x38;
	[tilespmem:$0x10400] =	vst v63  }
0xa3: {  	v61 =	vld [tilespmem:s15+$0x0];
	_ =	sdelay $0x3  }
0xa4: {  	v63 =	vld [tilespmem:s16+$0x0]  }
0xa5: {  	v62 =	vshll.u32 v61, $0x4  }
0xa6: {  	(v2sf) =	vpush v62, $0x0;
	_ =	sdelay $0x1  }
0xa7: {  	(v2sf) =	vpush v62, $0x1  }
0xa8: {  	v0 =	vshll.u32 v63, $0x4  }
0xa9: {  	(v2sf) =	vpush v0, $0x0;
	_ =	sdelay $0xa  }
0xaa: {  	s26 =	spop (v2sf);
	(v2sf) =	vpush v0, $0x1  }
0xab: {  	s0 =	sand.u32 $0x1FFFFFF0, s26  }
0xac: {  	s28 =	simm.s32 $0xC00;
	s29 =	spop (v2sf);
	s0 =	sadd.s32 s3, s0  }
0xad: {  	[tilespmem:s28], [sflag:$0x1] =	stream.strided.gather [hbm4b:s0+s11], $0x0, s12, s11, $0x38;
	[tilespmem:$0x10400] =	vst v63  }
0xae: {  	(v2sf) =	vpush v62, $0x2;
	s30 =	spop (v2sf)  }
0xaf: {  	[tilespmem:s28], [sflag:$0x1] =	stream.linear.gather [hbm4b:s0+s2], $0x40, $0x38;
	[tilespmem:$0x10400] =	vst v63  }
0xb0: {  	s0 =	sand.u32 $0x1FFFFFF0, s30  }
0xb1: {  	s31 =	simm.s32 $0xC40;
	s0 =	sadd.s32 s4, s0  }
0xb2: {  	[tilespmem:s31], [sflag:$0x1] =	stream.strided.gather [hbm4b:s0+s11], $0x0, s12, s11, $0x38;
	[tilespmem:$0x10400] =	vst v63  }
0xb3: {  	s5 =	sand.u32 $0x1FFFFFF0, s29;
	(v2sf) =	vpush v0, $0x2  }
0xb4: {  	[tilespmem:s31], [sflag:$0x1] =	stream.linear.gather [hbm4b:s0+s2], $0x40, $0x38;
	[tilespmem:$0x10400] =	vst v63  }
0xb5: {  	s6 =	simm.s32 $0xC80;
	s0 =	sadd.s32 s3, s5  }
0xb6: {  	[tilespmem:s6], [sflag:$0x1] =	stream.strided.gather [hbm4b:s0+s11], $0x0, s12, s11, $0x38;
	[tilespmem:$0x10400] =	vst v63  }
0xb7: {  	_ = 	snop  }
0xb8: {  	[tilespmem:s6], [sflag:$0x1] =	stream.linear.gather [hbm4b:s0+s2], $0x40, $0x38;
	[tilespmem:$0x10400] =	vst v63  }
0xb9: {  	s7 =	spop (v2sf)  }
0xba: {  	(v2sf) =	vpush v62, $0x3;
	s0 =	sand.u32 $0x1FFFFFF0, s7  }
0xbb: {  	s8 =	simm.s32 $0xCC0;
	s0 =	sadd.s32 s4, s0  }
0xbc: {  	[tilespmem:s8], [sflag:$0x1] =	stream.strided.gather [hbm4b:s0+s11], $0x0, s12, s11, $0x38;
	[tilespmem:$0x10400] =	vst v63  }
0xbd: {  	s9 =	spop (v2sf)  }
0xbe: {  	(v2sf) =	vpush v0, $0x3;
	[tilespmem:s8], [sflag:$0x1] =	stream.linear.gather [hbm4b:s0+s2], $0x40, $0x38;
	[tilespmem:$0x10400] =	vst v63  }
0xbf: {  	s0 =	sand.u32 $0x1FFFFFF0, s9  }
0xc0: {  	s10 =	simm.s32 $0xD00;
	s0 =	sadd.s32 s3, s0  }
0xc1: {  	[tilespmem:s10], [sflag:$0x1] =	stream.strided.gather [hbm4b:s0+s11], $0x0, s12, s11, $0x38;
	[tilespmem:$0x10400] =	vst v63  }
0xc2: {  	s17 =	spop (v2sf)  }
0xc3: {  	(v2sf) =	vpush v62, $0x4;
	[tilespmem:s10], [sflag:$0x1] =	stream.linear.gather [hbm4b:s0+s2], $0x40, $0x38;
	[tilespmem:$0x10400] =	vst v63  }
0xc4: {  	s0 =	sand.u32 $0x1FFFFFF0, s17  }
0xc5: {  	s18 =	simm.s32 $0xD40;
	s0 =	sadd.s32 s4, s0  }
0xc6: {  	[tilespmem:s18], [sflag:$0x1] =	stream.strided.gather [hbm4b:s0+s11], $0x0, s12, s11, $0x38;
	[tilespmem:$0x10400] =	vst v63  }
0xc7: {  	_ = 	snop  }
0xc8: {  	[tilespmem:s18], [sflag:$0x1] =	stream.linear.gather [hbm4b:s0+s2], $0x40, $0x38;
	[tilespmem:$0x10400] =	vst v63  }
0xc9: {  	s19 =	spop (v2sf)  }
0xca: {  	(v2sf) =	vpush v0, $0x4;
	s0 =	sand.u32 $0x1FFFFFF0, s19  }
0xcb: {  	s20 =	simm.s32 $0xD80;
	s0 =	sadd.s32 s3, s0  }
0xcc: {  	[tilespmem:s20], [sflag:$0x1] =	stream.strided.gather [hbm4b:s0+s11], $0x0, s12, s11, $0x38;
	[tilespmem:$0x10400] =	vst v63  }
0xcd: {  	s21 =	spop (v2sf)  }
0xce: {  	(v2sf) =	vpush v62, $0x5;
	[tilespmem:s20], [sflag:$0x1] =	stream.linear.gather [hbm4b:s0+s2], $0x40, $0x38;
	[tilespmem:$0x10400] =	vst v63  }
0xcf: {  	s0 =	sand.u32 $0x1FFFFFF0, s21  }
0xd0: {  	s22 =	simm.s32 $0xDC0;
	s0 =	sadd.s32 s4, s0  }
0xd1: {  	[tilespmem:s22], [sflag:$0x1] =	stream.strided.gather [hbm4b:s0+s11], $0x0, s12, s11, $0x38;
	[tilespmem:$0x10400] =	vst v63  }
0xd2: {  	s23 =	spop (v2sf)  }
0xd3: {  	(v2sf) =	vpush v0, $0x5;
	[tilespmem:s22], [sflag:$0x1] =	stream.linear.gather [hbm4b:s0+s2], $0x40, $0x38;
	[tilespmem:$0x10400] =	vst v63  }
0xd4: {  	s0 =	sand.u32 $0x1FFFFFF0, s23  }
0xd5: {  	s24 =	simm.s32 $0xE00;
	s0 =	sadd.s32 s3, s0  }
0xd6: {  	[tilespmem:s24], [sflag:$0x1] =	stream.strided.gather [hbm4b:s0+s11], $0x0, s12, s11, $0x38;
	[tilespmem:$0x10400] =	vst v63  }
0xd7: {  	_ = 	snop  }
0xd8: {  	[tilespmem:s24], [sflag:$0x1] =	stream.linear.gather [hbm4b:s0+s2], $0x40, $0x38;
	[tilespmem:$0x10400] =	vst v63  }
0xd9: {  	s25 =	spop (v2sf)  }
0xda: {  	(v2sf) =	vpush v62, $0x6;
	s0 =	sand.u32 $0x1FFFFFF0, s25  }
0xdb: {  	s26 =	simm.s32 $0xE40;
	s0 =	sadd.s32 s4, s0  }
0xdc: {  	[tilespmem:s26], [sflag:$0x1] =	stream.strided.gather [hbm4b:s0+s11], $0x0, s12, s11, $0x38;
	[tilespmem:$0x10400] =	vst v63  }
0xdd: {  	s28 =	spop (v2sf)  }
0xde: {  	(v2sf) =	vpush v0, $0x6;
	[tilespmem:s26], [sflag:$0x1] =	stream.linear.gather [hbm4b:s0+s2], $0x40, $0x38;
	[tilespmem:$0x10400] =	vst v63  }
0xdf: {  	s0 =	sand.u32 $0x1FFFFFF0, s28  }
0xe0: {  	s29 =	simm.s32 $0xE80;
	s0 =	sadd.s32 s3, s0  }
0xe1: {  	[tilespmem:s29], [sflag:$0x1] =	stream.strided.gather [hbm4b:s0+s11], $0x0, s12, s11, $0x38;
	[tilespmem:$0x10400] =	vst v63  }
0xe2: {  	s30 =	spop (v2sf)  }
0xe3: {  	(v2sf) =	vpush v62, $0x7;
	[tilespmem:s29], [sflag:$0x1] =	stream.linear.gather [hbm4b:s0+s2], $0x40, $0x38;
	[tilespmem:$0x10400] =	vst v63  }
0xe4: {  	s0 =	sand.u32 $0x1FFFFFF0, s30  }
0xe5: {  	s31 =	simm.s32 $0xEC0;
	s0 =	sadd.s32 s4, s0  }
0xe6: {  	[tilespmem:s31], [sflag:$0x1] =	stream.strided.gather [hbm4b:s0+s11], $0x0, s12, s11, $0x38;
	[tilespmem:$0x10400] =	vst v63  }
0xe7: {  	_ = 	snop  }
0xe8: {  	[tilespmem:s31], [sflag:$0x1] =	stream.linear.gather [hbm4b:s0+s2], $0x40, $0x38;
	[tilespmem:$0x10400] =	vst v63  }
0xe9: {  	s5 =	spop (v2sf)  }
0xea: {  	(v2sf) =	vpush v0, $0x7;
	s0 =	sand.u32 $0x1FFFFFF0, s5  }
0xeb: {  	s6 =	simm.s32 $0xF00;
	s0 =	sadd.s32 s3, s0  }
0xec: {  	[tilespmem:s6], [sflag:$0x1] =	stream.strided.gather [hbm4b:s0+s11], $0x0, s12, s11, $0x38;
	[tilespmem:$0x10400] =	vst v63  }
0xed: {  	s7 =	spop (v2sf)  }
0xee: {  	(v2sf) =	vpush v62, $0x8;
	[tilespmem:s6], [sflag:$0x1] =	stream.linear.gather [hbm4b:s0+s2], $0x40, $0x38;
	[tilespmem:$0x10400] =	vst v63  }
0xef: {  	s0 =	sand.u32 $0x1FFFFFF0, s7  }
0xf0: {  	s8 =	simm.s32 $0xF40;
	s0 =	sadd.s32 s4, s0  }
0xf1: {  	[tilespmem:s8], [sflag:$0x1] =	stream.strided.gather [hbm4b:s0+s11], $0x0, s12, s11, $0x38;
	[tilespmem:$0x10400] =	vst v63  }
0xf2: {  	s9 =	spop (v2sf)  }
0xf3: {  	(v2sf) =	vpush v0, $0x8;
	[tilespmem:s8], [sflag:$0x1] =	stream.linear.gather [hbm4b:s0+s2], $0x40, $0x38;
	[tilespmem:$0x10400] =	vst v63  }
0xf4: {  	s0 =	sand.u32 $0x1FFFFFF0, s9  }
0xf5: {  	s10 =	simm.s32 $0xF80;
	s0 =	sadd.s32 s3, s0  }
0xf6: {  	[tilespmem:s10], [sflag:$0x1] =	stream.strided.gather [hbm4b:s0+s11], $0x0, s12, s11, $0x38;
	[tilespmem:$0x10400] =	vst v63  }
0xf7: {  	_ = 	snop  }
0xf8: {  	[tilespmem:s10], [sflag:$0x1] =	stream.linear.gather [hbm4b:s0+s2], $0x40, $0x38;
	[tilespmem:$0x10400] =	vst v63  }
0xf9: {  	s17 =	spop (v2sf)  }
0xfa: {  	(v2sf) =	vpush v62, $0x9;
	s0 =	sand.u32 $0x1FFFFFF0, s17  }
0xfb: {  	s18 =	simm.s32 $0xFC0;
	s0 =	sadd.s32 s4, s0  }
0xfc: {  	[tilespmem:s18], [sflag:$0x1] =	stream.strided.gather [hbm4b:s0+s11], $0x0, s12, s11, $0x38;
	[tilespmem:$0x10400] =	vst v63  }
0xfd: {  	s19 =	spop (v2sf)  }
0xfe: {  	(v2sf) =	vpush v0, $0x9;
	[tilespmem:s18], [sflag:$0x1] =	stream.linear.gather [hbm4b:s0+s2], $0x40, $0x38;
	[tilespmem:$0x10400] =	vst v63  }
0xff: {  	s0 =	sand.u32 $0x1FFFFFF0, s19  }
0x100: {  	s20 =	simm.s32 $0x1000;
	s0 =	sadd.s32 s3, s0  }
0x101: {  	[tilespmem:s20], [sflag:$0x1] =	stream.strided.gather [hbm4b:s0+s11], $0x0, s12, s11, $0x38;
	[tilespmem:$0x10400] =	vst v63  }
0x102: {  	s21 =	spop (v2sf)  }
0x103: {  	(v2sf) =	vpush v62, $0xA;
	[tilespmem:s20], [sflag:$0x1] =	stream.linear.gather [hbm4b:s0+s2], $0x40, $0x38;
	[tilespmem:$0x10400] =	vst v63  }
0x104: {  	s0 =	sand.u32 $0x1FFFFFF0, s21  }
0x105: {  	s22 =	simm.s32 $0x1040;
	s0 =	sadd.s32 s4, s0  }
0x106: {  	[tilespmem:s22], [sflag:$0x1] =	stream.strided.gather [hbm4b:s0+s11], $0x0, s12, s11, $0x38;
	[tilespmem:$0x10400] =	vst v63  }
0x107: {  	_ = 	snop  }
0x108: {  	[tilespmem:s22], [sflag:$0x1] =	stream.linear.gather [hbm4b:s0+s2], $0x40, $0x38;
	[tilespmem:$0x10400] =	vst v63  }
0x109: {  	s23 =	spop (v2sf)  }
0x10a: {  	(v2sf) =	vpush v0, $0xA;
	s0 =	sand.u32 $0x1FFFFFF0, s23  }
0x10b: {  	s24 =	simm.s32 $0x1080;
	s0 =	sadd.s32 s3, s0  }
0x10c: {  	[tilespmem:s24], [sflag:$0x1] =	stream.strided.gather [hbm4b:s0+s11], $0x0, s12, s11, $0x38;
	[tilespmem:$0x10400] =	vst v63  }
0x10d: {  	s25 =	spop (v2sf)  }
0x10e: {  	(v2sf) =	vpush v62, $0xB;
	[tilespmem:s24], [sflag:$0x1] =	stream.linear.gather [hbm4b:s0+s2], $0x40, $0x38;
	[tilespmem:$0x10400] =	vst v63  }
0x10f: {  	s0 =	sand.u32 $0x1FFFFFF0, s25  }
0x110: {  	s26 =	simm.s32 $0x10C0;
	s0 =	sadd.s32 s4, s0  }
0x111: {  	[tilespmem:s26], [sflag:$0x1] =	stream.strided.gather [hbm4b:s0+s11], $0x0, s12, s11, $0x38;
	[tilespmem:$0x10400] =	vst v63  }
0x112: {  	s28 =	spop (v2sf)  }
0x113: {  	(v2sf) =	vpush v0, $0xB;
	[tilespmem:s26], [sflag:$0x1] =	stream.linear.gather [hbm4b:s0+s2], $0x40, $0x38;
	[tilespmem:$0x10400] =	vst v63  }
0x114: {  	s0 =	sand.u32 $0x1FFFFFF0, s28  }
0x115: {  	s29 =	simm.s32 $0x1100;
	s0 =	sadd.s32 s3, s0  }
0x116: {  	[tilespmem:s29], [sflag:$0x1] =	stream.strided.gather [hbm4b:s0+s11], $0x0, s12, s11, $0x38;
	[tilespmem:$0x10400] =	vst v63  }
0x117: {  	_ = 	snop  }
0x118: {  	[tilespmem:s29], [sflag:$0x1] =	stream.linear.gather [hbm4b:s0+s2], $0x40, $0x38;
	[tilespmem:$0x10400] =	vst v63  }
0x119: {  	s30 =	spop (v2sf)  }
0x11a: {  	(v2sf) =	vpush v62, $0xC;
	s0 =	sand.u32 $0x1FFFFFF0, s30  }
0x11b: {  	s31 =	simm.s32 $0x1140;
	s0 =	sadd.s32 s4, s0  }
0x11c: {  	[tilespmem:s31], [sflag:$0x1] =	stream.strided.gather [hbm4b:s0+s11], $0x0, s12, s11, $0x38;
	[tilespmem:$0x10400] =	vst v63  }
0x11d: {  	s5 =	spop (v2sf)  }
0x11e: {  	(v2sf) =	vpush v0, $0xC;
	[tilespmem:s31], [sflag:$0x1] =	stream.linear.gather [hbm4b:s0+s2], $0x40, $0x38;
	[tilespmem:$0x10400] =	vst v63  }
0x11f: {  	s0 =	sand.u32 $0x1FFFFFF0, s5  }
0x120: {  	s6 =	simm.s32 $0x1180;
	s0 =	sadd.s32 s3, s0  }
0x121: {  	[tilespmem:s6], [sflag:$0x1] =	stream.strided.gather [hbm4b:s0+s11], $0x0, s12, s11, $0x38;
	[tilespmem:$0x10400] =	vst v63  }
0x122: {  	s7 =	spop (v2sf)  }
0x123: {  	(v2sf) =	vpush v62, $0xD;
	[tilespmem:s6], [sflag:$0x1] =	stream.linear.gather [hbm4b:s0+s2], $0x40, $0x38;
	[tilespmem:$0x10400] =	vst v63  }
0x124: {  	s0 =	sand.u32 $0x1FFFFFF0, s7  }
0x125: {  	s8 =	simm.s32 $0x11C0;
	s0 =	sadd.s32 s4, s0  }
0x126: {  	[tilespmem:s8], [sflag:$0x1] =	stream.strided.gather [hbm4b:s0+s11], $0x0, s12, s11, $0x38;
	[tilespmem:$0x10400] =	vst v63  }
0x127: {  	_ = 	snop  }
0x128: {  	[tilespmem:s8], [sflag:$0x1] =	stream.linear.gather [hbm4b:s0+s2], $0x40, $0x38;
	[tilespmem:$0x10400] =	vst v63  }
0x129: {  	s9 =	spop (v2sf)  }
0x12a: {  	(v2sf) =	vpush v0, $0xD;
	s0 =	sand.u32 $0x1FFFFFF0, s9  }
0x12b: {  	s10 =	simm.s32 $0x1200;
	s0 =	sadd.s32 s3, s0  }
0x12c: {  	[tilespmem:s10], [sflag:$0x1] =	stream.strided.gather [hbm4b:s0+s11], $0x0, s12, s11, $0x38;
	[tilespmem:$0x10400] =	vst v63  }
0x12d: {  	s17 =	spop (v2sf)  }
0x12e: {  	(v2sf) =	vpush v62, $0xE;
	[tilespmem:s10], [sflag:$0x1] =	stream.linear.gather [hbm4b:s0+s2], $0x40, $0x38;
	[tilespmem:$0x10400] =	vst v63  }
0x12f: {  	s0 =	sand.u32 $0x1FFFFFF0, s17  }
0x130: {  	s18 =	simm.s32 $0x1240;
	s0 =	sadd.s32 s4, s0  }
0x131: {  	[tilespmem:s18], [sflag:$0x1] =	stream.strided.gather [hbm4b:s0+s11], $0x0, s12, s11, $0x38;
	[tilespmem:$0x10400] =	vst v63  }
0x132: {  	s19 =	spop (v2sf)  }
0x133: {  	(v2sf) =	vpush v0, $0xE;
	[tilespmem:s18], [sflag:$0x1] =	stream.linear.gather [hbm4b:s0+s2], $0x40, $0x38;
	[tilespmem:$0x10400] =	vst v63  }
0x134: {  	s0 =	sand.u32 $0x1FFFFFF0, s19  }
0x135: {  	s20 =	simm.s32 $0x1280;
	s0 =	sadd.s32 s3, s0  }
0x136: {  	[tilespmem:s20], [sflag:$0x1] =	stream.strided.gather [hbm4b:s0+s11], $0x0, s12, s11, $0x38;
	[tilespmem:$0x10400] =	vst v63  }
0x137: {  	_ = 	snop  }
0x138: {  	[tilespmem:s20], [sflag:$0x1] =	stream.linear.gather [hbm4b:s0+s2], $0x40, $0x38;
	[tilespmem:$0x10400] =	vst v63  }
0x139: {  	s21 =	spop (v2sf)  }
0x13a: {  	(v2sf) =	vpush v62, $0xF;
	s0 =	sand.u32 $0x1FFFFFF0, s21  }
0x13b: {  	s22 =	simm.s32 $0x12C0;
	s0 =	sadd.s32 s4, s0  }
0x13c: {  	[tilespmem:s22], [sflag:$0x1] =	stream.strided.gather [hbm4b:s0+s11], $0x0, s12, s11, $0x38;
	[tilespmem:$0x10400] =	vst v63  }
0x13d: {  	s23 =	spop (v2sf)  }
0x13e: {  	(v2sf) =	vpush v0, $0xF;
	[tilespmem:s22], [sflag:$0x1] =	stream.linear.gather [hbm4b:s0+s2], $0x40, $0x38;
	[tilespmem:$0x10400] =	vst v63  }
0x13f: {  	s0 =	sand.u32 $0x1FFFFFF0, s23  }
0x140: {  	s24 =	simm.s32 $0x1300;
	s0 =	sadd.s32 s3, s0  }
0x141: {  	[tilespmem:s24], [sflag:$0x1] =	stream.strided.gather [hbm4b:s0+s11], $0x0, s12, s11, $0x38;
	[tilespmem:$0x10400] =	vst v63  }
0x142: {  	s25 =	spop (v2sf)  }
0x143: {  	[tilespmem:s24], [sflag:$0x1] =	stream.linear.gather [hbm4b:s0+s2], $0x40, $0x38;
	[tilespmem:$0x10400] =	vst v63  }
0x144: {  	s0 =	sand.u32 $0x1FFFFFF0, s25  }
0x145: {  	s26 =	simm.s32 $0x1340;
	s0 =	sadd.s32 s4, s0  }
0x146: {  	[tilespmem:s26], [sflag:$0x1] =	stream.strided.gather [hbm4b:s0+s11], $0x0, s12, s11, $0x38;
	[tilespmem:$0x10400] =	vst v63  }
0x147: {  	_ = 	snop  }
0x148: {  	[tilespmem:s26], [sflag:$0x1] =	stream.linear.gather [hbm4b:s0+s2], $0x40, $0x38;
	[tilespmem:$0x10400] =	vst v63  }
0x149: {  	s28 =	spop (v2sf)  }
0x14a: {  	s0 =	sand.u32 $0x1FFFFFF0, s28  }
0x14b: {  	s29 =	simm.s32 $0x1380;
	s0 =	sadd.s32 s3, s0  }
0x14c: {  	[tilespmem:s29], [sflag:$0x1] =	stream.strided.gather [hbm4b:s0+s11], $0x0, s12, s11, $0x38;
	[tilespmem:$0x10400] =	vst v63  }
0x14d: {  	s30 =	spop (v2sf)  }
0x14e: {  	[tilespmem:s29], [sflag:$0x1] =	stream.linear.gather [hbm4b:s0+s2], $0x40, $0x38;
	[tilespmem:$0x10400] =	vst v63  }
0x14f: {  	s0 =	sand.u32 $0x1FFFFFF0, s30  }
0x150: {  	s31 =	simm.s32 $0x13C0;
	s0 =	sadd.s32 s4, s0  }
0x151: {  	[tilespmem:s31], [sflag:$0x1] =	stream.strided.gather [hbm4b:s0+s11], $0x0, s12, s11, $0x38;
	[tilespmem:$0x10400] =	vst v63  }
0x152: {  	_ = 	snop  }
0x153: {  	[tilespmem:s31], [sflag:$0x1] =	stream.linear.gather [hbm4b:s0+s2], $0x40, $0x38;
	[tilespmem:$0x10400] =	vst v63  }
0x154: {  	_ =	swait.ge [sflag:s13], $0x40  }
0x155: {  	[sflag:s13] =	ssyncset.done $0x0  }
0x156: {  	[sflag:s13] =	ssyncadd.s32 $0xFFFFFFC0  }
0x157: {  	_ =	swait.ge [sflag:s13], $0x40  }
0x158: {  	[sflag:s13] =	ssyncset.done $0x0  }
0x159: {  	[sflag:s13] =	ssyncadd.s32 $0xFFFFFFC0  }
0x15a: {  	_ =	swait.ge [sflag:s13], $0x40  }
0x15b: {  	[sflag:s13] =	ssyncset.done $0x0  }
0x15c: {  	[sflag:s13] =	ssyncadd.s32 $0xFFFFFFC0  }
0x15d: {  	_ =	swait.ge [sflag:s13], $0x40  }
0x15e: {  	[sflag:s13] =	ssyncset.done $0x0  }
0x15f: {  	[sflag:s13] =	ssyncadd.s32 $0xFFFFFFC0  }
0x160: {  	_ =	swait.ge [sflag:s13], $0x40  }
0x161: {  	[sflag:s13] =	ssyncset.done $0x0  }
0x162: {  	[sflag:s13] =	ssyncadd.s32 $0xFFFFFFC0  }
0x163: {  	_ =	swait.ge [sflag:s13], $0x40  }
0x164: {  	[sflag:s13] =	ssyncset.done $0x0  }
0x165: {  	[sflag:s13] =	ssyncadd.s32 $0xFFFFFFC0  }
0x166: {  	_ =	swait.ge [sflag:s13], $0x40  }
0x167: {  	[sflag:s13] =	ssyncset.done $0x0  }
0x168: {  	[sflag:s13] =	ssyncadd.s32 $0xFFFFFFC0  }
0x169: {  	_ =	swait.ge [sflag:s13], $0x40  }
0x16a: {  	[sflag:s13] =	ssyncset.done $0x0  }
0x16b: {  	[sflag:s13] =	ssyncadd.s32 $0xFFFFFFC0  }
0x16c: {  	_ =	swait.ge [sflag:s13], $0x40  }
0x16d: {  	[sflag:s13] =	ssyncset.done $0x0  }
0x16e: {  	[sflag:s13] =	ssyncadd.s32 $0xFFFFFFC0  }
0x16f: {  	_ =	swait.ge [sflag:s13], $0x40  }
0x170: {  	[sflag:s13] =	ssyncset.done $0x0  }
0x171: {  	[sflag:s13] =	ssyncadd.s32 $0xFFFFFFC0  }
0x172: {  	_ =	swait.ge [sflag:s13], $0x40  }
0x173: {  	[sflag:s13] =	ssyncset.done $0x0  }
0x174: {  	[sflag:s13] =	ssyncadd.s32 $0xFFFFFFC0  }
0x175: {  	_ =	swait.ge [sflag:s13], $0x40  }
0x176: {  	[sflag:s13] =	ssyncset.done $0x0  }
0x177: {  	[sflag:s13] =	ssyncadd.s32 $0xFFFFFFC0  }
0x178: {  	_ =	swait.ge [sflag:s13], $0x40  }
0x179: {  	[sflag:s13] =	ssyncset.done $0x0  }
0x17a: {  	[sflag:s13] =	ssyncadd.s32 $0xFFFFFFC0  }
0x17b: {  	_ =	swait.ge [sflag:s13], $0x40  }
0x17c: {  	[sflag:s13] =	ssyncset.done $0x0  }
0x17d: {  	[sflag:s13] =	ssyncadd.s32 $0xFFFFFFC0  }
0x17e: {  	_ =	swait.ge [sflag:s13], $0x40  }
0x17f: {  	[sflag:s13] =	ssyncset.done $0x0  }
0x180: {  	[sflag:s13] =	ssyncadd.s32 $0xFFFFFFC0  }
0x181: {  	_ =	swait.ge [sflag:s13], $0x40  }
0x182: {  	[sflag:s13] =	ssyncset.done $0x0  }
0x183: {  	[sflag:s13] =	ssyncadd.s32 $0xFFFFFFC0  }
0x184: {  	_ =	swait.ge [sflag:s13], $0x40  }
0x185: {  	[sflag:s13] =	ssyncset.done $0x0  }
0x186: {  	[sflag:s13] =	ssyncadd.s32 $0xFFFFFFC0  }
0x187: {  	_ =	swait.ge [sflag:s13], $0x40  }
0x188: {  	[sflag:s13] =	ssyncset.done $0x0  }
0x189: {  	[sflag:s13] =	ssyncadd.s32 $0xFFFFFFC0  }
0x18a: {  	_ =	swait.ge [sflag:s13], $0x40  }
0x18b: {  	[sflag:s13] =	ssyncset.done $0x0  }
0x18c: {  	[sflag:s13] =	ssyncadd.s32 $0xFFFFFFC0  }
0x18d: {  	_ =	swait.ge [sflag:s13], $0x40  }
0x18e: {  	[sflag:s13] =	ssyncset.done $0x0  }
0x18f: {  	[sflag:s13] =	ssyncadd.s32 $0xFFFFFFC0  }
0x190: {  	_ =	swait.ge [sflag:s13], $0x40  }
0x191: {  	[sflag:s13] =	ssyncset.done $0x0  }
0x192: {  	[sflag:s13] =	ssyncadd.s32 $0xFFFFFFC0  }
0x193: {  	_ =	swait.ge [sflag:s13], $0x40  }
0x194: {  	[sflag:s13] =	ssyncset.done $0x0  }
0x195: {  	[sflag:s13] =	ssyncadd.s32 $0xFFFFFFC0  }
0x196: {  	_ =	swait.ge [sflag:s13], $0x40  }
0x197: {  	[sflag:s13] =	ssyncset.done $0x0  }
0x198: {  	[sflag:s13] =	ssyncadd.s32 $0xFFFFFFC0  }
0x199: {  	_ =	swait.ge [sflag:s13], $0x40  }
0x19a: {  	[sflag:s13] =	ssyncset.done $0x0  }
0x19b: {  	[sflag:s13] =	ssyncadd.s32 $0xFFFFFFC0  }
0x19c: {  	_ =	swait.ge [sflag:s13], $0x40  }
0x19d: {  	[sflag:s13] =	ssyncset.done $0x0  }
0x19e: {  	[sflag:s13] =	ssyncadd.s32 $0xFFFFFFC0  }
0x19f: {  	_ =	swait.ge [sflag:s13], $0x40  }
0x1a0: {  	[sflag:s13] =	ssyncset.done $0x0  }
0x1a1: {  	[sflag:s13] =	ssyncadd.s32 $0xFFFFFFC0  }
0x1a2: {  	_ =	swait.ge [sflag:s13], $0x40  }
0x1a3: {  	[sflag:s13] =	ssyncset.done $0x0  }
0x1a4: {  	[sflag:s13] =	ssyncadd.s32 $0xFFFFFFC0  }
0x1a5: {  	_ =	swait.ge [sflag:s13], $0x40  }
0x1a6: {  	[sflag:s13] =	ssyncset.done $0x0  }
0x1a7: {  	[sflag:s13] =	ssyncadd.s32 $0xFFFFFFC0  }
0x1a8: {  	_ =	swait.ge [sflag:s13], $0x40  }
0x1a9: {  	[sflag:s13] =	ssyncset.done $0x0  }
0x1aa: {  	[sflag:s13] =	ssyncadd.s32 $0xFFFFFFC0  }
0x1ab: {  	_ =	swait.ge [sflag:s13], $0x40  }
0x1ac: {  	[sflag:s13] =	ssyncset.done $0x0  }
0x1ad: {  	[sflag:s13] =	ssyncadd.s32 $0xFFFFFFC0  }
0x1ae: {  	_ =	swait.ge [sflag:s13], $0x40  }
0x1af: {  	[sflag:s13] =	ssyncset.done $0x0  }
0x1b0: {  	[sflag:s13] =	ssyncadd.s32 $0xFFFFFFC0  }
0x1b1: {  	_ =	swait.ge [sflag:s13], $0x40  }
0x1b2: {  	[sflag:s13] =	ssyncset.done $0x0  }
0x1b3: {  	[sflag:s13] =	ssyncadd.s32 $0xFFFFFFC0  }
0x1b4: {  	_ =	swait.ge [sflag:s13], $0x40  }
0x1b5: {  	[sflag:s13] =	ssyncset.done $0x0  }
0x1b6: {  	[sflag:s13] =	ssyncadd.s32 $0xFFFFFFC0  }
0x1b7: {  	_ =	swait.ge [sflag:s13], $0x40  }
0x1b8: {  	[sflag:s13] =	ssyncset.done $0x0  }
0x1b9: {  	[sflag:s13] =	ssyncadd.s32 $0xFFFFFFC0  }
0x1ba: {  	_ =	swait.ge [sflag:s13], $0x40  }
0x1bb: {  	[sflag:s13] =	ssyncset.done $0x0  }
0x1bc: {  	[sflag:s13] =	ssyncadd.s32 $0xFFFFFFC0  }
0x1bd: {  	_ =	swait.ge [sflag:s13], $0x40  }
0x1be: {  	[sflag:s13] =	ssyncset.done $0x0  }
0x1bf: {  	[sflag:s13] =	ssyncadd.s32 $0xFFFFFFC0  }
0x1c0: {  	_ =	swait.ge [sflag:s13], $0x40  }
0x1c1: {  	[sflag:s13] =	ssyncset.done $0x0  }
0x1c2: {  	[sflag:s13] =	ssyncadd.s32 $0xFFFFFFC0  }
0x1c3: {  	_ =	swait.ge [sflag:s13], $0x40  }
0x1c4: {  	[sflag:s13] =	ssyncset.done $0x0  }
0x1c5: {  	[sflag:s13] =	ssyncadd.s32 $0xFFFFFFC0  }
0x1c6: {  	_ =	swait.ge [sflag:s13], $0x40  }
0x1c7: {  	[sflag:s13] =	ssyncset.done $0x0  }
0x1c8: {  	[sflag:s13] =	ssyncadd.s32 $0xFFFFFFC0  }
0x1c9: {  	_ =	swait.ge [sflag:s13], $0x40  }
0x1ca: {  	[sflag:s13] =	ssyncset.done $0x0  }
0x1cb: {  	[sflag:s13] =	ssyncadd.s32 $0xFFFFFFC0  }
0x1cc: {  	_ =	swait.ge [sflag:s13], $0x40  }
0x1cd: {  	[sflag:s13] =	ssyncset.done $0x0  }
0x1ce: {  	[sflag:s13] =	ssyncadd.s32 $0xFFFFFFC0  }
0x1cf: {  	_ =	swait.ge [sflag:s13], $0x40  }
0x1d0: {  	[sflag:s13] =	ssyncset.done $0x0  }
0x1d1: {  	[sflag:s13] =	ssyncadd.s32 $0xFFFFFFC0  }
0x1d2: {  	_ =	swait.ge [sflag:s13], $0x40  }
0x1d3: {  	[sflag:s13] =	ssyncset.done $0x0  }
0x1d4: {  	[sflag:s13] =	ssyncadd.s32 $0xFFFFFFC0  }
0x1d5: {  	_ =	swait.ge [sflag:s13], $0x40  }
0x1d6: {  	[sflag:s13] =	ssyncset.done $0x0  }
0x1d7: {  	[sflag:s13] =	ssyncadd.s32 $0xFFFFFFC0  }
0x1d8: {  	_ =	swait.ge [sflag:s13], $0x40  }
0x1d9: {  	[sflag:s13] =	ssyncset.done $0x0  }
0x1da: {  	[sflag:s13] =	ssyncadd.s32 $0xFFFFFFC0  }
0x1db: {  	_ =	swait.ge [sflag:s13], $0x40  }
0x1dc: {  	[sflag:s13] =	ssyncset.done $0x0  }
0x1dd: {  	[sflag:s13] =	ssyncadd.s32 $0xFFFFFFC0  }
0x1de: {  	_ =	swait.ge [sflag:s13], $0x40  }
0x1df: {  	[sflag:s13] =	ssyncset.done $0x0  }
0x1e0: {  	[sflag:s13] =	ssyncadd.s32 $0xFFFFFFC0  }
0x1e1: {  	_ =	swait.ge [sflag:s13], $0x40  }
0x1e2: {  	[sflag:s13] =	ssyncset.done $0x0  }
0x1e3: {  	[sflag:s13] =	ssyncadd.s32 $0xFFFFFFC0  }
0x1e4: {  	_ =	swait.ge [sflag:s13], $0x40  }
0x1e5: {  	[sflag:s13] =	ssyncset.done $0x0  }
0x1e6: {  	[sflag:s13] =	ssyncadd.s32 $0xFFFFFFC0  }
0x1e7: {  	_ =	swait.ge [sflag:s13], $0x40  }
0x1e8: {  	[sflag:s13] =	ssyncset.done $0x0  }
0x1e9: {  	[sflag:s13] =	ssyncadd.s32 $0xFFFFFFC0  }
0x1ea: {  	_ =	swait.ge [sflag:s13], $0x40  }
0x1eb: {  	[sflag:s13] =	ssyncset.done $0x0  }
0x1ec: {  	[sflag:s13] =	ssyncadd.s32 $0xFFFFFFC0  }
0x1ed: {  	_ =	swait.ge [sflag:s13], $0x40  }
0x1ee: {  	[sflag:s13] =	ssyncset.done $0x0  }
0x1ef: {  	[sflag:s13] =	ssyncadd.s32 $0xFFFFFFC0  }
0x1f0: {  	_ =	swait.ge [sflag:s13], $0x40  }
0x1f1: {  	[sflag:s13] =	ssyncset.done $0x0  }
0x1f2: {  	[sflag:s13] =	ssyncadd.s32 $0xFFFFFFC0  }
0x1f3: {  	_ =	swait.ge [sflag:s13], $0x40  }
0x1f4: {  	[sflag:s13] =	ssyncset.done $0x0  }
0x1f5: {  	[sflag:s13] =	ssyncadd.s32 $0xFFFFFFC0  }
0x1f6: {  	_ =	swait.ge [sflag:s13], $0x40  }
0x1f7: {  	[sflag:s13] =	ssyncset.done $0x0  }
0x1f8: {  	[sflag:s13] =	ssyncadd.s32 $0xFFFFFFC0  }
0x1f9: {  	_ =	swait.ge [sflag:s13], $0x40  }
0x1fa: {  	[sflag:s13] =	ssyncset.done $0x0  }
0x1fb: {  	[sflag:s13] =	ssyncadd.s32 $0xFFFFFFC0  }
0x1fc: {  	_ =	swait.ge [sflag:s13], $0x40  }
0x1fd: {  	[sflag:s13] =	ssyncset.done $0x0  }
0x1fe: {  	[sflag:s13] =	ssyncadd.s32 $0xFFFFFFC0  }
0x1ff: {  	_ =	swait.ge [sflag:s13], $0x40  }
0x200: {  	[sflag:s13] =	ssyncset.done $0x0  }
0x201: {  	[sflag:s13] =	ssyncadd.s32 $0xFFFFFFC0  }
0x202: {  	_ =	swait.ge [sflag:s13], $0x40  }
0x203: {  	[sflag:s13] =	ssyncset.done $0x0  }
0x204: {  	[sflag:s13] =	ssyncadd.s32 $0xFFFFFFC0  }
0x205: {  	_ =	swait.ge [sflag:s13], $0x40  }
0x206: {  	[sflag:s13] =	ssyncset.done $0x0  }
0x207: {  	[sflag:s13] =	ssyncadd.s32 $0xFFFFFFC0  }
0x208: {  	s17 =	simm.s32 $0x4000;
	_ =	swait.ge [sflag:s13], $0x40  }
.LBB2_2:
0x209: {  	[sflag:s13] =	ssyncset.done $0x0  }
0x20a: {  	s15 =	sadd.s32 $0x20, s15;
	s16 =	sadd.s32 $0x20, s16;
	s0 =	smov.u32 s17  }
0x20b: {  	p0 =	sne.s32 s17, $0x3C000;
	s17 =	sadd.s32 $0x4000, s17;
	[sflag:s13] =	ssyncadd.s32 $0xFFFFFFC0  }
0x20c: {  	_ =	swait.ge [sflag:s13], $0x40  }
0x20d: {  	[sflag:s13] =	ssyncset.done $0x0  }
0x20e: {  	[sflag:s13] =	ssyncadd.s32 $0xFFFFFFC0  }
0x20f: {  	_ =	swait.ge [sflag:s13], $0x40  }
0x210: {  	[sflag:s13] =	ssyncset.done $0x0  }
0x211: {  	[sflag:s13] =	ssyncadd.s32 $0xFFFFFFC0  }
0x212: {  	_ =	swait.ge [sflag:s13], $0x40  }
0x213: {  	[sflag:s13] =	ssyncset.done $0x0  }
0x214: {  	[sflag:s13] =	ssyncadd.s32 $0xFFFFFFC0  }
0x215: {  	v0 =	vld [tilespmem:s15+$0xFFFFFFF0]  }
0x216: {  	v2 =	vld [tilespmem:s16+$0xFFFFFFF0];
	_ =	sdelay $0x3  }
0x217: {  	v1 =	vshll.u32 v0, $0x4  }
0x218: {  	v0 =	vshll.u32 v2, $0x4;
	(v2sf) =	vpush v1, $0x0  }
0x219: {  	(v2sf) =	vpush v0, $0x0  }
0x21a: {  	(v2sf) =	vpush v1, $0x1;
	_ =	sdelay $0x1  }
0x21b: {  	(v2sf) =	vpush v0, $0x1;
	_ =	sdelay $0x1  }
0x21c: {  	(v2sf) =	vpush v1, $0x2;
	_ =	sdelay $0x1  }
0x21d: {  	(v2sf) =	vpush v0, $0x2  }
0x21e: {  	s18 =	sshra.s32 s0, $0x2  }
0x21f: {  	s0 =	sadd.s32 $0x440, s18  }
0x220: {  	s1 =	sadd.s32 $0x400, s18  }
0x221: {  	(v2sf) =	vpush v1, $0x3;
	_ =	sdelay $0x2  }
0x222: {  	s5 =	spop (v2sf)  }
0x223: {  	s5 =	sand.u32 $0x1FFFFFF0, s5;
	s10 =	spop (v2sf);
	(v2sf) =	vpush v0, $0x3  }
0x224: {  	s5 =	sadd.s32 s3, s5;
	s10 =	sand.u32 $0x1FFFFFF0, s10;
	s19 =	spop (v2sf)  }
0x225: {  	[tilespmem:s1], [sflag:$0x1] =	stream.strided.gather [hbm4b:s5+s11], $0x0, s12, s11, $0x38;
	[tilespmem:$0x10400] =	vst v63  }
0x226: {  	s19 =	sand.u32 $0x1FFFFFF0, s19;
	s20 =	spop (v2sf)  }
0x227: {  	[tilespmem:s1], [sflag:$0x1] =	stream.linear.gather [hbm4b:s5+s2], $0x40, $0x38;
	(v2sf) =	vpush v1, $0x4;
	[tilespmem:$0x10400] =	vst v63  }
0x228: {  	s1 =	sadd.s32 s4, s10;
	s5 =	sand.u32 $0x1FFFFFF0, s20;
	s10 =	spop (v2sf)  }
0x229: {  	[tilespmem:s0], [sflag:$0x1] =	stream.strided.gather [hbm4b:s1+s11], $0x0, s12, s11, $0x38;
	[tilespmem:$0x10400] =	vst v63  }
0x22a: {  	s10 =	sand.u32 $0x1FFFFFF0, s10;
	s20 =	spop (v2sf)  }
0x22b: {  	[tilespmem:s0], [sflag:$0x1] =	stream.linear.gather [hbm4b:s1+s2], $0x40, $0x38;
	(v2sf) =	vpush v0, $0x4;
	[tilespmem:$0x10400] =	vst v63  }
0x22c: {  	s0 =	sadd.s32 $0x480, s18;
	s1 =	sadd.s32 s3, s19;
	s19 =	sand.u32 $0x1FFFFFF0, s20  }
0x22d: {  	[tilespmem:s0], [sflag:$0x1] =	stream.strided.gather [hbm4b:s1+s11], $0x0, s12, s11, $0x38;
	[tilespmem:$0x10400] =	vst v63  }
0x22e: {  	s20 =	spop (v2sf)  }
0x22f: {  	[tilespmem:s0], [sflag:$0x1] =	stream.linear.gather [hbm4b:s1+s2], $0x40, $0x38;
	(v2sf) =	vpush v1, $0x5;
	[tilespmem:$0x10400] =	vst v63  }
0x230: {  	s0 =	sadd.s32 $0x4C0, s18;
	s1 =	sadd.s32 s4, s5;
	s5 =	sand.u32 $0x1FFFFFF0, s20  }
0x231: {  	[tilespmem:s0], [sflag:$0x1] =	stream.strided.gather [hbm4b:s1+s11], $0x0, s12, s11, $0x38;
	[tilespmem:$0x10400] =	vst v63  }
0x232: {  	s20 =	spop (v2sf)  }
0x233: {  	[tilespmem:s0], [sflag:$0x1] =	stream.linear.gather [hbm4b:s1+s2], $0x40, $0x38;
	(v2sf) =	vpush v0, $0x5;
	[tilespmem:$0x10400] =	vst v63  }
0x234: {  	s0 =	sadd.s32 $0x500, s18;
	s1 =	sadd.s32 s3, s10;
	s10 =	sand.u32 $0x1FFFFFF0, s20  }
0x235: {  	[tilespmem:s0], [sflag:$0x1] =	stream.strided.gather [hbm4b:s1+s11], $0x0, s12, s11, $0x38;
	[tilespmem:$0x10400] =	vst v63  }
0x236: {  	s20 =	spop (v2sf)  }
0x237: {  	[tilespmem:s0], [sflag:$0x1] =	stream.linear.gather [hbm4b:s1+s2], $0x40, $0x38;
	(v2sf) =	vpush v1, $0x6;
	[tilespmem:$0x10400] =	vst v63  }
0x238: {  	s0 =	sadd.s32 $0x540, s18;
	s1 =	sadd.s32 s4, s19;
	s19 =	sand.u32 $0x1FFFFFF0, s20  }
0x239: {  	[tilespmem:s0], [sflag:$0x1] =	stream.strided.gather [hbm4b:s1+s11], $0x0, s12, s11, $0x38;
	[tilespmem:$0x10400] =	vst v63  }
0x23a: {  	s20 =	spop (v2sf)  }
0x23b: {  	[tilespmem:s0], [sflag:$0x1] =	stream.linear.gather [hbm4b:s1+s2], $0x40, $0x38;
	(v2sf) =	vpush v0, $0x6;
	[tilespmem:$0x10400] =	vst v63  }
0x23c: {  	s0 =	sadd.s32 $0x580, s18;
	s1 =	sadd.s32 s3, s5;
	s5 =	sand.u32 $0x1FFFFFF0, s20  }
0x23d: {  	[tilespmem:s0], [sflag:$0x1] =	stream.strided.gather [hbm4b:s1+s11], $0x0, s12, s11, $0x38;
	[tilespmem:$0x10400] =	vst v63  }
0x23e: {  	s20 =	spop (v2sf)  }
0x23f: {  	[tilespmem:s0], [sflag:$0x1] =	stream.linear.gather [hbm4b:s1+s2], $0x40, $0x38;
	(v2sf) =	vpush v1, $0x7;
	[tilespmem:$0x10400] =	vst v63  }
0x240: {  	s0 =	sadd.s32 $0x5C0, s18;
	s1 =	sadd.s32 s4, s10;
	s10 =	sand.u32 $0x1FFFFFF0, s20  }
0x241: {  	[tilespmem:s0], [sflag:$0x1] =	stream.strided.gather [hbm4b:s1+s11], $0x0, s12, s11, $0x38;
	[tilespmem:$0x10400] =	vst v63  }
0x242: {  	s20 =	spop (v2sf)  }
0x243: {  	[tilespmem:s0], [sflag:$0x1] =	stream.linear.gather [hbm4b:s1+s2], $0x40, $0x38;
	(v2sf) =	vpush v0, $0x7;
	[tilespmem:$0x10400] =	vst v63  }
0x244: {  	s0 =	sadd.s32 $0x600, s18;
	s1 =	sadd.s32 s3, s19;
	s19 =	sand.u32 $0x1FFFFFF0, s20  }
0x245: {  	[tilespmem:s0], [sflag:$0x1] =	stream.strided.gather [hbm4b:s1+s11], $0x0, s12, s11, $0x38;
	(v2sf) =	vpush v1, $0x8;
	[tilespmem:$0x10400] =	vst v63  }
0x246: {  	s20 =	spop (v2sf)  }
0x247: {  	[tilespmem:s0], [sflag:$0x1] =	stream.linear.gather [hbm4b:s1+s2], $0x40, $0x38;
	(v2sf) =	vpush v0, $0x8;
	[tilespmem:$0x10400] =	vst v63  }
0x248: {  	s0 =	sadd.s32 $0x640, s18;
	s1 =	sadd.s32 s4, s5;
	s5 =	sand.u32 $0x1FFFFFF0, s20  }
0x249: {  	[tilespmem:s0], [sflag:$0x1] =	stream.strided.gather [hbm4b:s1+s11], $0x0, s12, s11, $0x38;
	[tilespmem:$0x10400] =	vst v63  }
0x24a: {  	s20 =	spop (v2sf)  }
0x24b: {  	[tilespmem:s0], [sflag:$0x1] =	stream.linear.gather [hbm4b:s1+s2], $0x40, $0x38;
	(v2sf) =	vpush v1, $0x9;
	[tilespmem:$0x10400] =	vst v63  }
0x24c: {  	s0 =	sadd.s32 $0x680, s18;
	s1 =	sadd.s32 s3, s10;
	s10 =	sand.u32 $0x1FFFFFF0, s20  }
0x24d: {  	[tilespmem:s0], [sflag:$0x1] =	stream.strided.gather [hbm4b:s1+s11], $0x0, s12, s11, $0x38;
	[tilespmem:$0x10400] =	vst v63  }
0x24e: {  	s20 =	spop (v2sf)  }
0x24f: {  	[tilespmem:s0], [sflag:$0x1] =	stream.linear.gather [hbm4b:s1+s2], $0x40, $0x38;
	(v2sf) =	vpush v0, $0x9;
	[tilespmem:$0x10400] =	vst v63  }
0x250: {  	s0 =	sadd.s32 $0x6C0, s18;
	s1 =	sadd.s32 s4, s19;
	s19 =	sand.u32 $0x1FFFFFF0, s20  }
0x251: {  	[tilespmem:s0], [sflag:$0x1] =	stream.strided.gather [hbm4b:s1+s11], $0x0, s12, s11, $0x38;
	[tilespmem:$0x10400] =	vst v63  }
0x252: {  	s20 =	spop (v2sf)  }
0x253: {  	[tilespmem:s0], [sflag:$0x1] =	stream.linear.gather [hbm4b:s1+s2], $0x40, $0x38;
	(v2sf) =	vpush v1, $0xA;
	[tilespmem:$0x10400] =	vst v63  }
0x254: {  	s0 =	sadd.s32 $0x700, s18;
	s1 =	sadd.s32 s3, s5;
	s5 =	spop (v2sf)  }
0x255: {  	[tilespmem:s0], [sflag:$0x1] =	stream.strided.gather [hbm4b:s1+s11], $0x0, s12, s11, $0x38;
	[tilespmem:$0x10400] =	vst v63  }
0x256: {  	s5 =	sand.u32 $0x1FFFFFF0, s5;
	s21 =	spop (v2sf)  }
0x257: {  	[tilespmem:s0], [sflag:$0x1] =	stream.linear.gather [hbm4b:s1+s2], $0x40, $0x38;
	(v2sf) =	vpush v0, $0xA;
	[tilespmem:$0x10400] =	vst v63  }
0x258: {  	s0 =	sadd.s32 $0x740, s18;
	s1 =	sadd.s32 s4, s10;
	s10 =	sand.u32 $0x1FFFFFF0, s21  }
0x259: {  	[tilespmem:s0], [sflag:$0x1] =	stream.strided.gather [hbm4b:s1+s11], $0x0, s12, s11, $0x38;
	[tilespmem:$0x10400] =	vst v63  }
0x25a: {  	s21 =	spop (v2sf)  }
0x25b: {  	[tilespmem:s0], [sflag:$0x1] =	stream.linear.gather [hbm4b:s1+s2], $0x40, $0x38;
	(v2sf) =	vpush v1, $0xB;
	[tilespmem:$0x10400] =	vst v63  }
0x25c: {  	s0 =	sadd.s32 $0x780, s18;
	s1 =	sadd.s32 s3, s19;
	s19 =	sand.u32 $0x1FFFFFF0, s21  }
0x25d: {  	[tilespmem:s0], [sflag:$0x1] =	stream.strided.gather [hbm4b:s1+s11], $0x0, s12, s11, $0x38;
	[tilespmem:$0x10400] =	vst v63  }
0x25e: {  	s20 =	sand.u32 $0x1FFFFFF0, s20;
	s21 =	spop (v2sf)  }
0x25f: {  	[tilespmem:s0], [sflag:$0x1] =	stream.linear.gather [hbm4b:s1+s2], $0x40, $0x38;
	(v2sf) =	vpush v0, $0xB;
	[tilespmem:$0x10400] =	vst v63  }
0x260: {  	s0 =	sadd.s32 $0x7C0, s18;
	s1 =	sadd.s32 s4, s20;
	s20 =	sand.u32 $0x1FFFFFF0, s21  }
0x261: {  	[tilespmem:s0], [sflag:$0x1] =	stream.strided.gather [hbm4b:s1+s11], $0x0, s12, s11, $0x38;
	[tilespmem:$0x10400] =	vst v63  }
0x262: {  	s21 =	spop (v2sf)  }
0x263: {  	[tilespmem:s0], [sflag:$0x1] =	stream.linear.gather [hbm4b:s1+s2], $0x40, $0x38;
	(v2sf) =	vpush v1, $0xC;
	[tilespmem:$0x10400] =	vst v63  }
0x264: {  	s0 =	sadd.s32 $0x800, s18;
	s1 =	sadd.s32 s3, s5;
	s5 =	sand.u32 $0x1FFFFFF0, s21  }
0x265: {  	[tilespmem:s0], [sflag:$0x1] =	stream.strided.gather [hbm4b:s1+s11], $0x0, s12, s11, $0x38;
	[tilespmem:$0x10400] =	vst v63  }
0x266: {  	s21 =	spop (v2sf)  }
0x267: {  	[tilespmem:s0], [sflag:$0x1] =	stream.linear.gather [hbm4b:s1+s2], $0x40, $0x38;
	(v2sf) =	vpush v0, $0xC;
	[tilespmem:$0x10400] =	vst v63  }
0x268: {  	s0 =	sadd.s32 $0x840, s18;
	s1 =	sadd.s32 s4, s10;
	s10 =	sand.u32 $0x1FFFFFF0, s21  }
0x269: {  	[tilespmem:s0], [sflag:$0x1] =	stream.strided.gather [hbm4b:s1+s11], $0x0, s12, s11, $0x38;
	[tilespmem:$0x10400] =	vst v63  }
0x26a: {  	s21 =	spop (v2sf)  }
0x26b: {  	[tilespmem:s0], [sflag:$0x1] =	stream.linear.gather [hbm4b:s1+s2], $0x40, $0x38;
	(v2sf) =	vpush v1, $0xD;
	[tilespmem:$0x10400] =	vst v63  }
0x26c: {  	s0 =	sadd.s32 $0x880, s18;
	s1 =	sadd.s32 s3, s19;
	s19 =	sand.u32 $0x1FFFFFF0, s21  }
0x26d: {  	[tilespmem:s0], [sflag:$0x1] =	stream.strided.gather [hbm4b:s1+s11], $0x0, s12, s11, $0x38;
	[tilespmem:$0x10400] =	vst v63  }
0x26e: {  	s21 =	spop (v2sf)  }
0x26f: {  	[tilespmem:s0], [sflag:$0x1] =	stream.linear.gather [hbm4b:s1+s2], $0x40, $0x38;
	(v2sf) =	vpush v0, $0xD;
	[tilespmem:$0x10400] =	vst v63  }
0x270: {  	s0 =	sadd.s32 $0x8C0, s18;
	s1 =	sadd.s32 s4, s20;
	s20 =	sand.u32 $0x1FFFFFF0, s21  }
0x271: {  	[tilespmem:s0], [sflag:$0x1] =	stream.strided.gather [hbm4b:s1+s11], $0x0, s12, s11, $0x38;
	[tilespmem:$0x10400] =	vst v63  }
0x272: {  	s21 =	spop (v2sf)  }
0x273: {  	[tilespmem:s0], [sflag:$0x1] =	stream.linear.gather [hbm4b:s1+s2], $0x40, $0x38;
	(v2sf) =	vpush v1, $0xE;
	[tilespmem:$0x10400] =	vst v63  }
0x274: {  	s0 =	sadd.s32 $0x900, s18;
	s1 =	sadd.s32 s3, s5;
	s5 =	sand.u32 $0x1FFFFFF0, s21  }
0x275: {  	[tilespmem:s0], [sflag:$0x1] =	stream.strided.gather [hbm4b:s1+s11], $0x0, s12, s11, $0x38;
	[tilespmem:$0x10400] =	vst v63  }
0x276: {  	s21 =	spop (v2sf)  }
0x277: {  	[tilespmem:s0], [sflag:$0x1] =	stream.linear.gather [hbm4b:s1+s2], $0x40, $0x38;
	(v2sf) =	vpush v0, $0xE;
	[tilespmem:$0x10400] =	vst v63  }
0x278: {  	s0 =	sadd.s32 $0x940, s18;
	s1 =	sadd.s32 s4, s10;
	s10 =	sand.u32 $0x1FFFFFF0, s21  }
0x279: {  	[tilespmem:s0], [sflag:$0x1] =	stream.strided.gather [hbm4b:s1+s11], $0x0, s12, s11, $0x38;
	[tilespmem:$0x10400] =	vst v63  }
0x27a: {  	s21 =	spop (v2sf)  }
0x27b: {  	[tilespmem:s0], [sflag:$0x1] =	stream.linear.gather [hbm4b:s1+s2], $0x40, $0x38;
	(v2sf) =	vpush v1, $0xF;
	[tilespmem:$0x10400] =	vst v63  }
0x27c: {  	s0 =	sadd.s32 $0x980, s18;
	s1 =	sadd.s32 s3, s19;
	s19 =	sand.u32 $0x1FFFFFF0, s21  }
0x27d: {  	[tilespmem:s0], [sflag:$0x1] =	stream.strided.gather [hbm4b:s1+s11], $0x0, s12, s11, $0x38;
	[tilespmem:$0x10400] =	vst v63  }
0x27e: {  	s21 =	spop (v2sf)  }
0x27f: {  	[tilespmem:s0], [sflag:$0x1] =	stream.linear.gather [hbm4b:s1+s2], $0x40, $0x38;
	(v2sf) =	vpush v0, $0xF;
	[tilespmem:$0x10400] =	vst v63  }
0x280: {  	s0 =	sadd.s32 $0x9C0, s18;
	s1 =	sadd.s32 s4, s20;
	s20 =	sand.u32 $0x1FFFFFF0, s21  }
0x281: {  	[tilespmem:s0], [sflag:$0x1] =	stream.strided.gather [hbm4b:s1+s11], $0x0, s12, s11, $0x38;
	[tilespmem:$0x10400] =	vst v63  }
0x282: {  	s21 =	spop (v2sf)  }
0x283: {  	[tilespmem:s0], [sflag:$0x1] =	stream.linear.gather [hbm4b:s1+s2], $0x40, $0x38;
	[tilespmem:$0x10400] =	vst v63  }
0x284: {  	s0 =	sadd.s32 $0xA00, s18;
	s1 =	sadd.s32 s3, s5;
	s5 =	sand.u32 $0x1FFFFFF0, s21  }
0x285: {  	[tilespmem:s0], [sflag:$0x1] =	stream.strided.gather [hbm4b:s1+s11], $0x0, s12, s11, $0x38;
	[tilespmem:$0x10400] =	vst v63  }
0x286: {  	s21 =	spop (v2sf)  }
0x287: {  	[tilespmem:s0], [sflag:$0x1] =	stream.linear.gather [hbm4b:s1+s2], $0x40, $0x38;
	[tilespmem:$0x10400] =	vst v63  }
0x288: {  	s0 =	sadd.s32 $0xA40, s18;
	s1 =	sadd.s32 s4, s10;
	s10 =	sand.u32 $0x1FFFFFF0, s21  }
0x289: {  	[tilespmem:s0], [sflag:$0x1] =	stream.strided.gather [hbm4b:s1+s11], $0x0, s12, s11, $0x38;
	[tilespmem:$0x10400] =	vst v63  }
0x28a: {  	s21 =	spop (v2sf)  }
0x28b: {  	[tilespmem:s0], [sflag:$0x1] =	stream.linear.gather [hbm4b:s1+s2], $0x40, $0x38;
	[tilespmem:$0x10400] =	vst v63  }
0x28c: {  	s0 =	sadd.s32 $0xA80, s18;
	s1 =	sadd.s32 s3, s19;
	s19 =	sand.u32 $0x1FFFFFF0, s21  }
0x28d: {  	[tilespmem:s0], [sflag:$0x1] =	stream.strided.gather [hbm4b:s1+s11], $0x0, s12, s11, $0x38;
	[tilespmem:$0x10400] =	vst v63  }
0x28e: {  	s21 =	spop (v2sf)  }
0x28f: {  	[tilespmem:s0], [sflag:$0x1] =	stream.linear.gather [hbm4b:s1+s2], $0x40, $0x38;
	[tilespmem:$0x10400] =	vst v63  }
0x290: {  	s0 =	sadd.s32 $0xAC0, s18;
	s1 =	sadd.s32 s4, s20  }
0x291: {  	[tilespmem:s0], [sflag:$0x1] =	stream.strided.gather [hbm4b:s1+s11], $0x0, s12, s11, $0x38;
	[tilespmem:$0x10400] =	vst v63  }
0x292: {  	_ = 	snop  }
0x293: {  	[tilespmem:s0], [sflag:$0x1] =	stream.linear.gather [hbm4b:s1+s2], $0x40, $0x38;
	[tilespmem:$0x10400] =	vst v63  }
0x294: {  	s0 =	sadd.s32 $0xB00, s18;
	s1 =	sadd.s32 s3, s5  }
0x295: {  	[tilespmem:s0], [sflag:$0x1] =	stream.strided.gather [hbm4b:s1+s11], $0x0, s12, s11, $0x38;
	[tilespmem:$0x10400] =	vst v63  }
0x296: {  	_ = 	snop  }
0x297: {  	[tilespmem:s0], [sflag:$0x1] =	stream.linear.gather [hbm4b:s1+s2], $0x40, $0x38;
	[tilespmem:$0x10400] =	vst v63  }
0x298: {  	s0 =	sadd.s32 $0xB40, s18;
	s1 =	sadd.s32 s4, s10  }
0x299: {  	[tilespmem:s0], [sflag:$0x1] =	stream.strided.gather [hbm4b:s1+s11], $0x0, s12, s11, $0x38;
	[tilespmem:$0x10400] =	vst v63  }
0x29a: {  	_ = 	snop  }
0x29b: {  	[tilespmem:s0], [sflag:$0x1] =	stream.linear.gather [hbm4b:s1+s2], $0x40, $0x38;
	[tilespmem:$0x10400] =	vst v63  }
0x29c: {  	s0 =	sadd.s32 $0xB80, s18;
	s1 =	sadd.s32 s3, s19  }
0x29d: {  	[tilespmem:s0], [sflag:$0x1] =	stream.strided.gather [hbm4b:s1+s11], $0x0, s12, s11, $0x38;
	[tilespmem:$0x10400] =	vst v63  }
0x29e: {  	s5 =	sand.u32 $0x1FFFFFF0, s21  }
0x29f: {  	[tilespmem:s0], [sflag:$0x1] =	stream.linear.gather [hbm4b:s1+s2], $0x40, $0x38;
	[tilespmem:$0x10400] =	vst v63  }
0x2a0: {  	s0 =	sadd.s32 $0xBC0, s18;
	s1 =	sadd.s32 s4, s5  }
0x2a1: {  	[tilespmem:s0], [sflag:$0x1] =	stream.strided.gather [hbm4b:s1+s11], $0x0, s12, s11, $0x38;
	[tilespmem:$0x10400] =	vst v63  }
0x2a2: {  	_ = 	snop  }
0x2a3: {  	[tilespmem:s0], [sflag:$0x1] =	stream.linear.gather [hbm4b:s1+s2], $0x40, $0x38;
	[tilespmem:$0x10400] =	vst v63  }
0x2a4: {  	v0 =	vld [tilespmem:s15+$0x0];
	_ =	sdelay $0x1  }
0x2a5: {  	v2 =	vld [tilespmem:s16+$0x0];
	_ =	sdelay $0x2  }
0x2a6: {  	v1 =	vshll.u32 v0, $0x4  }
0x2a7: {  	(v2sf) =	vpush v1, $0x0  }
0x2a8: {  	v0 =	vshll.u32 v2, $0x4;
	(v2sf) =	vpush v1, $0x1  }
0x2a9: {  	(v2sf) =	vpush v0, $0x0;
	_ =	sdelay $0x1  }
0x2aa: {  	(v2sf) =	vpush v0, $0x1;
	_ =	sdelay $0x1  }
0x2ab: {  	(v2sf) =	vpush v1, $0x2;
	_ =	sdelay $0x1  }
0x2ac: {  	(v2sf) =	vpush v0, $0x2;
	_ =	sdelay $0x1  }
0x2ad: {  	(v2sf) =	vpush v1, $0x3;
	_ =	sdelay $0x1  }
0x2ae: {  	(v2sf) =	vpush v0, $0x3;
	_ =	sdelay $0x1  }
0x2af: {  	(v2sf) =	vpush v1, $0x4  }
0x2b0: {  	s0 =	sadd.s32 $0xC80, s18;
	s1 =	spop (v2sf)  }
0x2b1: {  	s5 =	sadd.s32 $0xC00, s18;
	s1 =	sand.u32 $0x1FFFFFF0, s1;
	s10 =	spop (v2sf);
	(v2sf) =	vpush v0, $0x4  }
0x2b2: {  	s1 =	sadd.s32 s3, s1;
	s10 =	sand.u32 $0x1FFFFFF0, s10;
	s19 =	spop (v2sf)  }
0x2b3: {  	[tilespmem:s5], [sflag:$0x1] =	stream.strided.gather [hbm4b:s1+s11], $0x0, s12, s11, $0x38;
	(v2sf) =	vpush v1, $0x5;
	[tilespmem:$0x10400] =	vst v63  }
0x2b4: {  	s20 =	sadd.s32 $0xC40, s18;
	s19 =	sand.u32 $0x1FFFFFF0, s19;
	s21 =	spop (v2sf)  }
0x2b5: {  	[tilespmem:s5], [sflag:$0x1] =	stream.linear.gather [hbm4b:s1+s2], $0x40, $0x38;
	(v2sf) =	vpush v0, $0x5;
	[tilespmem:$0x10400] =	vst v63  }
0x2b6: {  	s1 =	sadd.s32 s4, s19;
	s5 =	sand.u32 $0x1FFFFFF0, s21;
	s19 =	spop (v2sf)  }
0x2b7: {  	[tilespmem:s20], [sflag:$0x1] =	stream.strided.gather [hbm4b:s1+s11], $0x0, s12, s11, $0x38;
	(v2sf) =	vpush v1, $0x6;
	[tilespmem:$0x10400] =	vst v63  }
0x2b8: {  	s10 =	sadd.s32 s3, s10;
	s19 =	sand.u32 $0x1FFFFFF0, s19;
	s21 =	spop (v2sf)  }
0x2b9: {  	[tilespmem:s20], [sflag:$0x1] =	stream.linear.gather [hbm4b:s1+s2], $0x40, $0x38;
	(v2sf) =	vpush v0, $0x6;
	[tilespmem:$0x10400] =	vst v63  }
0x2ba: {  	s1 =	sadd.s32 $0xCC0, s18;
	s20 =	sand.u32 $0x1FFFFFF0, s21;
	s21 =	spop (v2sf)  }
0x2bb: {  	[tilespmem:s0], [sflag:$0x1] =	stream.strided.gather [hbm4b:s10+s11], $0x0, s12, s11, $0x38;
	(v2sf) =	vpush v1, $0x7;
	[tilespmem:$0x10400] =	vst v63  }
0x2bc: {  	s5 =	sadd.s32 s4, s5;
	s21 =	sand.u32 $0x1FFFFFF0, s21;
	s22 =	spop (v2sf)  }
0x2bd: {  	[tilespmem:s0], [sflag:$0x1] =	stream.linear.gather [hbm4b:s10+s2], $0x40, $0x38;
	(v2sf) =	vpush v0, $0x7;
	[tilespmem:$0x10400] =	vst v63  }
0x2be: {  	s0 =	sadd.s32 $0xD00, s18;
	s10 =	sand.u32 $0x1FFFFFF0, s22;
	s22 =	spop (v2sf)  }
0x2bf: {  	[tilespmem:s1], [sflag:$0x1] =	stream.strided.gather [hbm4b:s5+s11], $0x0, s12, s11, $0x38;
	(v2sf) =	vpush v1, $0x8;
	[tilespmem:$0x10400] =	vst v63  }
0x2c0: {  	s19 =	sadd.s32 s3, s19;
	s25 =	sand.u32 $0x1FFFFFF0, s22;
	s22 =	spop (v2sf)  }
0x2c1: {  	[tilespmem:s1], [sflag:$0x1] =	stream.linear.gather [hbm4b:s5+s2], $0x40, $0x38;
	(v2sf) =	vpush v0, $0x8;
	[tilespmem:$0x10400] =	vst v63  }
0x2c2: {  	s1 =	sadd.s32 $0xD40, s18;
	s26 =	sand.u32 $0x1FFFFFF0, s22;
	s5 =	spop (v2sf)  }
0x2c3: {  	[tilespmem:s0], [sflag:$0x1] =	stream.strided.gather [hbm4b:s19+s11], $0x0, s12, s11, $0x38;
	(v2sf) =	vpush v1, $0x9;
	[tilespmem:$0x10400] =	vst v63  }
0x2c4: {  	s20 =	sadd.s32 s4, s20;
	s24 =	sand.u32 $0x1FFFFFF0, s5;
	s5 =	spop (v2sf)  }
0x2c5: {  	[tilespmem:s0], [sflag:$0x1] =	stream.linear.gather [hbm4b:s19+s2], $0x40, $0x38;
	(v2sf) =	vpush v0, $0x9;
	[tilespmem:$0x10400] =	vst v63  }
0x2c6: {  	s0 =	sadd.s32 $0xD80, s18;
	s23 =	sand.u32 $0x1FFFFFF0, s5;
	s5 =	spop (v2sf)  }
0x2c7: {  	[tilespmem:s1], [sflag:$0x1] =	stream.strided.gather [hbm4b:s20+s11], $0x0, s12, s11, $0x38;
	(v2sf) =	vpush v1, $0xA;
	[tilespmem:$0x10400] =	vst v63  }
0x2c8: {  	s19 =	sadd.s32 s3, s21;
	s22 =	sand.u32 $0x1FFFFFF0, s5;
	s5 =	spop (v2sf)  }
0x2c9: {  	[tilespmem:s1], [sflag:$0x1] =	stream.linear.gather [hbm4b:s20+s2], $0x40, $0x38;
	(v2sf) =	vpush v0, $0xA;
	[tilespmem:$0x10400] =	vst v63  }
0x2ca: {  	s1 =	sadd.s32 $0xDC0, s18;
	s21 =	sand.u32 $0x1FFFFFF0, s5;
	s5 =	spop (v2sf)  }
0x2cb: {  	[tilespmem:s0], [sflag:$0x1] =	stream.strided.gather [hbm4b:s19+s11], $0x0, s12, s11, $0x38;
	(v2sf) =	vpush v1, $0xB;
	[tilespmem:$0x10400] =	vst v63  }
0x2cc: {  	s10 =	sadd.s32 s4, s10;
	s20 =	sand.u32 $0x1FFFFFF0, s5;
	s5 =	spop (v2sf)  }
0x2cd: {  	[tilespmem:s0], [sflag:$0x1] =	stream.linear.gather [hbm4b:s19+s2], $0x40, $0x38;
	(v2sf) =	vpush v0, $0xB;
	[tilespmem:$0x10400] =	vst v63  }
0x2ce: {  	s0 =	sadd.s32 $0xE00, s18;
	s19 =	sand.u32 $0x1FFFFFF0, s5;
	s5 =	spop (v2sf)  }
0x2cf: {  	[tilespmem:s1], [sflag:$0x1] =	stream.strided.gather [hbm4b:s10+s11], $0x0, s12, s11, $0x38;
	(v2sf) =	vpush v1, $0xC;
	[tilespmem:$0x10400] =	vst v63  }
0x2d0: {  	s25 =	sadd.s32 s3, s25;
	s5 =	sand.u32 $0x1FFFFFF0, s5;
	s28 =	spop (v2sf)  }
0x2d1: {  	[tilespmem:s1], [sflag:$0x1] =	stream.linear.gather [hbm4b:s10+s2], $0x40, $0x38;
	(v2sf) =	vpush v0, $0xC;
	[tilespmem:$0x10400] =	vst v63  }
0x2d2: {  	s29 =	sadd.s32 $0xE40, s18;
	s10 =	sand.u32 $0x1FFFFFF0, s28;
	s1 =	spop (v2sf)  }
0x2d3: {  	[tilespmem:s0], [sflag:$0x1] =	stream.strided.gather [hbm4b:s25+s11], $0x0, s12, s11, $0x38;
	(v2sf) =	vpush v1, $0xD;
	[tilespmem:$0x10400] =	vst v63  }
0x2d4: {  	s26 =	sadd.s32 s4, s26;
	s1 =	sand.u32 $0x1FFFFFF0, s1;
	s28 =	spop (v2sf)  }
0x2d5: {  	[tilespmem:s0], [sflag:$0x1] =	stream.linear.gather [hbm4b:s25+s2], $0x40, $0x38;
	(v2sf) =	vpush v0, $0xD;
	[tilespmem:$0x10400] =	vst v63  }
0x2d6: {  	s25 =	sadd.s32 $0xE80, s18;
	s0 =	sand.u32 $0x1FFFFFF0, s28;
	s28 =	spop (v2sf)  }
0x2d7: {  	[tilespmem:s29], [sflag:$0x1] =	stream.strided.gather [hbm4b:s26+s11], $0x0, s12, s11, $0x38;
	(v2sf) =	vpush v1, $0xE;
	[tilespmem:$0x10400] =	vst v63  }
0x2d8: {  	s24 =	sadd.s32 s3, s24;
	s31 =	sand.u32 $0x1FFFFFF0, s28;
	s28 =	spop (v2sf)  }
0x2d9: {  	[tilespmem:s29], [sflag:$0x1] =	stream.linear.gather [hbm4b:s26+s2], $0x40, $0x38;
	(v2sf) =	vpush v0, $0xE;
	[tilespmem:$0x10400] =	vst v63  }
0x2da: {  	s6 =	sadd.s32 $0xEC0, s18;
	s30 =	sand.u32 $0x1FFFFFF0, s28;
	s26 =	spop (v2sf)  }
0x2db: {  	[tilespmem:s25], [sflag:$0x1] =	stream.strided.gather [hbm4b:s24+s11], $0x0, s12, s11, $0x38;
	(v2sf) =	vpush v1, $0xF;
	[tilespmem:$0x10400] =	vst v63  }
0x2dc: {  	s23 =	sadd.s32 s4, s23;
	s29 =	sand.u32 $0x1FFFFFF0, s26;
	s26 =	spop (v2sf)  }
0x2dd: {  	[tilespmem:s25], [sflag:$0x1] =	stream.linear.gather [hbm4b:s24+s2], $0x40, $0x38;
	(v2sf) =	vpush v0, $0xF;
	[tilespmem:$0x10400] =	vst v63  }
0x2de: {  	s7 =	sadd.s32 $0xF00, s18;
	s28 =	sand.u32 $0x1FFFFFF0, s26;
	s24 =	spop (v2sf)  }
0x2df: {  	[tilespmem:s6], [sflag:$0x1] =	stream.strided.gather [hbm4b:s23+s11], $0x0, s12, s11, $0x38;
	[tilespmem:$0x10400] =	vst v63  }
0x2e0: {  	s22 =	sadd.s32 s3, s22;
	s26 =	sand.u32 $0x1FFFFFF0, s24;
	s24 =	spop (v2sf)  }
0x2e1: {  	[tilespmem:s6], [sflag:$0x1] =	stream.linear.gather [hbm4b:s23+s2], $0x40, $0x38;
	[tilespmem:$0x10400] =	vst v63  }
0x2e2: {  	s6 =	sadd.s32 $0xF40, s18;
	s25 =	sand.u32 $0x1FFFFFF0, s24;
	s23 =	spop (v2sf)  }
0x2e3: {  	[tilespmem:s7], [sflag:$0x1] =	stream.strided.gather [hbm4b:s22+s11], $0x0, s12, s11, $0x38;
	[tilespmem:$0x10400] =	vst v63  }
0x2e4: {  	s21 =	sadd.s32 s4, s21;
	s24 =	sand.u32 $0x1FFFFFF0, s23;
	s23 =	spop (v2sf)  }
0x2e5: {  	[tilespmem:s7], [sflag:$0x1] =	stream.linear.gather [hbm4b:s22+s2], $0x40, $0x38;
	[tilespmem:$0x10400] =	vst v63  }
0x2e6: {  	s7 =	sadd.s32 $0xF80, s18;
	s23 =	sand.u32 $0x1FFFFFF0, s23;
	s22 =	spop (v2sf)  }
0x2e7: {  	[tilespmem:s6], [sflag:$0x1] =	stream.strided.gather [hbm4b:s21+s11], $0x0, s12, s11, $0x38;
	[tilespmem:$0x10400] =	vst v63  }
0x2e8: {  	s8 =	sadd.s32 s3, s20;
	s22 =	sand.u32 $0x1FFFFFF0, s22;
	s20 =	spop (v2sf)  }
0x2e9: {  	[tilespmem:s6], [sflag:$0x1] =	stream.linear.gather [hbm4b:s21+s2], $0x40, $0x38;
	[tilespmem:$0x10400] =	vst v63  }
0x2ea: {  	s6 =	sadd.s32 $0xFC0, s18;
	s21 =	sand.u32 $0x1FFFFFF0, s20;
	s20 =	spop (v2sf)  }
0x2eb: {  	[tilespmem:s7], [sflag:$0x1] =	stream.strided.gather [hbm4b:s8+s11], $0x0, s12, s11, $0x38;
	[tilespmem:$0x10400] =	vst v63  }
0x2ec: {  	s9 =	sadd.s32 s4, s19;
	s20 =	sand.u32 $0x1FFFFFF0, s20;
	s19 =	spop (v2sf)  }
0x2ed: {  	[tilespmem:s7], [sflag:$0x1] =	stream.linear.gather [hbm4b:s8+s2], $0x40, $0x38;
	[tilespmem:$0x10400] =	vst v63  }
0x2ee: {  	s19 =	sand.u32 $0x1FFFFFF0, s19  }
0x2ef: {  	[tilespmem:s6], [sflag:$0x1] =	stream.strided.gather [hbm4b:s9+s11], $0x0, s12, s11, $0x38;
	[tilespmem:$0x10400] =	vst v63  }
0x2f0: {  	s5 =	sadd.s32 s3, s5;
	s7 =	sadd.s32 $0x1000, s18  }
0x2f1: {  	[tilespmem:s6], [sflag:$0x1] =	stream.linear.gather [hbm4b:s9+s2], $0x40, $0x38;
	[tilespmem:$0x10400] =	vst v63  }
0x2f2: {  	_ = 	snop  }
0x2f3: {  	[tilespmem:s7], [sflag:$0x1] =	stream.strided.gather [hbm4b:s5+s11], $0x0, s12, s11, $0x38;
	[tilespmem:$0x10400] =	vst v63  }
0x2f4: {  	s8 =	sadd.s32 s4, s10;
	s6 =	sadd.s32 $0x1040, s18  }
0x2f5: {  	[tilespmem:s7], [sflag:$0x1] =	stream.linear.gather [hbm4b:s5+s2], $0x40, $0x38;
	[tilespmem:$0x10400] =	vst v63  }
0x2f6: {  	_ = 	snop  }
0x2f7: {  	[tilespmem:s6], [sflag:$0x1] =	stream.strided.gather [hbm4b:s8+s11], $0x0, s12, s11, $0x38;
	[tilespmem:$0x10400] =	vst v63  }
0x2f8: {  	s1 =	sadd.s32 s3, s1;
	s5 =	sadd.s32 $0x1080, s18  }
0x2f9: {  	[tilespmem:s6], [sflag:$0x1] =	stream.linear.gather [hbm4b:s8+s2], $0x40, $0x38;
	[tilespmem:$0x10400] =	vst v63  }
0x2fa: {  	_ = 	snop  }
0x2fb: {  	[tilespmem:s5], [sflag:$0x1] =	stream.strided.gather [hbm4b:s1+s11], $0x0, s12, s11, $0x38;
	[tilespmem:$0x10400] =	vst v63  }
0x2fc: {  	s0 =	sadd.s32 s4, s0;
	s6 =	sadd.s32 $0x10C0, s18  }
0x2fd: {  	[tilespmem:s5], [sflag:$0x1] =	stream.linear.gather [hbm4b:s1+s2], $0x40, $0x38;
	[tilespmem:$0x10400] =	vst v63  }
0x2fe: {  	_ = 	snop  }
0x2ff: {  	[tilespmem:s6], [sflag:$0x1] =	stream.strided.gather [hbm4b:s0+s11], $0x0, s12, s11, $0x38;
	[tilespmem:$0x10400] =	vst v63  }
0x300: {  	s1 =	sadd.s32 $0x1100, s18;
	s5 =	sadd.s32 s3, s31  }
0x301: {  	[tilespmem:s6], [sflag:$0x1] =	stream.linear.gather [hbm4b:s0+s2], $0x40, $0x38;
	[tilespmem:$0x10400] =	vst v63  }
0x302: {  	_ = 	snop  }
0x303: {  	[tilespmem:s1], [sflag:$0x1] =	stream.strided.gather [hbm4b:s5+s11], $0x0, s12, s11, $0x38;
	[tilespmem:$0x10400] =	vst v63  }
0x304: {  	s0 =	sadd.s32 $0x1140, s18;
	s6 =	sadd.s32 s4, s30  }
0x305: {  	[tilespmem:s1], [sflag:$0x1] =	stream.linear.gather [hbm4b:s5+s2], $0x40, $0x38;
	[tilespmem:$0x10400] =	vst v63  }
0x306: {  	_ = 	snop  }
0x307: {  	[tilespmem:s0], [sflag:$0x1] =	stream.strided.gather [hbm4b:s6+s11], $0x0, s12, s11, $0x38;
	[tilespmem:$0x10400] =	vst v63  }
0x308: {  	s1 =	sadd.s32 $0x1180, s18;
	s5 =	sadd.s32 s3, s29  }
0x309: {  	[tilespmem:s0], [sflag:$0x1] =	stream.linear.gather [hbm4b:s6+s2], $0x40, $0x38;
	[tilespmem:$0x10400] =	vst v63  }
0x30a: {  	_ = 	snop  }
0x30b: {  	[tilespmem:s1], [sflag:$0x1] =	stream.strided.gather [hbm4b:s5+s11], $0x0, s12, s11, $0x38;
	[tilespmem:$0x10400] =	vst v63  }
0x30c: {  	s0 =	sadd.s32 $0x11C0, s18;
	s6 =	sadd.s32 s4, s28  }
0x30d: {  	[tilespmem:s1], [sflag:$0x1] =	stream.linear.gather [hbm4b:s5+s2], $0x40, $0x38;
	[tilespmem:$0x10400] =	vst v63  }
0x30e: {  	_ = 	snop  }
0x30f: {  	[tilespmem:s0], [sflag:$0x1] =	stream.strided.gather [hbm4b:s6+s11], $0x0, s12, s11, $0x38;
	[tilespmem:$0x10400] =	vst v63  }
0x310: {  	s1 =	sadd.s32 $0x1200, s18;
	s5 =	sadd.s32 s3, s26  }
0x311: {  	[tilespmem:s0], [sflag:$0x1] =	stream.linear.gather [hbm4b:s6+s2], $0x40, $0x38;
	[tilespmem:$0x10400] =	vst v63  }
0x312: {  	_ = 	snop  }
0x313: {  	[tilespmem:s1], [sflag:$0x1] =	stream.strided.gather [hbm4b:s5+s11], $0x0, s12, s11, $0x38;
	[tilespmem:$0x10400] =	vst v63  }
0x314: {  	s0 =	sadd.s32 $0x1240, s18;
	s6 =	sadd.s32 s4, s25  }
0x315: {  	[tilespmem:s1], [sflag:$0x1] =	stream.linear.gather [hbm4b:s5+s2], $0x40, $0x38;
	[tilespmem:$0x10400] =	vst v63  }
0x316: {  	_ = 	snop  }
0x317: {  	[tilespmem:s0], [sflag:$0x1] =	stream.strided.gather [hbm4b:s6+s11], $0x0, s12, s11, $0x38;
	[tilespmem:$0x10400] =	vst v63  }
0x318: {  	s1 =	sadd.s32 $0x1280, s18;
	s5 =	sadd.s32 s3, s24  }
0x319: {  	[tilespmem:s0], [sflag:$0x1] =	stream.linear.gather [hbm4b:s6+s2], $0x40, $0x38;
	[tilespmem:$0x10400] =	vst v63  }
0x31a: {  	_ = 	snop  }
0x31b: {  	[tilespmem:s1], [sflag:$0x1] =	stream.strided.gather [hbm4b:s5+s11], $0x0, s12, s11, $0x38;
	[tilespmem:$0x10400] =	vst v63  }
0x31c: {  	s0 =	sadd.s32 $0x12C0, s18;
	s6 =	sadd.s32 s4, s23  }
0x31d: {  	[tilespmem:s1], [sflag:$0x1] =	stream.linear.gather [hbm4b:s5+s2], $0x40, $0x38;
	[tilespmem:$0x10400] =	vst v63  }
0x31e: {  	_ = 	snop  }
0x31f: {  	[tilespmem:s0], [sflag:$0x1] =	stream.strided.gather [hbm4b:s6+s11], $0x0, s12, s11, $0x38;
	[tilespmem:$0x10400] =	vst v63  }
0x320: {  	s1 =	sadd.s32 $0x1300, s18;
	s5 =	sadd.s32 s3, s22  }
0x321: {  	[tilespmem:s0], [sflag:$0x1] =	stream.linear.gather [hbm4b:s6+s2], $0x40, $0x38;
	[tilespmem:$0x10400] =	vst v63  }
0x322: {  	_ = 	snop  }
0x323: {  	[tilespmem:s1], [sflag:$0x1] =	stream.strided.gather [hbm4b:s5+s11], $0x0, s12, s11, $0x38;
	[tilespmem:$0x10400] =	vst v63  }
0x324: {  	s0 =	sadd.s32 $0x1340, s18;
	s6 =	sadd.s32 s4, s21  }
0x325: {  	[tilespmem:s1], [sflag:$0x1] =	stream.linear.gather [hbm4b:s5+s2], $0x40, $0x38;
	[tilespmem:$0x10400] =	vst v63  }
0x326: {  	_ = 	snop  }
0x327: {  	[tilespmem:s0], [sflag:$0x1] =	stream.strided.gather [hbm4b:s6+s11], $0x0, s12, s11, $0x38;
	[tilespmem:$0x10400] =	vst v63  }
0x328: {  	s1 =	sadd.s32 $0x1380, s18;
	s5 =	sadd.s32 s3, s20  }
0x329: {  	[tilespmem:s0], [sflag:$0x1] =	stream.linear.gather [hbm4b:s6+s2], $0x40, $0x38;
	[tilespmem:$0x10400] =	vst v63  }
0x32a: {  	_ = 	snop  }
0x32b: {  	[tilespmem:s1], [sflag:$0x1] =	stream.strided.gather [hbm4b:s5+s11], $0x0, s12, s11, $0x38;
	[tilespmem:$0x10400] =	vst v63  }
0x32c: {  	s0 =	sadd.s32 $0x13C0, s18;
	s6 =	sadd.s32 s4, s19  }
0x32d: {  	[tilespmem:s1], [sflag:$0x1] =	stream.linear.gather [hbm4b:s5+s2], $0x40, $0x38;
	[tilespmem:$0x10400] =	vst v63  }
0x32e: {  	_ = 	snop  }
0x32f: {  	[tilespmem:s0], [sflag:$0x1] =	stream.strided.gather [hbm4b:s6+s11], $0x0, s12, s11, $0x38;
	[tilespmem:$0x10400] =	vst v63  }
0x330: {  	_ = 	snop  }
0x331: {  	[tilespmem:s0], [sflag:$0x1] =	stream.linear.gather [hbm4b:s6+s2], $0x40, $0x38;
	[tilespmem:$0x10400] =	vst v63  }
0x332: {  	_ =	swait.ge [sflag:s13], $0x40  }
0x333: {  	[sflag:s13] =	ssyncset.done $0x0  }
0x334: {  	[sflag:s13] =	ssyncadd.s32 $0xFFFFFFC0  }
0x335: {  	_ =	swait.ge [sflag:s13], $0x40  }
0x336: {  	[sflag:s13] =	ssyncset.done $0x0  }
0x337: {  	[sflag:s13] =	ssyncadd.s32 $0xFFFFFFC0  }
0x338: {  	_ =	swait.ge [sflag:s13], $0x40  }
0x339: {  	[sflag:s13] =	ssyncset.done $0x0  }
0x33a: {  	[sflag:s13] =	ssyncadd.s32 $0xFFFFFFC0  }
0x33b: {  	_ =	swait.ge [sflag:s13], $0x40  }
0x33c: {  	[sflag:s13] =	ssyncset.done $0x0  }
0x33d: {  	[sflag:s13] =	ssyncadd.s32 $0xFFFFFFC0  }
0x33e: {  	_ =	swait.ge [sflag:s13], $0x40  }
0x33f: {  	[sflag:s13] =	ssyncset.done $0x0  }
0x340: {  	[sflag:s13] =	ssyncadd.s32 $0xFFFFFFC0  }
0x341: {  	_ =	swait.ge [sflag:s13], $0x40  }
0x342: {  	[sflag:s13] =	ssyncset.done $0x0  }
0x343: {  	[sflag:s13] =	ssyncadd.s32 $0xFFFFFFC0  }
0x344: {  	_ =	swait.ge [sflag:s13], $0x40  }
0x345: {  	[sflag:s13] =	ssyncset.done $0x0  }
0x346: {  	[sflag:s13] =	ssyncadd.s32 $0xFFFFFFC0  }
0x347: {  	_ =	swait.ge [sflag:s13], $0x40  }
0x348: {  	[sflag:s13] =	ssyncset.done $0x0  }
0x349: {  	[sflag:s13] =	ssyncadd.s32 $0xFFFFFFC0  }
0x34a: {  	_ =	swait.ge [sflag:s13], $0x40  }
0x34b: {  	[sflag:s13] =	ssyncset.done $0x0  }
0x34c: {  	[sflag:s13] =	ssyncadd.s32 $0xFFFFFFC0  }
0x34d: {  	_ =	swait.ge [sflag:s13], $0x40  }
0x34e: {  	[sflag:s13] =	ssyncset.done $0x0  }
0x34f: {  	[sflag:s13] =	ssyncadd.s32 $0xFFFFFFC0  }
0x350: {  	_ =	swait.ge [sflag:s13], $0x40  }
0x351: {  	[sflag:s13] =	ssyncset.done $0x0  }
0x352: {  	[sflag:s13] =	ssyncadd.s32 $0xFFFFFFC0  }
0x353: {  	_ =	swait.ge [sflag:s13], $0x40  }
0x354: {  	[sflag:s13] =	ssyncset.done $0x0  }
0x355: {  	[sflag:s13] =	ssyncadd.s32 $0xFFFFFFC0  }
0x356: {  	_ =	swait.ge [sflag:s13], $0x40  }
0x357: {  	[sflag:s13] =	ssyncset.done $0x0  }
0x358: {  	[sflag:s13] =	ssyncadd.s32 $0xFFFFFFC0  }
0x359: {  	_ =	swait.ge [sflag:s13], $0x40  }
0x35a: {  	[sflag:s13] =	ssyncset.done $0x0  }
0x35b: {  	[sflag:s13] =	ssyncadd.s32 $0xFFFFFFC0  }
0x35c: {  	_ =	swait.ge [sflag:s13], $0x40  }
0x35d: {  	[sflag:s13] =	ssyncset.done $0x0  }
0x35e: {  	[sflag:s13] =	ssyncadd.s32 $0xFFFFFFC0  }
0x35f: {  	_ =	swait.ge [sflag:s13], $0x40  }
0x360: {  	[sflag:s13] =	ssyncset.done $0x0  }
0x361: {  	[sflag:s13] =	ssyncadd.s32 $0xFFFFFFC0  }
0x362: {  	_ =	swait.ge [sflag:s13], $0x40  }
0x363: {  	[sflag:s13] =	ssyncset.done $0x0  }
0x364: {  	[sflag:s13] =	ssyncadd.s32 $0xFFFFFFC0  }
0x365: {  	_ =	swait.ge [sflag:s13], $0x40  }
0x366: {  	[sflag:s13] =	ssyncset.done $0x0  }
0x367: {  	[sflag:s13] =	ssyncadd.s32 $0xFFFFFFC0  }
0x368: {  	_ =	swait.ge [sflag:s13], $0x40  }
0x369: {  	[sflag:s13] =	ssyncset.done $0x0  }
0x36a: {  	[sflag:s13] =	ssyncadd.s32 $0xFFFFFFC0  }
0x36b: {  	_ =	swait.ge [sflag:s13], $0x40  }
0x36c: {  	[sflag:s13] =	ssyncset.done $0x0  }
0x36d: {  	[sflag:s13] =	ssyncadd.s32 $0xFFFFFFC0  }
0x36e: {  	_ =	swait.ge [sflag:s13], $0x40  }
0x36f: {  	[sflag:s13] =	ssyncset.done $0x0  }
0x370: {  	[sflag:s13] =	ssyncadd.s32 $0xFFFFFFC0  }
0x371: {  	_ =	swait.ge [sflag:s13], $0x40  }
0x372: {  	[sflag:s13] =	ssyncset.done $0x0  }
0x373: {  	[sflag:s13] =	ssyncadd.s32 $0xFFFFFFC0  }
0x374: {  	_ =	swait.ge [sflag:s13], $0x40  }
0x375: {  	[sflag:s13] =	ssyncset.done $0x0  }
0x376: {  	[sflag:s13] =	ssyncadd.s32 $0xFFFFFFC0  }
0x377: {  	_ =	swait.ge [sflag:s13], $0x40  }
0x378: {  	[sflag:s13] =	ssyncset.done $0x0  }
0x379: {  	[sflag:s13] =	ssyncadd.s32 $0xFFFFFFC0  }
0x37a: {  	_ =	swait.ge [sflag:s13], $0x40  }
0x37b: {  	[sflag:s13] =	ssyncset.done $0x0  }
0x37c: {  	[sflag:s13] =	ssyncadd.s32 $0xFFFFFFC0  }
0x37d: {  	_ =	swait.ge [sflag:s13], $0x40  }
0x37e: {  	[sflag:s13] =	ssyncset.done $0x0  }
0x37f: {  	[sflag:s13] =	ssyncadd.s32 $0xFFFFFFC0  }
0x380: {  	_ =	swait.ge [sflag:s13], $0x40  }
0x381: {  	[sflag:s13] =	ssyncset.done $0x0  }
0x382: {  	[sflag:s13] =	ssyncadd.s32 $0xFFFFFFC0  }
0x383: {  	_ =	swait.ge [sflag:s13], $0x40  }
0x384: {  	[sflag:s13] =	ssyncset.done $0x0  }
0x385: {  	[sflag:s13] =	ssyncadd.s32 $0xFFFFFFC0  }
0x386: {  	_ =	swait.ge [sflag:s13], $0x40  }
0x387: {  	[sflag:s13] =	ssyncset.done $0x0  }
0x388: {  	[sflag:s13] =	ssyncadd.s32 $0xFFFFFFC0  }
0x389: {  	_ =	swait.ge [sflag:s13], $0x40  }
0x38a: {  	[sflag:s13] =	ssyncset.done $0x0  }
0x38b: {  	[sflag:s13] =	ssyncadd.s32 $0xFFFFFFC0  }
0x38c: {  	_ =	swait.ge [sflag:s13], $0x40  }
0x38d: {  	[sflag:s13] =	ssyncset.done $0x0  }
0x38e: {  	[sflag:s13] =	ssyncadd.s32 $0xFFFFFFC0  }
0x38f: {  	_ =	swait.ge [sflag:s13], $0x40  }
0x390: {  	[sflag:s13] =	ssyncset.done $0x0  }
0x391: {  	[sflag:s13] =	ssyncadd.s32 $0xFFFFFFC0  }
0x392: {  	_ =	swait.ge [sflag:s13], $0x40  }
0x393: {  	[sflag:s13] =	ssyncset.done $0x0  }
0x394: {  	[sflag:s13] =	ssyncadd.s32 $0xFFFFFFC0  }
0x395: {  	_ =	swait.ge [sflag:s13], $0x40  }
0x396: {  	[sflag:s13] =	ssyncset.done $0x0  }
0x397: {  	[sflag:s13] =	ssyncadd.s32 $0xFFFFFFC0  }
0x398: {  	_ =	swait.ge [sflag:s13], $0x40  }
0x399: {  	[sflag:s13] =	ssyncset.done $0x0  }
0x39a: {  	[sflag:s13] =	ssyncadd.s32 $0xFFFFFFC0  }
0x39b: {  	_ =	swait.ge [sflag:s13], $0x40  }
0x39c: {  	[sflag:s13] =	ssyncset.done $0x0  }
0x39d: {  	[sflag:s13] =	ssyncadd.s32 $0xFFFFFFC0  }
0x39e: {  	_ =	swait.ge [sflag:s13], $0x40  }
0x39f: {  	[sflag:s13] =	ssyncset.done $0x0  }
0x3a0: {  	[sflag:s13] =	ssyncadd.s32 $0xFFFFFFC0  }
0x3a1: {  	_ =	swait.ge [sflag:s13], $0x40  }
0x3a2: {  	[sflag:s13] =	ssyncset.done $0x0  }
0x3a3: {  	[sflag:s13] =	ssyncadd.s32 $0xFFFFFFC0  }
0x3a4: {  	_ =	swait.ge [sflag:s13], $0x40  }
0x3a5: {  	[sflag:s13] =	ssyncset.done $0x0  }
0x3a6: {  	[sflag:s13] =	ssyncadd.s32 $0xFFFFFFC0  }
0x3a7: {  	_ =	swait.ge [sflag:s13], $0x40  }
0x3a8: {  	[sflag:s13] =	ssyncset.done $0x0  }
0x3a9: {  	[sflag:s13] =	ssyncadd.s32 $0xFFFFFFC0  }
0x3aa: {  	_ =	swait.ge [sflag:s13], $0x40  }
0x3ab: {  	[sflag:s13] =	ssyncset.done $0x0  }
0x3ac: {  	[sflag:s13] =	ssyncadd.s32 $0xFFFFFFC0  }
0x3ad: {  	_ =	swait.ge [sflag:s13], $0x40  }
0x3ae: {  	[sflag:s13] =	ssyncset.done $0x0  }
0x3af: {  	[sflag:s13] =	ssyncadd.s32 $0xFFFFFFC0  }
0x3b0: {  	_ =	swait.ge [sflag:s13], $0x40  }
0x3b1: {  	[sflag:s13] =	ssyncset.done $0x0  }
0x3b2: {  	[sflag:s13] =	ssyncadd.s32 $0xFFFFFFC0  }
0x3b3: {  	_ =	swait.ge [sflag:s13], $0x40  }
0x3b4: {  	[sflag:s13] =	ssyncset.done $0x0  }
0x3b5: {  	[sflag:s13] =	ssyncadd.s32 $0xFFFFFFC0  }
0x3b6: {  	_ =	swait.ge [sflag:s13], $0x40  }
0x3b7: {  	[sflag:s13] =	ssyncset.done $0x0  }
0x3b8: {  	[sflag:s13] =	ssyncadd.s32 $0xFFFFFFC0  }
0x3b9: {  	_ =	swait.ge [sflag:s13], $0x40  }
0x3ba: {  	[sflag:s13] =	ssyncset.done $0x0  }
0x3bb: {  	[sflag:s13] =	ssyncadd.s32 $0xFFFFFFC0  }
0x3bc: {  	_ =	swait.ge [sflag:s13], $0x40  }
0x3bd: {  	[sflag:s13] =	ssyncset.done $0x0  }
0x3be: {  	[sflag:s13] =	ssyncadd.s32 $0xFFFFFFC0  }
0x3bf: {  	_ =	swait.ge [sflag:s13], $0x40  }
0x3c0: {  	[sflag:s13] =	ssyncset.done $0x0  }
0x3c1: {  	[sflag:s13] =	ssyncadd.s32 $0xFFFFFFC0  }
0x3c2: {  	_ =	swait.ge [sflag:s13], $0x40  }
0x3c3: {  	[sflag:s13] =	ssyncset.done $0x0  }
0x3c4: {  	[sflag:s13] =	ssyncadd.s32 $0xFFFFFFC0  }
0x3c5: {  	_ =	swait.ge [sflag:s13], $0x40  }
0x3c6: {  	[sflag:s13] =	ssyncset.done $0x0  }
0x3c7: {  	[sflag:s13] =	ssyncadd.s32 $0xFFFFFFC0  }
0x3c8: {  	_ =	swait.ge [sflag:s13], $0x40  }
0x3c9: {  	[sflag:s13] =	ssyncset.done $0x0  }
0x3ca: {  	[sflag:s13] =	ssyncadd.s32 $0xFFFFFFC0  }
0x3cb: {  	_ =	swait.ge [sflag:s13], $0x40  }
0x3cc: {  	[sflag:s13] =	ssyncset.done $0x0  }
0x3cd: {  	[sflag:s13] =	ssyncadd.s32 $0xFFFFFFC0  }
0x3ce: {  	_ =	swait.ge [sflag:s13], $0x40  }
0x3cf: {  	[sflag:s13] =	ssyncset.done $0x0  }
0x3d0: {  	[sflag:s13] =	ssyncadd.s32 $0xFFFFFFC0  }
0x3d1: {  	_ =	swait.ge [sflag:s13], $0x40  }
0x3d2: {  	[sflag:s13] =	ssyncset.done $0x0  }
0x3d3: {  	[sflag:s13] =	ssyncadd.s32 $0xFFFFFFC0  }
0x3d4: {  	_ =	swait.ge [sflag:s13], $0x40  }
0x3d5: {  	[sflag:s13] =	ssyncset.done $0x0  }
0x3d6: {  	[sflag:s13] =	ssyncadd.s32 $0xFFFFFFC0  }
0x3d7: {  	_ =	swait.ge [sflag:s13], $0x40  }
0x3d8: {  	[sflag:s13] =	ssyncset.done $0x0  }
0x3d9: {  	[sflag:s13] =	ssyncadd.s32 $0xFFFFFFC0  }
0x3da: {  	_ =	swait.ge [sflag:s13], $0x40  }
0x3db: {  	[sflag:s13] =	ssyncset.done $0x0  }
0x3dc: {  	[sflag:s13] =	ssyncadd.s32 $0xFFFFFFC0  }
0x3dd: {  	_ =	swait.ge [sflag:s13], $0x40  }
0x3de: {  	[sflag:s13] =	ssyncset.done $0x0  }
0x3df: {  	[sflag:s13] =	ssyncadd.s32 $0xFFFFFFC0  }
0x3e0: {  	_ =	swait.ge [sflag:s13], $0x40  }
0x3e1: {  	[sflag:s13] =	ssyncset.done $0x0  }
.Ltmp0:
0x3e2: {  	[sflag:s13] =	ssyncadd.s32 $0xFFFFFFC0;
	(pc) =	sbr.rel @p0 .LBB2_2-.Ltmp0, $4  }
0x3e3: {  	_ =	swait.ge [sflag:s13], $0x40  }
0x3e4: {  	[sflag:s13] =	ssyncset.done $0x0  }
0x3e5: {  	[sflag:s13] =	ssyncadd.s32 $0xFFFFFFC0  }
0x3e6: {  	_ =	swait.ge [sflag:s13], $0x40  }
0x3e7: {  	[sflag:s13] =	ssyncset.done $0x0  }
0x3e8: {  	[sflag:s13] =	ssyncadd.s32 $0xFFFFFFC0  }
0x3e9: {  	_ =	swait.ge [sflag:s13], $0x40  }
0x3ea: {  	[sflag:s13] =	ssyncset.done $0x0  }
0x3eb: {  	[sflag:s13] =	ssyncadd.s32 $0xFFFFFFC0  }
0x3ec: {  	_ =	swait.ge [sflag:s13], $0x40  }
0x3ed: {  	[sflag:s13] =	ssyncset.done $0x0  }
0x3ee: {  	[sflag:s13] =	ssyncadd.s32 $0xFFFFFFC0  }
0x3ef: {  	_ =	swait.ge [sflag:s13], $0x40  }
0x3f0: {  	[sflag:s13] =	ssyncset.done $0x0  }
0x3f1: {  	s1 =	simm.s32 $0x2;
	s0 =	rddreg [dreg:$0x7];
	[sflag:s13] =	ssyncadd.s32 $0xFFFFFFC0  }
0x3f2: {  	[hbm4b:s0+s2] =	stream.linear.scatter [tilespmem:s12], [sflag:$0x2], $0x10000, $0x38;
	[tilespmem:$0x10400] =	vst v63  }
0x3f3: {  	_ =	swait.ge [sflag:s1], $0x10000  }
0x3f4: {  	s14 =	sadd.s32 $0x1, s14;
	s31 =	rddreg [dreg:$0x8]  }
0x3f5: {  	p0 =	sne.s32 s14, s31  }
.Ltmp1:
0x3f6: {  	_ = 	snop;
	(pc) =	sbr.rel @p0 .LBB2_1-.Ltmp1, $3  }
0x3f7: {  	_ =	sdelay $0x1  }
0x3f8: {  	[sflag:s1] =	ssyncset.done $0x0  }
0x3f9: {  	[sflag:s1] =	ssyncadd.s32 $0xFFFF0000  }
0x3fa: {  	_ =	sfence.sel $0x180000  }
0x3fb: {  	[bflag:$0x0] =	sbarrier.arrive $0xFFFF  }
0x3fc: {  	_ =	strace $0x90000047  }
0x3fd: {  	s0 =	stileid.u32;
	[bflag:$0x2] =	sbarrier.arrive $0xFFFF  }
0x3fe: {  	p0 =	sne.s32 s0, $0x0;
	s0 =	rddreg [dreg:$0x4]  }
0x3ff: {  	s0 =	sadd.s32 @!p0 $0x100000, s0  }
0x400: {  	[sflag:s0] =	ssyncadd.tile.s32 @!p0 $0x1;
	_ =	shalt  }
.Lfunc_end2:
_tile_overlayer_lowered:
.L_overlay_start_2:
0x401: {  	(tag) =	ssettag $0x2  }
0x402: {  	s0 =	rddreg [dreg:$0x0];
	s2 =	stileid.u32  }
0x403: {  	s1 =	rddreg [dreg:$0x1];
	p0 =	sne.s32 s2, $0x0  }
0x404: {  	s3 =	rddreg [dreg:$0x2];
	[bflag:$0x3] =	sbarrier.arrive $0xFFFF;
	s2 =	simm.s32 @!p0 $0x1C02  }
0x405: {  	[timem:s3], [sflag:s2] =	dma.local @!p0 [hbm:s0], s1  }
0x406: {  	s0 =	simm.s32 @!p0 $0x2  }
0x407: {  	_ =	swait.ge @!p0 [sflag:s0], s1  }
0x408: {  	s1 =	ssub.s32 @!p0 $0x0, s1;
	[sflag:s0] =	ssyncset.done @!p0 $0x0  }
0x409: {  	[sflag:s0] =	ssyncadd.s32 @!p0 s1  }
0x40a: {  	[bflag:$0x3] =	sbarrier.arrive $0xFFFF  }
0x40b: {  	_ =	shalt  }

</sc_bundles>
